<compile_context>
chip_gen: v7x
topology: tpu7x:2x2x1
jax: 0.10.2.dev20260603
libtpu: 0.0.44.dev20260713+nightly
codegen_flags: <defaults>
</compile_context>

<pallas_src>
import functools

import jax
import jax.numpy as jnp
from jax import lax
from jax.experimental import pallas as pl
from jax.experimental.pallas import tpu as pltpu
from jax.experimental.pallas import tpu_sc as plsc

_D = 64
_BW = 128
_BPW = 4
_CG = 8


def _gather_kernel(NB, H):
    info = plsc.get_sparse_core_info()
    NW = info.num_cores * info.num_subcores
    n_blocks = NB // _BW
    assert n_blocks == NW * _BPW and H % 2 == 0
    X = H * 8 * n_blocks

    mesh = plsc.VectorSubcoreMesh(core_axis_name="c", subcore_axis_name="s")

    scratch = (
        [pltpu.VMEM((_BW, H), jnp.int32)]
        + [pltpu.VMEM((_BW,), jnp.int32) for _ in range(2)]
        + [pltpu.VMEM((_BW, _D), jnp.float32) for _ in range(2)]
        + [pltpu.VMEM((_D, _BW + 1), jnp.float32) for _ in range(2)]
        + [pltpu.SemaphoreType.DMA for _ in range(4)]
    )

    @functools.partial(
        pl.kernel,
        mesh=mesh,
        out_type=jax.ShapeDtypeStruct((X, 8, _BW), jnp.float32),
        scratch_types=scratch,
        compiler_params=pltpu.CompilerParams(
            use_tc_tiling_on_sc=False, needs_layout_passes=False),
    )
    def k(table_hbm, idx_hbm, out_hbm, idx_blk, *bufs):
        idx_col = bufs[0:2]
        rows_v = bufs[2:4]
        slab_v = bufs[4:6]
        sem_g = bufs[6:8]
        sem_w = bufs[8:10]

        wid = lax.axis_index("s") * info.num_cores + lax.axis_index("c")
        iota16 = lax.iota(jnp.int32, 16)

        def compact_idx(p, j):
            col = lax.full((16,), 0, jnp.int32) + j
            for g in range(_BW // 16):
                v = plsc.load_gather(idx_blk, [iota16 + (16 * g), col])
                idx_col[p][pl.ds(16 * g, 16)] = v

        def gather_copy(p):
            return pltpu.make_async_copy(
                table_hbm.at[idx_col[p]], rows_v[p], sem_g[p])

        def transpose(p):
            def tbody(cg, carry):
                for ci in range(_CG):
                    c = cg * _CG + ci
                    base_c = lax.full((16,), 0, jnp.int32) + c
                    for d0 in range(0, _D, 16):
                        x = rows_v[p][c, pl.ds(d0, 16)]
                        plsc.store_scatter(
                            slab_v[p], [iota16 + d0, base_c], x)
                return carry

            lax.fori_loop(0, _BW // _CG, tbody, 0)

        def write_copies(p, j, blk):
            for a in range(8):
                s = j * (8 * n_blocks) + a * n_blocks + blk
                yield pltpu.make_async_copy(
                    slab_v[p].at[pl.ds(8 * a, 8), pl.ds(0, _BW)],
                    out_hbm.at[s],
                    sem_w[p],
                )

        def fire_writes(p, j, blk):
            for cp in write_copies(p, j, blk):
                cp.start()

        def wait_writes(p, j, blk):
            for cp in write_copies(p, j, blk):
                cp.wait()

        def bbody(bb, carry):
            blk = wid * _BPW + bb
            pltpu.sync_copy(idx_hbm.at[pl.ds(blk * _BW, _BW)], idx_blk)
            for p in range(2):
                compact_idx(p, p)
                gather_copy(p).start()

            def body(j2, carry2):
                for p in range(2):
                    j = j2 * 2 + p
                    gather_copy(p).wait()
                    compact_idx(p, j + 2)
                    @pl.when(j2 > 0)
                    def _():
                        wait_writes(p, j - 2, blk)
                    transpose(p)
                    gather_copy(p).start()
                    fire_writes(p, j, blk)
                return carry2

            lax.fori_loop(0, H // 2 - 1, body, 0)

            for p in range(2):
                j = H - 2 + p
                gather_copy(p).wait()
                wait_writes(p, j - 2, blk)
                transpose(p)
                fire_writes(p, j, blk)
            for p in range(2):
                wait_writes(p, H - 2 + p, blk)
            return carry

        lax.fori_loop(0, _BPW, bbody, 0)

    return k


def kernel(embs, step):
    nb, h = step.shape
    out3 = _gather_kernel(nb, h)(embs, step)
    out5 = out3.reshape(h, 8, nb // _BW, 8, _BW)
    out = out5.transpose(2, 4, 0, 1, 3)
    return out.reshape(nb, h, _D)

# --- scband reference (transcript-rebuilt; emitter-appended) ---
"""Pipeline reference for scband-sinuisodal-encoding-39058432590132 (READ-ONLY COPY).

The authoritative reference and input builder live on the scoring server;
editing this copy changes nothing except your own understanding.
"""

import jax, jax.numpy as jnp
import numpy as np
import math

MAX_LENGTH = 8192
EMBED_DIM = 64
BATCH = 16384
HIST = 200

def _build_embs():
    steps = jnp.arange(MAX_LENGTH, dtype=jnp.float32)[:, None]
    scales = jnp.exp(jnp.arange(0, EMBED_DIM, 2, dtype=jnp.float32) * (-math.log(10000.0) / EMBED_DIM))[None, :]
    embs = jnp.zeros((MAX_LENGTH, EMBED_DIM), dtype=jnp.float32)
    embs = embs.at[:, 0::2].set(jnp.sin(steps * scales))
    embs = embs.at[:, 1::2].set(jnp.cos(steps * scales))
    return embs

def setup_inputs(seed: int = 0) -> dict:
    key = jax.random.key(seed)
    step = jax.random.randint(key, (BATCH, HIST), 0, MAX_LENGTH)
    embs = _build_embs()
    return {"embs": embs, "step": step}

def reference(embs, step):
    # self.embs[step] -> gather rows of the sinusoidal table
    return jnp.take(embs, step, axis=0)

if __name__ == "__main__":
    import jax
    _d = setup_inputs()
    print(jax.jit(kernel)(*tuple(_d.values())))

</pallas_src>

<mosaic_0001>
#map = affine_map<(d0, d1) -> (0, 0)>
#map1 = affine_map<(d0, d1) -> (0, 0, 0)>
module attributes {stable_mosaic.version = 14 : i64} {
  func.func @k(%arg0: i32, %arg1: i32, %arg2: memref<8192x64xf32, #tpu.memory_space<hbm>>, %arg3: memref<16384x200xi32, #tpu.memory_space<hbm>>, %arg4: memref<204800x8x128xf32, #tpu.memory_space<hbm>>, %arg5: memref<128x200xi32, #tpu.memory_space<vmem>>, %arg6: memref<128xi32, #tpu.memory_space<vmem>>, %arg7: memref<128xi32, #tpu.memory_space<vmem>>, %arg8: memref<128x64xf32, #tpu.memory_space<vmem>>, %arg9: memref<128x64xf32, #tpu.memory_space<vmem>>, %arg10: memref<64x129xf32, #tpu.memory_space<vmem>>, %arg11: memref<64x129xf32, #tpu.memory_space<vmem>>, %arg12: memref<!tpu.dma_semaphore, #tpu.memory_space<semaphore_mem>>, %arg13: memref<!tpu.dma_semaphore, #tpu.memory_space<semaphore_mem>>, %arg14: memref<!tpu.dma_semaphore, #tpu.memory_space<semaphore_mem>>, %arg15: memref<!tpu.dma_semaphore, #tpu.memory_space<semaphore_mem>>) attributes {dimension_semantics = [#tpu.dimension_semantics<core_parallel>, #tpu.dimension_semantics<subcore_parallel>], iteration_bounds = array<i64: 2, 16>, scalar_prefetch = 0 : i64, scratch_operands = 11 : i64, tpu.core_type = #tpu.core_type<sc_vector_subcore>, window_params = [{transform_indices = #map}, {transform_indices = #map}, {transform_indices = #map1}]} {
    %mul3A = arith.constant 2 : i32
    %mul3A_0 = arith.muli %arg1, %mul3A : i32
    %add3A = arith.addi %mul3A_0, %arg0 : i32
    %iota3A = tpu.iota {dimensions = array<i32: 0>} : vector<16xi32>
    %scan3A = arith.constant 0 : i32
    %scan3A_1 = arith.constant 0 : i32
    %scan3A_2 = arith.constant 4 : i32
    %scan3A_3 = arith.addi %scan3A_1, %scan3A_2 : i32
    %scan3A_4 = arith.constant 1 : i32
    scf.for %scan3A_6 = %scan3A_1 to %scan3A_3 step %scan3A_4  : i32 {
      %mul3A_7 = arith.constant 4 : i32
      %mul3A_8 = arith.muli %add3A, %mul3A_7 : i32
      %add3A_9 = arith.addi %mul3A_8, %scan3A_6 : i32
      %mul3A_10 = arith.constant 128 : i32
      %mul3A_11 = arith.muli %add3A_9, %mul3A_10 : i32
      "tpu.region"() ({
        %run_scoped3A = tpu.sem_alloc : memref<!tpu.dma_semaphore, #tpu.memory_space<semaphore_mem>>
        %dma_start3A_911 = arith.constant 0 : i32
        %dma_start3A_912 = tpu.memref_slice %arg3[%mul3A_11, %dma_start3A_911] : memref<16384x200xi32, #tpu.memory_space<hbm>> -> memref<128x200xi32, #tpu.memory_space<hbm>>
        %dma_start3A_913 = arith.constant 0 : i32
        %dma_start3A_914 = tpu.memref_slice %arg3[%mul3A_11, %dma_start3A_913] : memref<16384x200xi32, #tpu.memory_space<hbm>> -> memref<128x200xi32, #tpu.memory_space<hbm>>
        tpu.enqueue_dma source(%dma_start3A_914 : memref<128x200xi32, #tpu.memory_space<hbm>>) target(%arg5 : memref<128x200xi32, #tpu.memory_space<vmem>>) target_semaphore(%run_scoped3A : memref<!tpu.dma_semaphore, #tpu.memory_space<semaphore_mem>>)
        %dma_wait3A_915 = arith.constant 0 : i32
        %dma_wait3A_916 = tpu.memref_slice %arg3[%mul3A_11, %dma_wait3A_915] : memref<16384x200xi32, #tpu.memory_space<hbm>> -> memref<128x200xi32, #tpu.memory_space<hbm>>
        %dma_wait3A_917 = arith.constant 0 : i32
        %dma_wait3A_918 = tpu.memref_slice %arg3[%mul3A_11, %dma_wait3A_917] : memref<16384x200xi32, #tpu.memory_space<hbm>> -> memref<128x200xi32, #tpu.memory_space<hbm>>
        tpu.wait_dma2 semaphore(%run_scoped3A : memref<!tpu.dma_semaphore, #tpu.memory_space<semaphore_mem>>) src(%dma_wait3A_918 : memref<128x200xi32, #tpu.memory_space<hbm>>) dst(%arg5 : memref<128x200xi32, #tpu.memory_space<vmem>>)
        tpu.yield
      }) : () -> ()
      %broadcast_in_dim3A = arith.constant 0 : i32
      %broadcast_in_dim3A_12 = vector.broadcast %broadcast_in_dim3A : i32 to vector<16xi32>
      %add3A_13 = arith.constant 0 : i32
      %add3A_14 = vector.broadcast %add3A_13 : i32 to vector<16xi32>
      %add3A_15 = arith.addi %broadcast_in_dim3A_12, %add3A_14 : vector<16xi32>
      %add3A_16 = arith.constant 0 : i32
      %add3A_17 = vector.broadcast %add3A_16 : i32 to vector<16xi32>
      %add3A_18 = arith.addi %iota3A, %add3A_17 : vector<16xi32>
      %gather3A = tpu.vector_load_idx %arg5[%add3A_18, %add3A_15] : memref<128x200xi32, #tpu.memory_space<vmem>>[vector<16xi32>, vector<16xi32>], vector<16xi32>,
      %swap3A = arith.constant 0 : index
      %swap3A_19 = tpu.vector_load %arg6[%swap3A] {strides = array<i32>} : memref<128xi32, #tpu.memory_space<vmem>>, vector<16xi32>,
      tpu.vector_store %arg6[%swap3A], %gather3A {strides = array<i32>} : memref<128xi32, #tpu.memory_space<vmem>>, vector<16xi32>,
      %add3A_20 = arith.constant 16 : i32
      %add3A_21 = vector.broadcast %add3A_20 : i32 to vector<16xi32>
      %add3A_22 = arith.addi %iota3A, %add3A_21 : vector<16xi32>
      %gather3A_23 = tpu.vector_load_idx %arg5[%add3A_22, %add3A_15] : memref<128x200xi32, #tpu.memory_space<vmem>>[vector<16xi32>, vector<16xi32>], vector<16xi32>,
      %swap3A_24 = arith.constant 16 : index
      %swap3A_25 = tpu.vector_load %arg6[%swap3A_24] {strides = array<i32>} : memref<128xi32, #tpu.memory_space<vmem>>, vector<16xi32>,
      tpu.vector_store %arg6[%swap3A_24], %gather3A_23 {strides = array<i32>} : memref<128xi32, #tpu.memory_space<vmem>>, vector<16xi32>,
      %add3A_26 = arith.constant 32 : i32
      %add3A_27 = vector.broadcast %add3A_26 : i32 to vector<16xi32>
      %add3A_28 = arith.addi %iota3A, %add3A_27 : vector<16xi32>
      %gather3A_29 = tpu.vector_load_idx %arg5[%add3A_28, %add3A_15] : memref<128x200xi32, #tpu.memory_space<vmem>>[vector<16xi32>, vector<16xi32>], vector<16xi32>,
      %swap3A_30 = arith.constant 32 : index
      %swap3A_31 = tpu.vector_load %arg6[%swap3A_30] {strides = array<i32>} : memref<128xi32, #tpu.memory_space<vmem>>, vector<16xi32>,
      tpu.vector_store %arg6[%swap3A_30], %gather3A_29 {strides = array<i32>} : memref<128xi32, #tpu.memory_space<vmem>>, vector<16xi32>,
      %add3A_32 = arith.constant 48 : i32
      %add3A_33 = vector.broadcast %add3A_32 : i32 to vector<16xi32>
      %add3A_34 = arith.addi %iota3A, %add3A_33 : vector<16xi32>
      %gather3A_35 = tpu.vector_load_idx %arg5[%add3A_34, %add3A_15] : memref<128x200xi32, #tpu.memory_space<vmem>>[vector<16xi32>, vector<16xi32>], vector<16xi32>,
      %swap3A_36 = arith.constant 48 : index
      %swap3A_37 = tpu.vector_load %arg6[%swap3A_36] {strides = array<i32>} : memref<128xi32, #tpu.memory_space<vmem>>, vector<16xi32>,
      tpu.vector_store %arg6[%swap3A_36], %gather3A_35 {strides = array<i32>} : memref<128xi32, #tpu.memory_space<vmem>>, vector<16xi32>,
      %add3A_38 = arith.constant 64 : i32
      %add3A_39 = vector.broadcast %add3A_38 : i32 to vector<16xi32>
      %add3A_40 = arith.addi %iota3A, %add3A_39 : vector<16xi32>
      %gather3A_41 = tpu.vector_load_idx %arg5[%add3A_40, %add3A_15] : memref<128x200xi32, #tpu.memory_space<vmem>>[vector<16xi32>, vector<16xi32>], vector<16xi32>,
      %swap3A_42 = arith.constant 64 : index
      %swap3A_43 = tpu.vector_load %arg6[%swap3A_42] {strides = array<i32>} : memref<128xi32, #tpu.memory_space<vmem>>, vector<16xi32>,
      tpu.vector_store %arg6[%swap3A_42], %gather3A_41 {strides = array<i32>} : memref<128xi32, #tpu.memory_space<vmem>>, vector<16xi32>,
      %add3A_44 = arith.constant 80 : i32
      %add3A_45 = vector.broadcast %add3A_44 : i32 to vector<16xi32>
      %add3A_46 = arith.addi %iota3A, %add3A_45 : vector<16xi32>
      %gather3A_47 = tpu.vector_load_idx %arg5[%add3A_46, %add3A_15] : memref<128x200xi32, #tpu.memory_space<vmem>>[vector<16xi32>, vector<16xi32>], vector<16xi32>,
      %swap3A_48 = arith.constant 80 : index
      %swap3A_49 = tpu.vector_load %arg6[%swap3A_48] {strides = array<i32>} : memref<128xi32, #tpu.memory_space<vmem>>, vector<16xi32>,
      tpu.vector_store %arg6[%swap3A_48], %gather3A_47 {strides = array<i32>} : memref<128xi32, #tpu.memory_space<vmem>>, vector<16xi32>,
      %add3A_50 = arith.constant 96 : i32
      %add3A_51 = vector.broadcast %add3A_50 : i32 to vector<16xi32>
      %add3A_52 = arith.addi %iota3A, %add3A_51 : vector<16xi32>
      %gather3A_53 = tpu.vector_load_idx %arg5[%add3A_52, %add3A_15] : memref<128x200xi32, #tpu.memory_space<vmem>>[vector<16xi32>, vector<16xi32>], vector<16xi32>,
      %swap3A_54 = arith.constant 96 : index
      %swap3A_55 = tpu.vector_load %arg6[%swap3A_54] {strides = array<i32>} : memref<128xi32, #tpu.memory_space<vmem>>, vector<16xi32>,
      tpu.vector_store %arg6[%swap3A_54], %gather3A_53 {strides = array<i32>} : memref<128xi32, #tpu.memory_space<vmem>>, vector<16xi32>,
      %add3A_56 = arith.constant 112 : i32
      %add3A_57 = vector.broadcast %add3A_56 : i32 to vector<16xi32>
      %add3A_58 = arith.addi %iota3A, %add3A_57 : vector<16xi32>
      %gather3A_59 = tpu.vector_load_idx %arg5[%add3A_58, %add3A_15] : memref<128x200xi32, #tpu.memory_space<vmem>>[vector<16xi32>, vector<16xi32>], vector<16xi32>,
      %swap3A_60 = arith.constant 112 : index
      %swap3A_61 = tpu.vector_load %arg6[%swap3A_60] {strides = array<i32>} : memref<128xi32, #tpu.memory_space<vmem>>, vector<16xi32>,
      tpu.vector_store %arg6[%swap3A_60], %gather3A_59 {strides = array<i32>} : memref<128xi32, #tpu.memory_space<vmem>>, vector<16xi32>,
      %dma_start3A = arith.constant 0 : i32
      %dma_start3A_62 = arith.constant 0 : i32
      %dma_start3A_63 = tpu.memref_slice %arg2[%dma_start3A, %dma_start3A_62] : memref<8192x64xf32, #tpu.memory_space<hbm>> -> memref<8192x64xf32, #tpu.memory_space<hbm>>
      tpu.enqueue_indirect_dma source(%dma_start3A_63 : memref<8192x64xf32, #tpu.memory_space<hbm>>) target(%arg8 : memref<128x64xf32, #tpu.memory_space<vmem>>) offsets(%arg6 : memref<128xi32, #tpu.memory_space<vmem>>) semaphore(%arg12 : memref<!tpu.dma_semaphore, #tpu.memory_space<semaphore_mem>>)
      %broadcast_in_dim3A_64 = arith.constant 0 : i32
      %broadcast_in_dim3A_65 = vector.broadcast %broadcast_in_dim3A_64 : i32 to vector<16xi32>
      %add3A_66 = arith.constant 1 : i32
      %add3A_67 = vector.broadcast %add3A_66 : i32 to vector<16xi32>
      %add3A_68 = arith.addi %broadcast_in_dim3A_65, %add3A_67 : vector<16xi32>
      %add3A_69 = arith.constant 0 : i32
      %add3A_70 = vector.broadcast %add3A_69 : i32 to vector<16xi32>
      %add3A_71 = arith.addi %iota3A, %add3A_70 : vector<16xi32>
      %gather3A_72 = tpu.vector_load_idx %arg5[%add3A_71, %add3A_68] : memref<128x200xi32, #tpu.memory_space<vmem>>[vector<16xi32>, vector<16xi32>], vector<16xi32>,
      %swap3A_73 = arith.constant 0 : index
      %swap3A_74 = tpu.vector_load %arg7[%swap3A_73] {strides = array<i32>} : memref<128xi32, #tpu.memory_space<vmem>>, vector<16xi32>,
      tpu.vector_store %arg7[%swap3A_73], %gather3A_72 {strides = array<i32>} : memref<128xi32, #tpu.memory_space<vmem>>, vector<16xi32>,
      %add3A_75 = arith.constant 16 : i32
      %add3A_76 = vector.broadcast %add3A_75 : i32 to vector<16xi32>
      %add3A_77 = arith.addi %iota3A, %add3A_76 : vector<16xi32>
      %gather3A_78 = tpu.vector_load_idx %arg5[%add3A_77, %add3A_68] : memref<128x200xi32, #tpu.memory_space<vmem>>[vector<16xi32>, vector<16xi32>], vector<16xi32>,
      %swap3A_79 = arith.constant 16 : index
      %swap3A_80 = tpu.vector_load %arg7[%swap3A_79] {strides = array<i32>} : memref<128xi32, #tpu.memory_space<vmem>>, vector<16xi32>,
      tpu.vector_store %arg7[%swap3A_79], %gather3A_78 {strides = array<i32>} : memref<128xi32, #tpu.memory_space<vmem>>, vector<16xi32>,
      %add3A_81 = arith.constant 32 : i32
      %add3A_82 = vector.broadcast %add3A_81 : i32 to vector<16xi32>
      %add3A_83 = arith.addi %iota3A, %add3A_82 : vector<16xi32>
      %gather3A_84 = tpu.vector_load_idx %arg5[%add3A_83, %add3A_68] : memref<128x200xi32, #tpu.memory_space<vmem>>[vector<16xi32>, vector<16xi32>], vector<16xi32>,
      %swap3A_85 = arith.constant 32 : index
      %swap3A_86 = tpu.vector_load %arg7[%swap3A_85] {strides = array<i32>} : memref<128xi32, #tpu.memory_space<vmem>>, vector<16xi32>,
      tpu.vector_store %arg7[%swap3A_85], %gather3A_84 {strides = array<i32>} : memref<128xi32, #tpu.memory_space<vmem>>, vector<16xi32>,
      %add3A_87 = arith.constant 48 : i32
      %add3A_88 = vector.broadcast %add3A_87 : i32 to vector<16xi32>
      %add3A_89 = arith.addi %iota3A, %add3A_88 : vector<16xi32>
      %gather3A_90 = tpu.vector_load_idx %arg5[%add3A_89, %add3A_68] : memref<128x200xi32, #tpu.memory_space<vmem>>[vector<16xi32>, vector<16xi32>], vector<16xi32>,
      %swap3A_91 = arith.constant 48 : index
      %swap3A_92 = tpu.vector_load %arg7[%swap3A_91] {strides = array<i32>} : memref<128xi32, #tpu.memory_space<vmem>>, vector<16xi32>,
      tpu.vector_store %arg7[%swap3A_91], %gather3A_90 {strides = array<i32>} : memref<128xi32, #tpu.memory_space<vmem>>, vector<16xi32>,
      %add3A_93 = arith.constant 64 : i32
      %add3A_94 = vector.broadcast %add3A_93 : i32 to vector<16xi32>
      %add3A_95 = arith.addi %iota3A, %add3A_94 : vector<16xi32>
      %gather3A_96 = tpu.vector_load_idx %arg5[%add3A_95, %add3A_68] : memref<128x200xi32, #tpu.memory_space<vmem>>[vector<16xi32>, vector<16xi32>], vector<16xi32>,
      %swap3A_97 = arith.constant 64 : index
      %swap3A_98 = tpu.vector_load %arg7[%swap3A_97] {strides = array<i32>} : memref<128xi32, #tpu.memory_space<vmem>>, vector<16xi32>,
      tpu.vector_store %arg7[%swap3A_97], %gather3A_96 {strides = array<i32>} : memref<128xi32, #tpu.memory_space<vmem>>, vector<16xi32>,
      %add3A_99 = arith.constant 80 : i32
      %add3A_100 = vector.broadcast %add3A_99 : i32 to vector<16xi32>
      %add3A_101 = arith.addi %iota3A, %add3A_100 : vector<16xi32>
      %gather3A_102 = tpu.vector_load_idx %arg5[%add3A_101, %add3A_68] : memref<128x200xi32, #tpu.memory_space<vmem>>[vector<16xi32>, vector<16xi32>], vector<16xi32>,
      %swap3A_103 = arith.constant 80 : index
      %swap3A_104 = tpu.vector_load %arg7[%swap3A_103] {strides = array<i32>} : memref<128xi32, #tpu.memory_space<vmem>>, vector<16xi32>,
      tpu.vector_store %arg7[%swap3A_103], %gather3A_102 {strides = array<i32>} : memref<128xi32, #tpu.memory_space<vmem>>, vector<16xi32>,
      %add3A_105 = arith.constant 96 : i32
      %add3A_106 = vector.broadcast %add3A_105 : i32 to vector<16xi32>
      %add3A_107 = arith.addi %iota3A, %add3A_106 : vector<16xi32>
      %gather3A_108 = tpu.vector_load_idx %arg5[%add3A_107, %add3A_68] : memref<128x200xi32, #tpu.memory_space<vmem>>[vector<16xi32>, vector<16xi32>], vector<16xi32>,
      %swap3A_109 = arith.constant 96 : index
      %swap3A_110 = tpu.vector_load %arg7[%swap3A_109] {strides = array<i32>} : memref<128xi32, #tpu.memory_space<vmem>>, vector<16xi32>,
      tpu.vector_store %arg7[%swap3A_109], %gather3A_108 {strides = array<i32>} : memref<128xi32, #tpu.memory_space<vmem>>, vector<16xi32>,
      %add3A_111 = arith.constant 112 : i32
      %add3A_112 = vector.broadcast %add3A_111 : i32 to vector<16xi32>
      %add3A_113 = arith.addi %iota3A, %add3A_112 : vector<16xi32>
      %gather3A_114 = tpu.vector_load_idx %arg5[%add3A_113, %add3A_68] : memref<128x200xi32, #tpu.memory_space<vmem>>[vector<16xi32>, vector<16xi32>], vector<16xi32>,
      %swap3A_115 = arith.constant 112 : index
      %swap3A_116 = tpu.vector_load %arg7[%swap3A_115] {strides = array<i32>} : memref<128xi32, #tpu.memory_space<vmem>>, vector<16xi32>,
      tpu.vector_store %arg7[%swap3A_115], %gather3A_114 {strides = array<i32>} : memref<128xi32, #tpu.memory_space<vmem>>, vector<16xi32>,
      %dma_start3A_117 = arith.constant 0 : i32
      %dma_start3A_118 = arith.constant 0 : i32
      %dma_start3A_119 = tpu.memref_slice %arg2[%dma_start3A_117, %dma_start3A_118] : memref<8192x64xf32, #tpu.memory_space<hbm>> -> memref<8192x64xf32, #tpu.memory_space<hbm>>
      tpu.enqueue_indirect_dma source(%dma_start3A_119 : memref<8192x64xf32, #tpu.memory_space<hbm>>) target(%arg9 : memref<128x64xf32, #tpu.memory_space<vmem>>) offsets(%arg7 : memref<128xi32, #tpu.memory_space<vmem>>) semaphore(%arg13 : memref<!tpu.dma_semaphore, #tpu.memory_space<semaphore_mem>>)
      %scan3A_120 = arith.constant 0 : i32
      %scan3A_121 = arith.constant 0 : i32
      %scan3A_122 = arith.constant 99 : i32
      %scan3A_123 = arith.addi %scan3A_121, %scan3A_122 : i32
      %scan3A_124 = arith.constant 1 : i32
      scf.for %scan3A_911 = %scan3A_121 to %scan3A_123 step %scan3A_124  : i32 {
        %mul3A_912 = arith.constant 2 : i32
        %mul3A_913 = arith.muli %scan3A_911, %mul3A_912 : i32
        %add3A_914 = arith.constant 0 : i32
        %add3A_915 = arith.addi %mul3A_913, %add3A_914 : i32
        %dma_wait3A_916 = arith.constant 0 : i32
        %dma_wait3A_917 = arith.constant 0 : i32
        %dma_wait3A_918 = tpu.memref_slice %arg2[%dma_wait3A_916, %dma_wait3A_917] : memref<8192x64xf32, #tpu.memory_space<hbm>> -> memref<8192x64xf32, #tpu.memory_space<hbm>>
        tpu.wait_indirect_dma semaphore(%arg12 : memref<!tpu.dma_semaphore, #tpu.memory_space<semaphore_mem>>) src(%dma_wait3A_918 : memref<8192x64xf32, #tpu.memory_space<hbm>>) dst(%arg8 : memref<128x64xf32, #tpu.memory_space<vmem>>)
        %add3A_919 = arith.constant 2 : i32
        %add3A_920 = arith.addi %add3A_915, %add3A_919 : i32
        %broadcast_in_dim3A_921 = arith.constant 0 : i32
        %broadcast_in_dim3A_922 = vector.broadcast %broadcast_in_dim3A_921 : i32 to vector<16xi32>
        %add3A_923 = vector.broadcast %add3A_920 : i32 to vector<16xi32>
        %add3A_924 = arith.addi %broadcast_in_dim3A_922, %add3A_923 : vector<16xi32>
        %add3A_925 = arith.constant 0 : i32
        %add3A_926 = vector.broadcast %add3A_925 : i32 to vector<16xi32>
        %add3A_927 = arith.addi %iota3A, %add3A_926 : vector<16xi32>
        %gather3A_928 = tpu.vector_load_idx %arg5[%add3A_927, %add3A_924] : memref<128x200xi32, #tpu.memory_space<vmem>>[vector<16xi32>, vector<16xi32>], vector<16xi32>,
        %swap3A_929 = arith.constant 0 : index
        %swap3A_930 = tpu.vector_load %arg6[%swap3A_929] {strides = array<i32>} : memref<128xi32, #tpu.memory_space<vmem>>, vector<16xi32>,
        tpu.vector_store %arg6[%swap3A_929], %gather3A_928 {strides = array<i32>} : memref<128xi32, #tpu.memory_space<vmem>>, vector<16xi32>,
        %add3A_931 = arith.constant 16 : i32
        %add3A_932 = vector.broadcast %add3A_931 : i32 to vector<16xi32>
        %add3A_933 = arith.addi %iota3A, %add3A_932 : vector<16xi32>
        %gather3A_934 = tpu.vector_load_idx %arg5[%add3A_933, %add3A_924] : memref<128x200xi32, #tpu.memory_space<vmem>>[vector<16xi32>, vector<16xi32>], vector<16xi32>,
        %swap3A_935 = arith.constant 16 : index
        %swap3A_936 = tpu.vector_load %arg6[%swap3A_935] {strides = array<i32>} : memref<128xi32, #tpu.memory_space<vmem>>, vector<16xi32>,
        tpu.vector_store %arg6[%swap3A_935], %gather3A_934 {strides = array<i32>} : memref<128xi32, #tpu.memory_space<vmem>>, vector<16xi32>,
        %add3A_937 = arith.constant 32 : i32
        %add3A_938 = vector.broadcast %add3A_937 : i32 to vector<16xi32>
        %add3A_939 = arith.addi %iota3A, %add3A_938 : vector<16xi32>
        %gather3A_940 = tpu.vector_load_idx %arg5[%add3A_939, %add3A_924] : memref<128x200xi32, #tpu.memory_space<vmem>>[vector<16xi32>, vector<16xi32>], vector<16xi32>,
        %swap3A_941 = arith.constant 32 : index
        %swap3A_942 = tpu.vector_load %arg6[%swap3A_941] {strides = array<i32>} : memref<128xi32, #tpu.memory_space<vmem>>, vector<16xi32>,
        tpu.vector_store %arg6[%swap3A_941], %gather3A_940 {strides = array<i32>} : memref<128xi32, #tpu.memory_space<vmem>>, vector<16xi32>,
        %add3A_943 = arith.constant 48 : i32
        %add3A_944 = vector.broadcast %add3A_943 : i32 to vector<16xi32>
        %add3A_945 = arith.addi %iota3A, %add3A_944 : vector<16xi32>
        %gather3A_946 = tpu.vector_load_idx %arg5[%add3A_945, %add3A_924] : memref<128x200xi32, #tpu.memory_space<vmem>>[vector<16xi32>, vector<16xi32>], vector<16xi32>,
        %swap3A_947 = arith.constant 48 : index
        %swap3A_948 = tpu.vector_load %arg6[%swap3A_947] {strides = array<i32>} : memref<128xi32, #tpu.memory_space<vmem>>, vector<16xi32>,
        tpu.vector_store %arg6[%swap3A_947], %gather3A_946 {strides = array<i32>} : memref<128xi32, #tpu.memory_space<vmem>>, vector<16xi32>,
        %add3A_949 = arith.constant 64 : i32
        %add3A_950 = vector.broadcast %add3A_949 : i32 to vector<16xi32>
        %add3A_951 = arith.addi %iota3A, %add3A_950 : vector<16xi32>
        %gather3A_952 = tpu.vector_load_idx %arg5[%add3A_951, %add3A_924] : memref<128x200xi32, #tpu.memory_space<vmem>>[vector<16xi32>, vector<16xi32>], vector<16xi32>,
        %swap3A_953 = arith.constant 64 : index
        %swap3A_954 = tpu.vector_load %arg6[%swap3A_953] {strides = array<i32>} : memref<128xi32, #tpu.memory_space<vmem>>, vector<16xi32>,
        tpu.vector_store %arg6[%swap3A_953], %gather3A_952 {strides = array<i32>} : memref<128xi32, #tpu.memory_space<vmem>>, vector<16xi32>,
        %add3A_955 = arith.constant 80 : i32
        %add3A_956 = vector.broadcast %add3A_955 : i32 to vector<16xi32>
        %add3A_957 = arith.addi %iota3A, %add3A_956 : vector<16xi32>
        %gather3A_958 = tpu.vector_load_idx %arg5[%add3A_957, %add3A_924] : memref<128x200xi32, #tpu.memory_space<vmem>>[vector<16xi32>, vector<16xi32>], vector<16xi32>,
        %swap3A_959 = arith.constant 80 : index
        %swap3A_960 = tpu.vector_load %arg6[%swap3A_959] {strides = array<i32>} : memref<128xi32, #tpu.memory_space<vmem>>, vector<16xi32>,
        tpu.vector_store %arg6[%swap3A_959], %gather3A_958 {strides = array<i32>} : memref<128xi32, #tpu.memory_space<vmem>>, vector<16xi32>,
        %add3A_961 = arith.constant 96 : i32
        %add3A_962 = vector.broadcast %add3A_961 : i32 to vector<16xi32>
        %add3A_963 = arith.addi %iota3A, %add3A_962 : vector<16xi32>
        %gather3A_964 = tpu.vector_load_idx %arg5[%add3A_963, %add3A_924] : memref<128x200xi32, #tpu.memory_space<vmem>>[vector<16xi32>, vector<16xi32>], vector<16xi32>,
        %swap3A_965 = arith.constant 96 : index
        %swap3A_966 = tpu.vector_load %arg6[%swap3A_965] {strides = array<i32>} : memref<128xi32, #tpu.memory_space<vmem>>, vector<16xi32>,
        tpu.vector_store %arg6[%swap3A_965], %gather3A_964 {strides = array<i32>} : memref<128xi32, #tpu.memory_space<vmem>>, vector<16xi32>,
        %add3A_967 = arith.constant 112 : i32
        %add3A_968 = vector.broadcast %add3A_967 : i32 to vector<16xi32>
        %add3A_969 = arith.addi %iota3A, %add3A_968 : vector<16xi32>
        %gather3A_970 = tpu.vector_load_idx %arg5[%add3A_969, %add3A_924] : memref<128x200xi32, #tpu.memory_space<vmem>>[vector<16xi32>, vector<16xi32>], vector<16xi32>,
        %swap3A_971 = arith.constant 112 : index
        %swap3A_972 = tpu.vector_load %arg6[%swap3A_971] {strides = array<i32>} : memref<128xi32, #tpu.memory_space<vmem>>, vector<16xi32>,
        tpu.vector_store %arg6[%swap3A_971], %gather3A_970 {strides = array<i32>} : memref<128xi32, #tpu.memory_space<vmem>>, vector<16xi32>,
        %gt3A = arith.constant 0 : i32
        %gt3A_973 = arith.cmpi sgt, %scan3A_911, %gt3A : i32
        %convert_element_type3A = arith.extui %gt3A_973 : i1 to i32
        %cond3A = arith.constant 0 : i32
        %cond3A_974 = arith.cmpi ne, %convert_element_type3A, %cond3A : i32
        scf.if %cond3A_974 {
          %sub3A = arith.constant 2 : i32
          %sub3A_1363 = arith.subi %add3A_915, %sub3A : i32
          %mul3A_1364 = arith.constant 1024 : i32
          %mul3A_1365 = arith.muli %sub3A_1363, %mul3A_1364 : i32
          %add3A_1366 = arith.constant 0 : i32
          %add3A_1367 = arith.addi %mul3A_1365, %add3A_1366 : i32
          %add3A_1368 = arith.addi %add3A_1367, %add3A_9 : i32
          %dma_wait3A_1369 = arith.constant 0 : i32
          %dma_wait3A_1370 = arith.constant 0 : i32
          %dma_wait3A_1371 = tpu.memref_slice %arg10[%dma_wait3A_1369, %dma_wait3A_1370] : memref<64x129xf32, #tpu.memory_space<vmem>> -> memref<8x128xf32, #tpu.memory_space<vmem>>
          %dma_wait3A_1372 = arith.constant 0 : i32
          %dma_wait3A_1373 = arith.constant 0 : i32
          %dma_wait3A_1374 = tpu.memref_slice %arg4[%add3A_1368, %dma_wait3A_1372, %dma_wait3A_1373] : memref<204800x8x128xf32, #tpu.memory_space<hbm>> -> memref<1x8x128xf32, #tpu.memory_space<hbm>>
          %dma_wait3A_1375 = tpu.memref_squeeze %dma_wait3A_1374 : memref<1x8x128xf32, #tpu.memory_space<hbm>> -> memref<8x128xf32, #tpu.memory_space<hbm>>
          %dma_wait3A_1376 = arith.constant 0 : i32
          %dma_wait3A_1377 = arith.constant 0 : i32
          %dma_wait3A_1378 = tpu.memref_slice %arg4[%add3A_1368, %dma_wait3A_1376, %dma_wait3A_1377] : memref<204800x8x128xf32, #tpu.memory_space<hbm>> -> memref<1x8x128xf32, #tpu.memory_space<hbm>>
          %dma_wait3A_1379 = tpu.memref_squeeze %dma_wait3A_1378 : memref<1x8x128xf32, #tpu.memory_space<hbm>> -> memref<8x128xf32, #tpu.memory_space<hbm>>
          %dma_wait3A_1380 = arith.constant 0 : i32
          %dma_wait3A_1381 = arith.constant 0 : i32
          %dma_wait3A_1382 = tpu.memref_slice %arg10[%dma_wait3A_1380, %dma_wait3A_1381] : memref<64x129xf32, #tpu.memory_space<vmem>> -> memref<8x128xf32, #tpu.memory_space<vmem>>
          tpu.wait_dma2 semaphore(%arg14 : memref<!tpu.dma_semaphore, #tpu.memory_space<semaphore_mem>>) src(%dma_wait3A_1382 : memref<8x128xf32, #tpu.memory_space<vmem>>) dst(%dma_wait3A_1379 : memref<8x128xf32, #tpu.memory_space<hbm>>)
          %mul3A_1383 = arith.constant 1024 : i32
          %mul3A_1384 = arith.muli %sub3A_1363, %mul3A_1383 : i32
          %add3A_1385 = arith.constant 128 : i32
          %add3A_1386 = arith.addi %mul3A_1384, %add3A_1385 : i32
          %add3A_1387 = arith.addi %add3A_1386, %add3A_9 : i32
          %dma_wait3A_1388 = arith.constant 8 : i32
          %dma_wait3A_1389 = arith.constant 0 : i32
          %dma_wait3A_1390 = tpu.memref_slice %arg10[%dma_wait3A_1388, %dma_wait3A_1389] : memref<64x129xf32, #tpu.memory_space<vmem>> -> memref<8x128xf32, #tpu.memory_space<vmem>>
          %dma_wait3A_1391 = arith.constant 0 : i32
          %dma_wait3A_1392 = arith.constant 0 : i32
          %dma_wait3A_1393 = tpu.memref_slice %arg4[%add3A_1387, %dma_wait3A_1391, %dma_wait3A_1392] : memref<204800x8x128xf32, #tpu.memory_space<hbm>> -> memref<1x8x128xf32, #tpu.memory_space<hbm>>
          %dma_wait3A_1394 = tpu.memref_squeeze %dma_wait3A_1393 : memref<1x8x128xf32, #tpu.memory_space<hbm>> -> memref<8x128xf32, #tpu.memory_space<hbm>>
          %dma_wait3A_1395 = arith.constant 0 : i32
          %dma_wait3A_1396 = arith.constant 0 : i32
          %dma_wait3A_1397 = tpu.memref_slice %arg4[%add3A_1387, %dma_wait3A_1395, %dma_wait3A_1396] : memref<204800x8x128xf32, #tpu.memory_space<hbm>> -> memref<1x8x128xf32, #tpu.memory_space<hbm>>
          %dma_wait3A_1398 = tpu.memref_squeeze %dma_wait3A_1397 : memref<1x8x128xf32, #tpu.memory_space<hbm>> -> memref<8x128xf32, #tpu.memory_space<hbm>>
          %dma_wait3A_1399 = arith.constant 8 : i32
          %dma_wait3A_1400 = arith.constant 0 : i32
          %dma_wait3A_1401 = tpu.memref_slice %arg10[%dma_wait3A_1399, %dma_wait3A_1400] : memref<64x129xf32, #tpu.memory_space<vmem>> -> memref<8x128xf32, #tpu.memory_space<vmem>>
          tpu.wait_dma2 semaphore(%arg14 : memref<!tpu.dma_semaphore, #tpu.memory_space<semaphore_mem>>) src(%dma_wait3A_1401 : memref<8x128xf32, #tpu.memory_space<vmem>>) dst(%dma_wait3A_1398 : memref<8x128xf32, #tpu.memory_space<hbm>>)
          %mul3A_1402 = arith.constant 1024 : i32
          %mul3A_1403 = arith.muli %sub3A_1363, %mul3A_1402 : i32
          %add3A_1404 = arith.constant 256 : i32
          %add3A_1405 = arith.addi %mul3A_1403, %add3A_1404 : i32
          %add3A_1406 = arith.addi %add3A_1405, %add3A_9 : i32
          %dma_wait3A_1407 = arith.constant 16 : i32
          %dma_wait3A_1408 = arith.constant 0 : i32
          %dma_wait3A_1409 = tpu.memref_slice %arg10[%dma_wait3A_1407, %dma_wait3A_1408] : memref<64x129xf32, #tpu.memory_space<vmem>> -> memref<8x128xf32, #tpu.memory_space<vmem>>
          %dma_wait3A_1410 = arith.constant 0 : i32
          %dma_wait3A_1411 = arith.constant 0 : i32
          %dma_wait3A_1412 = tpu.memref_slice %arg4[%add3A_1406, %dma_wait3A_1410, %dma_wait3A_1411] : memref<204800x8x128xf32, #tpu.memory_space<hbm>> -> memref<1x8x128xf32, #tpu.memory_space<hbm>>
          %dma_wait3A_1413 = tpu.memref_squeeze %dma_wait3A_1412 : memref<1x8x128xf32, #tpu.memory_space<hbm>> -> memref<8x128xf32, #tpu.memory_space<hbm>>
          %dma_wait3A_1414 = arith.constant 0 : i32
          %dma_wait3A_1415 = arith.constant 0 : i32
          %dma_wait3A_1416 = tpu.memref_slice %arg4[%add3A_1406, %dma_wait3A_1414, %dma_wait3A_1415] : memref<204800x8x128xf32, #tpu.memory_space<hbm>> -> memref<1x8x128xf32, #tpu.memory_space<hbm>>
          %dma_wait3A_1417 = tpu.memref_squeeze %dma_wait3A_1416 : memref<1x8x128xf32, #tpu.memory_space<hbm>> -> memref<8x128xf32, #tpu.memory_space<hbm>>
          %dma_wait3A_1418 = arith.constant 16 : i32
          %dma_wait3A_1419 = arith.constant 0 : i32
          %dma_wait3A_1420 = tpu.memref_slice %arg10[%dma_wait3A_1418, %dma_wait3A_1419] : memref<64x129xf32, #tpu.memory_space<vmem>> -> memref<8x128xf32, #tpu.memory_space<vmem>>
          tpu.wait_dma2 semaphore(%arg14 : memref<!tpu.dma_semaphore, #tpu.memory_space<semaphore_mem>>) src(%dma_wait3A_1420 : memref<8x128xf32, #tpu.memory_space<vmem>>) dst(%dma_wait3A_1417 : memref<8x128xf32, #tpu.memory_space<hbm>>)
          %mul3A_1421 = arith.constant 1024 : i32
          %mul3A_1422 = arith.muli %sub3A_1363, %mul3A_1421 : i32
          %add3A_1423 = arith.constant 384 : i32
          %add3A_1424 = arith.addi %mul3A_1422, %add3A_1423 : i32
          %add3A_1425 = arith.addi %add3A_1424, %add3A_9 : i32
          %dma_wait3A_1426 = arith.constant 24 : i32
          %dma_wait3A_1427 = arith.constant 0 : i32
          %dma_wait3A_1428 = tpu.memref_slice %arg10[%dma_wait3A_1426, %dma_wait3A_1427] : memref<64x129xf32, #tpu.memory_space<vmem>> -> memref<8x128xf32, #tpu.memory_space<vmem>>
          %dma_wait3A_1429 = arith.constant 0 : i32
          %dma_wait3A_1430 = arith.constant 0 : i32
          %dma_wait3A_1431 = tpu.memref_slice %arg4[%add3A_1425, %dma_wait3A_1429, %dma_wait3A_1430] : memref<204800x8x128xf32, #tpu.memory_space<hbm>> -> memref<1x8x128xf32, #tpu.memory_space<hbm>>
          %dma_wait3A_1432 = tpu.memref_squeeze %dma_wait3A_1431 : memref<1x8x128xf32, #tpu.memory_space<hbm>> -> memref<8x128xf32, #tpu.memory_space<hbm>>
          %dma_wait3A_1433 = arith.constant 0 : i32
          %dma_wait3A_1434 = arith.constant 0 : i32
          %dma_wait3A_1435 = tpu.memref_slice %arg4[%add3A_1425, %dma_wait3A_1433, %dma_wait3A_1434] : memref<204800x8x128xf32, #tpu.memory_space<hbm>> -> memref<1x8x128xf32, #tpu.memory_space<hbm>>
          %dma_wait3A_1436 = tpu.memref_squeeze %dma_wait3A_1435 : memref<1x8x128xf32, #tpu.memory_space<hbm>> -> memref<8x128xf32, #tpu.memory_space<hbm>>
          %dma_wait3A_1437 = arith.constant 24 : i32
          %dma_wait3A_1438 = arith.constant 0 : i32
          %dma_wait3A_1439 = tpu.memref_slice %arg10[%dma_wait3A_1437, %dma_wait3A_1438] : memref<64x129xf32, #tpu.memory_space<vmem>> -> memref<8x128xf32, #tpu.memory_space<vmem>>
          tpu.wait_dma2 semaphore(%arg14 : memref<!tpu.dma_semaphore, #tpu.memory_space<semaphore_mem>>) src(%dma_wait3A_1439 : memref<8x128xf32, #tpu.memory_space<vmem>>) dst(%dma_wait3A_1436 : memref<8x128xf32, #tpu.memory_space<hbm>>)
          %mul3A_1440 = arith.constant 1024 : i32
          %mul3A_1441 = arith.muli %sub3A_1363, %mul3A_1440 : i32
          %add3A_1442 = arith.constant 512 : i32
          %add3A_1443 = arith.addi %mul3A_1441, %add3A_1442 : i32
          %add3A_1444 = arith.addi %add3A_1443, %add3A_9 : i32
          %dma_wait3A_1445 = arith.constant 32 : i32
          %dma_wait3A_1446 = arith.constant 0 : i32
          %dma_wait3A_1447 = tpu.memref_slice %arg10[%dma_wait3A_1445, %dma_wait3A_1446] : memref<64x129xf32, #tpu.memory_space<vmem>> -> memref<8x128xf32, #tpu.memory_space<vmem>>
          %dma_wait3A_1448 = arith.constant 0 : i32
          %dma_wait3A_1449 = arith.constant 0 : i32
          %dma_wait3A_1450 = tpu.memref_slice %arg4[%add3A_1444, %dma_wait3A_1448, %dma_wait3A_1449] : memref<204800x8x128xf32, #tpu.memory_space<hbm>> -> memref<1x8x128xf32, #tpu.memory_space<hbm>>
          %dma_wait3A_1451 = tpu.memref_squeeze %dma_wait3A_1450 : memref<1x8x128xf32, #tpu.memory_space<hbm>> -> memref<8x128xf32, #tpu.memory_space<hbm>>
          %dma_wait3A_1452 = arith.constant 0 : i32
          %dma_wait3A_1453 = arith.constant 0 : i32
          %dma_wait3A_1454 = tpu.memref_slice %arg4[%add3A_1444, %dma_wait3A_1452, %dma_wait3A_1453] : memref<204800x8x128xf32, #tpu.memory_space<hbm>> -> memref<1x8x128xf32, #tpu.memory_space<hbm>>
          %dma_wait3A_1455 = tpu.memref_squeeze %dma_wait3A_1454 : memref<1x8x128xf32, #tpu.memory_space<hbm>> -> memref<8x128xf32, #tpu.memory_space<hbm>>
          %dma_wait3A_1456 = arith.constant 32 : i32
          %dma_wait3A_1457 = arith.constant 0 : i32
          %dma_wait3A_1458 = tpu.memref_slice %arg10[%dma_wait3A_1456, %dma_wait3A_1457] : memref<64x129xf32, #tpu.memory_space<vmem>> -> memref<8x128xf32, #tpu.memory_space<vmem>>
          tpu.wait_dma2 semaphore(%arg14 : memref<!tpu.dma_semaphore, #tpu.memory_space<semaphore_mem>>) src(%dma_wait3A_1458 : memref<8x128xf32, #tpu.memory_space<vmem>>) dst(%dma_wait3A_1455 : memref<8x128xf32, #tpu.memory_space<hbm>>)
          %mul3A_1459 = arith.constant 1024 : i32
          %mul3A_1460 = arith.muli %sub3A_1363, %mul3A_1459 : i32
          %add3A_1461 = arith.constant 640 : i32
          %add3A_1462 = arith.addi %mul3A_1460, %add3A_1461 : i32
          %add3A_1463 = arith.addi %add3A_1462, %add3A_9 : i32
          %dma_wait3A_1464 = arith.constant 40 : i32
          %dma_wait3A_1465 = arith.constant 0 : i32
          %dma_wait3A_1466 = tpu.memref_slice %arg10[%dma_wait3A_1464, %dma_wait3A_1465] : memref<64x129xf32, #tpu.memory_space<vmem>> -> memref<8x128xf32, #tpu.memory_space<vmem>>
          %dma_wait3A_1467 = arith.constant 0 : i32
          %dma_wait3A_1468 = arith.constant 0 : i32
          %dma_wait3A_1469 = tpu.memref_slice %arg4[%add3A_1463, %dma_wait3A_1467, %dma_wait3A_1468] : memref<204800x8x128xf32, #tpu.memory_space<hbm>> -> memref<1x8x128xf32, #tpu.memory_space<hbm>>
          %dma_wait3A_1470 = tpu.memref_squeeze %dma_wait3A_1469 : memref<1x8x128xf32, #tpu.memory_space<hbm>> -> memref<8x128xf32, #tpu.memory_space<hbm>>
          %dma_wait3A_1471 = arith.constant 0 : i32
          %dma_wait3A_1472 = arith.constant 0 : i32
          %dma_wait3A_1473 = tpu.memref_slice %arg4[%add3A_1463, %dma_wait3A_1471, %dma_wait3A_1472] : memref<204800x8x128xf32, #tpu.memory_space<hbm>> -> memref<1x8x128xf32, #tpu.memory_space<hbm>>
          %dma_wait3A_1474 = tpu.memref_squeeze %dma_wait3A_1473 : memref<1x8x128xf32, #tpu.memory_space<hbm>> -> memref<8x128xf32, #tpu.memory_space<hbm>>
          %dma_wait3A_1475 = arith.constant 40 : i32
          %dma_wait3A_1476 = arith.constant 0 : i32
          %dma_wait3A_1477 = tpu.memref_slice %arg10[%dma_wait3A_1475, %dma_wait3A_1476] : memref<64x129xf32, #tpu.memory_space<vmem>> -> memref<8x128xf32, #tpu.memory_space<vmem>>
          tpu.wait_dma2 semaphore(%arg14 : memref<!tpu.dma_semaphore, #tpu.memory_space<semaphore_mem>>) src(%dma_wait3A_1477 : memref<8x128xf32, #tpu.memory_space<vmem>>) dst(%dma_wait3A_1474 : memref<8x128xf32, #tpu.memory_space<hbm>>)
          %mul3A_1478 = arith.constant 1024 : i32
          %mul3A_1479 = arith.muli %sub3A_1363, %mul3A_1478 : i32
          %add3A_1480 = arith.constant 768 : i32
          %add3A_1481 = arith.addi %mul3A_1479, %add3A_1480 : i32
          %add3A_1482 = arith.addi %add3A_1481, %add3A_9 : i32
          %dma_wait3A_1483 = arith.constant 48 : i32
          %dma_wait3A_1484 = arith.constant 0 : i32
          %dma_wait3A_1485 = tpu.memref_slice %arg10[%dma_wait3A_1483, %dma_wait3A_1484] : memref<64x129xf32, #tpu.memory_space<vmem>> -> memref<8x128xf32, #tpu.memory_space<vmem>>
          %dma_wait3A_1486 = arith.constant 0 : i32
          %dma_wait3A_1487 = arith.constant 0 : i32
          %dma_wait3A_1488 = tpu.memref_slice %arg4[%add3A_1482, %dma_wait3A_1486, %dma_wait3A_1487] : memref<204800x8x128xf32, #tpu.memory_space<hbm>> -> memref<1x8x128xf32, #tpu.memory_space<hbm>>
          %dma_wait3A_1489 = tpu.memref_squeeze %dma_wait3A_1488 : memref<1x8x128xf32, #tpu.memory_space<hbm>> -> memref<8x128xf32, #tpu.memory_space<hbm>>
          %dma_wait3A_1490 = arith.constant 0 : i32
          %dma_wait3A_1491 = arith.constant 0 : i32
          %dma_wait3A_1492 = tpu.memref_slice %arg4[%add3A_1482, %dma_wait3A_1490, %dma_wait3A_1491] : memref<204800x8x128xf32, #tpu.memory_space<hbm>> -> memref<1x8x128xf32, #tpu.memory_space<hbm>>
          %dma_wait3A_1493 = tpu.memref_squeeze %dma_wait3A_1492 : memref<1x8x128xf32, #tpu.memory_space<hbm>> -> memref<8x128xf32, #tpu.memory_space<hbm>>
          %dma_wait3A_1494 = arith.constant 48 : i32
          %dma_wait3A_1495 = arith.constant 0 : i32
          %dma_wait3A_1496 = tpu.memref_slice %arg10[%dma_wait3A_1494, %dma_wait3A_1495] : memref<64x129xf32, #tpu.memory_space<vmem>> -> memref<8x128xf32, #tpu.memory_space<vmem>>
          tpu.wait_dma2 semaphore(%arg14 : memref<!tpu.dma_semaphore, #tpu.memory_space<semaphore_mem>>) src(%dma_wait3A_1496 : memref<8x128xf32, #tpu.memory_space<vmem>>) dst(%dma_wait3A_1493 : memref<8x128xf32, #tpu.memory_space<hbm>>)
          %mul3A_1497 = arith.constant 1024 : i32
          %mul3A_1498 = arith.muli %sub3A_1363, %mul3A_1497 : i32
          %add3A_1499 = arith.constant 896 : i32
          %add3A_1500 = arith.addi %mul3A_1498, %add3A_1499 : i32
          %add3A_1501 = arith.addi %add3A_1500, %add3A_9 : i32
          %dma_wait3A_1502 = arith.constant 56 : i32
          %dma_wait3A_1503 = arith.constant 0 : i32
          %dma_wait3A_1504 = tpu.memref_slice %arg10[%dma_wait3A_1502, %dma_wait3A_1503] : memref<64x129xf32, #tpu.memory_space<vmem>> -> memref<8x128xf32, #tpu.memory_space<vmem>>
          %dma_wait3A_1505 = arith.constant 0 : i32
          %dma_wait3A_1506 = arith.constant 0 : i32
          %dma_wait3A_1507 = tpu.memref_slice %arg4[%add3A_1501, %dma_wait3A_1505, %dma_wait3A_1506] : memref<204800x8x128xf32, #tpu.memory_space<hbm>> -> memref<1x8x128xf32, #tpu.memory_space<hbm>>
          %dma_wait3A_1508 = tpu.memref_squeeze %dma_wait3A_1507 : memref<1x8x128xf32, #tpu.memory_space<hbm>> -> memref<8x128xf32, #tpu.memory_space<hbm>>
          %dma_wait3A_1509 = arith.constant 0 : i32
          %dma_wait3A_1510 = arith.constant 0 : i32
          %dma_wait3A_1511 = tpu.memref_slice %arg4[%add3A_1501, %dma_wait3A_1509, %dma_wait3A_1510] : memref<204800x8x128xf32, #tpu.memory_space<hbm>> -> memref<1x8x128xf32, #tpu.memory_space<hbm>>
          %dma_wait3A_1512 = tpu.memref_squeeze %dma_wait3A_1511 : memref<1x8x128xf32, #tpu.memory_space<hbm>> -> memref<8x128xf32, #tpu.memory_space<hbm>>
          %dma_wait3A_1513 = arith.constant 56 : i32
          %dma_wait3A_1514 = arith.constant 0 : i32
          %dma_wait3A_1515 = tpu.memref_slice %arg10[%dma_wait3A_1513, %dma_wait3A_1514] : memref<64x129xf32, #tpu.memory_space<vmem>> -> memref<8x128xf32, #tpu.memory_space<vmem>>
          tpu.wait_dma2 semaphore(%arg14 : memref<!tpu.dma_semaphore, #tpu.memory_space<semaphore_mem>>) src(%dma_wait3A_1515 : memref<8x128xf32, #tpu.memory_space<vmem>>) dst(%dma_wait3A_1512 : memref<8x128xf32, #tpu.memory_space<hbm>>)
        } else {
        }
        %scan3A_975 = arith.constant 0 : i32
        %scan3A_976 = arith.constant 0 : i32
        %scan3A_977 = arith.constant 16 : i32
        %scan3A_978 = arith.addi %scan3A_976, %scan3A_977 : i32
        %scan3A_979 = arith.constant 1 : i32
        scf.for %scan3A_1363 = %scan3A_976 to %scan3A_978 step %scan3A_979  : i32 {
          %mul3A_1364 = arith.constant 8 : i32
          %mul3A_1365 = arith.muli %scan3A_1363, %mul3A_1364 : i32
          %add3A_1366 = arith.constant 0 : i32
          %add3A_1367 = arith.addi %mul3A_1365, %add3A_1366 : i32
          %broadcast_in_dim3A_1368 = arith.constant 0 : i32
          %broadcast_in_dim3A_1369 = vector.broadcast %broadcast_in_dim3A_1368 : i32 to vector<16xi32>
          %add3A_1370 = vector.broadcast %add3A_1367 : i32 to vector<16xi32>
          %add3A_1371 = arith.addi %broadcast_in_dim3A_1369, %add3A_1370 : vector<16xi32>
          %get3A = arith.index_cast %add3A_1367 : i32 to index
          %get3A_1372 = arith.constant 0 : index
          %get3A_1373 = tpu.vector_load %arg8[%get3A, %get3A_1372] {strides = array<i32>} : memref<128x64xf32, #tpu.memory_space<vmem>>, vector<16xf32>,
          %add3A_1374 = arith.constant 0 : i32
          %add3A_1375 = vector.broadcast %add3A_1374 : i32 to vector<16xi32>
          %add3A_1376 = arith.addi %iota3A, %add3A_1375 : vector<16xi32>
          tpu.vector_store_idx %arg10[%add3A_1376, %add3A_1371], %get3A_1373 : memref<64x129xf32, #tpu.memory_space<vmem>>[vector<16xi32>, vector<16xi32>], vector<16xf32>,
          %get3A_1377 = arith.index_cast %add3A_1367 : i32 to index
          %get3A_1378 = arith.constant 16 : index
          %get3A_1379 = tpu.vector_load %arg8[%get3A_1377, %get3A_1378] {strides = array<i32>} : memref<128x64xf32, #tpu.memory_space<vmem>>, vector<16xf32>,
          %add3A_1380 = arith.constant 16 : i32
          %add3A_1381 = vector.broadcast %add3A_1380 : i32 to vector<16xi32>
          %add3A_1382 = arith.addi %iota3A, %add3A_1381 : vector<16xi32>
          tpu.vector_store_idx %arg10[%add3A_1382, %add3A_1371], %get3A_1379 : memref<64x129xf32, #tpu.memory_space<vmem>>[vector<16xi32>, vector<16xi32>], vector<16xf32>,
          %get3A_1383 = arith.index_cast %add3A_1367 : i32 to index
          %get3A_1384 = arith.constant 32 : index
          %get3A_1385 = tpu.vector_load %arg8[%get3A_1383, %get3A_1384] {strides = array<i32>} : memref<128x64xf32, #tpu.memory_space<vmem>>, vector<16xf32>,
          %add3A_1386 = arith.constant 32 : i32
          %add3A_1387 = vector.broadcast %add3A_1386 : i32 to vector<16xi32>
          %add3A_1388 = arith.addi %iota3A, %add3A_1387 : vector<16xi32>
          tpu.vector_store_idx %arg10[%add3A_1388, %add3A_1371], %get3A_1385 : memref<64x129xf32, #tpu.memory_space<vmem>>[vector<16xi32>, vector<16xi32>], vector<16xf32>,
          %get3A_1389 = arith.index_cast %add3A_1367 : i32 to index
          %get3A_1390 = arith.constant 48 : index
          %get3A_1391 = tpu.vector_load %arg8[%get3A_1389, %get3A_1390] {strides = array<i32>} : memref<128x64xf32, #tpu.memory_space<vmem>>, vector<16xf32>,
          %add3A_1392 = arith.constant 48 : i32
          %add3A_1393 = vector.broadcast %add3A_1392 : i32 to vector<16xi32>
          %add3A_1394 = arith.addi %iota3A, %add3A_1393 : vector<16xi32>
          tpu.vector_store_idx %arg10[%add3A_1394, %add3A_1371], %get3A_1391 : memref<64x129xf32, #tpu.memory_space<vmem>>[vector<16xi32>, vector<16xi32>], vector<16xf32>,
          %mul3A_1395 = arith.constant 8 : i32
          %mul3A_1396 = arith.muli %scan3A_1363, %mul3A_1395 : i32
          %add3A_1397 = arith.constant 1 : i32
          %add3A_1398 = arith.addi %mul3A_1396, %add3A_1397 : i32
          %broadcast_in_dim3A_1399 = arith.constant 0 : i32
          %broadcast_in_dim3A_1400 = vector.broadcast %broadcast_in_dim3A_1399 : i32 to vector<16xi32>
          %add3A_1401 = vector.broadcast %add3A_1398 : i32 to vector<16xi32>
          %add3A_1402 = arith.addi %broadcast_in_dim3A_1400, %add3A_1401 : vector<16xi32>
          %get3A_1403 = arith.index_cast %add3A_1398 : i32 to index
          %get3A_1404 = arith.constant 0 : index
          %get3A_1405 = tpu.vector_load %arg8[%get3A_1403, %get3A_1404] {strides = array<i32>} : memref<128x64xf32, #tpu.memory_space<vmem>>, vector<16xf32>,
          %add3A_1406 = arith.constant 0 : i32
          %add3A_1407 = vector.broadcast %add3A_1406 : i32 to vector<16xi32>
          %add3A_1408 = arith.addi %iota3A, %add3A_1407 : vector<16xi32>
          tpu.vector_store_idx %arg10[%add3A_1408, %add3A_1402], %get3A_1405 : memref<64x129xf32, #tpu.memory_space<vmem>>[vector<16xi32>, vector<16xi32>], vector<16xf32>,
          %get3A_1409 = arith.index_cast %add3A_1398 : i32 to index
          %get3A_1410 = arith.constant 16 : index
          %get3A_1411 = tpu.vector_load %arg8[%get3A_1409, %get3A_1410] {strides = array<i32>} : memref<128x64xf32, #tpu.memory_space<vmem>>, vector<16xf32>,
          %add3A_1412 = arith.constant 16 : i32
          %add3A_1413 = vector.broadcast %add3A_1412 : i32 to vector<16xi32>
          %add3A_1414 = arith.addi %iota3A, %add3A_1413 : vector<16xi32>
          tpu.vector_store_idx %arg10[%add3A_1414, %add3A_1402], %get3A_1411 : memref<64x129xf32, #tpu.memory_space<vmem>>[vector<16xi32>, vector<16xi32>], vector<16xf32>,
          %get3A_1415 = arith.index_cast %add3A_1398 : i32 to index
          %get3A_1416 = arith.constant 32 : index
          %get3A_1417 = tpu.vector_load %arg8[%get3A_1415, %get3A_1416] {strides = array<i32>} : memref<128x64xf32, #tpu.memory_space<vmem>>, vector<16xf32>,
          %add3A_1418 = arith.constant 32 : i32
          %add3A_1419 = vector.broadcast %add3A_1418 : i32 to vector<16xi32>
          %add3A_1420 = arith.addi %iota3A, %add3A_1419 : vector<16xi32>
          tpu.vector_store_idx %arg10[%add3A_1420, %add3A_1402], %get3A_1417 : memref<64x129xf32, #tpu.memory_space<vmem>>[vector<16xi32>, vector<16xi32>], vector<16xf32>,
          %get3A_1421 = arith.index_cast %add3A_1398 : i32 to index
          %get3A_1422 = arith.constant 48 : index
          %get3A_1423 = tpu.vector_load %arg8[%get3A_1421, %get3A_1422] {strides = array<i32>} : memref<128x64xf32, #tpu.memory_space<vmem>>, vector<16xf32>,
          %add3A_1424 = arith.constant 48 : i32
          %add3A_1425 = vector.broadcast %add3A_1424 : i32 to vector<16xi32>
          %add3A_1426 = arith.addi %iota3A, %add3A_1425 : vector<16xi32>
          tpu.vector_store_idx %arg10[%add3A_1426, %add3A_1402], %get3A_1423 : memref<64x129xf32, #tpu.memory_space<vmem>>[vector<16xi32>, vector<16xi32>], vector<16xf32>,
          %mul3A_1427 = arith.constant 8 : i32
          %mul3A_1428 = arith.muli %scan3A_1363, %mul3A_1427 : i32
          %add3A_1429 = arith.constant 2 : i32
          %add3A_1430 = arith.addi %mul3A_1428, %add3A_1429 : i32
          %broadcast_in_dim3A_1431 = arith.constant 0 : i32
          %broadcast_in_dim3A_1432 = vector.broadcast %broadcast_in_dim3A_1431 : i32 to vector<16xi32>
          %add3A_1433 = vector.broadcast %add3A_1430 : i32 to vector<16xi32>
          %add3A_1434 = arith.addi %broadcast_in_dim3A_1432, %add3A_1433 : vector<16xi32>
          %get3A_1435 = arith.index_cast %add3A_1430 : i32 to index
          %get3A_1436 = arith.constant 0 : index
          %get3A_1437 = tpu.vector_load %arg8[%get3A_1435, %get3A_1436] {strides = array<i32>} : memref<128x64xf32, #tpu.memory_space<vmem>>, vector<16xf32>,
          %add3A_1438 = arith.constant 0 : i32
          %add3A_1439 = vector.broadcast %add3A_1438 : i32 to vector<16xi32>
          %add3A_1440 = arith.addi %iota3A, %add3A_1439 : vector<16xi32>
          tpu.vector_store_idx %arg10[%add3A_1440, %add3A_1434], %get3A_1437 : memref<64x129xf32, #tpu.memory_space<vmem>>[vector<16xi32>, vector<16xi32>], vector<16xf32>,
          %get3A_1441 = arith.index_cast %add3A_1430 : i32 to index
          %get3A_1442 = arith.constant 16 : index
          %get3A_1443 = tpu.vector_load %arg8[%get3A_1441, %get3A_1442] {strides = array<i32>} : memref<128x64xf32, #tpu.memory_space<vmem>>, vector<16xf32>,
          %add3A_1444 = arith.constant 16 : i32
          %add3A_1445 = vector.broadcast %add3A_1444 : i32 to vector<16xi32>
          %add3A_1446 = arith.addi %iota3A, %add3A_1445 : vector<16xi32>
          tpu.vector_store_idx %arg10[%add3A_1446, %add3A_1434], %get3A_1443 : memref<64x129xf32, #tpu.memory_space<vmem>>[vector<16xi32>, vector<16xi32>], vector<16xf32>,
          %get3A_1447 = arith.index_cast %add3A_1430 : i32 to index
          %get3A_1448 = arith.constant 32 : index
          %get3A_1449 = tpu.vector_load %arg8[%get3A_1447, %get3A_1448] {strides = array<i32>} : memref<128x64xf32, #tpu.memory_space<vmem>>, vector<16xf32>,
          %add3A_1450 = arith.constant 32 : i32
          %add3A_1451 = vector.broadcast %add3A_1450 : i32 to vector<16xi32>
          %add3A_1452 = arith.addi %iota3A, %add3A_1451 : vector<16xi32>
          tpu.vector_store_idx %arg10[%add3A_1452, %add3A_1434], %get3A_1449 : memref<64x129xf32, #tpu.memory_space<vmem>>[vector<16xi32>, vector<16xi32>], vector<16xf32>,
          %get3A_1453 = arith.index_cast %add3A_1430 : i32 to index
          %get3A_1454 = arith.constant 48 : index
          %get3A_1455 = tpu.vector_load %arg8[%get3A_1453, %get3A_1454] {strides = array<i32>} : memref<128x64xf32, #tpu.memory_space<vmem>>, vector<16xf32>,
          %add3A_1456 = arith.constant 48 : i32
          %add3A_1457 = vector.broadcast %add3A_1456 : i32 to vector<16xi32>
          %add3A_1458 = arith.addi %iota3A, %add3A_1457 : vector<16xi32>
          tpu.vector_store_idx %arg10[%add3A_1458, %add3A_1434], %get3A_1455 : memref<64x129xf32, #tpu.memory_space<vmem>>[vector<16xi32>, vector<16xi32>], vector<16xf32>,
          %mul3A_1459 = arith.constant 8 : i32
          %mul3A_1460 = arith.muli %scan3A_1363, %mul3A_1459 : i32
          %add3A_1461 = arith.constant 3 : i32
          %add3A_1462 = arith.addi %mul3A_1460, %add3A_1461 : i32
          %broadcast_in_dim3A_1463 = arith.constant 0 : i32
          %broadcast_in_dim3A_1464 = vector.broadcast %broadcast_in_dim3A_1463 : i32 to vector<16xi32>
          %add3A_1465 = vector.broadcast %add3A_1462 : i32 to vector<16xi32>
          %add3A_1466 = arith.addi %broadcast_in_dim3A_1464, %add3A_1465 : vector<16xi32>
          %get3A_1467 = arith.index_cast %add3A_1462 : i32 to index
          %get3A_1468 = arith.constant 0 : index
          %get3A_1469 = tpu.vector_load %arg8[%get3A_1467, %get3A_1468] {strides = array<i32>} : memref<128x64xf32, #tpu.memory_space<vmem>>, vector<16xf32>,
          %add3A_1470 = arith.constant 0 : i32
          %add3A_1471 = vector.broadcast %add3A_1470 : i32 to vector<16xi32>
          %add3A_1472 = arith.addi %iota3A, %add3A_1471 : vector<16xi32>
          tpu.vector_store_idx %arg10[%add3A_1472, %add3A_1466], %get3A_1469 : memref<64x129xf32, #tpu.memory_space<vmem>>[vector<16xi32>, vector<16xi32>], vector<16xf32>,
          %get3A_1473 = arith.index_cast %add3A_1462 : i32 to index
          %get3A_1474 = arith.constant 16 : index
          %get3A_1475 = tpu.vector_load %arg8[%get3A_1473, %get3A_1474] {strides = array<i32>} : memref<128x64xf32, #tpu.memory_space<vmem>>, vector<16xf32>,
          %add3A_1476 = arith.constant 16 : i32
          %add3A_1477 = vector.broadcast %add3A_1476 : i32 to vector<16xi32>
          %add3A_1478 = arith.addi %iota3A, %add3A_1477 : vector<16xi32>
          tpu.vector_store_idx %arg10[%add3A_1478, %add3A_1466], %get3A_1475 : memref<64x129xf32, #tpu.memory_space<vmem>>[vector<16xi32>, vector<16xi32>], vector<16xf32>,
          %get3A_1479 = arith.index_cast %add3A_1462 : i32 to index
          %get3A_1480 = arith.constant 32 : index
          %get3A_1481 = tpu.vector_load %arg8[%get3A_1479, %get3A_1480] {strides = array<i32>} : memref<128x64xf32, #tpu.memory_space<vmem>>, vector<16xf32>,
          %add3A_1482 = arith.constant 32 : i32
          %add3A_1483 = vector.broadcast %add3A_1482 : i32 to vector<16xi32>
          %add3A_1484 = arith.addi %iota3A, %add3A_1483 : vector<16xi32>
          tpu.vector_store_idx %arg10[%add3A_1484, %add3A_1466], %get3A_1481 : memref<64x129xf32, #tpu.memory_space<vmem>>[vector<16xi32>, vector<16xi32>], vector<16xf32>,
          %get3A_1485 = arith.index_cast %add3A_1462 : i32 to index
          %get3A_1486 = arith.constant 48 : index
          %get3A_1487 = tpu.vector_load %arg8[%get3A_1485, %get3A_1486] {strides = array<i32>} : memref<128x64xf32, #tpu.memory_space<vmem>>, vector<16xf32>,
          %add3A_1488 = arith.constant 48 : i32
          %add3A_1489 = vector.broadcast %add3A_1488 : i32 to vector<16xi32>
          %add3A_1490 = arith.addi %iota3A, %add3A_1489 : vector<16xi32>
          tpu.vector_store_idx %arg10[%add3A_1490, %add3A_1466], %get3A_1487 : memref<64x129xf32, #tpu.memory_space<vmem>>[vector<16xi32>, vector<16xi32>], vector<16xf32>,
          %mul3A_1491 = arith.constant 8 : i32
          %mul3A_1492 = arith.muli %scan3A_1363, %mul3A_1491 : i32
          %add3A_1493 = arith.constant 4 : i32
          %add3A_1494 = arith.addi %mul3A_1492, %add3A_1493 : i32
          %broadcast_in_dim3A_1495 = arith.constant 0 : i32
          %broadcast_in_dim3A_1496 = vector.broadcast %broadcast_in_dim3A_1495 : i32 to vector<16xi32>
          %add3A_1497 = vector.broadcast %add3A_1494 : i32 to vector<16xi32>
          %add3A_1498 = arith.addi %broadcast_in_dim3A_1496, %add3A_1497 : vector<16xi32>
          %get3A_1499 = arith.index_cast %add3A_1494 : i32 to index
          %get3A_1500 = arith.constant 0 : index
          %get3A_1501 = tpu.vector_load %arg8[%get3A_1499, %get3A_1500] {strides = array<i32>} : memref<128x64xf32, #tpu.memory_space<vmem>>, vector<16xf32>,
          %add3A_1502 = arith.constant 0 : i32
          %add3A_1503 = vector.broadcast %add3A_1502 : i32 to vector<16xi32>
          %add3A_1504 = arith.addi %iota3A, %add3A_1503 : vector<16xi32>
          tpu.vector_store_idx %arg10[%add3A_1504, %add3A_1498], %get3A_1501 : memref<64x129xf32, #tpu.memory_space<vmem>>[vector<16xi32>, vector<16xi32>], vector<16xf32>,
          %get3A_1505 = arith.index_cast %add3A_1494 : i32 to index
          %get3A_1506 = arith.constant 16 : index
          %get3A_1507 = tpu.vector_load %arg8[%get3A_1505, %get3A_1506] {strides = array<i32>} : memref<128x64xf32, #tpu.memory_space<vmem>>, vector<16xf32>,
          %add3A_1508 = arith.constant 16 : i32
          %add3A_1509 = vector.broadcast %add3A_1508 : i32 to vector<16xi32>
          %add3A_1510 = arith.addi %iota3A, %add3A_1509 : vector<16xi32>
          tpu.vector_store_idx %arg10[%add3A_1510, %add3A_1498], %get3A_1507 : memref<64x129xf32, #tpu.memory_space<vmem>>[vector<16xi32>, vector<16xi32>], vector<16xf32>,
          %get3A_1511 = arith.index_cast %add3A_1494 : i32 to index
          %get3A_1512 = arith.constant 32 : index
          %get3A_1513 = tpu.vector_load %arg8[%get3A_1511, %get3A_1512] {strides = array<i32>} : memref<128x64xf32, #tpu.memory_space<vmem>>, vector<16xf32>,
          %add3A_1514 = arith.constant 32 : i32
          %add3A_1515 = vector.broadcast %add3A_1514 : i32 to vector<16xi32>
          %add3A_1516 = arith.addi %iota3A, %add3A_1515 : vector<16xi32>
          tpu.vector_store_idx %arg10[%add3A_1516, %add3A_1498], %get3A_1513 : memref<64x129xf32, #tpu.memory_space<vmem>>[vector<16xi32>, vector<16xi32>], vector<16xf32>,
          %get3A_1517 = arith.index_cast %add3A_1494 : i32 to index
          %get3A_1518 = arith.constant 48 : index
          %get3A_1519 = tpu.vector_load %arg8[%get3A_1517, %get3A_1518] {strides = array<i32>} : memref<128x64xf32, #tpu.memory_space<vmem>>, vector<16xf32>,
          %add3A_1520 = arith.constant 48 : i32
          %add3A_1521 = vector.broadcast %add3A_1520 : i32 to vector<16xi32>
          %add3A_1522 = arith.addi %iota3A, %add3A_1521 : vector<16xi32>
          tpu.vector_store_idx %arg10[%add3A_1522, %add3A_1498], %get3A_1519 : memref<64x129xf32, #tpu.memory_space<vmem>>[vector<16xi32>, vector<16xi32>], vector<16xf32>,
          %mul3A_1523 = arith.constant 8 : i32
          %mul3A_1524 = arith.muli %scan3A_1363, %mul3A_1523 : i32
          %add3A_1525 = arith.constant 5 : i32
          %add3A_1526 = arith.addi %mul3A_1524, %add3A_1525 : i32
          %broadcast_in_dim3A_1527 = arith.constant 0 : i32
          %broadcast_in_dim3A_1528 = vector.broadcast %broadcast_in_dim3A_1527 : i32 to vector<16xi32>
          %add3A_1529 = vector.broadcast %add3A_1526 : i32 to vector<16xi32>
          %add3A_1530 = arith.addi %broadcast_in_dim3A_1528, %add3A_1529 : vector<16xi32>
          %get3A_1531 = arith.index_cast %add3A_1526 : i32 to index
          %get3A_1532 = arith.constant 0 : index
          %get3A_1533 = tpu.vector_load %arg8[%get3A_1531, %get3A_1532] {strides = array<i32>} : memref<128x64xf32, #tpu.memory_space<vmem>>, vector<16xf32>,
          %add3A_1534 = arith.constant 0 : i32
          %add3A_1535 = vector.broadcast %add3A_1534 : i32 to vector<16xi32>
          %add3A_1536 = arith.addi %iota3A, %add3A_1535 : vector<16xi32>
          tpu.vector_store_idx %arg10[%add3A_1536, %add3A_1530], %get3A_1533 : memref<64x129xf32, #tpu.memory_space<vmem>>[vector<16xi32>, vector<16xi32>], vector<16xf32>,
          %get3A_1537 = arith.index_cast %add3A_1526 : i32 to index
          %get3A_1538 = arith.constant 16 : index
          %get3A_1539 = tpu.vector_load %arg8[%get3A_1537, %get3A_1538] {strides = array<i32>} : memref<128x64xf32, #tpu.memory_space<vmem>>, vector<16xf32>,
          %add3A_1540 = arith.constant 16 : i32
          %add3A_1541 = vector.broadcast %add3A_1540 : i32 to vector<16xi32>
          %add3A_1542 = arith.addi %iota3A, %add3A_1541 : vector<16xi32>
          tpu.vector_store_idx %arg10[%add3A_1542, %add3A_1530], %get3A_1539 : memref<64x129xf32, #tpu.memory_space<vmem>>[vector<16xi32>, vector<16xi32>], vector<16xf32>,
          %get3A_1543 = arith.index_cast %add3A_1526 : i32 to index
          %get3A_1544 = arith.constant 32 : index
          %get3A_1545 = tpu.vector_load %arg8[%get3A_1543, %get3A_1544] {strides = array<i32>} : memref<128x64xf32, #tpu.memory_space<vmem>>, vector<16xf32>,
          %add3A_1546 = arith.constant 32 : i32
          %add3A_1547 = vector.broadcast %add3A_1546 : i32 to vector<16xi32>
          %add3A_1548 = arith.addi %iota3A, %add3A_1547 : vector<16xi32>
          tpu.vector_store_idx %arg10[%add3A_1548, %add3A_1530], %get3A_1545 : memref<64x129xf32, #tpu.memory_space<vmem>>[vector<16xi32>, vector<16xi32>], vector<16xf32>,
          %get3A_1549 = arith.index_cast %add3A_1526 : i32 to index
          %get3A_1550 = arith.constant 48 : index
          %get3A_1551 = tpu.vector_load %arg8[%get3A_1549, %get3A_1550] {strides = array<i32>} : memref<128x64xf32, #tpu.memory_space<vmem>>, vector<16xf32>,
          %add3A_1552 = arith.constant 48 : i32
          %add3A_1553 = vector.broadcast %add3A_1552 : i32 to vector<16xi32>
          %add3A_1554 = arith.addi %iota3A, %add3A_1553 : vector<16xi32>
          tpu.vector_store_idx %arg10[%add3A_1554, %add3A_1530], %get3A_1551 : memref<64x129xf32, #tpu.memory_space<vmem>>[vector<16xi32>, vector<16xi32>], vector<16xf32>,
          %mul3A_1555 = arith.constant 8 : i32
          %mul3A_1556 = arith.muli %scan3A_1363, %mul3A_1555 : i32
          %add3A_1557 = arith.constant 6 : i32
          %add3A_1558 = arith.addi %mul3A_1556, %add3A_1557 : i32
          %broadcast_in_dim3A_1559 = arith.constant 0 : i32
          %broadcast_in_dim3A_1560 = vector.broadcast %broadcast_in_dim3A_1559 : i32 to vector<16xi32>
          %add3A_1561 = vector.broadcast %add3A_1558 : i32 to vector<16xi32>
          %add3A_1562 = arith.addi %broadcast_in_dim3A_1560, %add3A_1561 : vector<16xi32>
          %get3A_1563 = arith.index_cast %add3A_1558 : i32 to index
          %get3A_1564 = arith.constant 0 : index
          %get3A_1565 = tpu.vector_load %arg8[%get3A_1563, %get3A_1564] {strides = array<i32>} : memref<128x64xf32, #tpu.memory_space<vmem>>, vector<16xf32>,
          %add3A_1566 = arith.constant 0 : i32
          %add3A_1567 = vector.broadcast %add3A_1566 : i32 to vector<16xi32>
          %add3A_1568 = arith.addi %iota3A, %add3A_1567 : vector<16xi32>
          tpu.vector_store_idx %arg10[%add3A_1568, %add3A_1562], %get3A_1565 : memref<64x129xf32, #tpu.memory_space<vmem>>[vector<16xi32>, vector<16xi32>], vector<16xf32>,
          %get3A_1569 = arith.index_cast %add3A_1558 : i32 to index
          %get3A_1570 = arith.constant 16 : index
          %get3A_1571 = tpu.vector_load %arg8[%get3A_1569, %get3A_1570] {strides = array<i32>} : memref<128x64xf32, #tpu.memory_space<vmem>>, vector<16xf32>,
          %add3A_1572 = arith.constant 16 : i32
          %add3A_1573 = vector.broadcast %add3A_1572 : i32 to vector<16xi32>
          %add3A_1574 = arith.addi %iota3A, %add3A_1573 : vector<16xi32>
          tpu.vector_store_idx %arg10[%add3A_1574, %add3A_1562], %get3A_1571 : memref<64x129xf32, #tpu.memory_space<vmem>>[vector<16xi32>, vector<16xi32>], vector<16xf32>,
          %get3A_1575 = arith.index_cast %add3A_1558 : i32 to index
          %get3A_1576 = arith.constant 32 : index
          %get3A_1577 = tpu.vector_load %arg8[%get3A_1575, %get3A_1576] {strides = array<i32>} : memref<128x64xf32, #tpu.memory_space<vmem>>, vector<16xf32>,
          %add3A_1578 = arith.constant 32 : i32
          %add3A_1579 = vector.broadcast %add3A_1578 : i32 to vector<16xi32>
          %add3A_1580 = arith.addi %iota3A, %add3A_1579 : vector<16xi32>
          tpu.vector_store_idx %arg10[%add3A_1580, %add3A_1562], %get3A_1577 : memref<64x129xf32, #tpu.memory_space<vmem>>[vector<16xi32>, vector<16xi32>], vector<16xf32>,
          %get3A_1581 = arith.index_cast %add3A_1558 : i32 to index
          %get3A_1582 = arith.constant 48 : index
          %get3A_1583 = tpu.vector_load %arg8[%get3A_1581, %get3A_1582] {strides = array<i32>} : memref<128x64xf32, #tpu.memory_space<vmem>>, vector<16xf32>,
          %add3A_1584 = arith.constant 48 : i32
          %add3A_1585 = vector.broadcast %add3A_1584 : i32 to vector<16xi32>
          %add3A_1586 = arith.addi %iota3A, %add3A_1585 : vector<16xi32>
          tpu.vector_store_idx %arg10[%add3A_1586, %add3A_1562], %get3A_1583 : memref<64x129xf32, #tpu.memory_space<vmem>>[vector<16xi32>, vector<16xi32>], vector<16xf32>,
          %mul3A_1587 = arith.constant 8 : i32
          %mul3A_1588 = arith.muli %scan3A_1363, %mul3A_1587 : i32
          %add3A_1589 = arith.constant 7 : i32
          %add3A_1590 = arith.addi %mul3A_1588, %add3A_1589 : i32
          %broadcast_in_dim3A_1591 = arith.constant 0 : i32
          %broadcast_in_dim3A_1592 = vector.broadcast %broadcast_in_dim3A_1591 : i32 to vector<16xi32>
          %add3A_1593 = vector.broadcast %add3A_1590 : i32 to vector<16xi32>
          %add3A_1594 = arith.addi %broadcast_in_dim3A_1592, %add3A_1593 : vector<16xi32>
          %get3A_1595 = arith.index_cast %add3A_1590 : i32 to index
          %get3A_1596 = arith.constant 0 : index
          %get3A_1597 = tpu.vector_load %arg8[%get3A_1595, %get3A_1596] {strides = array<i32>} : memref<128x64xf32, #tpu.memory_space<vmem>>, vector<16xf32>,
          %add3A_1598 = arith.constant 0 : i32
          %add3A_1599 = vector.broadcast %add3A_1598 : i32 to vector<16xi32>
          %add3A_1600 = arith.addi %iota3A, %add3A_1599 : vector<16xi32>
          tpu.vector_store_idx %arg10[%add3A_1600, %add3A_1594], %get3A_1597 : memref<64x129xf32, #tpu.memory_space<vmem>>[vector<16xi32>, vector<16xi32>], vector<16xf32>,
          %get3A_1601 = arith.index_cast %add3A_1590 : i32 to index
          %get3A_1602 = arith.constant 16 : index
          %get3A_1603 = tpu.vector_load %arg8[%get3A_1601, %get3A_1602] {strides = array<i32>} : memref<128x64xf32, #tpu.memory_space<vmem>>, vector<16xf32>,
          %add3A_1604 = arith.constant 16 : i32
          %add3A_1605 = vector.broadcast %add3A_1604 : i32 to vector<16xi32>
          %add3A_1606 = arith.addi %iota3A, %add3A_1605 : vector<16xi32>
          tpu.vector_store_idx %arg10[%add3A_1606, %add3A_1594], %get3A_1603 : memref<64x129xf32, #tpu.memory_space<vmem>>[vector<16xi32>, vector<16xi32>], vector<16xf32>,
          %get3A_1607 = arith.index_cast %add3A_1590 : i32 to index
          %get3A_1608 = arith.constant 32 : index
          %get3A_1609 = tpu.vector_load %arg8[%get3A_1607, %get3A_1608] {strides = array<i32>} : memref<128x64xf32, #tpu.memory_space<vmem>>, vector<16xf32>,
          %add3A_1610 = arith.constant 32 : i32
          %add3A_1611 = vector.broadcast %add3A_1610 : i32 to vector<16xi32>
          %add3A_1612 = arith.addi %iota3A, %add3A_1611 : vector<16xi32>
          tpu.vector_store_idx %arg10[%add3A_1612, %add3A_1594], %get3A_1609 : memref<64x129xf32, #tpu.memory_space<vmem>>[vector<16xi32>, vector<16xi32>], vector<16xf32>,
          %get3A_1613 = arith.index_cast %add3A_1590 : i32 to index
          %get3A_1614 = arith.constant 48 : index
          %get3A_1615 = tpu.vector_load %arg8[%get3A_1613, %get3A_1614] {strides = array<i32>} : memref<128x64xf32, #tpu.memory_space<vmem>>, vector<16xf32>,
          %add3A_1616 = arith.constant 48 : i32
          %add3A_1617 = vector.broadcast %add3A_1616 : i32 to vector<16xi32>
          %add3A_1618 = arith.addi %iota3A, %add3A_1617 : vector<16xi32>
          tpu.vector_store_idx %arg10[%add3A_1618, %add3A_1594], %get3A_1615 : memref<64x129xf32, #tpu.memory_space<vmem>>[vector<16xi32>, vector<16xi32>], vector<16xf32>,
        }
        %scan3A_980 = arith.constant 16 : i32
        %dma_start3A_981 = arith.constant 0 : i32
        %dma_start3A_982 = arith.constant 0 : i32
        %dma_start3A_983 = tpu.memref_slice %arg2[%dma_start3A_981, %dma_start3A_982] : memref<8192x64xf32, #tpu.memory_space<hbm>> -> memref<8192x64xf32, #tpu.memory_space<hbm>>
        tpu.enqueue_indirect_dma source(%dma_start3A_983 : memref<8192x64xf32, #tpu.memory_space<hbm>>) target(%arg8 : memref<128x64xf32, #tpu.memory_space<vmem>>) offsets(%arg6 : memref<128xi32, #tpu.memory_space<vmem>>) semaphore(%arg12 : memref<!tpu.dma_semaphore, #tpu.memory_space<semaphore_mem>>)
        %mul3A_984 = arith.constant 1024 : i32
        %mul3A_985 = arith.muli %add3A_915, %mul3A_984 : i32
        %add3A_986 = arith.constant 0 : i32
        %add3A_987 = arith.addi %mul3A_985, %add3A_986 : i32
        %add3A_988 = arith.addi %add3A_987, %add3A_9 : i32
        %dma_start3A_989 = arith.constant 0 : i32
        %dma_start3A_990 = arith.constant 0 : i32
        %dma_start3A_991 = tpu.memref_slice %arg10[%dma_start3A_989, %dma_start3A_990] : memref<64x129xf32, #tpu.memory_space<vmem>> -> memref<8x128xf32, #tpu.memory_space<vmem>>
        %dma_start3A_992 = arith.constant 0 : i32
        %dma_start3A_993 = arith.constant 0 : i32
        %dma_start3A_994 = tpu.memref_slice %arg4[%add3A_988, %dma_start3A_992, %dma_start3A_993] : memref<204800x8x128xf32, #tpu.memory_space<hbm>> -> memref<1x8x128xf32, #tpu.memory_space<hbm>>
        %dma_start3A_995 = tpu.memref_squeeze %dma_start3A_994 : memref<1x8x128xf32, #tpu.memory_space<hbm>> -> memref<8x128xf32, #tpu.memory_space<hbm>>
        %dma_start3A_996 = arith.constant 0 : i32
        %dma_start3A_997 = arith.constant 0 : i32
        %dma_start3A_998 = tpu.memref_slice %arg4[%add3A_988, %dma_start3A_996, %dma_start3A_997] : memref<204800x8x128xf32, #tpu.memory_space<hbm>> -> memref<1x8x128xf32, #tpu.memory_space<hbm>>
        %dma_start3A_999 = tpu.memref_squeeze %dma_start3A_998 : memref<1x8x128xf32, #tpu.memory_space<hbm>> -> memref<8x128xf32, #tpu.memory_space<hbm>>
        %dma_start3A_1000 = arith.constant 0 : i32
        %dma_start3A_1001 = arith.constant 0 : i32
        %dma_start3A_1002 = tpu.memref_slice %arg10[%dma_start3A_1000, %dma_start3A_1001] : memref<64x129xf32, #tpu.memory_space<vmem>> -> memref<8x128xf32, #tpu.memory_space<vmem>>
        tpu.enqueue_dma source(%dma_start3A_1002 : memref<8x128xf32, #tpu.memory_space<vmem>>) target(%dma_start3A_999 : memref<8x128xf32, #tpu.memory_space<hbm>>) target_semaphore(%arg14 : memref<!tpu.dma_semaphore, #tpu.memory_space<semaphore_mem>>)
        %mul3A_1003 = arith.constant 1024 : i32
        %mul3A_1004 = arith.muli %add3A_915, %mul3A_1003 : i32
        %add3A_1005 = arith.constant 128 : i32
        %add3A_1006 = arith.addi %mul3A_1004, %add3A_1005 : i32
        %add3A_1007 = arith.addi %add3A_1006, %add3A_9 : i32
        %dma_start3A_1008 = arith.constant 8 : i32
        %dma_start3A_1009 = arith.constant 0 : i32
        %dma_start3A_1010 = tpu.memref_slice %arg10[%dma_start3A_1008, %dma_start3A_1009] : memref<64x129xf32, #tpu.memory_space<vmem>> -> memref<8x128xf32, #tpu.memory_space<vmem>>
        %dma_start3A_1011 = arith.constant 0 : i32
        %dma_start3A_1012 = arith.constant 0 : i32
        %dma_start3A_1013 = tpu.memref_slice %arg4[%add3A_1007, %dma_start3A_1011, %dma_start3A_1012] : memref<204800x8x128xf32, #tpu.memory_space<hbm>> -> memref<1x8x128xf32, #tpu.memory_space<hbm>>
        %dma_start3A_1014 = tpu.memref_squeeze %dma_start3A_1013 : memref<1x8x128xf32, #tpu.memory_space<hbm>> -> memref<8x128xf32, #tpu.memory_space<hbm>>
        %dma_start3A_1015 = arith.constant 0 : i32
        %dma_start3A_1016 = arith.constant 0 : i32
        %dma_start3A_1017 = tpu.memref_slice %arg4[%add3A_1007, %dma_start3A_1015, %dma_start3A_1016] : memref<204800x8x128xf32, #tpu.memory_space<hbm>> -> memref<1x8x128xf32, #tpu.memory_space<hbm>>
        %dma_start3A_1018 = tpu.memref_squeeze %dma_start3A_1017 : memref<1x8x128xf32, #tpu.memory_space<hbm>> -> memref<8x128xf32, #tpu.memory_space<hbm>>
        %dma_start3A_1019 = arith.constant 8 : i32
        %dma_start3A_1020 = arith.constant 0 : i32
        %dma_start3A_1021 = tpu.memref_slice %arg10[%dma_start3A_1019, %dma_start3A_1020] : memref<64x129xf32, #tpu.memory_space<vmem>> -> memref<8x128xf32, #tpu.memory_space<vmem>>
        tpu.enqueue_dma source(%dma_start3A_1021 : memref<8x128xf32, #tpu.memory_space<vmem>>) target(%dma_start3A_1018 : memref<8x128xf32, #tpu.memory_space<hbm>>) target_semaphore(%arg14 : memref<!tpu.dma_semaphore, #tpu.memory_space<semaphore_mem>>)
        %mul3A_1022 = arith.constant 1024 : i32
        %mul3A_1023 = arith.muli %add3A_915, %mul3A_1022 : i32
        %add3A_1024 = arith.constant 256 : i32
        %add3A_1025 = arith.addi %mul3A_1023, %add3A_1024 : i32
        %add3A_1026 = arith.addi %add3A_1025, %add3A_9 : i32
        %dma_start3A_1027 = arith.constant 16 : i32
        %dma_start3A_1028 = arith.constant 0 : i32
        %dma_start3A_1029 = tpu.memref_slice %arg10[%dma_start3A_1027, %dma_start3A_1028] : memref<64x129xf32, #tpu.memory_space<vmem>> -> memref<8x128xf32, #tpu.memory_space<vmem>>
        %dma_start3A_1030 = arith.constant 0 : i32
        %dma_start3A_1031 = arith.constant 0 : i32
        %dma_start3A_1032 = tpu.memref_slice %arg4[%add3A_1026, %dma_start3A_1030, %dma_start3A_1031] : memref<204800x8x128xf32, #tpu.memory_space<hbm>> -> memref<1x8x128xf32, #tpu.memory_space<hbm>>
        %dma_start3A_1033 = tpu.memref_squeeze %dma_start3A_1032 : memref<1x8x128xf32, #tpu.memory_space<hbm>> -> memref<8x128xf32, #tpu.memory_space<hbm>>
        %dma_start3A_1034 = arith.constant 0 : i32
        %dma_start3A_1035 = arith.constant 0 : i32
        %dma_start3A_1036 = tpu.memref_slice %arg4[%add3A_1026, %dma_start3A_1034, %dma_start3A_1035] : memref<204800x8x128xf32, #tpu.memory_space<hbm>> -> memref<1x8x128xf32, #tpu.memory_space<hbm>>
        %dma_start3A_1037 = tpu.memref_squeeze %dma_start3A_1036 : memref<1x8x128xf32, #tpu.memory_space<hbm>> -> memref<8x128xf32, #tpu.memory_space<hbm>>
        %dma_start3A_1038 = arith.constant 16 : i32
        %dma_start3A_1039 = arith.constant 0 : i32
        %dma_start3A_1040 = tpu.memref_slice %arg10[%dma_start3A_1038, %dma_start3A_1039] : memref<64x129xf32, #tpu.memory_space<vmem>> -> memref<8x128xf32, #tpu.memory_space<vmem>>
        tpu.enqueue_dma source(%dma_start3A_1040 : memref<8x128xf32, #tpu.memory_space<vmem>>) target(%dma_start3A_1037 : memref<8x128xf32, #tpu.memory_space<hbm>>) target_semaphore(%arg14 : memref<!tpu.dma_semaphore, #tpu.memory_space<semaphore_mem>>)
        %mul3A_1041 = arith.constant 1024 : i32
        %mul3A_1042 = arith.muli %add3A_915, %mul3A_1041 : i32
        %add3A_1043 = arith.constant 384 : i32
        %add3A_1044 = arith.addi %mul3A_1042, %add3A_1043 : i32
        %add3A_1045 = arith.addi %add3A_1044, %add3A_9 : i32
        %dma_start3A_1046 = arith.constant 24 : i32
        %dma_start3A_1047 = arith.constant 0 : i32
        %dma_start3A_1048 = tpu.memref_slice %arg10[%dma_start3A_1046, %dma_start3A_1047] : memref<64x129xf32, #tpu.memory_space<vmem>> -> memref<8x128xf32, #tpu.memory_space<vmem>>
        %dma_start3A_1049 = arith.constant 0 : i32
        %dma_start3A_1050 = arith.constant 0 : i32
        %dma_start3A_1051 = tpu.memref_slice %arg4[%add3A_1045, %dma_start3A_1049, %dma_start3A_1050] : memref<204800x8x128xf32, #tpu.memory_space<hbm>> -> memref<1x8x128xf32, #tpu.memory_space<hbm>>
        %dma_start3A_1052 = tpu.memref_squeeze %dma_start3A_1051 : memref<1x8x128xf32, #tpu.memory_space<hbm>> -> memref<8x128xf32, #tpu.memory_space<hbm>>
        %dma_start3A_1053 = arith.constant 0 : i32
        %dma_start3A_1054 = arith.constant 0 : i32
        %dma_start3A_1055 = tpu.memref_slice %arg4[%add3A_1045, %dma_start3A_1053, %dma_start3A_1054] : memref<204800x8x128xf32, #tpu.memory_space<hbm>> -> memref<1x8x128xf32, #tpu.memory_space<hbm>>
        %dma_start3A_1056 = tpu.memref_squeeze %dma_start3A_1055 : memref<1x8x128xf32, #tpu.memory_space<hbm>> -> memref<8x128xf32, #tpu.memory_space<hbm>>
        %dma_start3A_1057 = arith.constant 24 : i32
        %dma_start3A_1058 = arith.constant 0 : i32
        %dma_start3A_1059 = tpu.memref_slice %arg10[%dma_start3A_1057, %dma_start3A_1058] : memref<64x129xf32, #tpu.memory_space<vmem>> -> memref<8x128xf32, #tpu.memory_space<vmem>>
        tpu.enqueue_dma source(%dma_start3A_1059 : memref<8x128xf32, #tpu.memory_space<vmem>>) target(%dma_start3A_1056 : memref<8x128xf32, #tpu.memory_space<hbm>>) target_semaphore(%arg14 : memref<!tpu.dma_semaphore, #tpu.memory_space<semaphore_mem>>)
        %mul3A_1060 = arith.constant 1024 : i32
        %mul3A_1061 = arith.muli %add3A_915, %mul3A_1060 : i32
        %add3A_1062 = arith.constant 512 : i32
        %add3A_1063 = arith.addi %mul3A_1061, %add3A_1062 : i32
        %add3A_1064 = arith.addi %add3A_1063, %add3A_9 : i32
        %dma_start3A_1065 = arith.constant 32 : i32
        %dma_start3A_1066 = arith.constant 0 : i32
        %dma_start3A_1067 = tpu.memref_slice %arg10[%dma_start3A_1065, %dma_start3A_1066] : memref<64x129xf32, #tpu.memory_space<vmem>> -> memref<8x128xf32, #tpu.memory_space<vmem>>
        %dma_start3A_1068 = arith.constant 0 : i32
        %dma_start3A_1069 = arith.constant 0 : i32
        %dma_start3A_1070 = tpu.memref_slice %arg4[%add3A_1064, %dma_start3A_1068, %dma_start3A_1069] : memref<204800x8x128xf32, #tpu.memory_space<hbm>> -> memref<1x8x128xf32, #tpu.memory_space<hbm>>
        %dma_start3A_1071 = tpu.memref_squeeze %dma_start3A_1070 : memref<1x8x128xf32, #tpu.memory_space<hbm>> -> memref<8x128xf32, #tpu.memory_space<hbm>>
        %dma_start3A_1072 = arith.constant 0 : i32
        %dma_start3A_1073 = arith.constant 0 : i32
        %dma_start3A_1074 = tpu.memref_slice %arg4[%add3A_1064, %dma_start3A_1072, %dma_start3A_1073] : memref<204800x8x128xf32, #tpu.memory_space<hbm>> -> memref<1x8x128xf32, #tpu.memory_space<hbm>>
        %dma_start3A_1075 = tpu.memref_squeeze %dma_start3A_1074 : memref<1x8x128xf32, #tpu.memory_space<hbm>> -> memref<8x128xf32, #tpu.memory_space<hbm>>
        %dma_start3A_1076 = arith.constant 32 : i32
        %dma_start3A_1077 = arith.constant 0 : i32
        %dma_start3A_1078 = tpu.memref_slice %arg10[%dma_start3A_1076, %dma_start3A_1077] : memref<64x129xf32, #tpu.memory_space<vmem>> -> memref<8x128xf32, #tpu.memory_space<vmem>>
        tpu.enqueue_dma source(%dma_start3A_1078 : memref<8x128xf32, #tpu.memory_space<vmem>>) target(%dma_start3A_1075 : memref<8x128xf32, #tpu.memory_space<hbm>>) target_semaphore(%arg14 : memref<!tpu.dma_semaphore, #tpu.memory_space<semaphore_mem>>)
        %mul3A_1079 = arith.constant 1024 : i32
        %mul3A_1080 = arith.muli %add3A_915, %mul3A_1079 : i32
        %add3A_1081 = arith.constant 640 : i32
        %add3A_1082 = arith.addi %mul3A_1080, %add3A_1081 : i32
        %add3A_1083 = arith.addi %add3A_1082, %add3A_9 : i32
        %dma_start3A_1084 = arith.constant 40 : i32
        %dma_start3A_1085 = arith.constant 0 : i32
        %dma_start3A_1086 = tpu.memref_slice %arg10[%dma_start3A_1084, %dma_start3A_1085] : memref<64x129xf32, #tpu.memory_space<vmem>> -> memref<8x128xf32, #tpu.memory_space<vmem>>
        %dma_start3A_1087 = arith.constant 0 : i32
        %dma_start3A_1088 = arith.constant 0 : i32
        %dma_start3A_1089 = tpu.memref_slice %arg4[%add3A_1083, %dma_start3A_1087, %dma_start3A_1088] : memref<204800x8x128xf32, #tpu.memory_space<hbm>> -> memref<1x8x128xf32, #tpu.memory_space<hbm>>
        %dma_start3A_1090 = tpu.memref_squeeze %dma_start3A_1089 : memref<1x8x128xf32, #tpu.memory_space<hbm>> -> memref<8x128xf32, #tpu.memory_space<hbm>>
        %dma_start3A_1091 = arith.constant 0 : i32
        %dma_start3A_1092 = arith.constant 0 : i32
        %dma_start3A_1093 = tpu.memref_slice %arg4[%add3A_1083, %dma_start3A_1091, %dma_start3A_1092] : memref<204800x8x128xf32, #tpu.memory_space<hbm>> -> memref<1x8x128xf32, #tpu.memory_space<hbm>>
        %dma_start3A_1094 = tpu.memref_squeeze %dma_start3A_1093 : memref<1x8x128xf32, #tpu.memory_space<hbm>> -> memref<8x128xf32, #tpu.memory_space<hbm>>
        %dma_start3A_1095 = arith.constant 40 : i32
        %dma_start3A_1096 = arith.constant 0 : i32
        %dma_start3A_1097 = tpu.memref_slice %arg10[%dma_start3A_1095, %dma_start3A_1096] : memref<64x129xf32, #tpu.memory_space<vmem>> -> memref<8x128xf32, #tpu.memory_space<vmem>>
        tpu.enqueue_dma source(%dma_start3A_1097 : memref<8x128xf32, #tpu.memory_space<vmem>>) target(%dma_start3A_1094 : memref<8x128xf32, #tpu.memory_space<hbm>>) target_semaphore(%arg14 : memref<!tpu.dma_semaphore, #tpu.memory_space<semaphore_mem>>)
        %mul3A_1098 = arith.constant 1024 : i32
        %mul3A_1099 = arith.muli %add3A_915, %mul3A_1098 : i32
        %add3A_1100 = arith.constant 768 : i32
        %add3A_1101 = arith.addi %mul3A_1099, %add3A_1100 : i32
        %add3A_1102 = arith.addi %add3A_1101, %add3A_9 : i32
        %dma_start3A_1103 = arith.constant 48 : i32
        %dma_start3A_1104 = arith.constant 0 : i32
        %dma_start3A_1105 = tpu.memref_slice %arg10[%dma_start3A_1103, %dma_start3A_1104] : memref<64x129xf32, #tpu.memory_space<vmem>> -> memref<8x128xf32, #tpu.memory_space<vmem>>
        %dma_start3A_1106 = arith.constant 0 : i32
        %dma_start3A_1107 = arith.constant 0 : i32
        %dma_start3A_1108 = tpu.memref_slice %arg4[%add3A_1102, %dma_start3A_1106, %dma_start3A_1107] : memref<204800x8x128xf32, #tpu.memory_space<hbm>> -> memref<1x8x128xf32, #tpu.memory_space<hbm>>
        %dma_start3A_1109 = tpu.memref_squeeze %dma_start3A_1108 : memref<1x8x128xf32, #tpu.memory_space<hbm>> -> memref<8x128xf32, #tpu.memory_space<hbm>>
        %dma_start3A_1110 = arith.constant 0 : i32
        %dma_start3A_1111 = arith.constant 0 : i32
        %dma_start3A_1112 = tpu.memref_slice %arg4[%add3A_1102, %dma_start3A_1110, %dma_start3A_1111] : memref<204800x8x128xf32, #tpu.memory_space<hbm>> -> memref<1x8x128xf32, #tpu.memory_space<hbm>>
        %dma_start3A_1113 = tpu.memref_squeeze %dma_start3A_1112 : memref<1x8x128xf32, #tpu.memory_space<hbm>> -> memref<8x128xf32, #tpu.memory_space<hbm>>
        %dma_start3A_1114 = arith.constant 48 : i32
        %dma_start3A_1115 = arith.constant 0 : i32
        %dma_start3A_1116 = tpu.memref_slice %arg10[%dma_start3A_1114, %dma_start3A_1115] : memref<64x129xf32, #tpu.memory_space<vmem>> -> memref<8x128xf32, #tpu.memory_space<vmem>>
        tpu.enqueue_dma source(%dma_start3A_1116 : memref<8x128xf32, #tpu.memory_space<vmem>>) target(%dma_start3A_1113 : memref<8x128xf32, #tpu.memory_space<hbm>>) target_semaphore(%arg14 : memref<!tpu.dma_semaphore, #tpu.memory_space<semaphore_mem>>)
        %mul3A_1117 = arith.constant 1024 : i32
        %mul3A_1118 = arith.muli %add3A_915, %mul3A_1117 : i32
        %add3A_1119 = arith.constant 896 : i32
        %add3A_1120 = arith.addi %mul3A_1118, %add3A_1119 : i32
        %add3A_1121 = arith.addi %add3A_1120, %add3A_9 : i32
        %dma_start3A_1122 = arith.constant 56 : i32
        %dma_start3A_1123 = arith.constant 0 : i32
        %dma_start3A_1124 = tpu.memref_slice %arg10[%dma_start3A_1122, %dma_start3A_1123] : memref<64x129xf32, #tpu.memory_space<vmem>> -> memref<8x128xf32, #tpu.memory_space<vmem>>
        %dma_start3A_1125 = arith.constant 0 : i32
        %dma_start3A_1126 = arith.constant 0 : i32
        %dma_start3A_1127 = tpu.memref_slice %arg4[%add3A_1121, %dma_start3A_1125, %dma_start3A_1126] : memref<204800x8x128xf32, #tpu.memory_space<hbm>> -> memref<1x8x128xf32, #tpu.memory_space<hbm>>
        %dma_start3A_1128 = tpu.memref_squeeze %dma_start3A_1127 : memref<1x8x128xf32, #tpu.memory_space<hbm>> -> memref<8x128xf32, #tpu.memory_space<hbm>>
        %dma_start3A_1129 = arith.constant 0 : i32
        %dma_start3A_1130 = arith.constant 0 : i32
        %dma_start3A_1131 = tpu.memref_slice %arg4[%add3A_1121, %dma_start3A_1129, %dma_start3A_1130] : memref<204800x8x128xf32, #tpu.memory_space<hbm>> -> memref<1x8x128xf32, #tpu.memory_space<hbm>>
        %dma_start3A_1132 = tpu.memref_squeeze %dma_start3A_1131 : memref<1x8x128xf32, #tpu.memory_space<hbm>> -> memref<8x128xf32, #tpu.memory_space<hbm>>
        %dma_start3A_1133 = arith.constant 56 : i32
        %dma_start3A_1134 = arith.constant 0 : i32
        %dma_start3A_1135 = tpu.memref_slice %arg10[%dma_start3A_1133, %dma_start3A_1134] : memref<64x129xf32, #tpu.memory_space<vmem>> -> memref<8x128xf32, #tpu.memory_space<vmem>>
        tpu.enqueue_dma source(%dma_start3A_1135 : memref<8x128xf32, #tpu.memory_space<vmem>>) target(%dma_start3A_1132 : memref<8x128xf32, #tpu.memory_space<hbm>>) target_semaphore(%arg14 : memref<!tpu.dma_semaphore, #tpu.memory_space<semaphore_mem>>)
        %mul3A_1136 = arith.constant 2 : i32
        %mul3A_1137 = arith.muli %scan3A_911, %mul3A_1136 : i32
        %add3A_1138 = arith.constant 1 : i32
        %add3A_1139 = arith.addi %mul3A_1137, %add3A_1138 : i32
        %dma_wait3A_1140 = arith.constant 0 : i32
        %dma_wait3A_1141 = arith.constant 0 : i32
        %dma_wait3A_1142 = tpu.memref_slice %arg2[%dma_wait3A_1140, %dma_wait3A_1141] : memref<8192x64xf32, #tpu.memory_space<hbm>> -> memref<8192x64xf32, #tpu.memory_space<hbm>>
        tpu.wait_indirect_dma semaphore(%arg13 : memref<!tpu.dma_semaphore, #tpu.memory_space<semaphore_mem>>) src(%dma_wait3A_1142 : memref<8192x64xf32, #tpu.memory_space<hbm>>) dst(%arg9 : memref<128x64xf32, #tpu.memory_space<vmem>>)
        %add3A_1143 = arith.constant 2 : i32
        %add3A_1144 = arith.addi %add3A_1139, %add3A_1143 : i32
        %broadcast_in_dim3A_1145 = arith.constant 0 : i32
        %broadcast_in_dim3A_1146 = vector.broadcast %broadcast_in_dim3A_1145 : i32 to vector<16xi32>
        %add3A_1147 = vector.broadcast %add3A_1144 : i32 to vector<16xi32>
        %add3A_1148 = arith.addi %broadcast_in_dim3A_1146, %add3A_1147 : vector<16xi32>
        %add3A_1149 = arith.constant 0 : i32
        %add3A_1150 = vector.broadcast %add3A_1149 : i32 to vector<16xi32>
        %add3A_1151 = arith.addi %iota3A, %add3A_1150 : vector<16xi32>
        %gather3A_1152 = tpu.vector_load_idx %arg5[%add3A_1151, %add3A_1148] : memref<128x200xi32, #tpu.memory_space<vmem>>[vector<16xi32>, vector<16xi32>], vector<16xi32>,
        %swap3A_1153 = arith.constant 0 : index
        %swap3A_1154 = tpu.vector_load %arg7[%swap3A_1153] {strides = array<i32>} : memref<128xi32, #tpu.memory_space<vmem>>, vector<16xi32>,
        tpu.vector_store %arg7[%swap3A_1153], %gather3A_1152 {strides = array<i32>} : memref<128xi32, #tpu.memory_space<vmem>>, vector<16xi32>,
        %add3A_1155 = arith.constant 16 : i32
        %add3A_1156 = vector.broadcast %add3A_1155 : i32 to vector<16xi32>
        %add3A_1157 = arith.addi %iota3A, %add3A_1156 : vector<16xi32>
        %gather3A_1158 = tpu.vector_load_idx %arg5[%add3A_1157, %add3A_1148] : memref<128x200xi32, #tpu.memory_space<vmem>>[vector<16xi32>, vector<16xi32>], vector<16xi32>,
        %swap3A_1159 = arith.constant 16 : index
        %swap3A_1160 = tpu.vector_load %arg7[%swap3A_1159] {strides = array<i32>} : memref<128xi32, #tpu.memory_space<vmem>>, vector<16xi32>,
        tpu.vector_store %arg7[%swap3A_1159], %gather3A_1158 {strides = array<i32>} : memref<128xi32, #tpu.memory_space<vmem>>, vector<16xi32>,
        %add3A_1161 = arith.constant 32 : i32
        %add3A_1162 = vector.broadcast %add3A_1161 : i32 to vector<16xi32>
        %add3A_1163 = arith.addi %iota3A, %add3A_1162 : vector<16xi32>
        %gather3A_1164 = tpu.vector_load_idx %arg5[%add3A_1163, %add3A_1148] : memref<128x200xi32, #tpu.memory_space<vmem>>[vector<16xi32>, vector<16xi32>], vector<16xi32>,
        %swap3A_1165 = arith.constant 32 : index
        %swap3A_1166 = tpu.vector_load %arg7[%swap3A_1165] {strides = array<i32>} : memref<128xi32, #tpu.memory_space<vmem>>, vector<16xi32>,
        tpu.vector_store %arg7[%swap3A_1165], %gather3A_1164 {strides = array<i32>} : memref<128xi32, #tpu.memory_space<vmem>>, vector<16xi32>,
        %add3A_1167 = arith.constant 48 : i32
        %add3A_1168 = vector.broadcast %add3A_1167 : i32 to vector<16xi32>
        %add3A_1169 = arith.addi %iota3A, %add3A_1168 : vector<16xi32>
        %gather3A_1170 = tpu.vector_load_idx %arg5[%add3A_1169, %add3A_1148] : memref<128x200xi32, #tpu.memory_space<vmem>>[vector<16xi32>, vector<16xi32>], vector<16xi32>,
        %swap3A_1171 = arith.constant 48 : index
        %swap3A_1172 = tpu.vector_load %arg7[%swap3A_1171] {strides = array<i32>} : memref<128xi32, #tpu.memory_space<vmem>>, vector<16xi32>,
        tpu.vector_store %arg7[%swap3A_1171], %gather3A_1170 {strides = array<i32>} : memref<128xi32, #tpu.memory_space<vmem>>, vector<16xi32>,
        %add3A_1173 = arith.constant 64 : i32
        %add3A_1174 = vector.broadcast %add3A_1173 : i32 to vector<16xi32>
        %add3A_1175 = arith.addi %iota3A, %add3A_1174 : vector<16xi32>
        %gather3A_1176 = tpu.vector_load_idx %arg5[%add3A_1175, %add3A_1148] : memref<128x200xi32, #tpu.memory_space<vmem>>[vector<16xi32>, vector<16xi32>], vector<16xi32>,
        %swap3A_1177 = arith.constant 64 : index
        %swap3A_1178 = tpu.vector_load %arg7[%swap3A_1177] {strides = array<i32>} : memref<128xi32, #tpu.memory_space<vmem>>, vector<16xi32>,
        tpu.vector_store %arg7[%swap3A_1177], %gather3A_1176 {strides = array<i32>} : memref<128xi32, #tpu.memory_space<vmem>>, vector<16xi32>,
        %add3A_1179 = arith.constant 80 : i32
        %add3A_1180 = vector.broadcast %add3A_1179 : i32 to vector<16xi32>
        %add3A_1181 = arith.addi %iota3A, %add3A_1180 : vector<16xi32>
        %gather3A_1182 = tpu.vector_load_idx %arg5[%add3A_1181, %add3A_1148] : memref<128x200xi32, #tpu.memory_space<vmem>>[vector<16xi32>, vector<16xi32>], vector<16xi32>,
        %swap3A_1183 = arith.constant 80 : index
        %swap3A_1184 = tpu.vector_load %arg7[%swap3A_1183] {strides = array<i32>} : memref<128xi32, #tpu.memory_space<vmem>>, vector<16xi32>,
        tpu.vector_store %arg7[%swap3A_1183], %gather3A_1182 {strides = array<i32>} : memref<128xi32, #tpu.memory_space<vmem>>, vector<16xi32>,
        %add3A_1185 = arith.constant 96 : i32
        %add3A_1186 = vector.broadcast %add3A_1185 : i32 to vector<16xi32>
        %add3A_1187 = arith.addi %iota3A, %add3A_1186 : vector<16xi32>
        %gather3A_1188 = tpu.vector_load_idx %arg5[%add3A_1187, %add3A_1148] : memref<128x200xi32, #tpu.memory_space<vmem>>[vector<16xi32>, vector<16xi32>], vector<16xi32>,
        %swap3A_1189 = arith.constant 96 : index
        %swap3A_1190 = tpu.vector_load %arg7[%swap3A_1189] {strides = array<i32>} : memref<128xi32, #tpu.memory_space<vmem>>, vector<16xi32>,
        tpu.vector_store %arg7[%swap3A_1189], %gather3A_1188 {strides = array<i32>} : memref<128xi32, #tpu.memory_space<vmem>>, vector<16xi32>,
        %add3A_1191 = arith.constant 112 : i32
        %add3A_1192 = vector.broadcast %add3A_1191 : i32 to vector<16xi32>
        %add3A_1193 = arith.addi %iota3A, %add3A_1192 : vector<16xi32>
        %gather3A_1194 = tpu.vector_load_idx %arg5[%add3A_1193, %add3A_1148] : memref<128x200xi32, #tpu.memory_space<vmem>>[vector<16xi32>, vector<16xi32>], vector<16xi32>,
        %swap3A_1195 = arith.constant 112 : index
        %swap3A_1196 = tpu.vector_load %arg7[%swap3A_1195] {strides = array<i32>} : memref<128xi32, #tpu.memory_space<vmem>>, vector<16xi32>,
        tpu.vector_store %arg7[%swap3A_1195], %gather3A_1194 {strides = array<i32>} : memref<128xi32, #tpu.memory_space<vmem>>, vector<16xi32>,
        %gt3A_1197 = arith.constant 0 : i32
        %gt3A_1198 = arith.cmpi sgt, %scan3A_911, %gt3A_1197 : i32
        %convert_element_type3A_1199 = arith.extui %gt3A_1198 : i1 to i32
        %cond3A_1200 = arith.constant 0 : i32
        %cond3A_1201 = arith.cmpi ne, %convert_element_type3A_1199, %cond3A_1200 : i32
        scf.if %cond3A_1201 {
          %sub3A = arith.constant 2 : i32
          %sub3A_1363 = arith.subi %add3A_1139, %sub3A : i32
          %mul3A_1364 = arith.constant 1024 : i32
          %mul3A_1365 = arith.muli %sub3A_1363, %mul3A_1364 : i32
          %add3A_1366 = arith.constant 0 : i32
          %add3A_1367 = arith.addi %mul3A_1365, %add3A_1366 : i32
          %add3A_1368 = arith.addi %add3A_1367, %add3A_9 : i32
          %dma_wait3A_1369 = arith.constant 0 : i32
          %dma_wait3A_1370 = arith.constant 0 : i32
          %dma_wait3A_1371 = tpu.memref_slice %arg11[%dma_wait3A_1369, %dma_wait3A_1370] : memref<64x129xf32, #tpu.memory_space<vmem>> -> memref<8x128xf32, #tpu.memory_space<vmem>>
          %dma_wait3A_1372 = arith.constant 0 : i32
          %dma_wait3A_1373 = arith.constant 0 : i32
          %dma_wait3A_1374 = tpu.memref_slice %arg4[%add3A_1368, %dma_wait3A_1372, %dma_wait3A_1373] : memref<204800x8x128xf32, #tpu.memory_space<hbm>> -> memref<1x8x128xf32, #tpu.memory_space<hbm>>
          %dma_wait3A_1375 = tpu.memref_squeeze %dma_wait3A_1374 : memref<1x8x128xf32, #tpu.memory_space<hbm>> -> memref<8x128xf32, #tpu.memory_space<hbm>>
          %dma_wait3A_1376 = arith.constant 0 : i32
          %dma_wait3A_1377 = arith.constant 0 : i32
          %dma_wait3A_1378 = tpu.memref_slice %arg4[%add3A_1368, %dma_wait3A_1376, %dma_wait3A_1377] : memref<204800x8x128xf32, #tpu.memory_space<hbm>> -> memref<1x8x128xf32, #tpu.memory_space<hbm>>
          %dma_wait3A_1379 = tpu.memref_squeeze %dma_wait3A_1378 : memref<1x8x128xf32, #tpu.memory_space<hbm>> -> memref<8x128xf32, #tpu.memory_space<hbm>>
          %dma_wait3A_1380 = arith.constant 0 : i32
          %dma_wait3A_1381 = arith.constant 0 : i32
          %dma_wait3A_1382 = tpu.memref_slice %arg11[%dma_wait3A_1380, %dma_wait3A_1381] : memref<64x129xf32, #tpu.memory_space<vmem>> -> memref<8x128xf32, #tpu.memory_space<vmem>>
          tpu.wait_dma2 semaphore(%arg15 : memref<!tpu.dma_semaphore, #tpu.memory_space<semaphore_mem>>) src(%dma_wait3A_1382 : memref<8x128xf32, #tpu.memory_space<vmem>>) dst(%dma_wait3A_1379 : memref<8x128xf32, #tpu.memory_space<hbm>>)
          %mul3A_1383 = arith.constant 1024 : i32
          %mul3A_1384 = arith.muli %sub3A_1363, %mul3A_1383 : i32
          %add3A_1385 = arith.constant 128 : i32
          %add3A_1386 = arith.addi %mul3A_1384, %add3A_1385 : i32
          %add3A_1387 = arith.addi %add3A_1386, %add3A_9 : i32
          %dma_wait3A_1388 = arith.constant 8 : i32
          %dma_wait3A_1389 = arith.constant 0 : i32
          %dma_wait3A_1390 = tpu.memref_slice %arg11[%dma_wait3A_1388, %dma_wait3A_1389] : memref<64x129xf32, #tpu.memory_space<vmem>> -> memref<8x128xf32, #tpu.memory_space<vmem>>
          %dma_wait3A_1391 = arith.constant 0 : i32
          %dma_wait3A_1392 = arith.constant 0 : i32
          %dma_wait3A_1393 = tpu.memref_slice %arg4[%add3A_1387, %dma_wait3A_1391, %dma_wait3A_1392] : memref<204800x8x128xf32, #tpu.memory_space<hbm>> -> memref<1x8x128xf32, #tpu.memory_space<hbm>>
          %dma_wait3A_1394 = tpu.memref_squeeze %dma_wait3A_1393 : memref<1x8x128xf32, #tpu.memory_space<hbm>> -> memref<8x128xf32, #tpu.memory_space<hbm>>
          %dma_wait3A_1395 = arith.constant 0 : i32
          %dma_wait3A_1396 = arith.constant 0 : i32
          %dma_wait3A_1397 = tpu.memref_slice %arg4[%add3A_1387, %dma_wait3A_1395, %dma_wait3A_1396] : memref<204800x8x128xf32, #tpu.memory_space<hbm>> -> memref<1x8x128xf32, #tpu.memory_space<hbm>>
          %dma_wait3A_1398 = tpu.memref_squeeze %dma_wait3A_1397 : memref<1x8x128xf32, #tpu.memory_space<hbm>> -> memref<8x128xf32, #tpu.memory_space<hbm>>
          %dma_wait3A_1399 = arith.constant 8 : i32
          %dma_wait3A_1400 = arith.constant 0 : i32
          %dma_wait3A_1401 = tpu.memref_slice %arg11[%dma_wait3A_1399, %dma_wait3A_1400] : memref<64x129xf32, #tpu.memory_space<vmem>> -> memref<8x128xf32, #tpu.memory_space<vmem>>
          tpu.wait_dma2 semaphore(%arg15 : memref<!tpu.dma_semaphore, #tpu.memory_space<semaphore_mem>>) src(%dma_wait3A_1401 : memref<8x128xf32, #tpu.memory_space<vmem>>) dst(%dma_wait3A_1398 : memref<8x128xf32, #tpu.memory_space<hbm>>)
          %mul3A_1402 = arith.constant 1024 : i32
          %mul3A_1403 = arith.muli %sub3A_1363, %mul3A_1402 : i32
          %add3A_1404 = arith.constant 256 : i32
          %add3A_1405 = arith.addi %mul3A_1403, %add3A_1404 : i32
          %add3A_1406 = arith.addi %add3A_1405, %add3A_9 : i32
          %dma_wait3A_1407 = arith.constant 16 : i32
          %dma_wait3A_1408 = arith.constant 0 : i32
          %dma_wait3A_1409 = tpu.memref_slice %arg11[%dma_wait3A_1407, %dma_wait3A_1408] : memref<64x129xf32, #tpu.memory_space<vmem>> -> memref<8x128xf32, #tpu.memory_space<vmem>>
          %dma_wait3A_1410 = arith.constant 0 : i32
          %dma_wait3A_1411 = arith.constant 0 : i32
          %dma_wait3A_1412 = tpu.memref_slice %arg4[%add3A_1406, %dma_wait3A_1410, %dma_wait3A_1411] : memref<204800x8x128xf32, #tpu.memory_space<hbm>> -> memref<1x8x128xf32, #tpu.memory_space<hbm>>
          %dma_wait3A_1413 = tpu.memref_squeeze %dma_wait3A_1412 : memref<1x8x128xf32, #tpu.memory_space<hbm>> -> memref<8x128xf32, #tpu.memory_space<hbm>>
          %dma_wait3A_1414 = arith.constant 0 : i32
          %dma_wait3A_1415 = arith.constant 0 : i32
          %dma_wait3A_1416 = tpu.memref_slice %arg4[%add3A_1406, %dma_wait3A_1414, %dma_wait3A_1415] : memref<204800x8x128xf32, #tpu.memory_space<hbm>> -> memref<1x8x128xf32, #tpu.memory_space<hbm>>
          %dma_wait3A_1417 = tpu.memref_squeeze %dma_wait3A_1416 : memref<1x8x128xf32, #tpu.memory_space<hbm>> -> memref<8x128xf32, #tpu.memory_space<hbm>>
          %dma_wait3A_1418 = arith.constant 16 : i32
          %dma_wait3A_1419 = arith.constant 0 : i32
          %dma_wait3A_1420 = tpu.memref_slice %arg11[%dma_wait3A_1418, %dma_wait3A_1419] : memref<64x129xf32, #tpu.memory_space<vmem>> -> memref<8x128xf32, #tpu.memory_space<vmem>>
          tpu.wait_dma2 semaphore(%arg15 : memref<!tpu.dma_semaphore, #tpu.memory_space<semaphore_mem>>) src(%dma_wait3A_1420 : memref<8x128xf32, #tpu.memory_space<vmem>>) dst(%dma_wait3A_1417 : memref<8x128xf32, #tpu.memory_space<hbm>>)
          %mul3A_1421 = arith.constant 1024 : i32
          %mul3A_1422 = arith.muli %sub3A_1363, %mul3A_1421 : i32
          %add3A_1423 = arith.constant 384 : i32
          %add3A_1424 = arith.addi %mul3A_1422, %add3A_1423 : i32
          %add3A_1425 = arith.addi %add3A_1424, %add3A_9 : i32
          %dma_wait3A_1426 = arith.constant 24 : i32
          %dma_wait3A_1427 = arith.constant 0 : i32
          %dma_wait3A_1428 = tpu.memref_slice %arg11[%dma_wait3A_1426, %dma_wait3A_1427] : memref<64x129xf32, #tpu.memory_space<vmem>> -> memref<8x128xf32, #tpu.memory_space<vmem>>
          %dma_wait3A_1429 = arith.constant 0 : i32
          %dma_wait3A_1430 = arith.constant 0 : i32
          %dma_wait3A_1431 = tpu.memref_slice %arg4[%add3A_1425, %dma_wait3A_1429, %dma_wait3A_1430] : memref<204800x8x128xf32, #tpu.memory_space<hbm>> -> memref<1x8x128xf32, #tpu.memory_space<hbm>>
          %dma_wait3A_1432 = tpu.memref_squeeze %dma_wait3A_1431 : memref<1x8x128xf32, #tpu.memory_space<hbm>> -> memref<8x128xf32, #tpu.memory_space<hbm>>
          %dma_wait3A_1433 = arith.constant 0 : i32
          %dma_wait3A_1434 = arith.constant 0 : i32
          %dma_wait3A_1435 = tpu.memref_slice %arg4[%add3A_1425, %dma_wait3A_1433, %dma_wait3A_1434] : memref<204800x8x128xf32, #tpu.memory_space<hbm>> -> memref<1x8x128xf32, #tpu.memory_space<hbm>>
          %dma_wait3A_1436 = tpu.memref_squeeze %dma_wait3A_1435 : memref<1x8x128xf32, #tpu.memory_space<hbm>> -> memref<8x128xf32, #tpu.memory_space<hbm>>
          %dma_wait3A_1437 = arith.constant 24 : i32
          %dma_wait3A_1438 = arith.constant 0 : i32
          %dma_wait3A_1439 = tpu.memref_slice %arg11[%dma_wait3A_1437, %dma_wait3A_1438] : memref<64x129xf32, #tpu.memory_space<vmem>> -> memref<8x128xf32, #tpu.memory_space<vmem>>
          tpu.wait_dma2 semaphore(%arg15 : memref<!tpu.dma_semaphore, #tpu.memory_space<semaphore_mem>>) src(%dma_wait3A_1439 : memref<8x128xf32, #tpu.memory_space<vmem>>) dst(%dma_wait3A_1436 : memref<8x128xf32, #tpu.memory_space<hbm>>)
          %mul3A_1440 = arith.constant 1024 : i32
          %mul3A_1441 = arith.muli %sub3A_1363, %mul3A_1440 : i32
          %add3A_1442 = arith.constant 512 : i32
          %add3A_1443 = arith.addi %mul3A_1441, %add3A_1442 : i32
          %add3A_1444 = arith.addi %add3A_1443, %add3A_9 : i32
          %dma_wait3A_1445 = arith.constant 32 : i32
          %dma_wait3A_1446 = arith.constant 0 : i32
          %dma_wait3A_1447 = tpu.memref_slice %arg11[%dma_wait3A_1445, %dma_wait3A_1446] : memref<64x129xf32, #tpu.memory_space<vmem>> -> memref<8x128xf32, #tpu.memory_space<vmem>>
          %dma_wait3A_1448 = arith.constant 0 : i32
          %dma_wait3A_1449 = arith.constant 0 : i32
          %dma_wait3A_1450 = tpu.memref_slice %arg4[%add3A_1444, %dma_wait3A_1448, %dma_wait3A_1449] : memref<204800x8x128xf32, #tpu.memory_space<hbm>> -> memref<1x8x128xf32, #tpu.memory_space<hbm>>
          %dma_wait3A_1451 = tpu.memref_squeeze %dma_wait3A_1450 : memref<1x8x128xf32, #tpu.memory_space<hbm>> -> memref<8x128xf32, #tpu.memory_space<hbm>>
          %dma_wait3A_1452 = arith.constant 0 : i32
          %dma_wait3A_1453 = arith.constant 0 : i32
          %dma_wait3A_1454 = tpu.memref_slice %arg4[%add3A_1444, %dma_wait3A_1452, %dma_wait3A_1453] : memref<204800x8x128xf32, #tpu.memory_space<hbm>> -> memref<1x8x128xf32, #tpu.memory_space<hbm>>
          %dma_wait3A_1455 = tpu.memref_squeeze %dma_wait3A_1454 : memref<1x8x128xf32, #tpu.memory_space<hbm>> -> memref<8x128xf32, #tpu.memory_space<hbm>>
          %dma_wait3A_1456 = arith.constant 32 : i32
          %dma_wait3A_1457 = arith.constant 0 : i32
          %dma_wait3A_1458 = tpu.memref_slice %arg11[%dma_wait3A_1456, %dma_wait3A_1457] : memref<64x129xf32, #tpu.memory_space<vmem>> -> memref<8x128xf32, #tpu.memory_space<vmem>>
          tpu.wait_dma2 semaphore(%arg15 : memref<!tpu.dma_semaphore, #tpu.memory_space<semaphore_mem>>) src(%dma_wait3A_1458 : memref<8x128xf32, #tpu.memory_space<vmem>>) dst(%dma_wait3A_1455 : memref<8x128xf32, #tpu.memory_space<hbm>>)
          %mul3A_1459 = arith.constant 1024 : i32
          %mul3A_1460 = arith.muli %sub3A_1363, %mul3A_1459 : i32
          %add3A_1461 = arith.constant 640 : i32
          %add3A_1462 = arith.addi %mul3A_1460, %add3A_1461 : i32
          %add3A_1463 = arith.addi %add3A_1462, %add3A_9 : i32
          %dma_wait3A_1464 = arith.constant 40 : i32
          %dma_wait3A_1465 = arith.constant 0 : i32
          %dma_wait3A_1466 = tpu.memref_slice %arg11[%dma_wait3A_1464, %dma_wait3A_1465] : memref<64x129xf32, #tpu.memory_space<vmem>> -> memref<8x128xf32, #tpu.memory_space<vmem>>
          %dma_wait3A_1467 = arith.constant 0 : i32
          %dma_wait3A_1468 = arith.constant 0 : i32
          %dma_wait3A_1469 = tpu.memref_slice %arg4[%add3A_1463, %dma_wait3A_1467, %dma_wait3A_1468] : memref<204800x8x128xf32, #tpu.memory_space<hbm>> -> memref<1x8x128xf32, #tpu.memory_space<hbm>>
          %dma_wait3A_1470 = tpu.memref_squeeze %dma_wait3A_1469 : memref<1x8x128xf32, #tpu.memory_space<hbm>> -> memref<8x128xf32, #tpu.memory_space<hbm>>
          %dma_wait3A_1471 = arith.constant 0 : i32
          %dma_wait3A_1472 = arith.constant 0 : i32
          %dma_wait3A_1473 = tpu.memref_slice %arg4[%add3A_1463, %dma_wait3A_1471, %dma_wait3A_1472] : memref<204800x8x128xf32, #tpu.memory_space<hbm>> -> memref<1x8x128xf32, #tpu.memory_space<hbm>>
          %dma_wait3A_1474 = tpu.memref_squeeze %dma_wait3A_1473 : memref<1x8x128xf32, #tpu.memory_space<hbm>> -> memref<8x128xf32, #tpu.memory_space<hbm>>
          %dma_wait3A_1475 = arith.constant 40 : i32
          %dma_wait3A_1476 = arith.constant 0 : i32
          %dma_wait3A_1477 = tpu.memref_slice %arg11[%dma_wait3A_1475, %dma_wait3A_1476] : memref<64x129xf32, #tpu.memory_space<vmem>> -> memref<8x128xf32, #tpu.memory_space<vmem>>
          tpu.wait_dma2 semaphore(%arg15 : memref<!tpu.dma_semaphore, #tpu.memory_space<semaphore_mem>>) src(%dma_wait3A_1477 : memref<8x128xf32, #tpu.memory_space<vmem>>) dst(%dma_wait3A_1474 : memref<8x128xf32, #tpu.memory_space<hbm>>)
          %mul3A_1478 = arith.constant 1024 : i32
          %mul3A_1479 = arith.muli %sub3A_1363, %mul3A_1478 : i32
          %add3A_1480 = arith.constant 768 : i32
          %add3A_1481 = arith.addi %mul3A_1479, %add3A_1480 : i32
          %add3A_1482 = arith.addi %add3A_1481, %add3A_9 : i32
          %dma_wait3A_1483 = arith.constant 48 : i32
          %dma_wait3A_1484 = arith.constant 0 : i32
          %dma_wait3A_1485 = tpu.memref_slice %arg11[%dma_wait3A_1483, %dma_wait3A_1484] : memref<64x129xf32, #tpu.memory_space<vmem>> -> memref<8x128xf32, #tpu.memory_space<vmem>>
          %dma_wait3A_1486 = arith.constant 0 : i32
          %dma_wait3A_1487 = arith.constant 0 : i32
          %dma_wait3A_1488 = tpu.memref_slice %arg4[%add3A_1482, %dma_wait3A_1486, %dma_wait3A_1487] : memref<204800x8x128xf32, #tpu.memory_space<hbm>> -> memref<1x8x128xf32, #tpu.memory_space<hbm>>
          %dma_wait3A_1489 = tpu.memref_squeeze %dma_wait3A_1488 : memref<1x8x128xf32, #tpu.memory_space<hbm>> -> memref<8x128xf32, #tpu.memory_space<hbm>>
          %dma_wait3A_1490 = arith.constant 0 : i32
          %dma_wait3A_1491 = arith.constant 0 : i32
          %dma_wait3A_1492 = tpu.memref_slice %arg4[%add3A_1482, %dma_wait3A_1490, %dma_wait3A_1491] : memref<204800x8x128xf32, #tpu.memory_space<hbm>> -> memref<1x8x128xf32, #tpu.memory_space<hbm>>
          %dma_wait3A_1493 = tpu.memref_squeeze %dma_wait3A_1492 : memref<1x8x128xf32, #tpu.memory_space<hbm>> -> memref<8x128xf32, #tpu.memory_space<hbm>>
          %dma_wait3A_1494 = arith.constant 48 : i32
          %dma_wait3A_1495 = arith.constant 0 : i32
          %dma_wait3A_1496 = tpu.memref_slice %arg11[%dma_wait3A_1494, %dma_wait3A_1495] : memref<64x129xf32, #tpu.memory_space<vmem>> -> memref<8x128xf32, #tpu.memory_space<vmem>>
          tpu.wait_dma2 semaphore(%arg15 : memref<!tpu.dma_semaphore, #tpu.memory_space<semaphore_mem>>) src(%dma_wait3A_1496 : memref<8x128xf32, #tpu.memory_space<vmem>>) dst(%dma_wait3A_1493 : memref<8x128xf32, #tpu.memory_space<hbm>>)
          %mul3A_1497 = arith.constant 1024 : i32
          %mul3A_1498 = arith.muli %sub3A_1363, %mul3A_1497 : i32
          %add3A_1499 = arith.constant 896 : i32
          %add3A_1500 = arith.addi %mul3A_1498, %add3A_1499 : i32
          %add3A_1501 = arith.addi %add3A_1500, %add3A_9 : i32
          %dma_wait3A_1502 = arith.constant 56 : i32
          %dma_wait3A_1503 = arith.constant 0 : i32
          %dma_wait3A_1504 = tpu.memref_slice %arg11[%dma_wait3A_1502, %dma_wait3A_1503] : memref<64x129xf32, #tpu.memory_space<vmem>> -> memref<8x128xf32, #tpu.memory_space<vmem>>
          %dma_wait3A_1505 = arith.constant 0 : i32
          %dma_wait3A_1506 = arith.constant 0 : i32
          %dma_wait3A_1507 = tpu.memref_slice %arg4[%add3A_1501, %dma_wait3A_1505, %dma_wait3A_1506] : memref<204800x8x128xf32, #tpu.memory_space<hbm>> -> memref<1x8x128xf32, #tpu.memory_space<hbm>>
          %dma_wait3A_1508 = tpu.memref_squeeze %dma_wait3A_1507 : memref<1x8x128xf32, #tpu.memory_space<hbm>> -> memref<8x128xf32, #tpu.memory_space<hbm>>
          %dma_wait3A_1509 = arith.constant 0 : i32
          %dma_wait3A_1510 = arith.constant 0 : i32
          %dma_wait3A_1511 = tpu.memref_slice %arg4[%add3A_1501, %dma_wait3A_1509, %dma_wait3A_1510] : memref<204800x8x128xf32, #tpu.memory_space<hbm>> -> memref<1x8x128xf32, #tpu.memory_space<hbm>>
          %dma_wait3A_1512 = tpu.memref_squeeze %dma_wait3A_1511 : memref<1x8x128xf32, #tpu.memory_space<hbm>> -> memref<8x128xf32, #tpu.memory_space<hbm>>
          %dma_wait3A_1513 = arith.constant 56 : i32
          %dma_wait3A_1514 = arith.constant 0 : i32
          %dma_wait3A_1515 = tpu.memref_slice %arg11[%dma_wait3A_1513, %dma_wait3A_1514] : memref<64x129xf32, #tpu.memory_space<vmem>> -> memref<8x128xf32, #tpu.memory_space<vmem>>
          tpu.wait_dma2 semaphore(%arg15 : memref<!tpu.dma_semaphore, #tpu.memory_space<semaphore_mem>>) src(%dma_wait3A_1515 : memref<8x128xf32, #tpu.memory_space<vmem>>) dst(%dma_wait3A_1512 : memref<8x128xf32, #tpu.memory_space<hbm>>)
        } else {
        }
        %scan3A_1202 = arith.constant 0 : i32
        %scan3A_1203 = arith.constant 0 : i32
        %scan3A_1204 = arith.constant 16 : i32
        %scan3A_1205 = arith.addi %scan3A_1203, %scan3A_1204 : i32
        %scan3A_1206 = arith.constant 1 : i32
        scf.for %scan3A_1363 = %scan3A_1203 to %scan3A_1205 step %scan3A_1206  : i32 {
          %mul3A_1364 = arith.constant 8 : i32
          %mul3A_1365 = arith.muli %scan3A_1363, %mul3A_1364 : i32
          %add3A_1366 = arith.constant 0 : i32
          %add3A_1367 = arith.addi %mul3A_1365, %add3A_1366 : i32
          %broadcast_in_dim3A_1368 = arith.constant 0 : i32
          %broadcast_in_dim3A_1369 = vector.broadcast %broadcast_in_dim3A_1368 : i32 to vector<16xi32>
          %add3A_1370 = vector.broadcast %add3A_1367 : i32 to vector<16xi32>
          %add3A_1371 = arith.addi %broadcast_in_dim3A_1369, %add3A_1370 : vector<16xi32>
          %get3A = arith.index_cast %add3A_1367 : i32 to index
          %get3A_1372 = arith.constant 0 : index
          %get3A_1373 = tpu.vector_load %arg9[%get3A, %get3A_1372] {strides = array<i32>} : memref<128x64xf32, #tpu.memory_space<vmem>>, vector<16xf32>,
          %add3A_1374 = arith.constant 0 : i32
          %add3A_1375 = vector.broadcast %add3A_1374 : i32 to vector<16xi32>
          %add3A_1376 = arith.addi %iota3A, %add3A_1375 : vector<16xi32>
          tpu.vector_store_idx %arg11[%add3A_1376, %add3A_1371], %get3A_1373 : memref<64x129xf32, #tpu.memory_space<vmem>>[vector<16xi32>, vector<16xi32>], vector<16xf32>,
          %get3A_1377 = arith.index_cast %add3A_1367 : i32 to index
          %get3A_1378 = arith.constant 16 : index
          %get3A_1379 = tpu.vector_load %arg9[%get3A_1377, %get3A_1378] {strides = array<i32>} : memref<128x64xf32, #tpu.memory_space<vmem>>, vector<16xf32>,
          %add3A_1380 = arith.constant 16 : i32
          %add3A_1381 = vector.broadcast %add3A_1380 : i32 to vector<16xi32>
          %add3A_1382 = arith.addi %iota3A, %add3A_1381 : vector<16xi32>
          tpu.vector_store_idx %arg11[%add3A_1382, %add3A_1371], %get3A_1379 : memref<64x129xf32, #tpu.memory_space<vmem>>[vector<16xi32>, vector<16xi32>], vector<16xf32>,
          %get3A_1383 = arith.index_cast %add3A_1367 : i32 to index
          %get3A_1384 = arith.constant 32 : index
          %get3A_1385 = tpu.vector_load %arg9[%get3A_1383, %get3A_1384] {strides = array<i32>} : memref<128x64xf32, #tpu.memory_space<vmem>>, vector<16xf32>,
          %add3A_1386 = arith.constant 32 : i32
          %add3A_1387 = vector.broadcast %add3A_1386 : i32 to vector<16xi32>
          %add3A_1388 = arith.addi %iota3A, %add3A_1387 : vector<16xi32>
          tpu.vector_store_idx %arg11[%add3A_1388, %add3A_1371], %get3A_1385 : memref<64x129xf32, #tpu.memory_space<vmem>>[vector<16xi32>, vector<16xi32>], vector<16xf32>,
          %get3A_1389 = arith.index_cast %add3A_1367 : i32 to index
          %get3A_1390 = arith.constant 48 : index
          %get3A_1391 = tpu.vector_load %arg9[%get3A_1389, %get3A_1390] {strides = array<i32>} : memref<128x64xf32, #tpu.memory_space<vmem>>, vector<16xf32>,
          %add3A_1392 = arith.constant 48 : i32
          %add3A_1393 = vector.broadcast %add3A_1392 : i32 to vector<16xi32>
          %add3A_1394 = arith.addi %iota3A, %add3A_1393 : vector<16xi32>
          tpu.vector_store_idx %arg11[%add3A_1394, %add3A_1371], %get3A_1391 : memref<64x129xf32, #tpu.memory_space<vmem>>[vector<16xi32>, vector<16xi32>], vector<16xf32>,
          %mul3A_1395 = arith.constant 8 : i32
          %mul3A_1396 = arith.muli %scan3A_1363, %mul3A_1395 : i32
          %add3A_1397 = arith.constant 1 : i32
          %add3A_1398 = arith.addi %mul3A_1396, %add3A_1397 : i32
          %broadcast_in_dim3A_1399 = arith.constant 0 : i32
          %broadcast_in_dim3A_1400 = vector.broadcast %broadcast_in_dim3A_1399 : i32 to vector<16xi32>
          %add3A_1401 = vector.broadcast %add3A_1398 : i32 to vector<16xi32>
          %add3A_1402 = arith.addi %broadcast_in_dim3A_1400, %add3A_1401 : vector<16xi32>
          %get3A_1403 = arith.index_cast %add3A_1398 : i32 to index
          %get3A_1404 = arith.constant 0 : index
          %get3A_1405 = tpu.vector_load %arg9[%get3A_1403, %get3A_1404] {strides = array<i32>} : memref<128x64xf32, #tpu.memory_space<vmem>>, vector<16xf32>,
          %add3A_1406 = arith.constant 0 : i32
          %add3A_1407 = vector.broadcast %add3A_1406 : i32 to vector<16xi32>
          %add3A_1408 = arith.addi %iota3A, %add3A_1407 : vector<16xi32>
          tpu.vector_store_idx %arg11[%add3A_1408, %add3A_1402], %get3A_1405 : memref<64x129xf32, #tpu.memory_space<vmem>>[vector<16xi32>, vector<16xi32>], vector<16xf32>,
          %get3A_1409 = arith.index_cast %add3A_1398 : i32 to index
          %get3A_1410 = arith.constant 16 : index
          %get3A_1411 = tpu.vector_load %arg9[%get3A_1409, %get3A_1410] {strides = array<i32>} : memref<128x64xf32, #tpu.memory_space<vmem>>, vector<16xf32>,
          %add3A_1412 = arith.constant 16 : i32
          %add3A_1413 = vector.broadcast %add3A_1412 : i32 to vector<16xi32>
          %add3A_1414 = arith.addi %iota3A, %add3A_1413 : vector<16xi32>
          tpu.vector_store_idx %arg11[%add3A_1414, %add3A_1402], %get3A_1411 : memref<64x129xf32, #tpu.memory_space<vmem>>[vector<16xi32>, vector<16xi32>], vector<16xf32>,
          %get3A_1415 = arith.index_cast %add3A_1398 : i32 to index
          %get3A_1416 = arith.constant 32 : index
          %get3A_1417 = tpu.vector_load %arg9[%get3A_1415, %get3A_1416] {strides = array<i32>} : memref<128x64xf32, #tpu.memory_space<vmem>>, vector<16xf32>,
          %add3A_1418 = arith.constant 32 : i32
          %add3A_1419 = vector.broadcast %add3A_1418 : i32 to vector<16xi32>
          %add3A_1420 = arith.addi %iota3A, %add3A_1419 : vector<16xi32>
          tpu.vector_store_idx %arg11[%add3A_1420, %add3A_1402], %get3A_1417 : memref<64x129xf32, #tpu.memory_space<vmem>>[vector<16xi32>, vector<16xi32>], vector<16xf32>,
          %get3A_1421 = arith.index_cast %add3A_1398 : i32 to index
          %get3A_1422 = arith.constant 48 : index
          %get3A_1423 = tpu.vector_load %arg9[%get3A_1421, %get3A_1422] {strides = array<i32>} : memref<128x64xf32, #tpu.memory_space<vmem>>, vector<16xf32>,
          %add3A_1424 = arith.constant 48 : i32
          %add3A_1425 = vector.broadcast %add3A_1424 : i32 to vector<16xi32>
          %add3A_1426 = arith.addi %iota3A, %add3A_1425 : vector<16xi32>
          tpu.vector_store_idx %arg11[%add3A_1426, %add3A_1402], %get3A_1423 : memref<64x129xf32, #tpu.memory_space<vmem>>[vector<16xi32>, vector<16xi32>], vector<16xf32>,
          %mul3A_1427 = arith.constant 8 : i32
          %mul3A_1428 = arith.muli %scan3A_1363, %mul3A_1427 : i32
          %add3A_1429 = arith.constant 2 : i32
          %add3A_1430 = arith.addi %mul3A_1428, %add3A_1429 : i32
          %broadcast_in_dim3A_1431 = arith.constant 0 : i32
          %broadcast_in_dim3A_1432 = vector.broadcast %broadcast_in_dim3A_1431 : i32 to vector<16xi32>
          %add3A_1433 = vector.broadcast %add3A_1430 : i32 to vector<16xi32>
          %add3A_1434 = arith.addi %broadcast_in_dim3A_1432, %add3A_1433 : vector<16xi32>
          %get3A_1435 = arith.index_cast %add3A_1430 : i32 to index
          %get3A_1436 = arith.constant 0 : index
          %get3A_1437 = tpu.vector_load %arg9[%get3A_1435, %get3A_1436] {strides = array<i32>} : memref<128x64xf32, #tpu.memory_space<vmem>>, vector<16xf32>,
          %add3A_1438 = arith.constant 0 : i32
          %add3A_1439 = vector.broadcast %add3A_1438 : i32 to vector<16xi32>
          %add3A_1440 = arith.addi %iota3A, %add3A_1439 : vector<16xi32>
          tpu.vector_store_idx %arg11[%add3A_1440, %add3A_1434], %get3A_1437 : memref<64x129xf32, #tpu.memory_space<vmem>>[vector<16xi32>, vector<16xi32>], vector<16xf32>,
          %get3A_1441 = arith.index_cast %add3A_1430 : i32 to index
          %get3A_1442 = arith.constant 16 : index
          %get3A_1443 = tpu.vector_load %arg9[%get3A_1441, %get3A_1442] {strides = array<i32>} : memref<128x64xf32, #tpu.memory_space<vmem>>, vector<16xf32>,
          %add3A_1444 = arith.constant 16 : i32
          %add3A_1445 = vector.broadcast %add3A_1444 : i32 to vector<16xi32>
          %add3A_1446 = arith.addi %iota3A, %add3A_1445 : vector<16xi32>
          tpu.vector_store_idx %arg11[%add3A_1446, %add3A_1434], %get3A_1443 : memref<64x129xf32, #tpu.memory_space<vmem>>[vector<16xi32>, vector<16xi32>], vector<16xf32>,
          %get3A_1447 = arith.index_cast %add3A_1430 : i32 to index
          %get3A_1448 = arith.constant 32 : index
          %get3A_1449 = tpu.vector_load %arg9[%get3A_1447, %get3A_1448] {strides = array<i32>} : memref<128x64xf32, #tpu.memory_space<vmem>>, vector<16xf32>,
          %add3A_1450 = arith.constant 32 : i32
          %add3A_1451 = vector.broadcast %add3A_1450 : i32 to vector<16xi32>
          %add3A_1452 = arith.addi %iota3A, %add3A_1451 : vector<16xi32>
          tpu.vector_store_idx %arg11[%add3A_1452, %add3A_1434], %get3A_1449 : memref<64x129xf32, #tpu.memory_space<vmem>>[vector<16xi32>, vector<16xi32>], vector<16xf32>,
          %get3A_1453 = arith.index_cast %add3A_1430 : i32 to index
          %get3A_1454 = arith.constant 48 : index
          %get3A_1455 = tpu.vector_load %arg9[%get3A_1453, %get3A_1454] {strides = array<i32>} : memref<128x64xf32, #tpu.memory_space<vmem>>, vector<16xf32>,
          %add3A_1456 = arith.constant 48 : i32
          %add3A_1457 = vector.broadcast %add3A_1456 : i32 to vector<16xi32>
          %add3A_1458 = arith.addi %iota3A, %add3A_1457 : vector<16xi32>
          tpu.vector_store_idx %arg11[%add3A_1458, %add3A_1434], %get3A_1455 : memref<64x129xf32, #tpu.memory_space<vmem>>[vector<16xi32>, vector<16xi32>], vector<16xf32>,
          %mul3A_1459 = arith.constant 8 : i32
          %mul3A_1460 = arith.muli %scan3A_1363, %mul3A_1459 : i32
          %add3A_1461 = arith.constant 3 : i32
          %add3A_1462 = arith.addi %mul3A_1460, %add3A_1461 : i32
          %broadcast_in_dim3A_1463 = arith.constant 0 : i32
          %broadcast_in_dim3A_1464 = vector.broadcast %broadcast_in_dim3A_1463 : i32 to vector<16xi32>
          %add3A_1465 = vector.broadcast %add3A_1462 : i32 to vector<16xi32>
          %add3A_1466 = arith.addi %broadcast_in_dim3A_1464, %add3A_1465 : vector<16xi32>
          %get3A_1467 = arith.index_cast %add3A_1462 : i32 to index
          %get3A_1468 = arith.constant 0 : index
          %get3A_1469 = tpu.vector_load %arg9[%get3A_1467, %get3A_1468] {strides = array<i32>} : memref<128x64xf32, #tpu.memory_space<vmem>>, vector<16xf32>,
          %add3A_1470 = arith.constant 0 : i32
          %add3A_1471 = vector.broadcast %add3A_1470 : i32 to vector<16xi32>
          %add3A_1472 = arith.addi %iota3A, %add3A_1471 : vector<16xi32>
          tpu.vector_store_idx %arg11[%add3A_1472, %add3A_1466], %get3A_1469 : memref<64x129xf32, #tpu.memory_space<vmem>>[vector<16xi32>, vector<16xi32>], vector<16xf32>,
          %get3A_1473 = arith.index_cast %add3A_1462 : i32 to index
          %get3A_1474 = arith.constant 16 : index
          %get3A_1475 = tpu.vector_load %arg9[%get3A_1473, %get3A_1474] {strides = array<i32>} : memref<128x64xf32, #tpu.memory_space<vmem>>, vector<16xf32>,
          %add3A_1476 = arith.constant 16 : i32
          %add3A_1477 = vector.broadcast %add3A_1476 : i32 to vector<16xi32>
          %add3A_1478 = arith.addi %iota3A, %add3A_1477 : vector<16xi32>
          tpu.vector_store_idx %arg11[%add3A_1478, %add3A_1466], %get3A_1475 : memref<64x129xf32, #tpu.memory_space<vmem>>[vector<16xi32>, vector<16xi32>], vector<16xf32>,
          %get3A_1479 = arith.index_cast %add3A_1462 : i32 to index
          %get3A_1480 = arith.constant 32 : index
          %get3A_1481 = tpu.vector_load %arg9[%get3A_1479, %get3A_1480] {strides = array<i32>} : memref<128x64xf32, #tpu.memory_space<vmem>>, vector<16xf32>,
          %add3A_1482 = arith.constant 32 : i32
          %add3A_1483 = vector.broadcast %add3A_1482 : i32 to vector<16xi32>
          %add3A_1484 = arith.addi %iota3A, %add3A_1483 : vector<16xi32>
          tpu.vector_store_idx %arg11[%add3A_1484, %add3A_1466], %get3A_1481 : memref<64x129xf32, #tpu.memory_space<vmem>>[vector<16xi32>, vector<16xi32>], vector<16xf32>,
          %get3A_1485 = arith.index_cast %add3A_1462 : i32 to index
          %get3A_1486 = arith.constant 48 : index
          %get3A_1487 = tpu.vector_load %arg9[%get3A_1485, %get3A_1486] {strides = array<i32>} : memref<128x64xf32, #tpu.memory_space<vmem>>, vector<16xf32>,
          %add3A_1488 = arith.constant 48 : i32
          %add3A_1489 = vector.broadcast %add3A_1488 : i32 to vector<16xi32>
          %add3A_1490 = arith.addi %iota3A, %add3A_1489 : vector<16xi32>
          tpu.vector_store_idx %arg11[%add3A_1490, %add3A_1466], %get3A_1487 : memref<64x129xf32, #tpu.memory_space<vmem>>[vector<16xi32>, vector<16xi32>], vector<16xf32>,
          %mul3A_1491 = arith.constant 8 : i32
          %mul3A_1492 = arith.muli %scan3A_1363, %mul3A_1491 : i32
          %add3A_1493 = arith.constant 4 : i32
          %add3A_1494 = arith.addi %mul3A_1492, %add3A_1493 : i32
          %broadcast_in_dim3A_1495 = arith.constant 0 : i32
          %broadcast_in_dim3A_1496 = vector.broadcast %broadcast_in_dim3A_1495 : i32 to vector<16xi32>
          %add3A_1497 = vector.broadcast %add3A_1494 : i32 to vector<16xi32>
          %add3A_1498 = arith.addi %broadcast_in_dim3A_1496, %add3A_1497 : vector<16xi32>
          %get3A_1499 = arith.index_cast %add3A_1494 : i32 to index
          %get3A_1500 = arith.constant 0 : index
          %get3A_1501 = tpu.vector_load %arg9[%get3A_1499, %get3A_1500] {strides = array<i32>} : memref<128x64xf32, #tpu.memory_space<vmem>>, vector<16xf32>,
          %add3A_1502 = arith.constant 0 : i32
          %add3A_1503 = vector.broadcast %add3A_1502 : i32 to vector<16xi32>
          %add3A_1504 = arith.addi %iota3A, %add3A_1503 : vector<16xi32>
          tpu.vector_store_idx %arg11[%add3A_1504, %add3A_1498], %get3A_1501 : memref<64x129xf32, #tpu.memory_space<vmem>>[vector<16xi32>, vector<16xi32>], vector<16xf32>,
          %get3A_1505 = arith.index_cast %add3A_1494 : i32 to index
          %get3A_1506 = arith.constant 16 : index
          %get3A_1507 = tpu.vector_load %arg9[%get3A_1505, %get3A_1506] {strides = array<i32>} : memref<128x64xf32, #tpu.memory_space<vmem>>, vector<16xf32>,
          %add3A_1508 = arith.constant 16 : i32
          %add3A_1509 = vector.broadcast %add3A_1508 : i32 to vector<16xi32>
          %add3A_1510 = arith.addi %iota3A, %add3A_1509 : vector<16xi32>
          tpu.vector_store_idx %arg11[%add3A_1510, %add3A_1498], %get3A_1507 : memref<64x129xf32, #tpu.memory_space<vmem>>[vector<16xi32>, vector<16xi32>], vector<16xf32>,
          %get3A_1511 = arith.index_cast %add3A_1494 : i32 to index
          %get3A_1512 = arith.constant 32 : index
          %get3A_1513 = tpu.vector_load %arg9[%get3A_1511, %get3A_1512] {strides = array<i32>} : memref<128x64xf32, #tpu.memory_space<vmem>>, vector<16xf32>,
          %add3A_1514 = arith.constant 32 : i32
          %add3A_1515 = vector.broadcast %add3A_1514 : i32 to vector<16xi32>
          %add3A_1516 = arith.addi %iota3A, %add3A_1515 : vector<16xi32>
          tpu.vector_store_idx %arg11[%add3A_1516, %add3A_1498], %get3A_1513 : memref<64x129xf32, #tpu.memory_space<vmem>>[vector<16xi32>, vector<16xi32>], vector<16xf32>,
          %get3A_1517 = arith.index_cast %add3A_1494 : i32 to index
          %get3A_1518 = arith.constant 48 : index
          %get3A_1519 = tpu.vector_load %arg9[%get3A_1517, %get3A_1518] {strides = array<i32>} : memref<128x64xf32, #tpu.memory_space<vmem>>, vector<16xf32>,
          %add3A_1520 = arith.constant 48 : i32
          %add3A_1521 = vector.broadcast %add3A_1520 : i32 to vector<16xi32>
          %add3A_1522 = arith.addi %iota3A, %add3A_1521 : vector<16xi32>
          tpu.vector_store_idx %arg11[%add3A_1522, %add3A_1498], %get3A_1519 : memref<64x129xf32, #tpu.memory_space<vmem>>[vector<16xi32>, vector<16xi32>], vector<16xf32>,
          %mul3A_1523 = arith.constant 8 : i32
          %mul3A_1524 = arith.muli %scan3A_1363, %mul3A_1523 : i32
          %add3A_1525 = arith.constant 5 : i32
          %add3A_1526 = arith.addi %mul3A_1524, %add3A_1525 : i32
          %broadcast_in_dim3A_1527 = arith.constant 0 : i32
          %broadcast_in_dim3A_1528 = vector.broadcast %broadcast_in_dim3A_1527 : i32 to vector<16xi32>
          %add3A_1529 = vector.broadcast %add3A_1526 : i32 to vector<16xi32>
          %add3A_1530 = arith.addi %broadcast_in_dim3A_1528, %add3A_1529 : vector<16xi32>
          %get3A_1531 = arith.index_cast %add3A_1526 : i32 to index
          %get3A_1532 = arith.constant 0 : index
          %get3A_1533 = tpu.vector_load %arg9[%get3A_1531, %get3A_1532] {strides = array<i32>} : memref<128x64xf32, #tpu.memory_space<vmem>>, vector<16xf32>,
          %add3A_1534 = arith.constant 0 : i32
          %add3A_1535 = vector.broadcast %add3A_1534 : i32 to vector<16xi32>
          %add3A_1536 = arith.addi %iota3A, %add3A_1535 : vector<16xi32>
          tpu.vector_store_idx %arg11[%add3A_1536, %add3A_1530], %get3A_1533 : memref<64x129xf32, #tpu.memory_space<vmem>>[vector<16xi32>, vector<16xi32>], vector<16xf32>,
          %get3A_1537 = arith.index_cast %add3A_1526 : i32 to index
          %get3A_1538 = arith.constant 16 : index
          %get3A_1539 = tpu.vector_load %arg9[%get3A_1537, %get3A_1538] {strides = array<i32>} : memref<128x64xf32, #tpu.memory_space<vmem>>, vector<16xf32>,
          %add3A_1540 = arith.constant 16 : i32
          %add3A_1541 = vector.broadcast %add3A_1540 : i32 to vector<16xi32>
          %add3A_1542 = arith.addi %iota3A, %add3A_1541 : vector<16xi32>
          tpu.vector_store_idx %arg11[%add3A_1542, %add3A_1530], %get3A_1539 : memref<64x129xf32, #tpu.memory_space<vmem>>[vector<16xi32>, vector<16xi32>], vector<16xf32>,
          %get3A_1543 = arith.index_cast %add3A_1526 : i32 to index
          %get3A_1544 = arith.constant 32 : index
          %get3A_1545 = tpu.vector_load %arg9[%get3A_1543, %get3A_1544] {strides = array<i32>} : memref<128x64xf32, #tpu.memory_space<vmem>>, vector<16xf32>,
          %add3A_1546 = arith.constant 32 : i32
          %add3A_1547 = vector.broadcast %add3A_1546 : i32 to vector<16xi32>
          %add3A_1548 = arith.addi %iota3A, %add3A_1547 : vector<16xi32>
          tpu.vector_store_idx %arg11[%add3A_1548, %add3A_1530], %get3A_1545 : memref<64x129xf32, #tpu.memory_space<vmem>>[vector<16xi32>, vector<16xi32>], vector<16xf32>,
          %get3A_1549 = arith.index_cast %add3A_1526 : i32 to index
          %get3A_1550 = arith.constant 48 : index
          %get3A_1551 = tpu.vector_load %arg9[%get3A_1549, %get3A_1550] {strides = array<i32>} : memref<128x64xf32, #tpu.memory_space<vmem>>, vector<16xf32>,
          %add3A_1552 = arith.constant 48 : i32
          %add3A_1553 = vector.broadcast %add3A_1552 : i32 to vector<16xi32>
          %add3A_1554 = arith.addi %iota3A, %add3A_1553 : vector<16xi32>
          tpu.vector_store_idx %arg11[%add3A_1554, %add3A_1530], %get3A_1551 : memref<64x129xf32, #tpu.memory_space<vmem>>[vector<16xi32>, vector<16xi32>], vector<16xf32>,
          %mul3A_1555 = arith.constant 8 : i32
          %mul3A_1556 = arith.muli %scan3A_1363, %mul3A_1555 : i32
          %add3A_1557 = arith.constant 6 : i32
          %add3A_1558 = arith.addi %mul3A_1556, %add3A_1557 : i32
          %broadcast_in_dim3A_1559 = arith.constant 0 : i32
          %broadcast_in_dim3A_1560 = vector.broadcast %broadcast_in_dim3A_1559 : i32 to vector<16xi32>
          %add3A_1561 = vector.broadcast %add3A_1558 : i32 to vector<16xi32>
          %add3A_1562 = arith.addi %broadcast_in_dim3A_1560, %add3A_1561 : vector<16xi32>
          %get3A_1563 = arith.index_cast %add3A_1558 : i32 to index
          %get3A_1564 = arith.constant 0 : index
          %get3A_1565 = tpu.vector_load %arg9[%get3A_1563, %get3A_1564] {strides = array<i32>} : memref<128x64xf32, #tpu.memory_space<vmem>>, vector<16xf32>,
          %add3A_1566 = arith.constant 0 : i32
          %add3A_1567 = vector.broadcast %add3A_1566 : i32 to vector<16xi32>
          %add3A_1568 = arith.addi %iota3A, %add3A_1567 : vector<16xi32>
          tpu.vector_store_idx %arg11[%add3A_1568, %add3A_1562], %get3A_1565 : memref<64x129xf32, #tpu.memory_space<vmem>>[vector<16xi32>, vector<16xi32>], vector<16xf32>,
          %get3A_1569 = arith.index_cast %add3A_1558 : i32 to index
          %get3A_1570 = arith.constant 16 : index
          %get3A_1571 = tpu.vector_load %arg9[%get3A_1569, %get3A_1570] {strides = array<i32>} : memref<128x64xf32, #tpu.memory_space<vmem>>, vector<16xf32>,
          %add3A_1572 = arith.constant 16 : i32
          %add3A_1573 = vector.broadcast %add3A_1572 : i32 to vector<16xi32>
          %add3A_1574 = arith.addi %iota3A, %add3A_1573 : vector<16xi32>
          tpu.vector_store_idx %arg11[%add3A_1574, %add3A_1562], %get3A_1571 : memref<64x129xf32, #tpu.memory_space<vmem>>[vector<16xi32>, vector<16xi32>], vector<16xf32>,
          %get3A_1575 = arith.index_cast %add3A_1558 : i32 to index
          %get3A_1576 = arith.constant 32 : index
          %get3A_1577 = tpu.vector_load %arg9[%get3A_1575, %get3A_1576] {strides = array<i32>} : memref<128x64xf32, #tpu.memory_space<vmem>>, vector<16xf32>,
          %add3A_1578 = arith.constant 32 : i32
          %add3A_1579 = vector.broadcast %add3A_1578 : i32 to vector<16xi32>
          %add3A_1580 = arith.addi %iota3A, %add3A_1579 : vector<16xi32>
          tpu.vector_store_idx %arg11[%add3A_1580, %add3A_1562], %get3A_1577 : memref<64x129xf32, #tpu.memory_space<vmem>>[vector<16xi32>, vector<16xi32>], vector<16xf32>,
          %get3A_1581 = arith.index_cast %add3A_1558 : i32 to index
          %get3A_1582 = arith.constant 48 : index
          %get3A_1583 = tpu.vector_load %arg9[%get3A_1581, %get3A_1582] {strides = array<i32>} : memref<128x64xf32, #tpu.memory_space<vmem>>, vector<16xf32>,
          %add3A_1584 = arith.constant 48 : i32
          %add3A_1585 = vector.broadcast %add3A_1584 : i32 to vector<16xi32>
          %add3A_1586 = arith.addi %iota3A, %add3A_1585 : vector<16xi32>
          tpu.vector_store_idx %arg11[%add3A_1586, %add3A_1562], %get3A_1583 : memref<64x129xf32, #tpu.memory_space<vmem>>[vector<16xi32>, vector<16xi32>], vector<16xf32>,
          %mul3A_1587 = arith.constant 8 : i32
          %mul3A_1588 = arith.muli %scan3A_1363, %mul3A_1587 : i32
          %add3A_1589 = arith.constant 7 : i32
          %add3A_1590 = arith.addi %mul3A_1588, %add3A_1589 : i32
          %broadcast_in_dim3A_1591 = arith.constant 0 : i32
          %broadcast_in_dim3A_1592 = vector.broadcast %broadcast_in_dim3A_1591 : i32 to vector<16xi32>
          %add3A_1593 = vector.broadcast %add3A_1590 : i32 to vector<16xi32>
          %add3A_1594 = arith.addi %broadcast_in_dim3A_1592, %add3A_1593 : vector<16xi32>
          %get3A_1595 = arith.index_cast %add3A_1590 : i32 to index
          %get3A_1596 = arith.constant 0 : index
          %get3A_1597 = tpu.vector_load %arg9[%get3A_1595, %get3A_1596] {strides = array<i32>} : memref<128x64xf32, #tpu.memory_space<vmem>>, vector<16xf32>,
          %add3A_1598 = arith.constant 0 : i32
          %add3A_1599 = vector.broadcast %add3A_1598 : i32 to vector<16xi32>
          %add3A_1600 = arith.addi %iota3A, %add3A_1599 : vector<16xi32>
          tpu.vector_store_idx %arg11[%add3A_1600, %add3A_1594], %get3A_1597 : memref<64x129xf32, #tpu.memory_space<vmem>>[vector<16xi32>, vector<16xi32>], vector<16xf32>,
          %get3A_1601 = arith.index_cast %add3A_1590 : i32 to index
          %get3A_1602 = arith.constant 16 : index
          %get3A_1603 = tpu.vector_load %arg9[%get3A_1601, %get3A_1602] {strides = array<i32>} : memref<128x64xf32, #tpu.memory_space<vmem>>, vector<16xf32>,
          %add3A_1604 = arith.constant 16 : i32
          %add3A_1605 = vector.broadcast %add3A_1604 : i32 to vector<16xi32>
          %add3A_1606 = arith.addi %iota3A, %add3A_1605 : vector<16xi32>
          tpu.vector_store_idx %arg11[%add3A_1606, %add3A_1594], %get3A_1603 : memref<64x129xf32, #tpu.memory_space<vmem>>[vector<16xi32>, vector<16xi32>], vector<16xf32>,
          %get3A_1607 = arith.index_cast %add3A_1590 : i32 to index
          %get3A_1608 = arith.constant 32 : index
          %get3A_1609 = tpu.vector_load %arg9[%get3A_1607, %get3A_1608] {strides = array<i32>} : memref<128x64xf32, #tpu.memory_space<vmem>>, vector<16xf32>,
          %add3A_1610 = arith.constant 32 : i32
          %add3A_1611 = vector.broadcast %add3A_1610 : i32 to vector<16xi32>
          %add3A_1612 = arith.addi %iota3A, %add3A_1611 : vector<16xi32>
          tpu.vector_store_idx %arg11[%add3A_1612, %add3A_1594], %get3A_1609 : memref<64x129xf32, #tpu.memory_space<vmem>>[vector<16xi32>, vector<16xi32>], vector<16xf32>,
          %get3A_1613 = arith.index_cast %add3A_1590 : i32 to index
          %get3A_1614 = arith.constant 48 : index
          %get3A_1615 = tpu.vector_load %arg9[%get3A_1613, %get3A_1614] {strides = array<i32>} : memref<128x64xf32, #tpu.memory_space<vmem>>, vector<16xf32>,
          %add3A_1616 = arith.constant 48 : i32
          %add3A_1617 = vector.broadcast %add3A_1616 : i32 to vector<16xi32>
          %add3A_1618 = arith.addi %iota3A, %add3A_1617 : vector<16xi32>
          tpu.vector_store_idx %arg11[%add3A_1618, %add3A_1594], %get3A_1615 : memref<64x129xf32, #tpu.memory_space<vmem>>[vector<16xi32>, vector<16xi32>], vector<16xf32>,
        }
        %scan3A_1207 = arith.constant 16 : i32
        %dma_start3A_1208 = arith.constant 0 : i32
        %dma_start3A_1209 = arith.constant 0 : i32
        %dma_start3A_1210 = tpu.memref_slice %arg2[%dma_start3A_1208, %dma_start3A_1209] : memref<8192x64xf32, #tpu.memory_space<hbm>> -> memref<8192x64xf32, #tpu.memory_space<hbm>>
        tpu.enqueue_indirect_dma source(%dma_start3A_1210 : memref<8192x64xf32, #tpu.memory_space<hbm>>) target(%arg9 : memref<128x64xf32, #tpu.memory_space<vmem>>) offsets(%arg7 : memref<128xi32, #tpu.memory_space<vmem>>) semaphore(%arg13 : memref<!tpu.dma_semaphore, #tpu.memory_space<semaphore_mem>>)
        %mul3A_1211 = arith.constant 1024 : i32
        %mul3A_1212 = arith.muli %add3A_1139, %mul3A_1211 : i32
        %add3A_1213 = arith.constant 0 : i32
        %add3A_1214 = arith.addi %mul3A_1212, %add3A_1213 : i32
        %add3A_1215 = arith.addi %add3A_1214, %add3A_9 : i32
        %dma_start3A_1216 = arith.constant 0 : i32
        %dma_start3A_1217 = arith.constant 0 : i32
        %dma_start3A_1218 = tpu.memref_slice %arg11[%dma_start3A_1216, %dma_start3A_1217] : memref<64x129xf32, #tpu.memory_space<vmem>> -> memref<8x128xf32, #tpu.memory_space<vmem>>
        %dma_start3A_1219 = arith.constant 0 : i32
        %dma_start3A_1220 = arith.constant 0 : i32
        %dma_start3A_1221 = tpu.memref_slice %arg4[%add3A_1215, %dma_start3A_1219, %dma_start3A_1220] : memref<204800x8x128xf32, #tpu.memory_space<hbm>> -> memref<1x8x128xf32, #tpu.memory_space<hbm>>
        %dma_start3A_1222 = tpu.memref_squeeze %dma_start3A_1221 : memref<1x8x128xf32, #tpu.memory_space<hbm>> -> memref<8x128xf32, #tpu.memory_space<hbm>>
        %dma_start3A_1223 = arith.constant 0 : i32
        %dma_start3A_1224 = arith.constant 0 : i32
        %dma_start3A_1225 = tpu.memref_slice %arg4[%add3A_1215, %dma_start3A_1223, %dma_start3A_1224] : memref<204800x8x128xf32, #tpu.memory_space<hbm>> -> memref<1x8x128xf32, #tpu.memory_space<hbm>>
        %dma_start3A_1226 = tpu.memref_squeeze %dma_start3A_1225 : memref<1x8x128xf32, #tpu.memory_space<hbm>> -> memref<8x128xf32, #tpu.memory_space<hbm>>
        %dma_start3A_1227 = arith.constant 0 : i32
        %dma_start3A_1228 = arith.constant 0 : i32
        %dma_start3A_1229 = tpu.memref_slice %arg11[%dma_start3A_1227, %dma_start3A_1228] : memref<64x129xf32, #tpu.memory_space<vmem>> -> memref<8x128xf32, #tpu.memory_space<vmem>>
        tpu.enqueue_dma source(%dma_start3A_1229 : memref<8x128xf32, #tpu.memory_space<vmem>>) target(%dma_start3A_1226 : memref<8x128xf32, #tpu.memory_space<hbm>>) target_semaphore(%arg15 : memref<!tpu.dma_semaphore, #tpu.memory_space<semaphore_mem>>)
        %mul3A_1230 = arith.constant 1024 : i32
        %mul3A_1231 = arith.muli %add3A_1139, %mul3A_1230 : i32
        %add3A_1232 = arith.constant 128 : i32
        %add3A_1233 = arith.addi %mul3A_1231, %add3A_1232 : i32
        %add3A_1234 = arith.addi %add3A_1233, %add3A_9 : i32
        %dma_start3A_1235 = arith.constant 8 : i32
        %dma_start3A_1236 = arith.constant 0 : i32
        %dma_start3A_1237 = tpu.memref_slice %arg11[%dma_start3A_1235, %dma_start3A_1236] : memref<64x129xf32, #tpu.memory_space<vmem>> -> memref<8x128xf32, #tpu.memory_space<vmem>>
        %dma_start3A_1238 = arith.constant 0 : i32
        %dma_start3A_1239 = arith.constant 0 : i32
        %dma_start3A_1240 = tpu.memref_slice %arg4[%add3A_1234, %dma_start3A_1238, %dma_start3A_1239] : memref<204800x8x128xf32, #tpu.memory_space<hbm>> -> memref<1x8x128xf32, #tpu.memory_space<hbm>>
        %dma_start3A_1241 = tpu.memref_squeeze %dma_start3A_1240 : memref<1x8x128xf32, #tpu.memory_space<hbm>> -> memref<8x128xf32, #tpu.memory_space<hbm>>
        %dma_start3A_1242 = arith.constant 0 : i32
        %dma_start3A_1243 = arith.constant 0 : i32
        %dma_start3A_1244 = tpu.memref_slice %arg4[%add3A_1234, %dma_start3A_1242, %dma_start3A_1243] : memref<204800x8x128xf32, #tpu.memory_space<hbm>> -> memref<1x8x128xf32, #tpu.memory_space<hbm>>
        %dma_start3A_1245 = tpu.memref_squeeze %dma_start3A_1244 : memref<1x8x128xf32, #tpu.memory_space<hbm>> -> memref<8x128xf32, #tpu.memory_space<hbm>>
        %dma_start3A_1246 = arith.constant 8 : i32
        %dma_start3A_1247 = arith.constant 0 : i32
        %dma_start3A_1248 = tpu.memref_slice %arg11[%dma_start3A_1246, %dma_start3A_1247] : memref<64x129xf32, #tpu.memory_space<vmem>> -> memref<8x128xf32, #tpu.memory_space<vmem>>
        tpu.enqueue_dma source(%dma_start3A_1248 : memref<8x128xf32, #tpu.memory_space<vmem>>) target(%dma_start3A_1245 : memref<8x128xf32, #tpu.memory_space<hbm>>) target_semaphore(%arg15 : memref<!tpu.dma_semaphore, #tpu.memory_space<semaphore_mem>>)
        %mul3A_1249 = arith.constant 1024 : i32
        %mul3A_1250 = arith.muli %add3A_1139, %mul3A_1249 : i32
        %add3A_1251 = arith.constant 256 : i32
        %add3A_1252 = arith.addi %mul3A_1250, %add3A_1251 : i32
        %add3A_1253 = arith.addi %add3A_1252, %add3A_9 : i32
        %dma_start3A_1254 = arith.constant 16 : i32
        %dma_start3A_1255 = arith.constant 0 : i32
        %dma_start3A_1256 = tpu.memref_slice %arg11[%dma_start3A_1254, %dma_start3A_1255] : memref<64x129xf32, #tpu.memory_space<vmem>> -> memref<8x128xf32, #tpu.memory_space<vmem>>
        %dma_start3A_1257 = arith.constant 0 : i32
        %dma_start3A_1258 = arith.constant 0 : i32
        %dma_start3A_1259 = tpu.memref_slice %arg4[%add3A_1253, %dma_start3A_1257, %dma_start3A_1258] : memref<204800x8x128xf32, #tpu.memory_space<hbm>> -> memref<1x8x128xf32, #tpu.memory_space<hbm>>
        %dma_start3A_1260 = tpu.memref_squeeze %dma_start3A_1259 : memref<1x8x128xf32, #tpu.memory_space<hbm>> -> memref<8x128xf32, #tpu.memory_space<hbm>>
        %dma_start3A_1261 = arith.constant 0 : i32
        %dma_start3A_1262 = arith.constant 0 : i32
        %dma_start3A_1263 = tpu.memref_slice %arg4[%add3A_1253, %dma_start3A_1261, %dma_start3A_1262] : memref<204800x8x128xf32, #tpu.memory_space<hbm>> -> memref<1x8x128xf32, #tpu.memory_space<hbm>>
        %dma_start3A_1264 = tpu.memref_squeeze %dma_start3A_1263 : memref<1x8x128xf32, #tpu.memory_space<hbm>> -> memref<8x128xf32, #tpu.memory_space<hbm>>
        %dma_start3A_1265 = arith.constant 16 : i32
        %dma_start3A_1266 = arith.constant 0 : i32
        %dma_start3A_1267 = tpu.memref_slice %arg11[%dma_start3A_1265, %dma_start3A_1266] : memref<64x129xf32, #tpu.memory_space<vmem>> -> memref<8x128xf32, #tpu.memory_space<vmem>>
        tpu.enqueue_dma source(%dma_start3A_1267 : memref<8x128xf32, #tpu.memory_space<vmem>>) target(%dma_start3A_1264 : memref<8x128xf32, #tpu.memory_space<hbm>>) target_semaphore(%arg15 : memref<!tpu.dma_semaphore, #tpu.memory_space<semaphore_mem>>)
        %mul3A_1268 = arith.constant 1024 : i32
        %mul3A_1269 = arith.muli %add3A_1139, %mul3A_1268 : i32
        %add3A_1270 = arith.constant 384 : i32
        %add3A_1271 = arith.addi %mul3A_1269, %add3A_1270 : i32
        %add3A_1272 = arith.addi %add3A_1271, %add3A_9 : i32
        %dma_start3A_1273 = arith.constant 24 : i32
        %dma_start3A_1274 = arith.constant 0 : i32
        %dma_start3A_1275 = tpu.memref_slice %arg11[%dma_start3A_1273, %dma_start3A_1274] : memref<64x129xf32, #tpu.memory_space<vmem>> -> memref<8x128xf32, #tpu.memory_space<vmem>>
        %dma_start3A_1276 = arith.constant 0 : i32
        %dma_start3A_1277 = arith.constant 0 : i32
        %dma_start3A_1278 = tpu.memref_slice %arg4[%add3A_1272, %dma_start3A_1276, %dma_start3A_1277] : memref<204800x8x128xf32, #tpu.memory_space<hbm>> -> memref<1x8x128xf32, #tpu.memory_space<hbm>>
        %dma_start3A_1279 = tpu.memref_squeeze %dma_start3A_1278 : memref<1x8x128xf32, #tpu.memory_space<hbm>> -> memref<8x128xf32, #tpu.memory_space<hbm>>
        %dma_start3A_1280 = arith.constant 0 : i32
        %dma_start3A_1281 = arith.constant 0 : i32
        %dma_start3A_1282 = tpu.memref_slice %arg4[%add3A_1272, %dma_start3A_1280, %dma_start3A_1281] : memref<204800x8x128xf32, #tpu.memory_space<hbm>> -> memref<1x8x128xf32, #tpu.memory_space<hbm>>
        %dma_start3A_1283 = tpu.memref_squeeze %dma_start3A_1282 : memref<1x8x128xf32, #tpu.memory_space<hbm>> -> memref<8x128xf32, #tpu.memory_space<hbm>>
        %dma_start3A_1284 = arith.constant 24 : i32
        %dma_start3A_1285 = arith.constant 0 : i32
        %dma_start3A_1286 = tpu.memref_slice %arg11[%dma_start3A_1284, %dma_start3A_1285] : memref<64x129xf32, #tpu.memory_space<vmem>> -> memref<8x128xf32, #tpu.memory_space<vmem>>
        tpu.enqueue_dma source(%dma_start3A_1286 : memref<8x128xf32, #tpu.memory_space<vmem>>) target(%dma_start3A_1283 : memref<8x128xf32, #tpu.memory_space<hbm>>) target_semaphore(%arg15 : memref<!tpu.dma_semaphore, #tpu.memory_space<semaphore_mem>>)
        %mul3A_1287 = arith.constant 1024 : i32
        %mul3A_1288 = arith.muli %add3A_1139, %mul3A_1287 : i32
        %add3A_1289 = arith.constant 512 : i32
        %add3A_1290 = arith.addi %mul3A_1288, %add3A_1289 : i32
        %add3A_1291 = arith.addi %add3A_1290, %add3A_9 : i32
        %dma_start3A_1292 = arith.constant 32 : i32
        %dma_start3A_1293 = arith.constant 0 : i32
        %dma_start3A_1294 = tpu.memref_slice %arg11[%dma_start3A_1292, %dma_start3A_1293] : memref<64x129xf32, #tpu.memory_space<vmem>> -> memref<8x128xf32, #tpu.memory_space<vmem>>
        %dma_start3A_1295 = arith.constant 0 : i32
        %dma_start3A_1296 = arith.constant 0 : i32
        %dma_start3A_1297 = tpu.memref_slice %arg4[%add3A_1291, %dma_start3A_1295, %dma_start3A_1296] : memref<204800x8x128xf32, #tpu.memory_space<hbm>> -> memref<1x8x128xf32, #tpu.memory_space<hbm>>
        %dma_start3A_1298 = tpu.memref_squeeze %dma_start3A_1297 : memref<1x8x128xf32, #tpu.memory_space<hbm>> -> memref<8x128xf32, #tpu.memory_space<hbm>>
        %dma_start3A_1299 = arith.constant 0 : i32
        %dma_start3A_1300 = arith.constant 0 : i32
        %dma_start3A_1301 = tpu.memref_slice %arg4[%add3A_1291, %dma_start3A_1299, %dma_start3A_1300] : memref<204800x8x128xf32, #tpu.memory_space<hbm>> -> memref<1x8x128xf32, #tpu.memory_space<hbm>>
        %dma_start3A_1302 = tpu.memref_squeeze %dma_start3A_1301 : memref<1x8x128xf32, #tpu.memory_space<hbm>> -> memref<8x128xf32, #tpu.memory_space<hbm>>
        %dma_start3A_1303 = arith.constant 32 : i32
        %dma_start3A_1304 = arith.constant 0 : i32
        %dma_start3A_1305 = tpu.memref_slice %arg11[%dma_start3A_1303, %dma_start3A_1304] : memref<64x129xf32, #tpu.memory_space<vmem>> -> memref<8x128xf32, #tpu.memory_space<vmem>>
        tpu.enqueue_dma source(%dma_start3A_1305 : memref<8x128xf32, #tpu.memory_space<vmem>>) target(%dma_start3A_1302 : memref<8x128xf32, #tpu.memory_space<hbm>>) target_semaphore(%arg15 : memref<!tpu.dma_semaphore, #tpu.memory_space<semaphore_mem>>)
        %mul3A_1306 = arith.constant 1024 : i32
        %mul3A_1307 = arith.muli %add3A_1139, %mul3A_1306 : i32
        %add3A_1308 = arith.constant 640 : i32
        %add3A_1309 = arith.addi %mul3A_1307, %add3A_1308 : i32
        %add3A_1310 = arith.addi %add3A_1309, %add3A_9 : i32
        %dma_start3A_1311 = arith.constant 40 : i32
        %dma_start3A_1312 = arith.constant 0 : i32
        %dma_start3A_1313 = tpu.memref_slice %arg11[%dma_start3A_1311, %dma_start3A_1312] : memref<64x129xf32, #tpu.memory_space<vmem>> -> memref<8x128xf32, #tpu.memory_space<vmem>>
        %dma_start3A_1314 = arith.constant 0 : i32
        %dma_start3A_1315 = arith.constant 0 : i32
        %dma_start3A_1316 = tpu.memref_slice %arg4[%add3A_1310, %dma_start3A_1314, %dma_start3A_1315] : memref<204800x8x128xf32, #tpu.memory_space<hbm>> -> memref<1x8x128xf32, #tpu.memory_space<hbm>>
        %dma_start3A_1317 = tpu.memref_squeeze %dma_start3A_1316 : memref<1x8x128xf32, #tpu.memory_space<hbm>> -> memref<8x128xf32, #tpu.memory_space<hbm>>
        %dma_start3A_1318 = arith.constant 0 : i32
        %dma_start3A_1319 = arith.constant 0 : i32
        %dma_start3A_1320 = tpu.memref_slice %arg4[%add3A_1310, %dma_start3A_1318, %dma_start3A_1319] : memref<204800x8x128xf32, #tpu.memory_space<hbm>> -> memref<1x8x128xf32, #tpu.memory_space<hbm>>
        %dma_start3A_1321 = tpu.memref_squeeze %dma_start3A_1320 : memref<1x8x128xf32, #tpu.memory_space<hbm>> -> memref<8x128xf32, #tpu.memory_space<hbm>>
        %dma_start3A_1322 = arith.constant 40 : i32
        %dma_start3A_1323 = arith.constant 0 : i32
        %dma_start3A_1324 = tpu.memref_slice %arg11[%dma_start3A_1322, %dma_start3A_1323] : memref<64x129xf32, #tpu.memory_space<vmem>> -> memref<8x128xf32, #tpu.memory_space<vmem>>
        tpu.enqueue_dma source(%dma_start3A_1324 : memref<8x128xf32, #tpu.memory_space<vmem>>) target(%dma_start3A_1321 : memref<8x128xf32, #tpu.memory_space<hbm>>) target_semaphore(%arg15 : memref<!tpu.dma_semaphore, #tpu.memory_space<semaphore_mem>>)
        %mul3A_1325 = arith.constant 1024 : i32
        %mul3A_1326 = arith.muli %add3A_1139, %mul3A_1325 : i32
        %add3A_1327 = arith.constant 768 : i32
        %add3A_1328 = arith.addi %mul3A_1326, %add3A_1327 : i32
        %add3A_1329 = arith.addi %add3A_1328, %add3A_9 : i32
        %dma_start3A_1330 = arith.constant 48 : i32
        %dma_start3A_1331 = arith.constant 0 : i32
        %dma_start3A_1332 = tpu.memref_slice %arg11[%dma_start3A_1330, %dma_start3A_1331] : memref<64x129xf32, #tpu.memory_space<vmem>> -> memref<8x128xf32, #tpu.memory_space<vmem>>
        %dma_start3A_1333 = arith.constant 0 : i32
        %dma_start3A_1334 = arith.constant 0 : i32
        %dma_start3A_1335 = tpu.memref_slice %arg4[%add3A_1329, %dma_start3A_1333, %dma_start3A_1334] : memref<204800x8x128xf32, #tpu.memory_space<hbm>> -> memref<1x8x128xf32, #tpu.memory_space<hbm>>
        %dma_start3A_1336 = tpu.memref_squeeze %dma_start3A_1335 : memref<1x8x128xf32, #tpu.memory_space<hbm>> -> memref<8x128xf32, #tpu.memory_space<hbm>>
        %dma_start3A_1337 = arith.constant 0 : i32
        %dma_start3A_1338 = arith.constant 0 : i32
        %dma_start3A_1339 = tpu.memref_slice %arg4[%add3A_1329, %dma_start3A_1337, %dma_start3A_1338] : memref<204800x8x128xf32, #tpu.memory_space<hbm>> -> memref<1x8x128xf32, #tpu.memory_space<hbm>>
        %dma_start3A_1340 = tpu.memref_squeeze %dma_start3A_1339 : memref<1x8x128xf32, #tpu.memory_space<hbm>> -> memref<8x128xf32, #tpu.memory_space<hbm>>
        %dma_start3A_1341 = arith.constant 48 : i32
        %dma_start3A_1342 = arith.constant 0 : i32
        %dma_start3A_1343 = tpu.memref_slice %arg11[%dma_start3A_1341, %dma_start3A_1342] : memref<64x129xf32, #tpu.memory_space<vmem>> -> memref<8x128xf32, #tpu.memory_space<vmem>>
        tpu.enqueue_dma source(%dma_start3A_1343 : memref<8x128xf32, #tpu.memory_space<vmem>>) target(%dma_start3A_1340 : memref<8x128xf32, #tpu.memory_space<hbm>>) target_semaphore(%arg15 : memref<!tpu.dma_semaphore, #tpu.memory_space<semaphore_mem>>)
        %mul3A_1344 = arith.constant 1024 : i32
        %mul3A_1345 = arith.muli %add3A_1139, %mul3A_1344 : i32
        %add3A_1346 = arith.constant 896 : i32
        %add3A_1347 = arith.addi %mul3A_1345, %add3A_1346 : i32
        %add3A_1348 = arith.addi %add3A_1347, %add3A_9 : i32
        %dma_start3A_1349 = arith.constant 56 : i32
        %dma_start3A_1350 = arith.constant 0 : i32
        %dma_start3A_1351 = tpu.memref_slice %arg11[%dma_start3A_1349, %dma_start3A_1350] : memref<64x129xf32, #tpu.memory_space<vmem>> -> memref<8x128xf32, #tpu.memory_space<vmem>>
        %dma_start3A_1352 = arith.constant 0 : i32
        %dma_start3A_1353 = arith.constant 0 : i32
        %dma_start3A_1354 = tpu.memref_slice %arg4[%add3A_1348, %dma_start3A_1352, %dma_start3A_1353] : memref<204800x8x128xf32, #tpu.memory_space<hbm>> -> memref<1x8x128xf32, #tpu.memory_space<hbm>>
        %dma_start3A_1355 = tpu.memref_squeeze %dma_start3A_1354 : memref<1x8x128xf32, #tpu.memory_space<hbm>> -> memref<8x128xf32, #tpu.memory_space<hbm>>
        %dma_start3A_1356 = arith.constant 0 : i32
        %dma_start3A_1357 = arith.constant 0 : i32
        %dma_start3A_1358 = tpu.memref_slice %arg4[%add3A_1348, %dma_start3A_1356, %dma_start3A_1357] : memref<204800x8x128xf32, #tpu.memory_space<hbm>> -> memref<1x8x128xf32, #tpu.memory_space<hbm>>
        %dma_start3A_1359 = tpu.memref_squeeze %dma_start3A_1358 : memref<1x8x128xf32, #tpu.memory_space<hbm>> -> memref<8x128xf32, #tpu.memory_space<hbm>>
        %dma_start3A_1360 = arith.constant 56 : i32
        %dma_start3A_1361 = arith.constant 0 : i32
        %dma_start3A_1362 = tpu.memref_slice %arg11[%dma_start3A_1360, %dma_start3A_1361] : memref<64x129xf32, #tpu.memory_space<vmem>> -> memref<8x128xf32, #tpu.memory_space<vmem>>
        tpu.enqueue_dma source(%dma_start3A_1362 : memref<8x128xf32, #tpu.memory_space<vmem>>) target(%dma_start3A_1359 : memref<8x128xf32, #tpu.memory_space<hbm>>) target_semaphore(%arg15 : memref<!tpu.dma_semaphore, #tpu.memory_space<semaphore_mem>>)
      }
      %scan3A_125 = arith.constant 99 : i32
      %dma_wait3A = arith.constant 0 : i32
      %dma_wait3A_126 = arith.constant 0 : i32
      %dma_wait3A_127 = tpu.memref_slice %arg2[%dma_wait3A, %dma_wait3A_126] : memref<8192x64xf32, #tpu.memory_space<hbm>> -> memref<8192x64xf32, #tpu.memory_space<hbm>>
      tpu.wait_indirect_dma semaphore(%arg12 : memref<!tpu.dma_semaphore, #tpu.memory_space<semaphore_mem>>) src(%dma_wait3A_127 : memref<8192x64xf32, #tpu.memory_space<hbm>>) dst(%arg8 : memref<128x64xf32, #tpu.memory_space<vmem>>)
      %add3A_128 = arith.constant 200704 : i32
      %add3A_129 = arith.addi %add3A_128, %add3A_9 : i32
      %dma_wait3A_130 = arith.constant 0 : i32
      %dma_wait3A_131 = arith.constant 0 : i32
      %dma_wait3A_132 = tpu.memref_slice %arg10[%dma_wait3A_130, %dma_wait3A_131] : memref<64x129xf32, #tpu.memory_space<vmem>> -> memref<8x128xf32, #tpu.memory_space<vmem>>
      %dma_wait3A_133 = arith.constant 0 : i32
      %dma_wait3A_134 = arith.constant 0 : i32
      %dma_wait3A_135 = tpu.memref_slice %arg4[%add3A_129, %dma_wait3A_133, %dma_wait3A_134] : memref<204800x8x128xf32, #tpu.memory_space<hbm>> -> memref<1x8x128xf32, #tpu.memory_space<hbm>>
      %dma_wait3A_136 = tpu.memref_squeeze %dma_wait3A_135 : memref<1x8x128xf32, #tpu.memory_space<hbm>> -> memref<8x128xf32, #tpu.memory_space<hbm>>
      %dma_wait3A_137 = arith.constant 0 : i32
      %dma_wait3A_138 = arith.constant 0 : i32
      %dma_wait3A_139 = tpu.memref_slice %arg4[%add3A_129, %dma_wait3A_137, %dma_wait3A_138] : memref<204800x8x128xf32, #tpu.memory_space<hbm>> -> memref<1x8x128xf32, #tpu.memory_space<hbm>>
      %dma_wait3A_140 = tpu.memref_squeeze %dma_wait3A_139 : memref<1x8x128xf32, #tpu.memory_space<hbm>> -> memref<8x128xf32, #tpu.memory_space<hbm>>
      %dma_wait3A_141 = arith.constant 0 : i32
      %dma_wait3A_142 = arith.constant 0 : i32
      %dma_wait3A_143 = tpu.memref_slice %arg10[%dma_wait3A_141, %dma_wait3A_142] : memref<64x129xf32, #tpu.memory_space<vmem>> -> memref<8x128xf32, #tpu.memory_space<vmem>>
      tpu.wait_dma2 semaphore(%arg14 : memref<!tpu.dma_semaphore, #tpu.memory_space<semaphore_mem>>) src(%dma_wait3A_143 : memref<8x128xf32, #tpu.memory_space<vmem>>) dst(%dma_wait3A_140 : memref<8x128xf32, #tpu.memory_space<hbm>>)
      %add3A_144 = arith.constant 200832 : i32
      %add3A_145 = arith.addi %add3A_144, %add3A_9 : i32
      %dma_wait3A_146 = arith.constant 8 : i32
      %dma_wait3A_147 = arith.constant 0 : i32
      %dma_wait3A_148 = tpu.memref_slice %arg10[%dma_wait3A_146, %dma_wait3A_147] : memref<64x129xf32, #tpu.memory_space<vmem>> -> memref<8x128xf32, #tpu.memory_space<vmem>>
      %dma_wait3A_149 = arith.constant 0 : i32
      %dma_wait3A_150 = arith.constant 0 : i32
      %dma_wait3A_151 = tpu.memref_slice %arg4[%add3A_145, %dma_wait3A_149, %dma_wait3A_150] : memref<204800x8x128xf32, #tpu.memory_space<hbm>> -> memref<1x8x128xf32, #tpu.memory_space<hbm>>
      %dma_wait3A_152 = tpu.memref_squeeze %dma_wait3A_151 : memref<1x8x128xf32, #tpu.memory_space<hbm>> -> memref<8x128xf32, #tpu.memory_space<hbm>>
      %dma_wait3A_153 = arith.constant 0 : i32
      %dma_wait3A_154 = arith.constant 0 : i32
      %dma_wait3A_155 = tpu.memref_slice %arg4[%add3A_145, %dma_wait3A_153, %dma_wait3A_154] : memref<204800x8x128xf32, #tpu.memory_space<hbm>> -> memref<1x8x128xf32, #tpu.memory_space<hbm>>
      %dma_wait3A_156 = tpu.memref_squeeze %dma_wait3A_155 : memref<1x8x128xf32, #tpu.memory_space<hbm>> -> memref<8x128xf32, #tpu.memory_space<hbm>>
      %dma_wait3A_157 = arith.constant 8 : i32
      %dma_wait3A_158 = arith.constant 0 : i32
      %dma_wait3A_159 = tpu.memref_slice %arg10[%dma_wait3A_157, %dma_wait3A_158] : memref<64x129xf32, #tpu.memory_space<vmem>> -> memref<8x128xf32, #tpu.memory_space<vmem>>
      tpu.wait_dma2 semaphore(%arg14 : memref<!tpu.dma_semaphore, #tpu.memory_space<semaphore_mem>>) src(%dma_wait3A_159 : memref<8x128xf32, #tpu.memory_space<vmem>>) dst(%dma_wait3A_156 : memref<8x128xf32, #tpu.memory_space<hbm>>)
      %add3A_160 = arith.constant 200960 : i32
      %add3A_161 = arith.addi %add3A_160, %add3A_9 : i32
      %dma_wait3A_162 = arith.constant 16 : i32
      %dma_wait3A_163 = arith.constant 0 : i32
      %dma_wait3A_164 = tpu.memref_slice %arg10[%dma_wait3A_162, %dma_wait3A_163] : memref<64x129xf32, #tpu.memory_space<vmem>> -> memref<8x128xf32, #tpu.memory_space<vmem>>
      %dma_wait3A_165 = arith.constant 0 : i32
      %dma_wait3A_166 = arith.constant 0 : i32
      %dma_wait3A_167 = tpu.memref_slice %arg4[%add3A_161, %dma_wait3A_165, %dma_wait3A_166] : memref<204800x8x128xf32, #tpu.memory_space<hbm>> -> memref<1x8x128xf32, #tpu.memory_space<hbm>>
      %dma_wait3A_168 = tpu.memref_squeeze %dma_wait3A_167 : memref<1x8x128xf32, #tpu.memory_space<hbm>> -> memref<8x128xf32, #tpu.memory_space<hbm>>
      %dma_wait3A_169 = arith.constant 0 : i32
      %dma_wait3A_170 = arith.constant 0 : i32
      %dma_wait3A_171 = tpu.memref_slice %arg4[%add3A_161, %dma_wait3A_169, %dma_wait3A_170] : memref<204800x8x128xf32, #tpu.memory_space<hbm>> -> memref<1x8x128xf32, #tpu.memory_space<hbm>>
      %dma_wait3A_172 = tpu.memref_squeeze %dma_wait3A_171 : memref<1x8x128xf32, #tpu.memory_space<hbm>> -> memref<8x128xf32, #tpu.memory_space<hbm>>
      %dma_wait3A_173 = arith.constant 16 : i32
      %dma_wait3A_174 = arith.constant 0 : i32
      %dma_wait3A_175 = tpu.memref_slice %arg10[%dma_wait3A_173, %dma_wait3A_174] : memref<64x129xf32, #tpu.memory_space<vmem>> -> memref<8x128xf32, #tpu.memory_space<vmem>>
      tpu.wait_dma2 semaphore(%arg14 : memref<!tpu.dma_semaphore, #tpu.memory_space<semaphore_mem>>) src(%dma_wait3A_175 : memref<8x128xf32, #tpu.memory_space<vmem>>) dst(%dma_wait3A_172 : memref<8x128xf32, #tpu.memory_space<hbm>>)
      %add3A_176 = arith.constant 201088 : i32
      %add3A_177 = arith.addi %add3A_176, %add3A_9 : i32
      %dma_wait3A_178 = arith.constant 24 : i32
      %dma_wait3A_179 = arith.constant 0 : i32
      %dma_wait3A_180 = tpu.memref_slice %arg10[%dma_wait3A_178, %dma_wait3A_179] : memref<64x129xf32, #tpu.memory_space<vmem>> -> memref<8x128xf32, #tpu.memory_space<vmem>>
      %dma_wait3A_181 = arith.constant 0 : i32
      %dma_wait3A_182 = arith.constant 0 : i32
      %dma_wait3A_183 = tpu.memref_slice %arg4[%add3A_177, %dma_wait3A_181, %dma_wait3A_182] : memref<204800x8x128xf32, #tpu.memory_space<hbm>> -> memref<1x8x128xf32, #tpu.memory_space<hbm>>
      %dma_wait3A_184 = tpu.memref_squeeze %dma_wait3A_183 : memref<1x8x128xf32, #tpu.memory_space<hbm>> -> memref<8x128xf32, #tpu.memory_space<hbm>>
      %dma_wait3A_185 = arith.constant 0 : i32
      %dma_wait3A_186 = arith.constant 0 : i32
      %dma_wait3A_187 = tpu.memref_slice %arg4[%add3A_177, %dma_wait3A_185, %dma_wait3A_186] : memref<204800x8x128xf32, #tpu.memory_space<hbm>> -> memref<1x8x128xf32, #tpu.memory_space<hbm>>
      %dma_wait3A_188 = tpu.memref_squeeze %dma_wait3A_187 : memref<1x8x128xf32, #tpu.memory_space<hbm>> -> memref<8x128xf32, #tpu.memory_space<hbm>>
      %dma_wait3A_189 = arith.constant 24 : i32
      %dma_wait3A_190 = arith.constant 0 : i32
      %dma_wait3A_191 = tpu.memref_slice %arg10[%dma_wait3A_189, %dma_wait3A_190] : memref<64x129xf32, #tpu.memory_space<vmem>> -> memref<8x128xf32, #tpu.memory_space<vmem>>
      tpu.wait_dma2 semaphore(%arg14 : memref<!tpu.dma_semaphore, #tpu.memory_space<semaphore_mem>>) src(%dma_wait3A_191 : memref<8x128xf32, #tpu.memory_space<vmem>>) dst(%dma_wait3A_188 : memref<8x128xf32, #tpu.memory_space<hbm>>)
      %add3A_192 = arith.constant 201216 : i32
      %add3A_193 = arith.addi %add3A_192, %add3A_9 : i32
      %dma_wait3A_194 = arith.constant 32 : i32
      %dma_wait3A_195 = arith.constant 0 : i32
      %dma_wait3A_196 = tpu.memref_slice %arg10[%dma_wait3A_194, %dma_wait3A_195] : memref<64x129xf32, #tpu.memory_space<vmem>> -> memref<8x128xf32, #tpu.memory_space<vmem>>
      %dma_wait3A_197 = arith.constant 0 : i32
      %dma_wait3A_198 = arith.constant 0 : i32
      %dma_wait3A_199 = tpu.memref_slice %arg4[%add3A_193, %dma_wait3A_197, %dma_wait3A_198] : memref<204800x8x128xf32, #tpu.memory_space<hbm>> -> memref<1x8x128xf32, #tpu.memory_space<hbm>>
      %dma_wait3A_200 = tpu.memref_squeeze %dma_wait3A_199 : memref<1x8x128xf32, #tpu.memory_space<hbm>> -> memref<8x128xf32, #tpu.memory_space<hbm>>
      %dma_wait3A_201 = arith.constant 0 : i32
      %dma_wait3A_202 = arith.constant 0 : i32
      %dma_wait3A_203 = tpu.memref_slice %arg4[%add3A_193, %dma_wait3A_201, %dma_wait3A_202] : memref<204800x8x128xf32, #tpu.memory_space<hbm>> -> memref<1x8x128xf32, #tpu.memory_space<hbm>>
      %dma_wait3A_204 = tpu.memref_squeeze %dma_wait3A_203 : memref<1x8x128xf32, #tpu.memory_space<hbm>> -> memref<8x128xf32, #tpu.memory_space<hbm>>
      %dma_wait3A_205 = arith.constant 32 : i32
      %dma_wait3A_206 = arith.constant 0 : i32
      %dma_wait3A_207 = tpu.memref_slice %arg10[%dma_wait3A_205, %dma_wait3A_206] : memref<64x129xf32, #tpu.memory_space<vmem>> -> memref<8x128xf32, #tpu.memory_space<vmem>>
      tpu.wait_dma2 semaphore(%arg14 : memref<!tpu.dma_semaphore, #tpu.memory_space<semaphore_mem>>) src(%dma_wait3A_207 : memref<8x128xf32, #tpu.memory_space<vmem>>) dst(%dma_wait3A_204 : memref<8x128xf32, #tpu.memory_space<hbm>>)
      %add3A_208 = arith.constant 201344 : i32
      %add3A_209 = arith.addi %add3A_208, %add3A_9 : i32
      %dma_wait3A_210 = arith.constant 40 : i32
      %dma_wait3A_211 = arith.constant 0 : i32
      %dma_wait3A_212 = tpu.memref_slice %arg10[%dma_wait3A_210, %dma_wait3A_211] : memref<64x129xf32, #tpu.memory_space<vmem>> -> memref<8x128xf32, #tpu.memory_space<vmem>>
      %dma_wait3A_213 = arith.constant 0 : i32
      %dma_wait3A_214 = arith.constant 0 : i32
      %dma_wait3A_215 = tpu.memref_slice %arg4[%add3A_209, %dma_wait3A_213, %dma_wait3A_214] : memref<204800x8x128xf32, #tpu.memory_space<hbm>> -> memref<1x8x128xf32, #tpu.memory_space<hbm>>
      %dma_wait3A_216 = tpu.memref_squeeze %dma_wait3A_215 : memref<1x8x128xf32, #tpu.memory_space<hbm>> -> memref<8x128xf32, #tpu.memory_space<hbm>>
      %dma_wait3A_217 = arith.constant 0 : i32
      %dma_wait3A_218 = arith.constant 0 : i32
      %dma_wait3A_219 = tpu.memref_slice %arg4[%add3A_209, %dma_wait3A_217, %dma_wait3A_218] : memref<204800x8x128xf32, #tpu.memory_space<hbm>> -> memref<1x8x128xf32, #tpu.memory_space<hbm>>
      %dma_wait3A_220 = tpu.memref_squeeze %dma_wait3A_219 : memref<1x8x128xf32, #tpu.memory_space<hbm>> -> memref<8x128xf32, #tpu.memory_space<hbm>>
      %dma_wait3A_221 = arith.constant 40 : i32
      %dma_wait3A_222 = arith.constant 0 : i32
      %dma_wait3A_223 = tpu.memref_slice %arg10[%dma_wait3A_221, %dma_wait3A_222] : memref<64x129xf32, #tpu.memory_space<vmem>> -> memref<8x128xf32, #tpu.memory_space<vmem>>
      tpu.wait_dma2 semaphore(%arg14 : memref<!tpu.dma_semaphore, #tpu.memory_space<semaphore_mem>>) src(%dma_wait3A_223 : memref<8x128xf32, #tpu.memory_space<vmem>>) dst(%dma_wait3A_220 : memref<8x128xf32, #tpu.memory_space<hbm>>)
      %add3A_224 = arith.constant 201472 : i32
      %add3A_225 = arith.addi %add3A_224, %add3A_9 : i32
      %dma_wait3A_226 = arith.constant 48 : i32
      %dma_wait3A_227 = arith.constant 0 : i32
      %dma_wait3A_228 = tpu.memref_slice %arg10[%dma_wait3A_226, %dma_wait3A_227] : memref<64x129xf32, #tpu.memory_space<vmem>> -> memref<8x128xf32, #tpu.memory_space<vmem>>
      %dma_wait3A_229 = arith.constant 0 : i32
      %dma_wait3A_230 = arith.constant 0 : i32
      %dma_wait3A_231 = tpu.memref_slice %arg4[%add3A_225, %dma_wait3A_229, %dma_wait3A_230] : memref<204800x8x128xf32, #tpu.memory_space<hbm>> -> memref<1x8x128xf32, #tpu.memory_space<hbm>>
      %dma_wait3A_232 = tpu.memref_squeeze %dma_wait3A_231 : memref<1x8x128xf32, #tpu.memory_space<hbm>> -> memref<8x128xf32, #tpu.memory_space<hbm>>
      %dma_wait3A_233 = arith.constant 0 : i32
      %dma_wait3A_234 = arith.constant 0 : i32
      %dma_wait3A_235 = tpu.memref_slice %arg4[%add3A_225, %dma_wait3A_233, %dma_wait3A_234] : memref<204800x8x128xf32, #tpu.memory_space<hbm>> -> memref<1x8x128xf32, #tpu.memory_space<hbm>>
      %dma_wait3A_236 = tpu.memref_squeeze %dma_wait3A_235 : memref<1x8x128xf32, #tpu.memory_space<hbm>> -> memref<8x128xf32, #tpu.memory_space<hbm>>
      %dma_wait3A_237 = arith.constant 48 : i32
      %dma_wait3A_238 = arith.constant 0 : i32
      %dma_wait3A_239 = tpu.memref_slice %arg10[%dma_wait3A_237, %dma_wait3A_238] : memref<64x129xf32, #tpu.memory_space<vmem>> -> memref<8x128xf32, #tpu.memory_space<vmem>>
      tpu.wait_dma2 semaphore(%arg14 : memref<!tpu.dma_semaphore, #tpu.memory_space<semaphore_mem>>) src(%dma_wait3A_239 : memref<8x128xf32, #tpu.memory_space<vmem>>) dst(%dma_wait3A_236 : memref<8x128xf32, #tpu.memory_space<hbm>>)
      %add3A_240 = arith.constant 201600 : i32
      %add3A_241 = arith.addi %add3A_240, %add3A_9 : i32
      %dma_wait3A_242 = arith.constant 56 : i32
      %dma_wait3A_243 = arith.constant 0 : i32
      %dma_wait3A_244 = tpu.memref_slice %arg10[%dma_wait3A_242, %dma_wait3A_243] : memref<64x129xf32, #tpu.memory_space<vmem>> -> memref<8x128xf32, #tpu.memory_space<vmem>>
      %dma_wait3A_245 = arith.constant 0 : i32
      %dma_wait3A_246 = arith.constant 0 : i32
      %dma_wait3A_247 = tpu.memref_slice %arg4[%add3A_241, %dma_wait3A_245, %dma_wait3A_246] : memref<204800x8x128xf32, #tpu.memory_space<hbm>> -> memref<1x8x128xf32, #tpu.memory_space<hbm>>
      %dma_wait3A_248 = tpu.memref_squeeze %dma_wait3A_247 : memref<1x8x128xf32, #tpu.memory_space<hbm>> -> memref<8x128xf32, #tpu.memory_space<hbm>>
      %dma_wait3A_249 = arith.constant 0 : i32
      %dma_wait3A_250 = arith.constant 0 : i32
      %dma_wait3A_251 = tpu.memref_slice %arg4[%add3A_241, %dma_wait3A_249, %dma_wait3A_250] : memref<204800x8x128xf32, #tpu.memory_space<hbm>> -> memref<1x8x128xf32, #tpu.memory_space<hbm>>
      %dma_wait3A_252 = tpu.memref_squeeze %dma_wait3A_251 : memref<1x8x128xf32, #tpu.memory_space<hbm>> -> memref<8x128xf32, #tpu.memory_space<hbm>>
      %dma_wait3A_253 = arith.constant 56 : i32
      %dma_wait3A_254 = arith.constant 0 : i32
      %dma_wait3A_255 = tpu.memref_slice %arg10[%dma_wait3A_253, %dma_wait3A_254] : memref<64x129xf32, #tpu.memory_space<vmem>> -> memref<8x128xf32, #tpu.memory_space<vmem>>
      tpu.wait_dma2 semaphore(%arg14 : memref<!tpu.dma_semaphore, #tpu.memory_space<semaphore_mem>>) src(%dma_wait3A_255 : memref<8x128xf32, #tpu.memory_space<vmem>>) dst(%dma_wait3A_252 : memref<8x128xf32, #tpu.memory_space<hbm>>)
      %scan3A_256 = arith.constant 0 : i32
      %scan3A_257 = arith.constant 0 : i32
      %scan3A_258 = arith.constant 16 : i32
      %scan3A_259 = arith.addi %scan3A_257, %scan3A_258 : i32
      %scan3A_260 = arith.constant 1 : i32
      scf.for %scan3A_911 = %scan3A_257 to %scan3A_259 step %scan3A_260  : i32 {
        %mul3A_912 = arith.constant 8 : i32
        %mul3A_913 = arith.muli %scan3A_911, %mul3A_912 : i32
        %add3A_914 = arith.constant 0 : i32
        %add3A_915 = arith.addi %mul3A_913, %add3A_914 : i32
        %broadcast_in_dim3A_916 = arith.constant 0 : i32
        %broadcast_in_dim3A_917 = vector.broadcast %broadcast_in_dim3A_916 : i32 to vector<16xi32>
        %add3A_918 = vector.broadcast %add3A_915 : i32 to vector<16xi32>
        %add3A_919 = arith.addi %broadcast_in_dim3A_917, %add3A_918 : vector<16xi32>
        %get3A = arith.index_cast %add3A_915 : i32 to index
        %get3A_920 = arith.constant 0 : index
        %get3A_921 = tpu.vector_load %arg8[%get3A, %get3A_920] {strides = array<i32>} : memref<128x64xf32, #tpu.memory_space<vmem>>, vector<16xf32>,
        %add3A_922 = arith.constant 0 : i32
        %add3A_923 = vector.broadcast %add3A_922 : i32 to vector<16xi32>
        %add3A_924 = arith.addi %iota3A, %add3A_923 : vector<16xi32>
        tpu.vector_store_idx %arg10[%add3A_924, %add3A_919], %get3A_921 : memref<64x129xf32, #tpu.memory_space<vmem>>[vector<16xi32>, vector<16xi32>], vector<16xf32>,
        %get3A_925 = arith.index_cast %add3A_915 : i32 to index
        %get3A_926 = arith.constant 16 : index
        %get3A_927 = tpu.vector_load %arg8[%get3A_925, %get3A_926] {strides = array<i32>} : memref<128x64xf32, #tpu.memory_space<vmem>>, vector<16xf32>,
        %add3A_928 = arith.constant 16 : i32
        %add3A_929 = vector.broadcast %add3A_928 : i32 to vector<16xi32>
        %add3A_930 = arith.addi %iota3A, %add3A_929 : vector<16xi32>
        tpu.vector_store_idx %arg10[%add3A_930, %add3A_919], %get3A_927 : memref<64x129xf32, #tpu.memory_space<vmem>>[vector<16xi32>, vector<16xi32>], vector<16xf32>,
        %get3A_931 = arith.index_cast %add3A_915 : i32 to index
        %get3A_932 = arith.constant 32 : index
        %get3A_933 = tpu.vector_load %arg8[%get3A_931, %get3A_932] {strides = array<i32>} : memref<128x64xf32, #tpu.memory_space<vmem>>, vector<16xf32>,
        %add3A_934 = arith.constant 32 : i32
        %add3A_935 = vector.broadcast %add3A_934 : i32 to vector<16xi32>
        %add3A_936 = arith.addi %iota3A, %add3A_935 : vector<16xi32>
        tpu.vector_store_idx %arg10[%add3A_936, %add3A_919], %get3A_933 : memref<64x129xf32, #tpu.memory_space<vmem>>[vector<16xi32>, vector<16xi32>], vector<16xf32>,
        %get3A_937 = arith.index_cast %add3A_915 : i32 to index
        %get3A_938 = arith.constant 48 : index
        %get3A_939 = tpu.vector_load %arg8[%get3A_937, %get3A_938] {strides = array<i32>} : memref<128x64xf32, #tpu.memory_space<vmem>>, vector<16xf32>,
        %add3A_940 = arith.constant 48 : i32
        %add3A_941 = vector.broadcast %add3A_940 : i32 to vector<16xi32>
        %add3A_942 = arith.addi %iota3A, %add3A_941 : vector<16xi32>
        tpu.vector_store_idx %arg10[%add3A_942, %add3A_919], %get3A_939 : memref<64x129xf32, #tpu.memory_space<vmem>>[vector<16xi32>, vector<16xi32>], vector<16xf32>,
        %mul3A_943 = arith.constant 8 : i32
        %mul3A_944 = arith.muli %scan3A_911, %mul3A_943 : i32
        %add3A_945 = arith.constant 1 : i32
        %add3A_946 = arith.addi %mul3A_944, %add3A_945 : i32
        %broadcast_in_dim3A_947 = arith.constant 0 : i32
        %broadcast_in_dim3A_948 = vector.broadcast %broadcast_in_dim3A_947 : i32 to vector<16xi32>
        %add3A_949 = vector.broadcast %add3A_946 : i32 to vector<16xi32>
        %add3A_950 = arith.addi %broadcast_in_dim3A_948, %add3A_949 : vector<16xi32>
        %get3A_951 = arith.index_cast %add3A_946 : i32 to index
        %get3A_952 = arith.constant 0 : index
        %get3A_953 = tpu.vector_load %arg8[%get3A_951, %get3A_952] {strides = array<i32>} : memref<128x64xf32, #tpu.memory_space<vmem>>, vector<16xf32>,
        %add3A_954 = arith.constant 0 : i32
        %add3A_955 = vector.broadcast %add3A_954 : i32 to vector<16xi32>
        %add3A_956 = arith.addi %iota3A, %add3A_955 : vector<16xi32>
        tpu.vector_store_idx %arg10[%add3A_956, %add3A_950], %get3A_953 : memref<64x129xf32, #tpu.memory_space<vmem>>[vector<16xi32>, vector<16xi32>], vector<16xf32>,
        %get3A_957 = arith.index_cast %add3A_946 : i32 to index
        %get3A_958 = arith.constant 16 : index
        %get3A_959 = tpu.vector_load %arg8[%get3A_957, %get3A_958] {strides = array<i32>} : memref<128x64xf32, #tpu.memory_space<vmem>>, vector<16xf32>,
        %add3A_960 = arith.constant 16 : i32
        %add3A_961 = vector.broadcast %add3A_960 : i32 to vector<16xi32>
        %add3A_962 = arith.addi %iota3A, %add3A_961 : vector<16xi32>
        tpu.vector_store_idx %arg10[%add3A_962, %add3A_950], %get3A_959 : memref<64x129xf32, #tpu.memory_space<vmem>>[vector<16xi32>, vector<16xi32>], vector<16xf32>,
        %get3A_963 = arith.index_cast %add3A_946 : i32 to index
        %get3A_964 = arith.constant 32 : index
        %get3A_965 = tpu.vector_load %arg8[%get3A_963, %get3A_964] {strides = array<i32>} : memref<128x64xf32, #tpu.memory_space<vmem>>, vector<16xf32>,
        %add3A_966 = arith.constant 32 : i32
        %add3A_967 = vector.broadcast %add3A_966 : i32 to vector<16xi32>
        %add3A_968 = arith.addi %iota3A, %add3A_967 : vector<16xi32>
        tpu.vector_store_idx %arg10[%add3A_968, %add3A_950], %get3A_965 : memref<64x129xf32, #tpu.memory_space<vmem>>[vector<16xi32>, vector<16xi32>], vector<16xf32>,
        %get3A_969 = arith.index_cast %add3A_946 : i32 to index
        %get3A_970 = arith.constant 48 : index
        %get3A_971 = tpu.vector_load %arg8[%get3A_969, %get3A_970] {strides = array<i32>} : memref<128x64xf32, #tpu.memory_space<vmem>>, vector<16xf32>,
        %add3A_972 = arith.constant 48 : i32
        %add3A_973 = vector.broadcast %add3A_972 : i32 to vector<16xi32>
        %add3A_974 = arith.addi %iota3A, %add3A_973 : vector<16xi32>
        tpu.vector_store_idx %arg10[%add3A_974, %add3A_950], %get3A_971 : memref<64x129xf32, #tpu.memory_space<vmem>>[vector<16xi32>, vector<16xi32>], vector<16xf32>,
        %mul3A_975 = arith.constant 8 : i32
        %mul3A_976 = arith.muli %scan3A_911, %mul3A_975 : i32
        %add3A_977 = arith.constant 2 : i32
        %add3A_978 = arith.addi %mul3A_976, %add3A_977 : i32
        %broadcast_in_dim3A_979 = arith.constant 0 : i32
        %broadcast_in_dim3A_980 = vector.broadcast %broadcast_in_dim3A_979 : i32 to vector<16xi32>
        %add3A_981 = vector.broadcast %add3A_978 : i32 to vector<16xi32>
        %add3A_982 = arith.addi %broadcast_in_dim3A_980, %add3A_981 : vector<16xi32>
        %get3A_983 = arith.index_cast %add3A_978 : i32 to index
        %get3A_984 = arith.constant 0 : index
        %get3A_985 = tpu.vector_load %arg8[%get3A_983, %get3A_984] {strides = array<i32>} : memref<128x64xf32, #tpu.memory_space<vmem>>, vector<16xf32>,
        %add3A_986 = arith.constant 0 : i32
        %add3A_987 = vector.broadcast %add3A_986 : i32 to vector<16xi32>
        %add3A_988 = arith.addi %iota3A, %add3A_987 : vector<16xi32>
        tpu.vector_store_idx %arg10[%add3A_988, %add3A_982], %get3A_985 : memref<64x129xf32, #tpu.memory_space<vmem>>[vector<16xi32>, vector<16xi32>], vector<16xf32>,
        %get3A_989 = arith.index_cast %add3A_978 : i32 to index
        %get3A_990 = arith.constant 16 : index
        %get3A_991 = tpu.vector_load %arg8[%get3A_989, %get3A_990] {strides = array<i32>} : memref<128x64xf32, #tpu.memory_space<vmem>>, vector<16xf32>,
        %add3A_992 = arith.constant 16 : i32
        %add3A_993 = vector.broadcast %add3A_992 : i32 to vector<16xi32>
        %add3A_994 = arith.addi %iota3A, %add3A_993 : vector<16xi32>
        tpu.vector_store_idx %arg10[%add3A_994, %add3A_982], %get3A_991 : memref<64x129xf32, #tpu.memory_space<vmem>>[vector<16xi32>, vector<16xi32>], vector<16xf32>,
        %get3A_995 = arith.index_cast %add3A_978 : i32 to index
        %get3A_996 = arith.constant 32 : index
        %get3A_997 = tpu.vector_load %arg8[%get3A_995, %get3A_996] {strides = array<i32>} : memref<128x64xf32, #tpu.memory_space<vmem>>, vector<16xf32>,
        %add3A_998 = arith.constant 32 : i32
        %add3A_999 = vector.broadcast %add3A_998 : i32 to vector<16xi32>
        %add3A_1000 = arith.addi %iota3A, %add3A_999 : vector<16xi32>
        tpu.vector_store_idx %arg10[%add3A_1000, %add3A_982], %get3A_997 : memref<64x129xf32, #tpu.memory_space<vmem>>[vector<16xi32>, vector<16xi32>], vector<16xf32>,
        %get3A_1001 = arith.index_cast %add3A_978 : i32 to index
        %get3A_1002 = arith.constant 48 : index
        %get3A_1003 = tpu.vector_load %arg8[%get3A_1001, %get3A_1002] {strides = array<i32>} : memref<128x64xf32, #tpu.memory_space<vmem>>, vector<16xf32>,
        %add3A_1004 = arith.constant 48 : i32
        %add3A_1005 = vector.broadcast %add3A_1004 : i32 to vector<16xi32>
        %add3A_1006 = arith.addi %iota3A, %add3A_1005 : vector<16xi32>
        tpu.vector_store_idx %arg10[%add3A_1006, %add3A_982], %get3A_1003 : memref<64x129xf32, #tpu.memory_space<vmem>>[vector<16xi32>, vector<16xi32>], vector<16xf32>,
        %mul3A_1007 = arith.constant 8 : i32
        %mul3A_1008 = arith.muli %scan3A_911, %mul3A_1007 : i32
        %add3A_1009 = arith.constant 3 : i32
        %add3A_1010 = arith.addi %mul3A_1008, %add3A_1009 : i32
        %broadcast_in_dim3A_1011 = arith.constant 0 : i32
        %broadcast_in_dim3A_1012 = vector.broadcast %broadcast_in_dim3A_1011 : i32 to vector<16xi32>
        %add3A_1013 = vector.broadcast %add3A_1010 : i32 to vector<16xi32>
        %add3A_1014 = arith.addi %broadcast_in_dim3A_1012, %add3A_1013 : vector<16xi32>
        %get3A_1015 = arith.index_cast %add3A_1010 : i32 to index
        %get3A_1016 = arith.constant 0 : index
        %get3A_1017 = tpu.vector_load %arg8[%get3A_1015, %get3A_1016] {strides = array<i32>} : memref<128x64xf32, #tpu.memory_space<vmem>>, vector<16xf32>,
        %add3A_1018 = arith.constant 0 : i32
        %add3A_1019 = vector.broadcast %add3A_1018 : i32 to vector<16xi32>
        %add3A_1020 = arith.addi %iota3A, %add3A_1019 : vector<16xi32>
        tpu.vector_store_idx %arg10[%add3A_1020, %add3A_1014], %get3A_1017 : memref<64x129xf32, #tpu.memory_space<vmem>>[vector<16xi32>, vector<16xi32>], vector<16xf32>,
        %get3A_1021 = arith.index_cast %add3A_1010 : i32 to index
        %get3A_1022 = arith.constant 16 : index
        %get3A_1023 = tpu.vector_load %arg8[%get3A_1021, %get3A_1022] {strides = array<i32>} : memref<128x64xf32, #tpu.memory_space<vmem>>, vector<16xf32>,
        %add3A_1024 = arith.constant 16 : i32
        %add3A_1025 = vector.broadcast %add3A_1024 : i32 to vector<16xi32>
        %add3A_1026 = arith.addi %iota3A, %add3A_1025 : vector<16xi32>
        tpu.vector_store_idx %arg10[%add3A_1026, %add3A_1014], %get3A_1023 : memref<64x129xf32, #tpu.memory_space<vmem>>[vector<16xi32>, vector<16xi32>], vector<16xf32>,
        %get3A_1027 = arith.index_cast %add3A_1010 : i32 to index
        %get3A_1028 = arith.constant 32 : index
        %get3A_1029 = tpu.vector_load %arg8[%get3A_1027, %get3A_1028] {strides = array<i32>} : memref<128x64xf32, #tpu.memory_space<vmem>>, vector<16xf32>,
        %add3A_1030 = arith.constant 32 : i32
        %add3A_1031 = vector.broadcast %add3A_1030 : i32 to vector<16xi32>
        %add3A_1032 = arith.addi %iota3A, %add3A_1031 : vector<16xi32>
        tpu.vector_store_idx %arg10[%add3A_1032, %add3A_1014], %get3A_1029 : memref<64x129xf32, #tpu.memory_space<vmem>>[vector<16xi32>, vector<16xi32>], vector<16xf32>,
        %get3A_1033 = arith.index_cast %add3A_1010 : i32 to index
        %get3A_1034 = arith.constant 48 : index
        %get3A_1035 = tpu.vector_load %arg8[%get3A_1033, %get3A_1034] {strides = array<i32>} : memref<128x64xf32, #tpu.memory_space<vmem>>, vector<16xf32>,
        %add3A_1036 = arith.constant 48 : i32
        %add3A_1037 = vector.broadcast %add3A_1036 : i32 to vector<16xi32>
        %add3A_1038 = arith.addi %iota3A, %add3A_1037 : vector<16xi32>
        tpu.vector_store_idx %arg10[%add3A_1038, %add3A_1014], %get3A_1035 : memref<64x129xf32, #tpu.memory_space<vmem>>[vector<16xi32>, vector<16xi32>], vector<16xf32>,
        %mul3A_1039 = arith.constant 8 : i32
        %mul3A_1040 = arith.muli %scan3A_911, %mul3A_1039 : i32
        %add3A_1041 = arith.constant 4 : i32
        %add3A_1042 = arith.addi %mul3A_1040, %add3A_1041 : i32
        %broadcast_in_dim3A_1043 = arith.constant 0 : i32
        %broadcast_in_dim3A_1044 = vector.broadcast %broadcast_in_dim3A_1043 : i32 to vector<16xi32>
        %add3A_1045 = vector.broadcast %add3A_1042 : i32 to vector<16xi32>
        %add3A_1046 = arith.addi %broadcast_in_dim3A_1044, %add3A_1045 : vector<16xi32>
        %get3A_1047 = arith.index_cast %add3A_1042 : i32 to index
        %get3A_1048 = arith.constant 0 : index
        %get3A_1049 = tpu.vector_load %arg8[%get3A_1047, %get3A_1048] {strides = array<i32>} : memref<128x64xf32, #tpu.memory_space<vmem>>, vector<16xf32>,
        %add3A_1050 = arith.constant 0 : i32
        %add3A_1051 = vector.broadcast %add3A_1050 : i32 to vector<16xi32>
        %add3A_1052 = arith.addi %iota3A, %add3A_1051 : vector<16xi32>
        tpu.vector_store_idx %arg10[%add3A_1052, %add3A_1046], %get3A_1049 : memref<64x129xf32, #tpu.memory_space<vmem>>[vector<16xi32>, vector<16xi32>], vector<16xf32>,
        %get3A_1053 = arith.index_cast %add3A_1042 : i32 to index
        %get3A_1054 = arith.constant 16 : index
        %get3A_1055 = tpu.vector_load %arg8[%get3A_1053, %get3A_1054] {strides = array<i32>} : memref<128x64xf32, #tpu.memory_space<vmem>>, vector<16xf32>,
        %add3A_1056 = arith.constant 16 : i32
        %add3A_1057 = vector.broadcast %add3A_1056 : i32 to vector<16xi32>
        %add3A_1058 = arith.addi %iota3A, %add3A_1057 : vector<16xi32>
        tpu.vector_store_idx %arg10[%add3A_1058, %add3A_1046], %get3A_1055 : memref<64x129xf32, #tpu.memory_space<vmem>>[vector<16xi32>, vector<16xi32>], vector<16xf32>,
        %get3A_1059 = arith.index_cast %add3A_1042 : i32 to index
        %get3A_1060 = arith.constant 32 : index
        %get3A_1061 = tpu.vector_load %arg8[%get3A_1059, %get3A_1060] {strides = array<i32>} : memref<128x64xf32, #tpu.memory_space<vmem>>, vector<16xf32>,
        %add3A_1062 = arith.constant 32 : i32
        %add3A_1063 = vector.broadcast %add3A_1062 : i32 to vector<16xi32>
        %add3A_1064 = arith.addi %iota3A, %add3A_1063 : vector<16xi32>
        tpu.vector_store_idx %arg10[%add3A_1064, %add3A_1046], %get3A_1061 : memref<64x129xf32, #tpu.memory_space<vmem>>[vector<16xi32>, vector<16xi32>], vector<16xf32>,
        %get3A_1065 = arith.index_cast %add3A_1042 : i32 to index
        %get3A_1066 = arith.constant 48 : index
        %get3A_1067 = tpu.vector_load %arg8[%get3A_1065, %get3A_1066] {strides = array<i32>} : memref<128x64xf32, #tpu.memory_space<vmem>>, vector<16xf32>,
        %add3A_1068 = arith.constant 48 : i32
        %add3A_1069 = vector.broadcast %add3A_1068 : i32 to vector<16xi32>
        %add3A_1070 = arith.addi %iota3A, %add3A_1069 : vector<16xi32>
        tpu.vector_store_idx %arg10[%add3A_1070, %add3A_1046], %get3A_1067 : memref<64x129xf32, #tpu.memory_space<vmem>>[vector<16xi32>, vector<16xi32>], vector<16xf32>,
        %mul3A_1071 = arith.constant 8 : i32
        %mul3A_1072 = arith.muli %scan3A_911, %mul3A_1071 : i32
        %add3A_1073 = arith.constant 5 : i32
        %add3A_1074 = arith.addi %mul3A_1072, %add3A_1073 : i32
        %broadcast_in_dim3A_1075 = arith.constant 0 : i32
        %broadcast_in_dim3A_1076 = vector.broadcast %broadcast_in_dim3A_1075 : i32 to vector<16xi32>
        %add3A_1077 = vector.broadcast %add3A_1074 : i32 to vector<16xi32>
        %add3A_1078 = arith.addi %broadcast_in_dim3A_1076, %add3A_1077 : vector<16xi32>
        %get3A_1079 = arith.index_cast %add3A_1074 : i32 to index
        %get3A_1080 = arith.constant 0 : index
        %get3A_1081 = tpu.vector_load %arg8[%get3A_1079, %get3A_1080] {strides = array<i32>} : memref<128x64xf32, #tpu.memory_space<vmem>>, vector<16xf32>,
        %add3A_1082 = arith.constant 0 : i32
        %add3A_1083 = vector.broadcast %add3A_1082 : i32 to vector<16xi32>
        %add3A_1084 = arith.addi %iota3A, %add3A_1083 : vector<16xi32>
        tpu.vector_store_idx %arg10[%add3A_1084, %add3A_1078], %get3A_1081 : memref<64x129xf32, #tpu.memory_space<vmem>>[vector<16xi32>, vector<16xi32>], vector<16xf32>,
        %get3A_1085 = arith.index_cast %add3A_1074 : i32 to index
        %get3A_1086 = arith.constant 16 : index
        %get3A_1087 = tpu.vector_load %arg8[%get3A_1085, %get3A_1086] {strides = array<i32>} : memref<128x64xf32, #tpu.memory_space<vmem>>, vector<16xf32>,
        %add3A_1088 = arith.constant 16 : i32
        %add3A_1089 = vector.broadcast %add3A_1088 : i32 to vector<16xi32>
        %add3A_1090 = arith.addi %iota3A, %add3A_1089 : vector<16xi32>
        tpu.vector_store_idx %arg10[%add3A_1090, %add3A_1078], %get3A_1087 : memref<64x129xf32, #tpu.memory_space<vmem>>[vector<16xi32>, vector<16xi32>], vector<16xf32>,
        %get3A_1091 = arith.index_cast %add3A_1074 : i32 to index
        %get3A_1092 = arith.constant 32 : index
        %get3A_1093 = tpu.vector_load %arg8[%get3A_1091, %get3A_1092] {strides = array<i32>} : memref<128x64xf32, #tpu.memory_space<vmem>>, vector<16xf32>,
        %add3A_1094 = arith.constant 32 : i32
        %add3A_1095 = vector.broadcast %add3A_1094 : i32 to vector<16xi32>
        %add3A_1096 = arith.addi %iota3A, %add3A_1095 : vector<16xi32>
        tpu.vector_store_idx %arg10[%add3A_1096, %add3A_1078], %get3A_1093 : memref<64x129xf32, #tpu.memory_space<vmem>>[vector<16xi32>, vector<16xi32>], vector<16xf32>,
        %get3A_1097 = arith.index_cast %add3A_1074 : i32 to index
        %get3A_1098 = arith.constant 48 : index
        %get3A_1099 = tpu.vector_load %arg8[%get3A_1097, %get3A_1098] {strides = array<i32>} : memref<128x64xf32, #tpu.memory_space<vmem>>, vector<16xf32>,
        %add3A_1100 = arith.constant 48 : i32
        %add3A_1101 = vector.broadcast %add3A_1100 : i32 to vector<16xi32>
        %add3A_1102 = arith.addi %iota3A, %add3A_1101 : vector<16xi32>
        tpu.vector_store_idx %arg10[%add3A_1102, %add3A_1078], %get3A_1099 : memref<64x129xf32, #tpu.memory_space<vmem>>[vector<16xi32>, vector<16xi32>], vector<16xf32>,
        %mul3A_1103 = arith.constant 8 : i32
        %mul3A_1104 = arith.muli %scan3A_911, %mul3A_1103 : i32
        %add3A_1105 = arith.constant 6 : i32
        %add3A_1106 = arith.addi %mul3A_1104, %add3A_1105 : i32
        %broadcast_in_dim3A_1107 = arith.constant 0 : i32
        %broadcast_in_dim3A_1108 = vector.broadcast %broadcast_in_dim3A_1107 : i32 to vector<16xi32>
        %add3A_1109 = vector.broadcast %add3A_1106 : i32 to vector<16xi32>
        %add3A_1110 = arith.addi %broadcast_in_dim3A_1108, %add3A_1109 : vector<16xi32>
        %get3A_1111 = arith.index_cast %add3A_1106 : i32 to index
        %get3A_1112 = arith.constant 0 : index
        %get3A_1113 = tpu.vector_load %arg8[%get3A_1111, %get3A_1112] {strides = array<i32>} : memref<128x64xf32, #tpu.memory_space<vmem>>, vector<16xf32>,
        %add3A_1114 = arith.constant 0 : i32
        %add3A_1115 = vector.broadcast %add3A_1114 : i32 to vector<16xi32>
        %add3A_1116 = arith.addi %iota3A, %add3A_1115 : vector<16xi32>
        tpu.vector_store_idx %arg10[%add3A_1116, %add3A_1110], %get3A_1113 : memref<64x129xf32, #tpu.memory_space<vmem>>[vector<16xi32>, vector<16xi32>], vector<16xf32>,
        %get3A_1117 = arith.index_cast %add3A_1106 : i32 to index
        %get3A_1118 = arith.constant 16 : index
        %get3A_1119 = tpu.vector_load %arg8[%get3A_1117, %get3A_1118] {strides = array<i32>} : memref<128x64xf32, #tpu.memory_space<vmem>>, vector<16xf32>,
        %add3A_1120 = arith.constant 16 : i32
        %add3A_1121 = vector.broadcast %add3A_1120 : i32 to vector<16xi32>
        %add3A_1122 = arith.addi %iota3A, %add3A_1121 : vector<16xi32>
        tpu.vector_store_idx %arg10[%add3A_1122, %add3A_1110], %get3A_1119 : memref<64x129xf32, #tpu.memory_space<vmem>>[vector<16xi32>, vector<16xi32>], vector<16xf32>,
        %get3A_1123 = arith.index_cast %add3A_1106 : i32 to index
        %get3A_1124 = arith.constant 32 : index
        %get3A_1125 = tpu.vector_load %arg8[%get3A_1123, %get3A_1124] {strides = array<i32>} : memref<128x64xf32, #tpu.memory_space<vmem>>, vector<16xf32>,
        %add3A_1126 = arith.constant 32 : i32
        %add3A_1127 = vector.broadcast %add3A_1126 : i32 to vector<16xi32>
        %add3A_1128 = arith.addi %iota3A, %add3A_1127 : vector<16xi32>
        tpu.vector_store_idx %arg10[%add3A_1128, %add3A_1110], %get3A_1125 : memref<64x129xf32, #tpu.memory_space<vmem>>[vector<16xi32>, vector<16xi32>], vector<16xf32>,
        %get3A_1129 = arith.index_cast %add3A_1106 : i32 to index
        %get3A_1130 = arith.constant 48 : index
        %get3A_1131 = tpu.vector_load %arg8[%get3A_1129, %get3A_1130] {strides = array<i32>} : memref<128x64xf32, #tpu.memory_space<vmem>>, vector<16xf32>,
        %add3A_1132 = arith.constant 48 : i32
        %add3A_1133 = vector.broadcast %add3A_1132 : i32 to vector<16xi32>
        %add3A_1134 = arith.addi %iota3A, %add3A_1133 : vector<16xi32>
        tpu.vector_store_idx %arg10[%add3A_1134, %add3A_1110], %get3A_1131 : memref<64x129xf32, #tpu.memory_space<vmem>>[vector<16xi32>, vector<16xi32>], vector<16xf32>,
        %mul3A_1135 = arith.constant 8 : i32
        %mul3A_1136 = arith.muli %scan3A_911, %mul3A_1135 : i32
        %add3A_1137 = arith.constant 7 : i32
        %add3A_1138 = arith.addi %mul3A_1136, %add3A_1137 : i32
        %broadcast_in_dim3A_1139 = arith.constant 0 : i32
        %broadcast_in_dim3A_1140 = vector.broadcast %broadcast_in_dim3A_1139 : i32 to vector<16xi32>
        %add3A_1141 = vector.broadcast %add3A_1138 : i32 to vector<16xi32>
        %add3A_1142 = arith.addi %broadcast_in_dim3A_1140, %add3A_1141 : vector<16xi32>
        %get3A_1143 = arith.index_cast %add3A_1138 : i32 to index
        %get3A_1144 = arith.constant 0 : index
        %get3A_1145 = tpu.vector_load %arg8[%get3A_1143, %get3A_1144] {strides = array<i32>} : memref<128x64xf32, #tpu.memory_space<vmem>>, vector<16xf32>,
        %add3A_1146 = arith.constant 0 : i32
        %add3A_1147 = vector.broadcast %add3A_1146 : i32 to vector<16xi32>
        %add3A_1148 = arith.addi %iota3A, %add3A_1147 : vector<16xi32>
        tpu.vector_store_idx %arg10[%add3A_1148, %add3A_1142], %get3A_1145 : memref<64x129xf32, #tpu.memory_space<vmem>>[vector<16xi32>, vector<16xi32>], vector<16xf32>,
        %get3A_1149 = arith.index_cast %add3A_1138 : i32 to index
        %get3A_1150 = arith.constant 16 : index
        %get3A_1151 = tpu.vector_load %arg8[%get3A_1149, %get3A_1150] {strides = array<i32>} : memref<128x64xf32, #tpu.memory_space<vmem>>, vector<16xf32>,
        %add3A_1152 = arith.constant 16 : i32
        %add3A_1153 = vector.broadcast %add3A_1152 : i32 to vector<16xi32>
        %add3A_1154 = arith.addi %iota3A, %add3A_1153 : vector<16xi32>
        tpu.vector_store_idx %arg10[%add3A_1154, %add3A_1142], %get3A_1151 : memref<64x129xf32, #tpu.memory_space<vmem>>[vector<16xi32>, vector<16xi32>], vector<16xf32>,
        %get3A_1155 = arith.index_cast %add3A_1138 : i32 to index
        %get3A_1156 = arith.constant 32 : index
        %get3A_1157 = tpu.vector_load %arg8[%get3A_1155, %get3A_1156] {strides = array<i32>} : memref<128x64xf32, #tpu.memory_space<vmem>>, vector<16xf32>,
        %add3A_1158 = arith.constant 32 : i32
        %add3A_1159 = vector.broadcast %add3A_1158 : i32 to vector<16xi32>
        %add3A_1160 = arith.addi %iota3A, %add3A_1159 : vector<16xi32>
        tpu.vector_store_idx %arg10[%add3A_1160, %add3A_1142], %get3A_1157 : memref<64x129xf32, #tpu.memory_space<vmem>>[vector<16xi32>, vector<16xi32>], vector<16xf32>,
        %get3A_1161 = arith.index_cast %add3A_1138 : i32 to index
        %get3A_1162 = arith.constant 48 : index
        %get3A_1163 = tpu.vector_load %arg8[%get3A_1161, %get3A_1162] {strides = array<i32>} : memref<128x64xf32, #tpu.memory_space<vmem>>, vector<16xf32>,
        %add3A_1164 = arith.constant 48 : i32
        %add3A_1165 = vector.broadcast %add3A_1164 : i32 to vector<16xi32>
        %add3A_1166 = arith.addi %iota3A, %add3A_1165 : vector<16xi32>
        tpu.vector_store_idx %arg10[%add3A_1166, %add3A_1142], %get3A_1163 : memref<64x129xf32, #tpu.memory_space<vmem>>[vector<16xi32>, vector<16xi32>], vector<16xf32>,
      }
      %scan3A_261 = arith.constant 16 : i32
      %add3A_262 = arith.constant 202752 : i32
      %add3A_263 = arith.addi %add3A_262, %add3A_9 : i32
      %dma_start3A_264 = arith.constant 0 : i32
      %dma_start3A_265 = arith.constant 0 : i32
      %dma_start3A_266 = tpu.memref_slice %arg10[%dma_start3A_264, %dma_start3A_265] : memref<64x129xf32, #tpu.memory_space<vmem>> -> memref<8x128xf32, #tpu.memory_space<vmem>>
      %dma_start3A_267 = arith.constant 0 : i32
      %dma_start3A_268 = arith.constant 0 : i32
      %dma_start3A_269 = tpu.memref_slice %arg4[%add3A_263, %dma_start3A_267, %dma_start3A_268] : memref<204800x8x128xf32, #tpu.memory_space<hbm>> -> memref<1x8x128xf32, #tpu.memory_space<hbm>>
      %dma_start3A_270 = tpu.memref_squeeze %dma_start3A_269 : memref<1x8x128xf32, #tpu.memory_space<hbm>> -> memref<8x128xf32, #tpu.memory_space<hbm>>
      %dma_start3A_271 = arith.constant 0 : i32
      %dma_start3A_272 = arith.constant 0 : i32
      %dma_start3A_273 = tpu.memref_slice %arg4[%add3A_263, %dma_start3A_271, %dma_start3A_272] : memref<204800x8x128xf32, #tpu.memory_space<hbm>> -> memref<1x8x128xf32, #tpu.memory_space<hbm>>
      %dma_start3A_274 = tpu.memref_squeeze %dma_start3A_273 : memref<1x8x128xf32, #tpu.memory_space<hbm>> -> memref<8x128xf32, #tpu.memory_space<hbm>>
      %dma_start3A_275 = arith.constant 0 : i32
      %dma_start3A_276 = arith.constant 0 : i32
      %dma_start3A_277 = tpu.memref_slice %arg10[%dma_start3A_275, %dma_start3A_276] : memref<64x129xf32, #tpu.memory_space<vmem>> -> memref<8x128xf32, #tpu.memory_space<vmem>>
      tpu.enqueue_dma source(%dma_start3A_277 : memref<8x128xf32, #tpu.memory_space<vmem>>) target(%dma_start3A_274 : memref<8x128xf32, #tpu.memory_space<hbm>>) target_semaphore(%arg14 : memref<!tpu.dma_semaphore, #tpu.memory_space<semaphore_mem>>)
      %add3A_278 = arith.constant 202880 : i32
      %add3A_279 = arith.addi %add3A_278, %add3A_9 : i32
      %dma_start3A_280 = arith.constant 8 : i32
      %dma_start3A_281 = arith.constant 0 : i32
      %dma_start3A_282 = tpu.memref_slice %arg10[%dma_start3A_280, %dma_start3A_281] : memref<64x129xf32, #tpu.memory_space<vmem>> -> memref<8x128xf32, #tpu.memory_space<vmem>>
      %dma_start3A_283 = arith.constant 0 : i32
      %dma_start3A_284 = arith.constant 0 : i32
      %dma_start3A_285 = tpu.memref_slice %arg4[%add3A_279, %dma_start3A_283, %dma_start3A_284] : memref<204800x8x128xf32, #tpu.memory_space<hbm>> -> memref<1x8x128xf32, #tpu.memory_space<hbm>>
      %dma_start3A_286 = tpu.memref_squeeze %dma_start3A_285 : memref<1x8x128xf32, #tpu.memory_space<hbm>> -> memref<8x128xf32, #tpu.memory_space<hbm>>
      %dma_start3A_287 = arith.constant 0 : i32
      %dma_start3A_288 = arith.constant 0 : i32
      %dma_start3A_289 = tpu.memref_slice %arg4[%add3A_279, %dma_start3A_287, %dma_start3A_288] : memref<204800x8x128xf32, #tpu.memory_space<hbm>> -> memref<1x8x128xf32, #tpu.memory_space<hbm>>
      %dma_start3A_290 = tpu.memref_squeeze %dma_start3A_289 : memref<1x8x128xf32, #tpu.memory_space<hbm>> -> memref<8x128xf32, #tpu.memory_space<hbm>>
      %dma_start3A_291 = arith.constant 8 : i32
      %dma_start3A_292 = arith.constant 0 : i32
      %dma_start3A_293 = tpu.memref_slice %arg10[%dma_start3A_291, %dma_start3A_292] : memref<64x129xf32, #tpu.memory_space<vmem>> -> memref<8x128xf32, #tpu.memory_space<vmem>>
      tpu.enqueue_dma source(%dma_start3A_293 : memref<8x128xf32, #tpu.memory_space<vmem>>) target(%dma_start3A_290 : memref<8x128xf32, #tpu.memory_space<hbm>>) target_semaphore(%arg14 : memref<!tpu.dma_semaphore, #tpu.memory_space<semaphore_mem>>)
      %add3A_294 = arith.constant 203008 : i32
      %add3A_295 = arith.addi %add3A_294, %add3A_9 : i32
      %dma_start3A_296 = arith.constant 16 : i32
      %dma_start3A_297 = arith.constant 0 : i32
      %dma_start3A_298 = tpu.memref_slice %arg10[%dma_start3A_296, %dma_start3A_297] : memref<64x129xf32, #tpu.memory_space<vmem>> -> memref<8x128xf32, #tpu.memory_space<vmem>>
      %dma_start3A_299 = arith.constant 0 : i32
      %dma_start3A_300 = arith.constant 0 : i32
      %dma_start3A_301 = tpu.memref_slice %arg4[%add3A_295, %dma_start3A_299, %dma_start3A_300] : memref<204800x8x128xf32, #tpu.memory_space<hbm>> -> memref<1x8x128xf32, #tpu.memory_space<hbm>>
      %dma_start3A_302 = tpu.memref_squeeze %dma_start3A_301 : memref<1x8x128xf32, #tpu.memory_space<hbm>> -> memref<8x128xf32, #tpu.memory_space<hbm>>
      %dma_start3A_303 = arith.constant 0 : i32
      %dma_start3A_304 = arith.constant 0 : i32
      %dma_start3A_305 = tpu.memref_slice %arg4[%add3A_295, %dma_start3A_303, %dma_start3A_304] : memref<204800x8x128xf32, #tpu.memory_space<hbm>> -> memref<1x8x128xf32, #tpu.memory_space<hbm>>
      %dma_start3A_306 = tpu.memref_squeeze %dma_start3A_305 : memref<1x8x128xf32, #tpu.memory_space<hbm>> -> memref<8x128xf32, #tpu.memory_space<hbm>>
      %dma_start3A_307 = arith.constant 16 : i32
      %dma_start3A_308 = arith.constant 0 : i32
      %dma_start3A_309 = tpu.memref_slice %arg10[%dma_start3A_307, %dma_start3A_308] : memref<64x129xf32, #tpu.memory_space<vmem>> -> memref<8x128xf32, #tpu.memory_space<vmem>>
      tpu.enqueue_dma source(%dma_start3A_309 : memref<8x128xf32, #tpu.memory_space<vmem>>) target(%dma_start3A_306 : memref<8x128xf32, #tpu.memory_space<hbm>>) target_semaphore(%arg14 : memref<!tpu.dma_semaphore, #tpu.memory_space<semaphore_mem>>)
      %add3A_310 = arith.constant 203136 : i32
      %add3A_311 = arith.addi %add3A_310, %add3A_9 : i32
      %dma_start3A_312 = arith.constant 24 : i32
      %dma_start3A_313 = arith.constant 0 : i32
      %dma_start3A_314 = tpu.memref_slice %arg10[%dma_start3A_312, %dma_start3A_313] : memref<64x129xf32, #tpu.memory_space<vmem>> -> memref<8x128xf32, #tpu.memory_space<vmem>>
      %dma_start3A_315 = arith.constant 0 : i32
      %dma_start3A_316 = arith.constant 0 : i32
      %dma_start3A_317 = tpu.memref_slice %arg4[%add3A_311, %dma_start3A_315, %dma_start3A_316] : memref<204800x8x128xf32, #tpu.memory_space<hbm>> -> memref<1x8x128xf32, #tpu.memory_space<hbm>>
      %dma_start3A_318 = tpu.memref_squeeze %dma_start3A_317 : memref<1x8x128xf32, #tpu.memory_space<hbm>> -> memref<8x128xf32, #tpu.memory_space<hbm>>
      %dma_start3A_319 = arith.constant 0 : i32
      %dma_start3A_320 = arith.constant 0 : i32
      %dma_start3A_321 = tpu.memref_slice %arg4[%add3A_311, %dma_start3A_319, %dma_start3A_320] : memref<204800x8x128xf32, #tpu.memory_space<hbm>> -> memref<1x8x128xf32, #tpu.memory_space<hbm>>
      %dma_start3A_322 = tpu.memref_squeeze %dma_start3A_321 : memref<1x8x128xf32, #tpu.memory_space<hbm>> -> memref<8x128xf32, #tpu.memory_space<hbm>>
      %dma_start3A_323 = arith.constant 24 : i32
      %dma_start3A_324 = arith.constant 0 : i32
      %dma_start3A_325 = tpu.memref_slice %arg10[%dma_start3A_323, %dma_start3A_324] : memref<64x129xf32, #tpu.memory_space<vmem>> -> memref<8x128xf32, #tpu.memory_space<vmem>>
      tpu.enqueue_dma source(%dma_start3A_325 : memref<8x128xf32, #tpu.memory_space<vmem>>) target(%dma_start3A_322 : memref<8x128xf32, #tpu.memory_space<hbm>>) target_semaphore(%arg14 : memref<!tpu.dma_semaphore, #tpu.memory_space<semaphore_mem>>)
      %add3A_326 = arith.constant 203264 : i32
      %add3A_327 = arith.addi %add3A_326, %add3A_9 : i32
      %dma_start3A_328 = arith.constant 32 : i32
      %dma_start3A_329 = arith.constant 0 : i32
      %dma_start3A_330 = tpu.memref_slice %arg10[%dma_start3A_328, %dma_start3A_329] : memref<64x129xf32, #tpu.memory_space<vmem>> -> memref<8x128xf32, #tpu.memory_space<vmem>>
      %dma_start3A_331 = arith.constant 0 : i32
      %dma_start3A_332 = arith.constant 0 : i32
      %dma_start3A_333 = tpu.memref_slice %arg4[%add3A_327, %dma_start3A_331, %dma_start3A_332] : memref<204800x8x128xf32, #tpu.memory_space<hbm>> -> memref<1x8x128xf32, #tpu.memory_space<hbm>>
      %dma_start3A_334 = tpu.memref_squeeze %dma_start3A_333 : memref<1x8x128xf32, #tpu.memory_space<hbm>> -> memref<8x128xf32, #tpu.memory_space<hbm>>
      %dma_start3A_335 = arith.constant 0 : i32
      %dma_start3A_336 = arith.constant 0 : i32
      %dma_start3A_337 = tpu.memref_slice %arg4[%add3A_327, %dma_start3A_335, %dma_start3A_336] : memref<204800x8x128xf32, #tpu.memory_space<hbm>> -> memref<1x8x128xf32, #tpu.memory_space<hbm>>
      %dma_start3A_338 = tpu.memref_squeeze %dma_start3A_337 : memref<1x8x128xf32, #tpu.memory_space<hbm>> -> memref<8x128xf32, #tpu.memory_space<hbm>>
      %dma_start3A_339 = arith.constant 32 : i32
      %dma_start3A_340 = arith.constant 0 : i32
      %dma_start3A_341 = tpu.memref_slice %arg10[%dma_start3A_339, %dma_start3A_340] : memref<64x129xf32, #tpu.memory_space<vmem>> -> memref<8x128xf32, #tpu.memory_space<vmem>>
      tpu.enqueue_dma source(%dma_start3A_341 : memref<8x128xf32, #tpu.memory_space<vmem>>) target(%dma_start3A_338 : memref<8x128xf32, #tpu.memory_space<hbm>>) target_semaphore(%arg14 : memref<!tpu.dma_semaphore, #tpu.memory_space<semaphore_mem>>)
      %add3A_342 = arith.constant 203392 : i32
      %add3A_343 = arith.addi %add3A_342, %add3A_9 : i32
      %dma_start3A_344 = arith.constant 40 : i32
      %dma_start3A_345 = arith.constant 0 : i32
      %dma_start3A_346 = tpu.memref_slice %arg10[%dma_start3A_344, %dma_start3A_345] : memref<64x129xf32, #tpu.memory_space<vmem>> -> memref<8x128xf32, #tpu.memory_space<vmem>>
      %dma_start3A_347 = arith.constant 0 : i32
      %dma_start3A_348 = arith.constant 0 : i32
      %dma_start3A_349 = tpu.memref_slice %arg4[%add3A_343, %dma_start3A_347, %dma_start3A_348] : memref<204800x8x128xf32, #tpu.memory_space<hbm>> -> memref<1x8x128xf32, #tpu.memory_space<hbm>>
      %dma_start3A_350 = tpu.memref_squeeze %dma_start3A_349 : memref<1x8x128xf32, #tpu.memory_space<hbm>> -> memref<8x128xf32, #tpu.memory_space<hbm>>
      %dma_start3A_351 = arith.constant 0 : i32
      %dma_start3A_352 = arith.constant 0 : i32
      %dma_start3A_353 = tpu.memref_slice %arg4[%add3A_343, %dma_start3A_351, %dma_start3A_352] : memref<204800x8x128xf32, #tpu.memory_space<hbm>> -> memref<1x8x128xf32, #tpu.memory_space<hbm>>
      %dma_start3A_354 = tpu.memref_squeeze %dma_start3A_353 : memref<1x8x128xf32, #tpu.memory_space<hbm>> -> memref<8x128xf32, #tpu.memory_space<hbm>>
      %dma_start3A_355 = arith.constant 40 : i32
      %dma_start3A_356 = arith.constant 0 : i32
      %dma_start3A_357 = tpu.memref_slice %arg10[%dma_start3A_355, %dma_start3A_356] : memref<64x129xf32, #tpu.memory_space<vmem>> -> memref<8x128xf32, #tpu.memory_space<vmem>>
      tpu.enqueue_dma source(%dma_start3A_357 : memref<8x128xf32, #tpu.memory_space<vmem>>) target(%dma_start3A_354 : memref<8x128xf32, #tpu.memory_space<hbm>>) target_semaphore(%arg14 : memref<!tpu.dma_semaphore, #tpu.memory_space<semaphore_mem>>)
      %add3A_358 = arith.constant 203520 : i32
      %add3A_359 = arith.addi %add3A_358, %add3A_9 : i32
      %dma_start3A_360 = arith.constant 48 : i32
      %dma_start3A_361 = arith.constant 0 : i32
      %dma_start3A_362 = tpu.memref_slice %arg10[%dma_start3A_360, %dma_start3A_361] : memref<64x129xf32, #tpu.memory_space<vmem>> -> memref<8x128xf32, #tpu.memory_space<vmem>>
      %dma_start3A_363 = arith.constant 0 : i32
      %dma_start3A_364 = arith.constant 0 : i32
      %dma_start3A_365 = tpu.memref_slice %arg4[%add3A_359, %dma_start3A_363, %dma_start3A_364] : memref<204800x8x128xf32, #tpu.memory_space<hbm>> -> memref<1x8x128xf32, #tpu.memory_space<hbm>>
      %dma_start3A_366 = tpu.memref_squeeze %dma_start3A_365 : memref<1x8x128xf32, #tpu.memory_space<hbm>> -> memref<8x128xf32, #tpu.memory_space<hbm>>
      %dma_start3A_367 = arith.constant 0 : i32
      %dma_start3A_368 = arith.constant 0 : i32
      %dma_start3A_369 = tpu.memref_slice %arg4[%add3A_359, %dma_start3A_367, %dma_start3A_368] : memref<204800x8x128xf32, #tpu.memory_space<hbm>> -> memref<1x8x128xf32, #tpu.memory_space<hbm>>
      %dma_start3A_370 = tpu.memref_squeeze %dma_start3A_369 : memref<1x8x128xf32, #tpu.memory_space<hbm>> -> memref<8x128xf32, #tpu.memory_space<hbm>>
      %dma_start3A_371 = arith.constant 48 : i32
      %dma_start3A_372 = arith.constant 0 : i32
      %dma_start3A_373 = tpu.memref_slice %arg10[%dma_start3A_371, %dma_start3A_372] : memref<64x129xf32, #tpu.memory_space<vmem>> -> memref<8x128xf32, #tpu.memory_space<vmem>>
      tpu.enqueue_dma source(%dma_start3A_373 : memref<8x128xf32, #tpu.memory_space<vmem>>) target(%dma_start3A_370 : memref<8x128xf32, #tpu.memory_space<hbm>>) target_semaphore(%arg14 : memref<!tpu.dma_semaphore, #tpu.memory_space<semaphore_mem>>)
      %add3A_374 = arith.constant 203648 : i32
      %add3A_375 = arith.addi %add3A_374, %add3A_9 : i32
      %dma_start3A_376 = arith.constant 56 : i32
      %dma_start3A_377 = arith.constant 0 : i32
      %dma_start3A_378 = tpu.memref_slice %arg10[%dma_start3A_376, %dma_start3A_377] : memref<64x129xf32, #tpu.memory_space<vmem>> -> memref<8x128xf32, #tpu.memory_space<vmem>>
      %dma_start3A_379 = arith.constant 0 : i32
      %dma_start3A_380 = arith.constant 0 : i32
      %dma_start3A_381 = tpu.memref_slice %arg4[%add3A_375, %dma_start3A_379, %dma_start3A_380] : memref<204800x8x128xf32, #tpu.memory_space<hbm>> -> memref<1x8x128xf32, #tpu.memory_space<hbm>>
      %dma_start3A_382 = tpu.memref_squeeze %dma_start3A_381 : memref<1x8x128xf32, #tpu.memory_space<hbm>> -> memref<8x128xf32, #tpu.memory_space<hbm>>
      %dma_start3A_383 = arith.constant 0 : i32
      %dma_start3A_384 = arith.constant 0 : i32
      %dma_start3A_385 = tpu.memref_slice %arg4[%add3A_375, %dma_start3A_383, %dma_start3A_384] : memref<204800x8x128xf32, #tpu.memory_space<hbm>> -> memref<1x8x128xf32, #tpu.memory_space<hbm>>
      %dma_start3A_386 = tpu.memref_squeeze %dma_start3A_385 : memref<1x8x128xf32, #tpu.memory_space<hbm>> -> memref<8x128xf32, #tpu.memory_space<hbm>>
      %dma_start3A_387 = arith.constant 56 : i32
      %dma_start3A_388 = arith.constant 0 : i32
      %dma_start3A_389 = tpu.memref_slice %arg10[%dma_start3A_387, %dma_start3A_388] : memref<64x129xf32, #tpu.memory_space<vmem>> -> memref<8x128xf32, #tpu.memory_space<vmem>>
      tpu.enqueue_dma source(%dma_start3A_389 : memref<8x128xf32, #tpu.memory_space<vmem>>) target(%dma_start3A_386 : memref<8x128xf32, #tpu.memory_space<hbm>>) target_semaphore(%arg14 : memref<!tpu.dma_semaphore, #tpu.memory_space<semaphore_mem>>)
      %dma_wait3A_390 = arith.constant 0 : i32
      %dma_wait3A_391 = arith.constant 0 : i32
      %dma_wait3A_392 = tpu.memref_slice %arg2[%dma_wait3A_390, %dma_wait3A_391] : memref<8192x64xf32, #tpu.memory_space<hbm>> -> memref<8192x64xf32, #tpu.memory_space<hbm>>
      tpu.wait_indirect_dma semaphore(%arg13 : memref<!tpu.dma_semaphore, #tpu.memory_space<semaphore_mem>>) src(%dma_wait3A_392 : memref<8192x64xf32, #tpu.memory_space<hbm>>) dst(%arg9 : memref<128x64xf32, #tpu.memory_space<vmem>>)
      %add3A_393 = arith.constant 201728 : i32
      %add3A_394 = arith.addi %add3A_393, %add3A_9 : i32
      %dma_wait3A_395 = arith.constant 0 : i32
      %dma_wait3A_396 = arith.constant 0 : i32
      %dma_wait3A_397 = tpu.memref_slice %arg11[%dma_wait3A_395, %dma_wait3A_396] : memref<64x129xf32, #tpu.memory_space<vmem>> -> memref<8x128xf32, #tpu.memory_space<vmem>>
      %dma_wait3A_398 = arith.constant 0 : i32
      %dma_wait3A_399 = arith.constant 0 : i32
      %dma_wait3A_400 = tpu.memref_slice %arg4[%add3A_394, %dma_wait3A_398, %dma_wait3A_399] : memref<204800x8x128xf32, #tpu.memory_space<hbm>> -> memref<1x8x128xf32, #tpu.memory_space<hbm>>
      %dma_wait3A_401 = tpu.memref_squeeze %dma_wait3A_400 : memref<1x8x128xf32, #tpu.memory_space<hbm>> -> memref<8x128xf32, #tpu.memory_space<hbm>>
      %dma_wait3A_402 = arith.constant 0 : i32
      %dma_wait3A_403 = arith.constant 0 : i32
      %dma_wait3A_404 = tpu.memref_slice %arg4[%add3A_394, %dma_wait3A_402, %dma_wait3A_403] : memref<204800x8x128xf32, #tpu.memory_space<hbm>> -> memref<1x8x128xf32, #tpu.memory_space<hbm>>
      %dma_wait3A_405 = tpu.memref_squeeze %dma_wait3A_404 : memref<1x8x128xf32, #tpu.memory_space<hbm>> -> memref<8x128xf32, #tpu.memory_space<hbm>>
      %dma_wait3A_406 = arith.constant 0 : i32
      %dma_wait3A_407 = arith.constant 0 : i32
      %dma_wait3A_408 = tpu.memref_slice %arg11[%dma_wait3A_406, %dma_wait3A_407] : memref<64x129xf32, #tpu.memory_space<vmem>> -> memref<8x128xf32, #tpu.memory_space<vmem>>
      tpu.wait_dma2 semaphore(%arg15 : memref<!tpu.dma_semaphore, #tpu.memory_space<semaphore_mem>>) src(%dma_wait3A_408 : memref<8x128xf32, #tpu.memory_space<vmem>>) dst(%dma_wait3A_405 : memref<8x128xf32, #tpu.memory_space<hbm>>)
      %add3A_409 = arith.constant 201856 : i32
      %add3A_410 = arith.addi %add3A_409, %add3A_9 : i32
      %dma_wait3A_411 = arith.constant 8 : i32
      %dma_wait3A_412 = arith.constant 0 : i32
      %dma_wait3A_413 = tpu.memref_slice %arg11[%dma_wait3A_411, %dma_wait3A_412] : memref<64x129xf32, #tpu.memory_space<vmem>> -> memref<8x128xf32, #tpu.memory_space<vmem>>
      %dma_wait3A_414 = arith.constant 0 : i32
      %dma_wait3A_415 = arith.constant 0 : i32
      %dma_wait3A_416 = tpu.memref_slice %arg4[%add3A_410, %dma_wait3A_414, %dma_wait3A_415] : memref<204800x8x128xf32, #tpu.memory_space<hbm>> -> memref<1x8x128xf32, #tpu.memory_space<hbm>>
      %dma_wait3A_417 = tpu.memref_squeeze %dma_wait3A_416 : memref<1x8x128xf32, #tpu.memory_space<hbm>> -> memref<8x128xf32, #tpu.memory_space<hbm>>
      %dma_wait3A_418 = arith.constant 0 : i32
      %dma_wait3A_419 = arith.constant 0 : i32
      %dma_wait3A_420 = tpu.memref_slice %arg4[%add3A_410, %dma_wait3A_418, %dma_wait3A_419] : memref<204800x8x128xf32, #tpu.memory_space<hbm>> -> memref<1x8x128xf32, #tpu.memory_space<hbm>>
      %dma_wait3A_421 = tpu.memref_squeeze %dma_wait3A_420 : memref<1x8x128xf32, #tpu.memory_space<hbm>> -> memref<8x128xf32, #tpu.memory_space<hbm>>
      %dma_wait3A_422 = arith.constant 8 : i32
      %dma_wait3A_423 = arith.constant 0 : i32
      %dma_wait3A_424 = tpu.memref_slice %arg11[%dma_wait3A_422, %dma_wait3A_423] : memref<64x129xf32, #tpu.memory_space<vmem>> -> memref<8x128xf32, #tpu.memory_space<vmem>>
      tpu.wait_dma2 semaphore(%arg15 : memref<!tpu.dma_semaphore, #tpu.memory_space<semaphore_mem>>) src(%dma_wait3A_424 : memref<8x128xf32, #tpu.memory_space<vmem>>) dst(%dma_wait3A_421 : memref<8x128xf32, #tpu.memory_space<hbm>>)
      %add3A_425 = arith.constant 201984 : i32
      %add3A_426 = arith.addi %add3A_425, %add3A_9 : i32
      %dma_wait3A_427 = arith.constant 16 : i32
      %dma_wait3A_428 = arith.constant 0 : i32
      %dma_wait3A_429 = tpu.memref_slice %arg11[%dma_wait3A_427, %dma_wait3A_428] : memref<64x129xf32, #tpu.memory_space<vmem>> -> memref<8x128xf32, #tpu.memory_space<vmem>>
      %dma_wait3A_430 = arith.constant 0 : i32
      %dma_wait3A_431 = arith.constant 0 : i32
      %dma_wait3A_432 = tpu.memref_slice %arg4[%add3A_426, %dma_wait3A_430, %dma_wait3A_431] : memref<204800x8x128xf32, #tpu.memory_space<hbm>> -> memref<1x8x128xf32, #tpu.memory_space<hbm>>
      %dma_wait3A_433 = tpu.memref_squeeze %dma_wait3A_432 : memref<1x8x128xf32, #tpu.memory_space<hbm>> -> memref<8x128xf32, #tpu.memory_space<hbm>>
      %dma_wait3A_434 = arith.constant 0 : i32
      %dma_wait3A_435 = arith.constant 0 : i32
      %dma_wait3A_436 = tpu.memref_slice %arg4[%add3A_426, %dma_wait3A_434, %dma_wait3A_435] : memref<204800x8x128xf32, #tpu.memory_space<hbm>> -> memref<1x8x128xf32, #tpu.memory_space<hbm>>
      %dma_wait3A_437 = tpu.memref_squeeze %dma_wait3A_436 : memref<1x8x128xf32, #tpu.memory_space<hbm>> -> memref<8x128xf32, #tpu.memory_space<hbm>>
      %dma_wait3A_438 = arith.constant 16 : i32
      %dma_wait3A_439 = arith.constant 0 : i32
      %dma_wait3A_440 = tpu.memref_slice %arg11[%dma_wait3A_438, %dma_wait3A_439] : memref<64x129xf32, #tpu.memory_space<vmem>> -> memref<8x128xf32, #tpu.memory_space<vmem>>
      tpu.wait_dma2 semaphore(%arg15 : memref<!tpu.dma_semaphore, #tpu.memory_space<semaphore_mem>>) src(%dma_wait3A_440 : memref<8x128xf32, #tpu.memory_space<vmem>>) dst(%dma_wait3A_437 : memref<8x128xf32, #tpu.memory_space<hbm>>)
      %add3A_441 = arith.constant 202112 : i32
      %add3A_442 = arith.addi %add3A_441, %add3A_9 : i32
      %dma_wait3A_443 = arith.constant 24 : i32
      %dma_wait3A_444 = arith.constant 0 : i32
      %dma_wait3A_445 = tpu.memref_slice %arg11[%dma_wait3A_443, %dma_wait3A_444] : memref<64x129xf32, #tpu.memory_space<vmem>> -> memref<8x128xf32, #tpu.memory_space<vmem>>
      %dma_wait3A_446 = arith.constant 0 : i32
      %dma_wait3A_447 = arith.constant 0 : i32
      %dma_wait3A_448 = tpu.memref_slice %arg4[%add3A_442, %dma_wait3A_446, %dma_wait3A_447] : memref<204800x8x128xf32, #tpu.memory_space<hbm>> -> memref<1x8x128xf32, #tpu.memory_space<hbm>>
      %dma_wait3A_449 = tpu.memref_squeeze %dma_wait3A_448 : memref<1x8x128xf32, #tpu.memory_space<hbm>> -> memref<8x128xf32, #tpu.memory_space<hbm>>
      %dma_wait3A_450 = arith.constant 0 : i32
      %dma_wait3A_451 = arith.constant 0 : i32
      %dma_wait3A_452 = tpu.memref_slice %arg4[%add3A_442, %dma_wait3A_450, %dma_wait3A_451] : memref<204800x8x128xf32, #tpu.memory_space<hbm>> -> memref<1x8x128xf32, #tpu.memory_space<hbm>>
      %dma_wait3A_453 = tpu.memref_squeeze %dma_wait3A_452 : memref<1x8x128xf32, #tpu.memory_space<hbm>> -> memref<8x128xf32, #tpu.memory_space<hbm>>
      %dma_wait3A_454 = arith.constant 24 : i32
      %dma_wait3A_455 = arith.constant 0 : i32
      %dma_wait3A_456 = tpu.memref_slice %arg11[%dma_wait3A_454, %dma_wait3A_455] : memref<64x129xf32, #tpu.memory_space<vmem>> -> memref<8x128xf32, #tpu.memory_space<vmem>>
      tpu.wait_dma2 semaphore(%arg15 : memref<!tpu.dma_semaphore, #tpu.memory_space<semaphore_mem>>) src(%dma_wait3A_456 : memref<8x128xf32, #tpu.memory_space<vmem>>) dst(%dma_wait3A_453 : memref<8x128xf32, #tpu.memory_space<hbm>>)
      %add3A_457 = arith.constant 202240 : i32
      %add3A_458 = arith.addi %add3A_457, %add3A_9 : i32
      %dma_wait3A_459 = arith.constant 32 : i32
      %dma_wait3A_460 = arith.constant 0 : i32
      %dma_wait3A_461 = tpu.memref_slice %arg11[%dma_wait3A_459, %dma_wait3A_460] : memref<64x129xf32, #tpu.memory_space<vmem>> -> memref<8x128xf32, #tpu.memory_space<vmem>>
      %dma_wait3A_462 = arith.constant 0 : i32
      %dma_wait3A_463 = arith.constant 0 : i32
      %dma_wait3A_464 = tpu.memref_slice %arg4[%add3A_458, %dma_wait3A_462, %dma_wait3A_463] : memref<204800x8x128xf32, #tpu.memory_space<hbm>> -> memref<1x8x128xf32, #tpu.memory_space<hbm>>
      %dma_wait3A_465 = tpu.memref_squeeze %dma_wait3A_464 : memref<1x8x128xf32, #tpu.memory_space<hbm>> -> memref<8x128xf32, #tpu.memory_space<hbm>>
      %dma_wait3A_466 = arith.constant 0 : i32
      %dma_wait3A_467 = arith.constant 0 : i32
      %dma_wait3A_468 = tpu.memref_slice %arg4[%add3A_458, %dma_wait3A_466, %dma_wait3A_467] : memref<204800x8x128xf32, #tpu.memory_space<hbm>> -> memref<1x8x128xf32, #tpu.memory_space<hbm>>
      %dma_wait3A_469 = tpu.memref_squeeze %dma_wait3A_468 : memref<1x8x128xf32, #tpu.memory_space<hbm>> -> memref<8x128xf32, #tpu.memory_space<hbm>>
      %dma_wait3A_470 = arith.constant 32 : i32
      %dma_wait3A_471 = arith.constant 0 : i32
      %dma_wait3A_472 = tpu.memref_slice %arg11[%dma_wait3A_470, %dma_wait3A_471] : memref<64x129xf32, #tpu.memory_space<vmem>> -> memref<8x128xf32, #tpu.memory_space<vmem>>
      tpu.wait_dma2 semaphore(%arg15 : memref<!tpu.dma_semaphore, #tpu.memory_space<semaphore_mem>>) src(%dma_wait3A_472 : memref<8x128xf32, #tpu.memory_space<vmem>>) dst(%dma_wait3A_469 : memref<8x128xf32, #tpu.memory_space<hbm>>)
      %add3A_473 = arith.constant 202368 : i32
      %add3A_474 = arith.addi %add3A_473, %add3A_9 : i32
      %dma_wait3A_475 = arith.constant 40 : i32
      %dma_wait3A_476 = arith.constant 0 : i32
      %dma_wait3A_477 = tpu.memref_slice %arg11[%dma_wait3A_475, %dma_wait3A_476] : memref<64x129xf32, #tpu.memory_space<vmem>> -> memref<8x128xf32, #tpu.memory_space<vmem>>
      %dma_wait3A_478 = arith.constant 0 : i32
      %dma_wait3A_479 = arith.constant 0 : i32
      %dma_wait3A_480 = tpu.memref_slice %arg4[%add3A_474, %dma_wait3A_478, %dma_wait3A_479] : memref<204800x8x128xf32, #tpu.memory_space<hbm>> -> memref<1x8x128xf32, #tpu.memory_space<hbm>>
      %dma_wait3A_481 = tpu.memref_squeeze %dma_wait3A_480 : memref<1x8x128xf32, #tpu.memory_space<hbm>> -> memref<8x128xf32, #tpu.memory_space<hbm>>
      %dma_wait3A_482 = arith.constant 0 : i32
      %dma_wait3A_483 = arith.constant 0 : i32
      %dma_wait3A_484 = tpu.memref_slice %arg4[%add3A_474, %dma_wait3A_482, %dma_wait3A_483] : memref<204800x8x128xf32, #tpu.memory_space<hbm>> -> memref<1x8x128xf32, #tpu.memory_space<hbm>>
      %dma_wait3A_485 = tpu.memref_squeeze %dma_wait3A_484 : memref<1x8x128xf32, #tpu.memory_space<hbm>> -> memref<8x128xf32, #tpu.memory_space<hbm>>
      %dma_wait3A_486 = arith.constant 40 : i32
      %dma_wait3A_487 = arith.constant 0 : i32
      %dma_wait3A_488 = tpu.memref_slice %arg11[%dma_wait3A_486, %dma_wait3A_487] : memref<64x129xf32, #tpu.memory_space<vmem>> -> memref<8x128xf32, #tpu.memory_space<vmem>>
      tpu.wait_dma2 semaphore(%arg15 : memref<!tpu.dma_semaphore, #tpu.memory_space<semaphore_mem>>) src(%dma_wait3A_488 : memref<8x128xf32, #tpu.memory_space<vmem>>) dst(%dma_wait3A_485 : memref<8x128xf32, #tpu.memory_space<hbm>>)
      %add3A_489 = arith.constant 202496 : i32
      %add3A_490 = arith.addi %add3A_489, %add3A_9 : i32
      %dma_wait3A_491 = arith.constant 48 : i32
      %dma_wait3A_492 = arith.constant 0 : i32
      %dma_wait3A_493 = tpu.memref_slice %arg11[%dma_wait3A_491, %dma_wait3A_492] : memref<64x129xf32, #tpu.memory_space<vmem>> -> memref<8x128xf32, #tpu.memory_space<vmem>>
      %dma_wait3A_494 = arith.constant 0 : i32
      %dma_wait3A_495 = arith.constant 0 : i32
      %dma_wait3A_496 = tpu.memref_slice %arg4[%add3A_490, %dma_wait3A_494, %dma_wait3A_495] : memref<204800x8x128xf32, #tpu.memory_space<hbm>> -> memref<1x8x128xf32, #tpu.memory_space<hbm>>
      %dma_wait3A_497 = tpu.memref_squeeze %dma_wait3A_496 : memref<1x8x128xf32, #tpu.memory_space<hbm>> -> memref<8x128xf32, #tpu.memory_space<hbm>>
      %dma_wait3A_498 = arith.constant 0 : i32
      %dma_wait3A_499 = arith.constant 0 : i32
      %dma_wait3A_500 = tpu.memref_slice %arg4[%add3A_490, %dma_wait3A_498, %dma_wait3A_499] : memref<204800x8x128xf32, #tpu.memory_space<hbm>> -> memref<1x8x128xf32, #tpu.memory_space<hbm>>
      %dma_wait3A_501 = tpu.memref_squeeze %dma_wait3A_500 : memref<1x8x128xf32, #tpu.memory_space<hbm>> -> memref<8x128xf32, #tpu.memory_space<hbm>>
      %dma_wait3A_502 = arith.constant 48 : i32
      %dma_wait3A_503 = arith.constant 0 : i32
      %dma_wait3A_504 = tpu.memref_slice %arg11[%dma_wait3A_502, %dma_wait3A_503] : memref<64x129xf32, #tpu.memory_space<vmem>> -> memref<8x128xf32, #tpu.memory_space<vmem>>
      tpu.wait_dma2 semaphore(%arg15 : memref<!tpu.dma_semaphore, #tpu.memory_space<semaphore_mem>>) src(%dma_wait3A_504 : memref<8x128xf32, #tpu.memory_space<vmem>>) dst(%dma_wait3A_501 : memref<8x128xf32, #tpu.memory_space<hbm>>)
      %add3A_505 = arith.constant 202624 : i32
      %add3A_506 = arith.addi %add3A_505, %add3A_9 : i32
      %dma_wait3A_507 = arith.constant 56 : i32
      %dma_wait3A_508 = arith.constant 0 : i32
      %dma_wait3A_509 = tpu.memref_slice %arg11[%dma_wait3A_507, %dma_wait3A_508] : memref<64x129xf32, #tpu.memory_space<vmem>> -> memref<8x128xf32, #tpu.memory_space<vmem>>
      %dma_wait3A_510 = arith.constant 0 : i32
      %dma_wait3A_511 = arith.constant 0 : i32
      %dma_wait3A_512 = tpu.memref_slice %arg4[%add3A_506, %dma_wait3A_510, %dma_wait3A_511] : memref<204800x8x128xf32, #tpu.memory_space<hbm>> -> memref<1x8x128xf32, #tpu.memory_space<hbm>>
      %dma_wait3A_513 = tpu.memref_squeeze %dma_wait3A_512 : memref<1x8x128xf32, #tpu.memory_space<hbm>> -> memref<8x128xf32, #tpu.memory_space<hbm>>
      %dma_wait3A_514 = arith.constant 0 : i32
      %dma_wait3A_515 = arith.constant 0 : i32
      %dma_wait3A_516 = tpu.memref_slice %arg4[%add3A_506, %dma_wait3A_514, %dma_wait3A_515] : memref<204800x8x128xf32, #tpu.memory_space<hbm>> -> memref<1x8x128xf32, #tpu.memory_space<hbm>>
      %dma_wait3A_517 = tpu.memref_squeeze %dma_wait3A_516 : memref<1x8x128xf32, #tpu.memory_space<hbm>> -> memref<8x128xf32, #tpu.memory_space<hbm>>
      %dma_wait3A_518 = arith.constant 56 : i32
      %dma_wait3A_519 = arith.constant 0 : i32
      %dma_wait3A_520 = tpu.memref_slice %arg11[%dma_wait3A_518, %dma_wait3A_519] : memref<64x129xf32, #tpu.memory_space<vmem>> -> memref<8x128xf32, #tpu.memory_space<vmem>>
      tpu.wait_dma2 semaphore(%arg15 : memref<!tpu.dma_semaphore, #tpu.memory_space<semaphore_mem>>) src(%dma_wait3A_520 : memref<8x128xf32, #tpu.memory_space<vmem>>) dst(%dma_wait3A_517 : memref<8x128xf32, #tpu.memory_space<hbm>>)
      %scan3A_521 = arith.constant 0 : i32
      %scan3A_522 = arith.constant 0 : i32
      %scan3A_523 = arith.constant 16 : i32
      %scan3A_524 = arith.addi %scan3A_522, %scan3A_523 : i32
      %scan3A_525 = arith.constant 1 : i32
      scf.for %scan3A_911 = %scan3A_522 to %scan3A_524 step %scan3A_525  : i32 {
        %mul3A_912 = arith.constant 8 : i32
        %mul3A_913 = arith.muli %scan3A_911, %mul3A_912 : i32
        %add3A_914 = arith.constant 0 : i32
        %add3A_915 = arith.addi %mul3A_913, %add3A_914 : i32
        %broadcast_in_dim3A_916 = arith.constant 0 : i32
        %broadcast_in_dim3A_917 = vector.broadcast %broadcast_in_dim3A_916 : i32 to vector<16xi32>
        %add3A_918 = vector.broadcast %add3A_915 : i32 to vector<16xi32>
        %add3A_919 = arith.addi %broadcast_in_dim3A_917, %add3A_918 : vector<16xi32>
        %get3A = arith.index_cast %add3A_915 : i32 to index
        %get3A_920 = arith.constant 0 : index
        %get3A_921 = tpu.vector_load %arg9[%get3A, %get3A_920] {strides = array<i32>} : memref<128x64xf32, #tpu.memory_space<vmem>>, vector<16xf32>,
        %add3A_922 = arith.constant 0 : i32
        %add3A_923 = vector.broadcast %add3A_922 : i32 to vector<16xi32>
        %add3A_924 = arith.addi %iota3A, %add3A_923 : vector<16xi32>
        tpu.vector_store_idx %arg11[%add3A_924, %add3A_919], %get3A_921 : memref<64x129xf32, #tpu.memory_space<vmem>>[vector<16xi32>, vector<16xi32>], vector<16xf32>,
        %get3A_925 = arith.index_cast %add3A_915 : i32 to index
        %get3A_926 = arith.constant 16 : index
        %get3A_927 = tpu.vector_load %arg9[%get3A_925, %get3A_926] {strides = array<i32>} : memref<128x64xf32, #tpu.memory_space<vmem>>, vector<16xf32>,
        %add3A_928 = arith.constant 16 : i32
        %add3A_929 = vector.broadcast %add3A_928 : i32 to vector<16xi32>
        %add3A_930 = arith.addi %iota3A, %add3A_929 : vector<16xi32>
        tpu.vector_store_idx %arg11[%add3A_930, %add3A_919], %get3A_927 : memref<64x129xf32, #tpu.memory_space<vmem>>[vector<16xi32>, vector<16xi32>], vector<16xf32>,
        %get3A_931 = arith.index_cast %add3A_915 : i32 to index
        %get3A_932 = arith.constant 32 : index
        %get3A_933 = tpu.vector_load %arg9[%get3A_931, %get3A_932] {strides = array<i32>} : memref<128x64xf32, #tpu.memory_space<vmem>>, vector<16xf32>,
        %add3A_934 = arith.constant 32 : i32
        %add3A_935 = vector.broadcast %add3A_934 : i32 to vector<16xi32>
        %add3A_936 = arith.addi %iota3A, %add3A_935 : vector<16xi32>
        tpu.vector_store_idx %arg11[%add3A_936, %add3A_919], %get3A_933 : memref<64x129xf32, #tpu.memory_space<vmem>>[vector<16xi32>, vector<16xi32>], vector<16xf32>,
        %get3A_937 = arith.index_cast %add3A_915 : i32 to index
        %get3A_938 = arith.constant 48 : index
        %get3A_939 = tpu.vector_load %arg9[%get3A_937, %get3A_938] {strides = array<i32>} : memref<128x64xf32, #tpu.memory_space<vmem>>, vector<16xf32>,
        %add3A_940 = arith.constant 48 : i32
        %add3A_941 = vector.broadcast %add3A_940 : i32 to vector<16xi32>
        %add3A_942 = arith.addi %iota3A, %add3A_941 : vector<16xi32>
        tpu.vector_store_idx %arg11[%add3A_942, %add3A_919], %get3A_939 : memref<64x129xf32, #tpu.memory_space<vmem>>[vector<16xi32>, vector<16xi32>], vector<16xf32>,
        %mul3A_943 = arith.constant 8 : i32
        %mul3A_944 = arith.muli %scan3A_911, %mul3A_943 : i32
        %add3A_945 = arith.constant 1 : i32
        %add3A_946 = arith.addi %mul3A_944, %add3A_945 : i32
        %broadcast_in_dim3A_947 = arith.constant 0 : i32
        %broadcast_in_dim3A_948 = vector.broadcast %broadcast_in_dim3A_947 : i32 to vector<16xi32>
        %add3A_949 = vector.broadcast %add3A_946 : i32 to vector<16xi32>
        %add3A_950 = arith.addi %broadcast_in_dim3A_948, %add3A_949 : vector<16xi32>
        %get3A_951 = arith.index_cast %add3A_946 : i32 to index
        %get3A_952 = arith.constant 0 : index
        %get3A_953 = tpu.vector_load %arg9[%get3A_951, %get3A_952] {strides = array<i32>} : memref<128x64xf32, #tpu.memory_space<vmem>>, vector<16xf32>,
        %add3A_954 = arith.constant 0 : i32
        %add3A_955 = vector.broadcast %add3A_954 : i32 to vector<16xi32>
        %add3A_956 = arith.addi %iota3A, %add3A_955 : vector<16xi32>
        tpu.vector_store_idx %arg11[%add3A_956, %add3A_950], %get3A_953 : memref<64x129xf32, #tpu.memory_space<vmem>>[vector<16xi32>, vector<16xi32>], vector<16xf32>,
        %get3A_957 = arith.index_cast %add3A_946 : i32 to index
        %get3A_958 = arith.constant 16 : index
        %get3A_959 = tpu.vector_load %arg9[%get3A_957, %get3A_958] {strides = array<i32>} : memref<128x64xf32, #tpu.memory_space<vmem>>, vector<16xf32>,
        %add3A_960 = arith.constant 16 : i32
        %add3A_961 = vector.broadcast %add3A_960 : i32 to vector<16xi32>
        %add3A_962 = arith.addi %iota3A, %add3A_961 : vector<16xi32>
        tpu.vector_store_idx %arg11[%add3A_962, %add3A_950], %get3A_959 : memref<64x129xf32, #tpu.memory_space<vmem>>[vector<16xi32>, vector<16xi32>], vector<16xf32>,
        %get3A_963 = arith.index_cast %add3A_946 : i32 to index
        %get3A_964 = arith.constant 32 : index
        %get3A_965 = tpu.vector_load %arg9[%get3A_963, %get3A_964] {strides = array<i32>} : memref<128x64xf32, #tpu.memory_space<vmem>>, vector<16xf32>,
        %add3A_966 = arith.constant 32 : i32
        %add3A_967 = vector.broadcast %add3A_966 : i32 to vector<16xi32>
        %add3A_968 = arith.addi %iota3A, %add3A_967 : vector<16xi32>
        tpu.vector_store_idx %arg11[%add3A_968, %add3A_950], %get3A_965 : memref<64x129xf32, #tpu.memory_space<vmem>>[vector<16xi32>, vector<16xi32>], vector<16xf32>,
        %get3A_969 = arith.index_cast %add3A_946 : i32 to index
        %get3A_970 = arith.constant 48 : index
        %get3A_971 = tpu.vector_load %arg9[%get3A_969, %get3A_970] {strides = array<i32>} : memref<128x64xf32, #tpu.memory_space<vmem>>, vector<16xf32>,
        %add3A_972 = arith.constant 48 : i32
        %add3A_973 = vector.broadcast %add3A_972 : i32 to vector<16xi32>
        %add3A_974 = arith.addi %iota3A, %add3A_973 : vector<16xi32>
        tpu.vector_store_idx %arg11[%add3A_974, %add3A_950], %get3A_971 : memref<64x129xf32, #tpu.memory_space<vmem>>[vector<16xi32>, vector<16xi32>], vector<16xf32>,
        %mul3A_975 = arith.constant 8 : i32
        %mul3A_976 = arith.muli %scan3A_911, %mul3A_975 : i32
        %add3A_977 = arith.constant 2 : i32
        %add3A_978 = arith.addi %mul3A_976, %add3A_977 : i32
        %broadcast_in_dim3A_979 = arith.constant 0 : i32
        %broadcast_in_dim3A_980 = vector.broadcast %broadcast_in_dim3A_979 : i32 to vector<16xi32>
        %add3A_981 = vector.broadcast %add3A_978 : i32 to vector<16xi32>
        %add3A_982 = arith.addi %broadcast_in_dim3A_980, %add3A_981 : vector<16xi32>
        %get3A_983 = arith.index_cast %add3A_978 : i32 to index
        %get3A_984 = arith.constant 0 : index
        %get3A_985 = tpu.vector_load %arg9[%get3A_983, %get3A_984] {strides = array<i32>} : memref<128x64xf32, #tpu.memory_space<vmem>>, vector<16xf32>,
        %add3A_986 = arith.constant 0 : i32
        %add3A_987 = vector.broadcast %add3A_986 : i32 to vector<16xi32>
        %add3A_988 = arith.addi %iota3A, %add3A_987 : vector<16xi32>
        tpu.vector_store_idx %arg11[%add3A_988, %add3A_982], %get3A_985 : memref<64x129xf32, #tpu.memory_space<vmem>>[vector<16xi32>, vector<16xi32>], vector<16xf32>,
        %get3A_989 = arith.index_cast %add3A_978 : i32 to index
        %get3A_990 = arith.constant 16 : index
        %get3A_991 = tpu.vector_load %arg9[%get3A_989, %get3A_990] {strides = array<i32>} : memref<128x64xf32, #tpu.memory_space<vmem>>, vector<16xf32>,
        %add3A_992 = arith.constant 16 : i32
        %add3A_993 = vector.broadcast %add3A_992 : i32 to vector<16xi32>
        %add3A_994 = arith.addi %iota3A, %add3A_993 : vector<16xi32>
        tpu.vector_store_idx %arg11[%add3A_994, %add3A_982], %get3A_991 : memref<64x129xf32, #tpu.memory_space<vmem>>[vector<16xi32>, vector<16xi32>], vector<16xf32>,
        %get3A_995 = arith.index_cast %add3A_978 : i32 to index
        %get3A_996 = arith.constant 32 : index
        %get3A_997 = tpu.vector_load %arg9[%get3A_995, %get3A_996] {strides = array<i32>} : memref<128x64xf32, #tpu.memory_space<vmem>>, vector<16xf32>,
        %add3A_998 = arith.constant 32 : i32
        %add3A_999 = vector.broadcast %add3A_998 : i32 to vector<16xi32>
        %add3A_1000 = arith.addi %iota3A, %add3A_999 : vector<16xi32>
        tpu.vector_store_idx %arg11[%add3A_1000, %add3A_982], %get3A_997 : memref<64x129xf32, #tpu.memory_space<vmem>>[vector<16xi32>, vector<16xi32>], vector<16xf32>,
        %get3A_1001 = arith.index_cast %add3A_978 : i32 to index
        %get3A_1002 = arith.constant 48 : index
        %get3A_1003 = tpu.vector_load %arg9[%get3A_1001, %get3A_1002] {strides = array<i32>} : memref<128x64xf32, #tpu.memory_space<vmem>>, vector<16xf32>,
        %add3A_1004 = arith.constant 48 : i32
        %add3A_1005 = vector.broadcast %add3A_1004 : i32 to vector<16xi32>
        %add3A_1006 = arith.addi %iota3A, %add3A_1005 : vector<16xi32>
        tpu.vector_store_idx %arg11[%add3A_1006, %add3A_982], %get3A_1003 : memref<64x129xf32, #tpu.memory_space<vmem>>[vector<16xi32>, vector<16xi32>], vector<16xf32>,
        %mul3A_1007 = arith.constant 8 : i32
        %mul3A_1008 = arith.muli %scan3A_911, %mul3A_1007 : i32
        %add3A_1009 = arith.constant 3 : i32
        %add3A_1010 = arith.addi %mul3A_1008, %add3A_1009 : i32
        %broadcast_in_dim3A_1011 = arith.constant 0 : i32
        %broadcast_in_dim3A_1012 = vector.broadcast %broadcast_in_dim3A_1011 : i32 to vector<16xi32>
        %add3A_1013 = vector.broadcast %add3A_1010 : i32 to vector<16xi32>
        %add3A_1014 = arith.addi %broadcast_in_dim3A_1012, %add3A_1013 : vector<16xi32>
        %get3A_1015 = arith.index_cast %add3A_1010 : i32 to index
        %get3A_1016 = arith.constant 0 : index
        %get3A_1017 = tpu.vector_load %arg9[%get3A_1015, %get3A_1016] {strides = array<i32>} : memref<128x64xf32, #tpu.memory_space<vmem>>, vector<16xf32>,
        %add3A_1018 = arith.constant 0 : i32
        %add3A_1019 = vector.broadcast %add3A_1018 : i32 to vector<16xi32>
        %add3A_1020 = arith.addi %iota3A, %add3A_1019 : vector<16xi32>
        tpu.vector_store_idx %arg11[%add3A_1020, %add3A_1014], %get3A_1017 : memref<64x129xf32, #tpu.memory_space<vmem>>[vector<16xi32>, vector<16xi32>], vector<16xf32>,
        %get3A_1021 = arith.index_cast %add3A_1010 : i32 to index
        %get3A_1022 = arith.constant 16 : index
        %get3A_1023 = tpu.vector_load %arg9[%get3A_1021, %get3A_1022] {strides = array<i32>} : memref<128x64xf32, #tpu.memory_space<vmem>>, vector<16xf32>,
        %add3A_1024 = arith.constant 16 : i32
        %add3A_1025 = vector.broadcast %add3A_1024 : i32 to vector<16xi32>
        %add3A_1026 = arith.addi %iota3A, %add3A_1025 : vector<16xi32>
        tpu.vector_store_idx %arg11[%add3A_1026, %add3A_1014], %get3A_1023 : memref<64x129xf32, #tpu.memory_space<vmem>>[vector<16xi32>, vector<16xi32>], vector<16xf32>,
        %get3A_1027 = arith.index_cast %add3A_1010 : i32 to index
        %get3A_1028 = arith.constant 32 : index
        %get3A_1029 = tpu.vector_load %arg9[%get3A_1027, %get3A_1028] {strides = array<i32>} : memref<128x64xf32, #tpu.memory_space<vmem>>, vector<16xf32>,
        %add3A_1030 = arith.constant 32 : i32
        %add3A_1031 = vector.broadcast %add3A_1030 : i32 to vector<16xi32>
        %add3A_1032 = arith.addi %iota3A, %add3A_1031 : vector<16xi32>
        tpu.vector_store_idx %arg11[%add3A_1032, %add3A_1014], %get3A_1029 : memref<64x129xf32, #tpu.memory_space<vmem>>[vector<16xi32>, vector<16xi32>], vector<16xf32>,
        %get3A_1033 = arith.index_cast %add3A_1010 : i32 to index
        %get3A_1034 = arith.constant 48 : index
        %get3A_1035 = tpu.vector_load %arg9[%get3A_1033, %get3A_1034] {strides = array<i32>} : memref<128x64xf32, #tpu.memory_space<vmem>>, vector<16xf32>,
        %add3A_1036 = arith.constant 48 : i32
        %add3A_1037 = vector.broadcast %add3A_1036 : i32 to vector<16xi32>
        %add3A_1038 = arith.addi %iota3A, %add3A_1037 : vector<16xi32>
        tpu.vector_store_idx %arg11[%add3A_1038, %add3A_1014], %get3A_1035 : memref<64x129xf32, #tpu.memory_space<vmem>>[vector<16xi32>, vector<16xi32>], vector<16xf32>,
        %mul3A_1039 = arith.constant 8 : i32
        %mul3A_1040 = arith.muli %scan3A_911, %mul3A_1039 : i32
        %add3A_1041 = arith.constant 4 : i32
        %add3A_1042 = arith.addi %mul3A_1040, %add3A_1041 : i32
        %broadcast_in_dim3A_1043 = arith.constant 0 : i32
        %broadcast_in_dim3A_1044 = vector.broadcast %broadcast_in_dim3A_1043 : i32 to vector<16xi32>
        %add3A_1045 = vector.broadcast %add3A_1042 : i32 to vector<16xi32>
        %add3A_1046 = arith.addi %broadcast_in_dim3A_1044, %add3A_1045 : vector<16xi32>
        %get3A_1047 = arith.index_cast %add3A_1042 : i32 to index
        %get3A_1048 = arith.constant 0 : index
        %get3A_1049 = tpu.vector_load %arg9[%get3A_1047, %get3A_1048] {strides = array<i32>} : memref<128x64xf32, #tpu.memory_space<vmem>>, vector<16xf32>,
        %add3A_1050 = arith.constant 0 : i32
        %add3A_1051 = vector.broadcast %add3A_1050 : i32 to vector<16xi32>
        %add3A_1052 = arith.addi %iota3A, %add3A_1051 : vector<16xi32>
        tpu.vector_store_idx %arg11[%add3A_1052, %add3A_1046], %get3A_1049 : memref<64x129xf32, #tpu.memory_space<vmem>>[vector<16xi32>, vector<16xi32>], vector<16xf32>,
        %get3A_1053 = arith.index_cast %add3A_1042 : i32 to index
        %get3A_1054 = arith.constant 16 : index
        %get3A_1055 = tpu.vector_load %arg9[%get3A_1053, %get3A_1054] {strides = array<i32>} : memref<128x64xf32, #tpu.memory_space<vmem>>, vector<16xf32>,
        %add3A_1056 = arith.constant 16 : i32
        %add3A_1057 = vector.broadcast %add3A_1056 : i32 to vector<16xi32>
        %add3A_1058 = arith.addi %iota3A, %add3A_1057 : vector<16xi32>
        tpu.vector_store_idx %arg11[%add3A_1058, %add3A_1046], %get3A_1055 : memref<64x129xf32, #tpu.memory_space<vmem>>[vector<16xi32>, vector<16xi32>], vector<16xf32>,
        %get3A_1059 = arith.index_cast %add3A_1042 : i32 to index
        %get3A_1060 = arith.constant 32 : index
        %get3A_1061 = tpu.vector_load %arg9[%get3A_1059, %get3A_1060] {strides = array<i32>} : memref<128x64xf32, #tpu.memory_space<vmem>>, vector<16xf32>,
        %add3A_1062 = arith.constant 32 : i32
        %add3A_1063 = vector.broadcast %add3A_1062 : i32 to vector<16xi32>
        %add3A_1064 = arith.addi %iota3A, %add3A_1063 : vector<16xi32>
        tpu.vector_store_idx %arg11[%add3A_1064, %add3A_1046], %get3A_1061 : memref<64x129xf32, #tpu.memory_space<vmem>>[vector<16xi32>, vector<16xi32>], vector<16xf32>,
        %get3A_1065 = arith.index_cast %add3A_1042 : i32 to index
        %get3A_1066 = arith.constant 48 : index
        %get3A_1067 = tpu.vector_load %arg9[%get3A_1065, %get3A_1066] {strides = array<i32>} : memref<128x64xf32, #tpu.memory_space<vmem>>, vector<16xf32>,
        %add3A_1068 = arith.constant 48 : i32
        %add3A_1069 = vector.broadcast %add3A_1068 : i32 to vector<16xi32>
        %add3A_1070 = arith.addi %iota3A, %add3A_1069 : vector<16xi32>
        tpu.vector_store_idx %arg11[%add3A_1070, %add3A_1046], %get3A_1067 : memref<64x129xf32, #tpu.memory_space<vmem>>[vector<16xi32>, vector<16xi32>], vector<16xf32>,
        %mul3A_1071 = arith.constant 8 : i32
        %mul3A_1072 = arith.muli %scan3A_911, %mul3A_1071 : i32
        %add3A_1073 = arith.constant 5 : i32
        %add3A_1074 = arith.addi %mul3A_1072, %add3A_1073 : i32
        %broadcast_in_dim3A_1075 = arith.constant 0 : i32
        %broadcast_in_dim3A_1076 = vector.broadcast %broadcast_in_dim3A_1075 : i32 to vector<16xi32>
        %add3A_1077 = vector.broadcast %add3A_1074 : i32 to vector<16xi32>
        %add3A_1078 = arith.addi %broadcast_in_dim3A_1076, %add3A_1077 : vector<16xi32>
        %get3A_1079 = arith.index_cast %add3A_1074 : i32 to index
        %get3A_1080 = arith.constant 0 : index
        %get3A_1081 = tpu.vector_load %arg9[%get3A_1079, %get3A_1080] {strides = array<i32>} : memref<128x64xf32, #tpu.memory_space<vmem>>, vector<16xf32>,
        %add3A_1082 = arith.constant 0 : i32
        %add3A_1083 = vector.broadcast %add3A_1082 : i32 to vector<16xi32>
        %add3A_1084 = arith.addi %iota3A, %add3A_1083 : vector<16xi32>
        tpu.vector_store_idx %arg11[%add3A_1084, %add3A_1078], %get3A_1081 : memref<64x129xf32, #tpu.memory_space<vmem>>[vector<16xi32>, vector<16xi32>], vector<16xf32>,
        %get3A_1085 = arith.index_cast %add3A_1074 : i32 to index
        %get3A_1086 = arith.constant 16 : index
        %get3A_1087 = tpu.vector_load %arg9[%get3A_1085, %get3A_1086] {strides = array<i32>} : memref<128x64xf32, #tpu.memory_space<vmem>>, vector<16xf32>,
        %add3A_1088 = arith.constant 16 : i32
        %add3A_1089 = vector.broadcast %add3A_1088 : i32 to vector<16xi32>
        %add3A_1090 = arith.addi %iota3A, %add3A_1089 : vector<16xi32>
        tpu.vector_store_idx %arg11[%add3A_1090, %add3A_1078], %get3A_1087 : memref<64x129xf32, #tpu.memory_space<vmem>>[vector<16xi32>, vector<16xi32>], vector<16xf32>,
        %get3A_1091 = arith.index_cast %add3A_1074 : i32 to index
        %get3A_1092 = arith.constant 32 : index
        %get3A_1093 = tpu.vector_load %arg9[%get3A_1091, %get3A_1092] {strides = array<i32>} : memref<128x64xf32, #tpu.memory_space<vmem>>, vector<16xf32>,
        %add3A_1094 = arith.constant 32 : i32
        %add3A_1095 = vector.broadcast %add3A_1094 : i32 to vector<16xi32>
        %add3A_1096 = arith.addi %iota3A, %add3A_1095 : vector<16xi32>
        tpu.vector_store_idx %arg11[%add3A_1096, %add3A_1078], %get3A_1093 : memref<64x129xf32, #tpu.memory_space<vmem>>[vector<16xi32>, vector<16xi32>], vector<16xf32>,
        %get3A_1097 = arith.index_cast %add3A_1074 : i32 to index
        %get3A_1098 = arith.constant 48 : index
        %get3A_1099 = tpu.vector_load %arg9[%get3A_1097, %get3A_1098] {strides = array<i32>} : memref<128x64xf32, #tpu.memory_space<vmem>>, vector<16xf32>,
        %add3A_1100 = arith.constant 48 : i32
        %add3A_1101 = vector.broadcast %add3A_1100 : i32 to vector<16xi32>
        %add3A_1102 = arith.addi %iota3A, %add3A_1101 : vector<16xi32>
        tpu.vector_store_idx %arg11[%add3A_1102, %add3A_1078], %get3A_1099 : memref<64x129xf32, #tpu.memory_space<vmem>>[vector<16xi32>, vector<16xi32>], vector<16xf32>,
        %mul3A_1103 = arith.constant 8 : i32
        %mul3A_1104 = arith.muli %scan3A_911, %mul3A_1103 : i32
        %add3A_1105 = arith.constant 6 : i32
        %add3A_1106 = arith.addi %mul3A_1104, %add3A_1105 : i32
        %broadcast_in_dim3A_1107 = arith.constant 0 : i32
        %broadcast_in_dim3A_1108 = vector.broadcast %broadcast_in_dim3A_1107 : i32 to vector<16xi32>
        %add3A_1109 = vector.broadcast %add3A_1106 : i32 to vector<16xi32>
        %add3A_1110 = arith.addi %broadcast_in_dim3A_1108, %add3A_1109 : vector<16xi32>
        %get3A_1111 = arith.index_cast %add3A_1106 : i32 to index
        %get3A_1112 = arith.constant 0 : index
        %get3A_1113 = tpu.vector_load %arg9[%get3A_1111, %get3A_1112] {strides = array<i32>} : memref<128x64xf32, #tpu.memory_space<vmem>>, vector<16xf32>,
        %add3A_1114 = arith.constant 0 : i32
        %add3A_1115 = vector.broadcast %add3A_1114 : i32 to vector<16xi32>
        %add3A_1116 = arith.addi %iota3A, %add3A_1115 : vector<16xi32>
        tpu.vector_store_idx %arg11[%add3A_1116, %add3A_1110], %get3A_1113 : memref<64x129xf32, #tpu.memory_space<vmem>>[vector<16xi32>, vector<16xi32>], vector<16xf32>,
        %get3A_1117 = arith.index_cast %add3A_1106 : i32 to index
        %get3A_1118 = arith.constant 16 : index
        %get3A_1119 = tpu.vector_load %arg9[%get3A_1117, %get3A_1118] {strides = array<i32>} : memref<128x64xf32, #tpu.memory_space<vmem>>, vector<16xf32>,
        %add3A_1120 = arith.constant 16 : i32
        %add3A_1121 = vector.broadcast %add3A_1120 : i32 to vector<16xi32>
        %add3A_1122 = arith.addi %iota3A, %add3A_1121 : vector<16xi32>
        tpu.vector_store_idx %arg11[%add3A_1122, %add3A_1110], %get3A_1119 : memref<64x129xf32, #tpu.memory_space<vmem>>[vector<16xi32>, vector<16xi32>], vector<16xf32>,
        %get3A_1123 = arith.index_cast %add3A_1106 : i32 to index
        %get3A_1124 = arith.constant 32 : index
        %get3A_1125 = tpu.vector_load %arg9[%get3A_1123, %get3A_1124] {strides = array<i32>} : memref<128x64xf32, #tpu.memory_space<vmem>>, vector<16xf32>,
        %add3A_1126 = arith.constant 32 : i32
        %add3A_1127 = vector.broadcast %add3A_1126 : i32 to vector<16xi32>
        %add3A_1128 = arith.addi %iota3A, %add3A_1127 : vector<16xi32>
        tpu.vector_store_idx %arg11[%add3A_1128, %add3A_1110], %get3A_1125 : memref<64x129xf32, #tpu.memory_space<vmem>>[vector<16xi32>, vector<16xi32>], vector<16xf32>,
        %get3A_1129 = arith.index_cast %add3A_1106 : i32 to index
        %get3A_1130 = arith.constant 48 : index
        %get3A_1131 = tpu.vector_load %arg9[%get3A_1129, %get3A_1130] {strides = array<i32>} : memref<128x64xf32, #tpu.memory_space<vmem>>, vector<16xf32>,
        %add3A_1132 = arith.constant 48 : i32
        %add3A_1133 = vector.broadcast %add3A_1132 : i32 to vector<16xi32>
        %add3A_1134 = arith.addi %iota3A, %add3A_1133 : vector<16xi32>
        tpu.vector_store_idx %arg11[%add3A_1134, %add3A_1110], %get3A_1131 : memref<64x129xf32, #tpu.memory_space<vmem>>[vector<16xi32>, vector<16xi32>], vector<16xf32>,
        %mul3A_1135 = arith.constant 8 : i32
        %mul3A_1136 = arith.muli %scan3A_911, %mul3A_1135 : i32
        %add3A_1137 = arith.constant 7 : i32
        %add3A_1138 = arith.addi %mul3A_1136, %add3A_1137 : i32
        %broadcast_in_dim3A_1139 = arith.constant 0 : i32
        %broadcast_in_dim3A_1140 = vector.broadcast %broadcast_in_dim3A_1139 : i32 to vector<16xi32>
        %add3A_1141 = vector.broadcast %add3A_1138 : i32 to vector<16xi32>
        %add3A_1142 = arith.addi %broadcast_in_dim3A_1140, %add3A_1141 : vector<16xi32>
        %get3A_1143 = arith.index_cast %add3A_1138 : i32 to index
        %get3A_1144 = arith.constant 0 : index
        %get3A_1145 = tpu.vector_load %arg9[%get3A_1143, %get3A_1144] {strides = array<i32>} : memref<128x64xf32, #tpu.memory_space<vmem>>, vector<16xf32>,
        %add3A_1146 = arith.constant 0 : i32
        %add3A_1147 = vector.broadcast %add3A_1146 : i32 to vector<16xi32>
        %add3A_1148 = arith.addi %iota3A, %add3A_1147 : vector<16xi32>
        tpu.vector_store_idx %arg11[%add3A_1148, %add3A_1142], %get3A_1145 : memref<64x129xf32, #tpu.memory_space<vmem>>[vector<16xi32>, vector<16xi32>], vector<16xf32>,
        %get3A_1149 = arith.index_cast %add3A_1138 : i32 to index
        %get3A_1150 = arith.constant 16 : index
        %get3A_1151 = tpu.vector_load %arg9[%get3A_1149, %get3A_1150] {strides = array<i32>} : memref<128x64xf32, #tpu.memory_space<vmem>>, vector<16xf32>,
        %add3A_1152 = arith.constant 16 : i32
        %add3A_1153 = vector.broadcast %add3A_1152 : i32 to vector<16xi32>
        %add3A_1154 = arith.addi %iota3A, %add3A_1153 : vector<16xi32>
        tpu.vector_store_idx %arg11[%add3A_1154, %add3A_1142], %get3A_1151 : memref<64x129xf32, #tpu.memory_space<vmem>>[vector<16xi32>, vector<16xi32>], vector<16xf32>,
        %get3A_1155 = arith.index_cast %add3A_1138 : i32 to index
        %get3A_1156 = arith.constant 32 : index
        %get3A_1157 = tpu.vector_load %arg9[%get3A_1155, %get3A_1156] {strides = array<i32>} : memref<128x64xf32, #tpu.memory_space<vmem>>, vector<16xf32>,
        %add3A_1158 = arith.constant 32 : i32
        %add3A_1159 = vector.broadcast %add3A_1158 : i32 to vector<16xi32>
        %add3A_1160 = arith.addi %iota3A, %add3A_1159 : vector<16xi32>
        tpu.vector_store_idx %arg11[%add3A_1160, %add3A_1142], %get3A_1157 : memref<64x129xf32, #tpu.memory_space<vmem>>[vector<16xi32>, vector<16xi32>], vector<16xf32>,
        %get3A_1161 = arith.index_cast %add3A_1138 : i32 to index
        %get3A_1162 = arith.constant 48 : index
        %get3A_1163 = tpu.vector_load %arg9[%get3A_1161, %get3A_1162] {strides = array<i32>} : memref<128x64xf32, #tpu.memory_space<vmem>>, vector<16xf32>,
        %add3A_1164 = arith.constant 48 : i32
        %add3A_1165 = vector.broadcast %add3A_1164 : i32 to vector<16xi32>
        %add3A_1166 = arith.addi %iota3A, %add3A_1165 : vector<16xi32>
        tpu.vector_store_idx %arg11[%add3A_1166, %add3A_1142], %get3A_1163 : memref<64x129xf32, #tpu.memory_space<vmem>>[vector<16xi32>, vector<16xi32>], vector<16xf32>,
      }
      %scan3A_526 = arith.constant 16 : i32
      %add3A_527 = arith.constant 203776 : i32
      %add3A_528 = arith.addi %add3A_527, %add3A_9 : i32
      %dma_start3A_529 = arith.constant 0 : i32
      %dma_start3A_530 = arith.constant 0 : i32
      %dma_start3A_531 = tpu.memref_slice %arg11[%dma_start3A_529, %dma_start3A_530] : memref<64x129xf32, #tpu.memory_space<vmem>> -> memref<8x128xf32, #tpu.memory_space<vmem>>
      %dma_start3A_532 = arith.constant 0 : i32
      %dma_start3A_533 = arith.constant 0 : i32
      %dma_start3A_534 = tpu.memref_slice %arg4[%add3A_528, %dma_start3A_532, %dma_start3A_533] : memref<204800x8x128xf32, #tpu.memory_space<hbm>> -> memref<1x8x128xf32, #tpu.memory_space<hbm>>
      %dma_start3A_535 = tpu.memref_squeeze %dma_start3A_534 : memref<1x8x128xf32, #tpu.memory_space<hbm>> -> memref<8x128xf32, #tpu.memory_space<hbm>>
      %dma_start3A_536 = arith.constant 0 : i32
      %dma_start3A_537 = arith.constant 0 : i32
      %dma_start3A_538 = tpu.memref_slice %arg4[%add3A_528, %dma_start3A_536, %dma_start3A_537] : memref<204800x8x128xf32, #tpu.memory_space<hbm>> -> memref<1x8x128xf32, #tpu.memory_space<hbm>>
      %dma_start3A_539 = tpu.memref_squeeze %dma_start3A_538 : memref<1x8x128xf32, #tpu.memory_space<hbm>> -> memref<8x128xf32, #tpu.memory_space<hbm>>
      %dma_start3A_540 = arith.constant 0 : i32
      %dma_start3A_541 = arith.constant 0 : i32
      %dma_start3A_542 = tpu.memref_slice %arg11[%dma_start3A_540, %dma_start3A_541] : memref<64x129xf32, #tpu.memory_space<vmem>> -> memref<8x128xf32, #tpu.memory_space<vmem>>
      tpu.enqueue_dma source(%dma_start3A_542 : memref<8x128xf32, #tpu.memory_space<vmem>>) target(%dma_start3A_539 : memref<8x128xf32, #tpu.memory_space<hbm>>) target_semaphore(%arg15 : memref<!tpu.dma_semaphore, #tpu.memory_space<semaphore_mem>>)
      %add3A_543 = arith.constant 203904 : i32
      %add3A_544 = arith.addi %add3A_543, %add3A_9 : i32
      %dma_start3A_545 = arith.constant 8 : i32
      %dma_start3A_546 = arith.constant 0 : i32
      %dma_start3A_547 = tpu.memref_slice %arg11[%dma_start3A_545, %dma_start3A_546] : memref<64x129xf32, #tpu.memory_space<vmem>> -> memref<8x128xf32, #tpu.memory_space<vmem>>
      %dma_start3A_548 = arith.constant 0 : i32
      %dma_start3A_549 = arith.constant 0 : i32
      %dma_start3A_550 = tpu.memref_slice %arg4[%add3A_544, %dma_start3A_548, %dma_start3A_549] : memref<204800x8x128xf32, #tpu.memory_space<hbm>> -> memref<1x8x128xf32, #tpu.memory_space<hbm>>
      %dma_start3A_551 = tpu.memref_squeeze %dma_start3A_550 : memref<1x8x128xf32, #tpu.memory_space<hbm>> -> memref<8x128xf32, #tpu.memory_space<hbm>>
      %dma_start3A_552 = arith.constant 0 : i32
      %dma_start3A_553 = arith.constant 0 : i32
      %dma_start3A_554 = tpu.memref_slice %arg4[%add3A_544, %dma_start3A_552, %dma_start3A_553] : memref<204800x8x128xf32, #tpu.memory_space<hbm>> -> memref<1x8x128xf32, #tpu.memory_space<hbm>>
      %dma_start3A_555 = tpu.memref_squeeze %dma_start3A_554 : memref<1x8x128xf32, #tpu.memory_space<hbm>> -> memref<8x128xf32, #tpu.memory_space<hbm>>
      %dma_start3A_556 = arith.constant 8 : i32
      %dma_start3A_557 = arith.constant 0 : i32
      %dma_start3A_558 = tpu.memref_slice %arg11[%dma_start3A_556, %dma_start3A_557] : memref<64x129xf32, #tpu.memory_space<vmem>> -> memref<8x128xf32, #tpu.memory_space<vmem>>
      tpu.enqueue_dma source(%dma_start3A_558 : memref<8x128xf32, #tpu.memory_space<vmem>>) target(%dma_start3A_555 : memref<8x128xf32, #tpu.memory_space<hbm>>) target_semaphore(%arg15 : memref<!tpu.dma_semaphore, #tpu.memory_space<semaphore_mem>>)
      %add3A_559 = arith.constant 204032 : i32
      %add3A_560 = arith.addi %add3A_559, %add3A_9 : i32
      %dma_start3A_561 = arith.constant 16 : i32
      %dma_start3A_562 = arith.constant 0 : i32
      %dma_start3A_563 = tpu.memref_slice %arg11[%dma_start3A_561, %dma_start3A_562] : memref<64x129xf32, #tpu.memory_space<vmem>> -> memref<8x128xf32, #tpu.memory_space<vmem>>
      %dma_start3A_564 = arith.constant 0 : i32
      %dma_start3A_565 = arith.constant 0 : i32
      %dma_start3A_566 = tpu.memref_slice %arg4[%add3A_560, %dma_start3A_564, %dma_start3A_565] : memref<204800x8x128xf32, #tpu.memory_space<hbm>> -> memref<1x8x128xf32, #tpu.memory_space<hbm>>
      %dma_start3A_567 = tpu.memref_squeeze %dma_start3A_566 : memref<1x8x128xf32, #tpu.memory_space<hbm>> -> memref<8x128xf32, #tpu.memory_space<hbm>>
      %dma_start3A_568 = arith.constant 0 : i32
      %dma_start3A_569 = arith.constant 0 : i32
      %dma_start3A_570 = tpu.memref_slice %arg4[%add3A_560, %dma_start3A_568, %dma_start3A_569] : memref<204800x8x128xf32, #tpu.memory_space<hbm>> -> memref<1x8x128xf32, #tpu.memory_space<hbm>>
      %dma_start3A_571 = tpu.memref_squeeze %dma_start3A_570 : memref<1x8x128xf32, #tpu.memory_space<hbm>> -> memref<8x128xf32, #tpu.memory_space<hbm>>
      %dma_start3A_572 = arith.constant 16 : i32
      %dma_start3A_573 = arith.constant 0 : i32
      %dma_start3A_574 = tpu.memref_slice %arg11[%dma_start3A_572, %dma_start3A_573] : memref<64x129xf32, #tpu.memory_space<vmem>> -> memref<8x128xf32, #tpu.memory_space<vmem>>
      tpu.enqueue_dma source(%dma_start3A_574 : memref<8x128xf32, #tpu.memory_space<vmem>>) target(%dma_start3A_571 : memref<8x128xf32, #tpu.memory_space<hbm>>) target_semaphore(%arg15 : memref<!tpu.dma_semaphore, #tpu.memory_space<semaphore_mem>>)
      %add3A_575 = arith.constant 204160 : i32
      %add3A_576 = arith.addi %add3A_575, %add3A_9 : i32
      %dma_start3A_577 = arith.constant 24 : i32
      %dma_start3A_578 = arith.constant 0 : i32
      %dma_start3A_579 = tpu.memref_slice %arg11[%dma_start3A_577, %dma_start3A_578] : memref<64x129xf32, #tpu.memory_space<vmem>> -> memref<8x128xf32, #tpu.memory_space<vmem>>
      %dma_start3A_580 = arith.constant 0 : i32
      %dma_start3A_581 = arith.constant 0 : i32
      %dma_start3A_582 = tpu.memref_slice %arg4[%add3A_576, %dma_start3A_580, %dma_start3A_581] : memref<204800x8x128xf32, #tpu.memory_space<hbm>> -> memref<1x8x128xf32, #tpu.memory_space<hbm>>
      %dma_start3A_583 = tpu.memref_squeeze %dma_start3A_582 : memref<1x8x128xf32, #tpu.memory_space<hbm>> -> memref<8x128xf32, #tpu.memory_space<hbm>>
      %dma_start3A_584 = arith.constant 0 : i32
      %dma_start3A_585 = arith.constant 0 : i32
      %dma_start3A_586 = tpu.memref_slice %arg4[%add3A_576, %dma_start3A_584, %dma_start3A_585] : memref<204800x8x128xf32, #tpu.memory_space<hbm>> -> memref<1x8x128xf32, #tpu.memory_space<hbm>>
      %dma_start3A_587 = tpu.memref_squeeze %dma_start3A_586 : memref<1x8x128xf32, #tpu.memory_space<hbm>> -> memref<8x128xf32, #tpu.memory_space<hbm>>
      %dma_start3A_588 = arith.constant 24 : i32
      %dma_start3A_589 = arith.constant 0 : i32
      %dma_start3A_590 = tpu.memref_slice %arg11[%dma_start3A_588, %dma_start3A_589] : memref<64x129xf32, #tpu.memory_space<vmem>> -> memref<8x128xf32, #tpu.memory_space<vmem>>
      tpu.enqueue_dma source(%dma_start3A_590 : memref<8x128xf32, #tpu.memory_space<vmem>>) target(%dma_start3A_587 : memref<8x128xf32, #tpu.memory_space<hbm>>) target_semaphore(%arg15 : memref<!tpu.dma_semaphore, #tpu.memory_space<semaphore_mem>>)
      %add3A_591 = arith.constant 204288 : i32
      %add3A_592 = arith.addi %add3A_591, %add3A_9 : i32
      %dma_start3A_593 = arith.constant 32 : i32
      %dma_start3A_594 = arith.constant 0 : i32
      %dma_start3A_595 = tpu.memref_slice %arg11[%dma_start3A_593, %dma_start3A_594] : memref<64x129xf32, #tpu.memory_space<vmem>> -> memref<8x128xf32, #tpu.memory_space<vmem>>
      %dma_start3A_596 = arith.constant 0 : i32
      %dma_start3A_597 = arith.constant 0 : i32
      %dma_start3A_598 = tpu.memref_slice %arg4[%add3A_592, %dma_start3A_596, %dma_start3A_597] : memref<204800x8x128xf32, #tpu.memory_space<hbm>> -> memref<1x8x128xf32, #tpu.memory_space<hbm>>
      %dma_start3A_599 = tpu.memref_squeeze %dma_start3A_598 : memref<1x8x128xf32, #tpu.memory_space<hbm>> -> memref<8x128xf32, #tpu.memory_space<hbm>>
      %dma_start3A_600 = arith.constant 0 : i32
      %dma_start3A_601 = arith.constant 0 : i32
      %dma_start3A_602 = tpu.memref_slice %arg4[%add3A_592, %dma_start3A_600, %dma_start3A_601] : memref<204800x8x128xf32, #tpu.memory_space<hbm>> -> memref<1x8x128xf32, #tpu.memory_space<hbm>>
      %dma_start3A_603 = tpu.memref_squeeze %dma_start3A_602 : memref<1x8x128xf32, #tpu.memory_space<hbm>> -> memref<8x128xf32, #tpu.memory_space<hbm>>
      %dma_start3A_604 = arith.constant 32 : i32
      %dma_start3A_605 = arith.constant 0 : i32
      %dma_start3A_606 = tpu.memref_slice %arg11[%dma_start3A_604, %dma_start3A_605] : memref<64x129xf32, #tpu.memory_space<vmem>> -> memref<8x128xf32, #tpu.memory_space<vmem>>
      tpu.enqueue_dma source(%dma_start3A_606 : memref<8x128xf32, #tpu.memory_space<vmem>>) target(%dma_start3A_603 : memref<8x128xf32, #tpu.memory_space<hbm>>) target_semaphore(%arg15 : memref<!tpu.dma_semaphore, #tpu.memory_space<semaphore_mem>>)
      %add3A_607 = arith.constant 204416 : i32
      %add3A_608 = arith.addi %add3A_607, %add3A_9 : i32
      %dma_start3A_609 = arith.constant 40 : i32
      %dma_start3A_610 = arith.constant 0 : i32
      %dma_start3A_611 = tpu.memref_slice %arg11[%dma_start3A_609, %dma_start3A_610] : memref<64x129xf32, #tpu.memory_space<vmem>> -> memref<8x128xf32, #tpu.memory_space<vmem>>
      %dma_start3A_612 = arith.constant 0 : i32
      %dma_start3A_613 = arith.constant 0 : i32
      %dma_start3A_614 = tpu.memref_slice %arg4[%add3A_608, %dma_start3A_612, %dma_start3A_613] : memref<204800x8x128xf32, #tpu.memory_space<hbm>> -> memref<1x8x128xf32, #tpu.memory_space<hbm>>
      %dma_start3A_615 = tpu.memref_squeeze %dma_start3A_614 : memref<1x8x128xf32, #tpu.memory_space<hbm>> -> memref<8x128xf32, #tpu.memory_space<hbm>>
      %dma_start3A_616 = arith.constant 0 : i32
      %dma_start3A_617 = arith.constant 0 : i32
      %dma_start3A_618 = tpu.memref_slice %arg4[%add3A_608, %dma_start3A_616, %dma_start3A_617] : memref<204800x8x128xf32, #tpu.memory_space<hbm>> -> memref<1x8x128xf32, #tpu.memory_space<hbm>>
      %dma_start3A_619 = tpu.memref_squeeze %dma_start3A_618 : memref<1x8x128xf32, #tpu.memory_space<hbm>> -> memref<8x128xf32, #tpu.memory_space<hbm>>
      %dma_start3A_620 = arith.constant 40 : i32
      %dma_start3A_621 = arith.constant 0 : i32
      %dma_start3A_622 = tpu.memref_slice %arg11[%dma_start3A_620, %dma_start3A_621] : memref<64x129xf32, #tpu.memory_space<vmem>> -> memref<8x128xf32, #tpu.memory_space<vmem>>
      tpu.enqueue_dma source(%dma_start3A_622 : memref<8x128xf32, #tpu.memory_space<vmem>>) target(%dma_start3A_619 : memref<8x128xf32, #tpu.memory_space<hbm>>) target_semaphore(%arg15 : memref<!tpu.dma_semaphore, #tpu.memory_space<semaphore_mem>>)
      %add3A_623 = arith.constant 204544 : i32
      %add3A_624 = arith.addi %add3A_623, %add3A_9 : i32
      %dma_start3A_625 = arith.constant 48 : i32
      %dma_start3A_626 = arith.constant 0 : i32
      %dma_start3A_627 = tpu.memref_slice %arg11[%dma_start3A_625, %dma_start3A_626] : memref<64x129xf32, #tpu.memory_space<vmem>> -> memref<8x128xf32, #tpu.memory_space<vmem>>
      %dma_start3A_628 = arith.constant 0 : i32
      %dma_start3A_629 = arith.constant 0 : i32
      %dma_start3A_630 = tpu.memref_slice %arg4[%add3A_624, %dma_start3A_628, %dma_start3A_629] : memref<204800x8x128xf32, #tpu.memory_space<hbm>> -> memref<1x8x128xf32, #tpu.memory_space<hbm>>
      %dma_start3A_631 = tpu.memref_squeeze %dma_start3A_630 : memref<1x8x128xf32, #tpu.memory_space<hbm>> -> memref<8x128xf32, #tpu.memory_space<hbm>>
      %dma_start3A_632 = arith.constant 0 : i32
      %dma_start3A_633 = arith.constant 0 : i32
      %dma_start3A_634 = tpu.memref_slice %arg4[%add3A_624, %dma_start3A_632, %dma_start3A_633] : memref<204800x8x128xf32, #tpu.memory_space<hbm>> -> memref<1x8x128xf32, #tpu.memory_space<hbm>>
      %dma_start3A_635 = tpu.memref_squeeze %dma_start3A_634 : memref<1x8x128xf32, #tpu.memory_space<hbm>> -> memref<8x128xf32, #tpu.memory_space<hbm>>
      %dma_start3A_636 = arith.constant 48 : i32
      %dma_start3A_637 = arith.constant 0 : i32
      %dma_start3A_638 = tpu.memref_slice %arg11[%dma_start3A_636, %dma_start3A_637] : memref<64x129xf32, #tpu.memory_space<vmem>> -> memref<8x128xf32, #tpu.memory_space<vmem>>
      tpu.enqueue_dma source(%dma_start3A_638 : memref<8x128xf32, #tpu.memory_space<vmem>>) target(%dma_start3A_635 : memref<8x128xf32, #tpu.memory_space<hbm>>) target_semaphore(%arg15 : memref<!tpu.dma_semaphore, #tpu.memory_space<semaphore_mem>>)
      %add3A_639 = arith.constant 204672 : i32
      %add3A_640 = arith.addi %add3A_639, %add3A_9 : i32
      %dma_start3A_641 = arith.constant 56 : i32
      %dma_start3A_642 = arith.constant 0 : i32
      %dma_start3A_643 = tpu.memref_slice %arg11[%dma_start3A_641, %dma_start3A_642] : memref<64x129xf32, #tpu.memory_space<vmem>> -> memref<8x128xf32, #tpu.memory_space<vmem>>
      %dma_start3A_644 = arith.constant 0 : i32
      %dma_start3A_645 = arith.constant 0 : i32
      %dma_start3A_646 = tpu.memref_slice %arg4[%add3A_640, %dma_start3A_644, %dma_start3A_645] : memref<204800x8x128xf32, #tpu.memory_space<hbm>> -> memref<1x8x128xf32, #tpu.memory_space<hbm>>
      %dma_start3A_647 = tpu.memref_squeeze %dma_start3A_646 : memref<1x8x128xf32, #tpu.memory_space<hbm>> -> memref<8x128xf32, #tpu.memory_space<hbm>>
      %dma_start3A_648 = arith.constant 0 : i32
      %dma_start3A_649 = arith.constant 0 : i32
      %dma_start3A_650 = tpu.memref_slice %arg4[%add3A_640, %dma_start3A_648, %dma_start3A_649] : memref<204800x8x128xf32, #tpu.memory_space<hbm>> -> memref<1x8x128xf32, #tpu.memory_space<hbm>>
      %dma_start3A_651 = tpu.memref_squeeze %dma_start3A_650 : memref<1x8x128xf32, #tpu.memory_space<hbm>> -> memref<8x128xf32, #tpu.memory_space<hbm>>
      %dma_start3A_652 = arith.constant 56 : i32
      %dma_start3A_653 = arith.constant 0 : i32
      %dma_start3A_654 = tpu.memref_slice %arg11[%dma_start3A_652, %dma_start3A_653] : memref<64x129xf32, #tpu.memory_space<vmem>> -> memref<8x128xf32, #tpu.memory_space<vmem>>
      tpu.enqueue_dma source(%dma_start3A_654 : memref<8x128xf32, #tpu.memory_space<vmem>>) target(%dma_start3A_651 : memref<8x128xf32, #tpu.memory_space<hbm>>) target_semaphore(%arg15 : memref<!tpu.dma_semaphore, #tpu.memory_space<semaphore_mem>>)
      %add3A_655 = arith.constant 202752 : i32
      %add3A_656 = arith.addi %add3A_655, %add3A_9 : i32
      %dma_wait3A_657 = arith.constant 0 : i32
      %dma_wait3A_658 = arith.constant 0 : i32
      %dma_wait3A_659 = tpu.memref_slice %arg10[%dma_wait3A_657, %dma_wait3A_658] : memref<64x129xf32, #tpu.memory_space<vmem>> -> memref<8x128xf32, #tpu.memory_space<vmem>>
      %dma_wait3A_660 = arith.constant 0 : i32
      %dma_wait3A_661 = arith.constant 0 : i32
      %dma_wait3A_662 = tpu.memref_slice %arg4[%add3A_656, %dma_wait3A_660, %dma_wait3A_661] : memref<204800x8x128xf32, #tpu.memory_space<hbm>> -> memref<1x8x128xf32, #tpu.memory_space<hbm>>
      %dma_wait3A_663 = tpu.memref_squeeze %dma_wait3A_662 : memref<1x8x128xf32, #tpu.memory_space<hbm>> -> memref<8x128xf32, #tpu.memory_space<hbm>>
      %dma_wait3A_664 = arith.constant 0 : i32
      %dma_wait3A_665 = arith.constant 0 : i32
      %dma_wait3A_666 = tpu.memref_slice %arg4[%add3A_656, %dma_wait3A_664, %dma_wait3A_665] : memref<204800x8x128xf32, #tpu.memory_space<hbm>> -> memref<1x8x128xf32, #tpu.memory_space<hbm>>
      %dma_wait3A_667 = tpu.memref_squeeze %dma_wait3A_666 : memref<1x8x128xf32, #tpu.memory_space<hbm>> -> memref<8x128xf32, #tpu.memory_space<hbm>>
      %dma_wait3A_668 = arith.constant 0 : i32
      %dma_wait3A_669 = arith.constant 0 : i32
      %dma_wait3A_670 = tpu.memref_slice %arg10[%dma_wait3A_668, %dma_wait3A_669] : memref<64x129xf32, #tpu.memory_space<vmem>> -> memref<8x128xf32, #tpu.memory_space<vmem>>
      tpu.wait_dma2 semaphore(%arg14 : memref<!tpu.dma_semaphore, #tpu.memory_space<semaphore_mem>>) src(%dma_wait3A_670 : memref<8x128xf32, #tpu.memory_space<vmem>>) dst(%dma_wait3A_667 : memref<8x128xf32, #tpu.memory_space<hbm>>)
      %add3A_671 = arith.constant 202880 : i32
      %add3A_672 = arith.addi %add3A_671, %add3A_9 : i32
      %dma_wait3A_673 = arith.constant 8 : i32
      %dma_wait3A_674 = arith.constant 0 : i32
      %dma_wait3A_675 = tpu.memref_slice %arg10[%dma_wait3A_673, %dma_wait3A_674] : memref<64x129xf32, #tpu.memory_space<vmem>> -> memref<8x128xf32, #tpu.memory_space<vmem>>
      %dma_wait3A_676 = arith.constant 0 : i32
      %dma_wait3A_677 = arith.constant 0 : i32
      %dma_wait3A_678 = tpu.memref_slice %arg4[%add3A_672, %dma_wait3A_676, %dma_wait3A_677] : memref<204800x8x128xf32, #tpu.memory_space<hbm>> -> memref<1x8x128xf32, #tpu.memory_space<hbm>>
      %dma_wait3A_679 = tpu.memref_squeeze %dma_wait3A_678 : memref<1x8x128xf32, #tpu.memory_space<hbm>> -> memref<8x128xf32, #tpu.memory_space<hbm>>
      %dma_wait3A_680 = arith.constant 0 : i32
      %dma_wait3A_681 = arith.constant 0 : i32
      %dma_wait3A_682 = tpu.memref_slice %arg4[%add3A_672, %dma_wait3A_680, %dma_wait3A_681] : memref<204800x8x128xf32, #tpu.memory_space<hbm>> -> memref<1x8x128xf32, #tpu.memory_space<hbm>>
      %dma_wait3A_683 = tpu.memref_squeeze %dma_wait3A_682 : memref<1x8x128xf32, #tpu.memory_space<hbm>> -> memref<8x128xf32, #tpu.memory_space<hbm>>
      %dma_wait3A_684 = arith.constant 8 : i32
      %dma_wait3A_685 = arith.constant 0 : i32
      %dma_wait3A_686 = tpu.memref_slice %arg10[%dma_wait3A_684, %dma_wait3A_685] : memref<64x129xf32, #tpu.memory_space<vmem>> -> memref<8x128xf32, #tpu.memory_space<vmem>>
      tpu.wait_dma2 semaphore(%arg14 : memref<!tpu.dma_semaphore, #tpu.memory_space<semaphore_mem>>) src(%dma_wait3A_686 : memref<8x128xf32, #tpu.memory_space<vmem>>) dst(%dma_wait3A_683 : memref<8x128xf32, #tpu.memory_space<hbm>>)
      %add3A_687 = arith.constant 203008 : i32
      %add3A_688 = arith.addi %add3A_687, %add3A_9 : i32
      %dma_wait3A_689 = arith.constant 16 : i32
      %dma_wait3A_690 = arith.constant 0 : i32
      %dma_wait3A_691 = tpu.memref_slice %arg10[%dma_wait3A_689, %dma_wait3A_690] : memref<64x129xf32, #tpu.memory_space<vmem>> -> memref<8x128xf32, #tpu.memory_space<vmem>>
      %dma_wait3A_692 = arith.constant 0 : i32
      %dma_wait3A_693 = arith.constant 0 : i32
      %dma_wait3A_694 = tpu.memref_slice %arg4[%add3A_688, %dma_wait3A_692, %dma_wait3A_693] : memref<204800x8x128xf32, #tpu.memory_space<hbm>> -> memref<1x8x128xf32, #tpu.memory_space<hbm>>
      %dma_wait3A_695 = tpu.memref_squeeze %dma_wait3A_694 : memref<1x8x128xf32, #tpu.memory_space<hbm>> -> memref<8x128xf32, #tpu.memory_space<hbm>>
      %dma_wait3A_696 = arith.constant 0 : i32
      %dma_wait3A_697 = arith.constant 0 : i32
      %dma_wait3A_698 = tpu.memref_slice %arg4[%add3A_688, %dma_wait3A_696, %dma_wait3A_697] : memref<204800x8x128xf32, #tpu.memory_space<hbm>> -> memref<1x8x128xf32, #tpu.memory_space<hbm>>
      %dma_wait3A_699 = tpu.memref_squeeze %dma_wait3A_698 : memref<1x8x128xf32, #tpu.memory_space<hbm>> -> memref<8x128xf32, #tpu.memory_space<hbm>>
      %dma_wait3A_700 = arith.constant 16 : i32
      %dma_wait3A_701 = arith.constant 0 : i32
      %dma_wait3A_702 = tpu.memref_slice %arg10[%dma_wait3A_700, %dma_wait3A_701] : memref<64x129xf32, #tpu.memory_space<vmem>> -> memref<8x128xf32, #tpu.memory_space<vmem>>
      tpu.wait_dma2 semaphore(%arg14 : memref<!tpu.dma_semaphore, #tpu.memory_space<semaphore_mem>>) src(%dma_wait3A_702 : memref<8x128xf32, #tpu.memory_space<vmem>>) dst(%dma_wait3A_699 : memref<8x128xf32, #tpu.memory_space<hbm>>)
      %add3A_703 = arith.constant 203136 : i32
      %add3A_704 = arith.addi %add3A_703, %add3A_9 : i32
      %dma_wait3A_705 = arith.constant 24 : i32
      %dma_wait3A_706 = arith.constant 0 : i32
      %dma_wait3A_707 = tpu.memref_slice %arg10[%dma_wait3A_705, %dma_wait3A_706] : memref<64x129xf32, #tpu.memory_space<vmem>> -> memref<8x128xf32, #tpu.memory_space<vmem>>
      %dma_wait3A_708 = arith.constant 0 : i32
      %dma_wait3A_709 = arith.constant 0 : i32
      %dma_wait3A_710 = tpu.memref_slice %arg4[%add3A_704, %dma_wait3A_708, %dma_wait3A_709] : memref<204800x8x128xf32, #tpu.memory_space<hbm>> -> memref<1x8x128xf32, #tpu.memory_space<hbm>>
      %dma_wait3A_711 = tpu.memref_squeeze %dma_wait3A_710 : memref<1x8x128xf32, #tpu.memory_space<hbm>> -> memref<8x128xf32, #tpu.memory_space<hbm>>
      %dma_wait3A_712 = arith.constant 0 : i32
      %dma_wait3A_713 = arith.constant 0 : i32
      %dma_wait3A_714 = tpu.memref_slice %arg4[%add3A_704, %dma_wait3A_712, %dma_wait3A_713] : memref<204800x8x128xf32, #tpu.memory_space<hbm>> -> memref<1x8x128xf32, #tpu.memory_space<hbm>>
      %dma_wait3A_715 = tpu.memref_squeeze %dma_wait3A_714 : memref<1x8x128xf32, #tpu.memory_space<hbm>> -> memref<8x128xf32, #tpu.memory_space<hbm>>
      %dma_wait3A_716 = arith.constant 24 : i32
      %dma_wait3A_717 = arith.constant 0 : i32
      %dma_wait3A_718 = tpu.memref_slice %arg10[%dma_wait3A_716, %dma_wait3A_717] : memref<64x129xf32, #tpu.memory_space<vmem>> -> memref<8x128xf32, #tpu.memory_space<vmem>>
      tpu.wait_dma2 semaphore(%arg14 : memref<!tpu.dma_semaphore, #tpu.memory_space<semaphore_mem>>) src(%dma_wait3A_718 : memref<8x128xf32, #tpu.memory_space<vmem>>) dst(%dma_wait3A_715 : memref<8x128xf32, #tpu.memory_space<hbm>>)
      %add3A_719 = arith.constant 203264 : i32
      %add3A_720 = arith.addi %add3A_719, %add3A_9 : i32
      %dma_wait3A_721 = arith.constant 32 : i32
      %dma_wait3A_722 = arith.constant 0 : i32
      %dma_wait3A_723 = tpu.memref_slice %arg10[%dma_wait3A_721, %dma_wait3A_722] : memref<64x129xf32, #tpu.memory_space<vmem>> -> memref<8x128xf32, #tpu.memory_space<vmem>>
      %dma_wait3A_724 = arith.constant 0 : i32
      %dma_wait3A_725 = arith.constant 0 : i32
      %dma_wait3A_726 = tpu.memref_slice %arg4[%add3A_720, %dma_wait3A_724, %dma_wait3A_725] : memref<204800x8x128xf32, #tpu.memory_space<hbm>> -> memref<1x8x128xf32, #tpu.memory_space<hbm>>
      %dma_wait3A_727 = tpu.memref_squeeze %dma_wait3A_726 : memref<1x8x128xf32, #tpu.memory_space<hbm>> -> memref<8x128xf32, #tpu.memory_space<hbm>>
      %dma_wait3A_728 = arith.constant 0 : i32
      %dma_wait3A_729 = arith.constant 0 : i32
      %dma_wait3A_730 = tpu.memref_slice %arg4[%add3A_720, %dma_wait3A_728, %dma_wait3A_729] : memref<204800x8x128xf32, #tpu.memory_space<hbm>> -> memref<1x8x128xf32, #tpu.memory_space<hbm>>
      %dma_wait3A_731 = tpu.memref_squeeze %dma_wait3A_730 : memref<1x8x128xf32, #tpu.memory_space<hbm>> -> memref<8x128xf32, #tpu.memory_space<hbm>>
      %dma_wait3A_732 = arith.constant 32 : i32
      %dma_wait3A_733 = arith.constant 0 : i32
      %dma_wait3A_734 = tpu.memref_slice %arg10[%dma_wait3A_732, %dma_wait3A_733] : memref<64x129xf32, #tpu.memory_space<vmem>> -> memref<8x128xf32, #tpu.memory_space<vmem>>
      tpu.wait_dma2 semaphore(%arg14 : memref<!tpu.dma_semaphore, #tpu.memory_space<semaphore_mem>>) src(%dma_wait3A_734 : memref<8x128xf32, #tpu.memory_space<vmem>>) dst(%dma_wait3A_731 : memref<8x128xf32, #tpu.memory_space<hbm>>)
      %add3A_735 = arith.constant 203392 : i32
      %add3A_736 = arith.addi %add3A_735, %add3A_9 : i32
      %dma_wait3A_737 = arith.constant 40 : i32
      %dma_wait3A_738 = arith.constant 0 : i32
      %dma_wait3A_739 = tpu.memref_slice %arg10[%dma_wait3A_737, %dma_wait3A_738] : memref<64x129xf32, #tpu.memory_space<vmem>> -> memref<8x128xf32, #tpu.memory_space<vmem>>
      %dma_wait3A_740 = arith.constant 0 : i32
      %dma_wait3A_741 = arith.constant 0 : i32
      %dma_wait3A_742 = tpu.memref_slice %arg4[%add3A_736, %dma_wait3A_740, %dma_wait3A_741] : memref<204800x8x128xf32, #tpu.memory_space<hbm>> -> memref<1x8x128xf32, #tpu.memory_space<hbm>>
      %dma_wait3A_743 = tpu.memref_squeeze %dma_wait3A_742 : memref<1x8x128xf32, #tpu.memory_space<hbm>> -> memref<8x128xf32, #tpu.memory_space<hbm>>
      %dma_wait3A_744 = arith.constant 0 : i32
      %dma_wait3A_745 = arith.constant 0 : i32
      %dma_wait3A_746 = tpu.memref_slice %arg4[%add3A_736, %dma_wait3A_744, %dma_wait3A_745] : memref<204800x8x128xf32, #tpu.memory_space<hbm>> -> memref<1x8x128xf32, #tpu.memory_space<hbm>>
      %dma_wait3A_747 = tpu.memref_squeeze %dma_wait3A_746 : memref<1x8x128xf32, #tpu.memory_space<hbm>> -> memref<8x128xf32, #tpu.memory_space<hbm>>
      %dma_wait3A_748 = arith.constant 40 : i32
      %dma_wait3A_749 = arith.constant 0 : i32
      %dma_wait3A_750 = tpu.memref_slice %arg10[%dma_wait3A_748, %dma_wait3A_749] : memref<64x129xf32, #tpu.memory_space<vmem>> -> memref<8x128xf32, #tpu.memory_space<vmem>>
      tpu.wait_dma2 semaphore(%arg14 : memref<!tpu.dma_semaphore, #tpu.memory_space<semaphore_mem>>) src(%dma_wait3A_750 : memref<8x128xf32, #tpu.memory_space<vmem>>) dst(%dma_wait3A_747 : memref<8x128xf32, #tpu.memory_space<hbm>>)
      %add3A_751 = arith.constant 203520 : i32
      %add3A_752 = arith.addi %add3A_751, %add3A_9 : i32
      %dma_wait3A_753 = arith.constant 48 : i32
      %dma_wait3A_754 = arith.constant 0 : i32
      %dma_wait3A_755 = tpu.memref_slice %arg10[%dma_wait3A_753, %dma_wait3A_754] : memref<64x129xf32, #tpu.memory_space<vmem>> -> memref<8x128xf32, #tpu.memory_space<vmem>>
      %dma_wait3A_756 = arith.constant 0 : i32
      %dma_wait3A_757 = arith.constant 0 : i32
      %dma_wait3A_758 = tpu.memref_slice %arg4[%add3A_752, %dma_wait3A_756, %dma_wait3A_757] : memref<204800x8x128xf32, #tpu.memory_space<hbm>> -> memref<1x8x128xf32, #tpu.memory_space<hbm>>
      %dma_wait3A_759 = tpu.memref_squeeze %dma_wait3A_758 : memref<1x8x128xf32, #tpu.memory_space<hbm>> -> memref<8x128xf32, #tpu.memory_space<hbm>>
      %dma_wait3A_760 = arith.constant 0 : i32
      %dma_wait3A_761 = arith.constant 0 : i32
      %dma_wait3A_762 = tpu.memref_slice %arg4[%add3A_752, %dma_wait3A_760, %dma_wait3A_761] : memref<204800x8x128xf32, #tpu.memory_space<hbm>> -> memref<1x8x128xf32, #tpu.memory_space<hbm>>
      %dma_wait3A_763 = tpu.memref_squeeze %dma_wait3A_762 : memref<1x8x128xf32, #tpu.memory_space<hbm>> -> memref<8x128xf32, #tpu.memory_space<hbm>>
      %dma_wait3A_764 = arith.constant 48 : i32
      %dma_wait3A_765 = arith.constant 0 : i32
      %dma_wait3A_766 = tpu.memref_slice %arg10[%dma_wait3A_764, %dma_wait3A_765] : memref<64x129xf32, #tpu.memory_space<vmem>> -> memref<8x128xf32, #tpu.memory_space<vmem>>
      tpu.wait_dma2 semaphore(%arg14 : memref<!tpu.dma_semaphore, #tpu.memory_space<semaphore_mem>>) src(%dma_wait3A_766 : memref<8x128xf32, #tpu.memory_space<vmem>>) dst(%dma_wait3A_763 : memref<8x128xf32, #tpu.memory_space<hbm>>)
      %add3A_767 = arith.constant 203648 : i32
      %add3A_768 = arith.addi %add3A_767, %add3A_9 : i32
      %dma_wait3A_769 = arith.constant 56 : i32
      %dma_wait3A_770 = arith.constant 0 : i32
      %dma_wait3A_771 = tpu.memref_slice %arg10[%dma_wait3A_769, %dma_wait3A_770] : memref<64x129xf32, #tpu.memory_space<vmem>> -> memref<8x128xf32, #tpu.memory_space<vmem>>
      %dma_wait3A_772 = arith.constant 0 : i32
      %dma_wait3A_773 = arith.constant 0 : i32
      %dma_wait3A_774 = tpu.memref_slice %arg4[%add3A_768, %dma_wait3A_772, %dma_wait3A_773] : memref<204800x8x128xf32, #tpu.memory_space<hbm>> -> memref<1x8x128xf32, #tpu.memory_space<hbm>>
      %dma_wait3A_775 = tpu.memref_squeeze %dma_wait3A_774 : memref<1x8x128xf32, #tpu.memory_space<hbm>> -> memref<8x128xf32, #tpu.memory_space<hbm>>
      %dma_wait3A_776 = arith.constant 0 : i32
      %dma_wait3A_777 = arith.constant 0 : i32
      %dma_wait3A_778 = tpu.memref_slice %arg4[%add3A_768, %dma_wait3A_776, %dma_wait3A_777] : memref<204800x8x128xf32, #tpu.memory_space<hbm>> -> memref<1x8x128xf32, #tpu.memory_space<hbm>>
      %dma_wait3A_779 = tpu.memref_squeeze %dma_wait3A_778 : memref<1x8x128xf32, #tpu.memory_space<hbm>> -> memref<8x128xf32, #tpu.memory_space<hbm>>
      %dma_wait3A_780 = arith.constant 56 : i32
      %dma_wait3A_781 = arith.constant 0 : i32
      %dma_wait3A_782 = tpu.memref_slice %arg10[%dma_wait3A_780, %dma_wait3A_781] : memref<64x129xf32, #tpu.memory_space<vmem>> -> memref<8x128xf32, #tpu.memory_space<vmem>>
      tpu.wait_dma2 semaphore(%arg14 : memref<!tpu.dma_semaphore, #tpu.memory_space<semaphore_mem>>) src(%dma_wait3A_782 : memref<8x128xf32, #tpu.memory_space<vmem>>) dst(%dma_wait3A_779 : memref<8x128xf32, #tpu.memory_space<hbm>>)
      %add3A_783 = arith.constant 203776 : i32
      %add3A_784 = arith.addi %add3A_783, %add3A_9 : i32
      %dma_wait3A_785 = arith.constant 0 : i32
      %dma_wait3A_786 = arith.constant 0 : i32
      %dma_wait3A_787 = tpu.memref_slice %arg11[%dma_wait3A_785, %dma_wait3A_786] : memref<64x129xf32, #tpu.memory_space<vmem>> -> memref<8x128xf32, #tpu.memory_space<vmem>>
      %dma_wait3A_788 = arith.constant 0 : i32
      %dma_wait3A_789 = arith.constant 0 : i32
      %dma_wait3A_790 = tpu.memref_slice %arg4[%add3A_784, %dma_wait3A_788, %dma_wait3A_789] : memref<204800x8x128xf32, #tpu.memory_space<hbm>> -> memref<1x8x128xf32, #tpu.memory_space<hbm>>
      %dma_wait3A_791 = tpu.memref_squeeze %dma_wait3A_790 : memref<1x8x128xf32, #tpu.memory_space<hbm>> -> memref<8x128xf32, #tpu.memory_space<hbm>>
      %dma_wait3A_792 = arith.constant 0 : i32
      %dma_wait3A_793 = arith.constant 0 : i32
      %dma_wait3A_794 = tpu.memref_slice %arg4[%add3A_784, %dma_wait3A_792, %dma_wait3A_793] : memref<204800x8x128xf32, #tpu.memory_space<hbm>> -> memref<1x8x128xf32, #tpu.memory_space<hbm>>
      %dma_wait3A_795 = tpu.memref_squeeze %dma_wait3A_794 : memref<1x8x128xf32, #tpu.memory_space<hbm>> -> memref<8x128xf32, #tpu.memory_space<hbm>>
      %dma_wait3A_796 = arith.constant 0 : i32
      %dma_wait3A_797 = arith.constant 0 : i32
      %dma_wait3A_798 = tpu.memref_slice %arg11[%dma_wait3A_796, %dma_wait3A_797] : memref<64x129xf32, #tpu.memory_space<vmem>> -> memref<8x128xf32, #tpu.memory_space<vmem>>
      tpu.wait_dma2 semaphore(%arg15 : memref<!tpu.dma_semaphore, #tpu.memory_space<semaphore_mem>>) src(%dma_wait3A_798 : memref<8x128xf32, #tpu.memory_space<vmem>>) dst(%dma_wait3A_795 : memref<8x128xf32, #tpu.memory_space<hbm>>)
      %add3A_799 = arith.constant 203904 : i32
      %add3A_800 = arith.addi %add3A_799, %add3A_9 : i32
      %dma_wait3A_801 = arith.constant 8 : i32
      %dma_wait3A_802 = arith.constant 0 : i32
      %dma_wait3A_803 = tpu.memref_slice %arg11[%dma_wait3A_801, %dma_wait3A_802] : memref<64x129xf32, #tpu.memory_space<vmem>> -> memref<8x128xf32, #tpu.memory_space<vmem>>
      %dma_wait3A_804 = arith.constant 0 : i32
      %dma_wait3A_805 = arith.constant 0 : i32
      %dma_wait3A_806 = tpu.memref_slice %arg4[%add3A_800, %dma_wait3A_804, %dma_wait3A_805] : memref<204800x8x128xf32, #tpu.memory_space<hbm>> -> memref<1x8x128xf32, #tpu.memory_space<hbm>>
      %dma_wait3A_807 = tpu.memref_squeeze %dma_wait3A_806 : memref<1x8x128xf32, #tpu.memory_space<hbm>> -> memref<8x128xf32, #tpu.memory_space<hbm>>
      %dma_wait3A_808 = arith.constant 0 : i32
      %dma_wait3A_809 = arith.constant 0 : i32
      %dma_wait3A_810 = tpu.memref_slice %arg4[%add3A_800, %dma_wait3A_808, %dma_wait3A_809] : memref<204800x8x128xf32, #tpu.memory_space<hbm>> -> memref<1x8x128xf32, #tpu.memory_space<hbm>>
      %dma_wait3A_811 = tpu.memref_squeeze %dma_wait3A_810 : memref<1x8x128xf32, #tpu.memory_space<hbm>> -> memref<8x128xf32, #tpu.memory_space<hbm>>
      %dma_wait3A_812 = arith.constant 8 : i32
      %dma_wait3A_813 = arith.constant 0 : i32
      %dma_wait3A_814 = tpu.memref_slice %arg11[%dma_wait3A_812, %dma_wait3A_813] : memref<64x129xf32, #tpu.memory_space<vmem>> -> memref<8x128xf32, #tpu.memory_space<vmem>>
      tpu.wait_dma2 semaphore(%arg15 : memref<!tpu.dma_semaphore, #tpu.memory_space<semaphore_mem>>) src(%dma_wait3A_814 : memref<8x128xf32, #tpu.memory_space<vmem>>) dst(%dma_wait3A_811 : memref<8x128xf32, #tpu.memory_space<hbm>>)
      %add3A_815 = arith.constant 204032 : i32
      %add3A_816 = arith.addi %add3A_815, %add3A_9 : i32
      %dma_wait3A_817 = arith.constant 16 : i32
      %dma_wait3A_818 = arith.constant 0 : i32
      %dma_wait3A_819 = tpu.memref_slice %arg11[%dma_wait3A_817, %dma_wait3A_818] : memref<64x129xf32, #tpu.memory_space<vmem>> -> memref<8x128xf32, #tpu.memory_space<vmem>>
      %dma_wait3A_820 = arith.constant 0 : i32
      %dma_wait3A_821 = arith.constant 0 : i32
      %dma_wait3A_822 = tpu.memref_slice %arg4[%add3A_816, %dma_wait3A_820, %dma_wait3A_821] : memref<204800x8x128xf32, #tpu.memory_space<hbm>> -> memref<1x8x128xf32, #tpu.memory_space<hbm>>
      %dma_wait3A_823 = tpu.memref_squeeze %dma_wait3A_822 : memref<1x8x128xf32, #tpu.memory_space<hbm>> -> memref<8x128xf32, #tpu.memory_space<hbm>>
      %dma_wait3A_824 = arith.constant 0 : i32
      %dma_wait3A_825 = arith.constant 0 : i32
      %dma_wait3A_826 = tpu.memref_slice %arg4[%add3A_816, %dma_wait3A_824, %dma_wait3A_825] : memref<204800x8x128xf32, #tpu.memory_space<hbm>> -> memref<1x8x128xf32, #tpu.memory_space<hbm>>
      %dma_wait3A_827 = tpu.memref_squeeze %dma_wait3A_826 : memref<1x8x128xf32, #tpu.memory_space<hbm>> -> memref<8x128xf32, #tpu.memory_space<hbm>>
      %dma_wait3A_828 = arith.constant 16 : i32
      %dma_wait3A_829 = arith.constant 0 : i32
      %dma_wait3A_830 = tpu.memref_slice %arg11[%dma_wait3A_828, %dma_wait3A_829] : memref<64x129xf32, #tpu.memory_space<vmem>> -> memref<8x128xf32, #tpu.memory_space<vmem>>
      tpu.wait_dma2 semaphore(%arg15 : memref<!tpu.dma_semaphore, #tpu.memory_space<semaphore_mem>>) src(%dma_wait3A_830 : memref<8x128xf32, #tpu.memory_space<vmem>>) dst(%dma_wait3A_827 : memref<8x128xf32, #tpu.memory_space<hbm>>)
      %add3A_831 = arith.constant 204160 : i32
      %add3A_832 = arith.addi %add3A_831, %add3A_9 : i32
      %dma_wait3A_833 = arith.constant 24 : i32
      %dma_wait3A_834 = arith.constant 0 : i32
      %dma_wait3A_835 = tpu.memref_slice %arg11[%dma_wait3A_833, %dma_wait3A_834] : memref<64x129xf32, #tpu.memory_space<vmem>> -> memref<8x128xf32, #tpu.memory_space<vmem>>
      %dma_wait3A_836 = arith.constant 0 : i32
      %dma_wait3A_837 = arith.constant 0 : i32
      %dma_wait3A_838 = tpu.memref_slice %arg4[%add3A_832, %dma_wait3A_836, %dma_wait3A_837] : memref<204800x8x128xf32, #tpu.memory_space<hbm>> -> memref<1x8x128xf32, #tpu.memory_space<hbm>>
      %dma_wait3A_839 = tpu.memref_squeeze %dma_wait3A_838 : memref<1x8x128xf32, #tpu.memory_space<hbm>> -> memref<8x128xf32, #tpu.memory_space<hbm>>
      %dma_wait3A_840 = arith.constant 0 : i32
      %dma_wait3A_841 = arith.constant 0 : i32
      %dma_wait3A_842 = tpu.memref_slice %arg4[%add3A_832, %dma_wait3A_840, %dma_wait3A_841] : memref<204800x8x128xf32, #tpu.memory_space<hbm>> -> memref<1x8x128xf32, #tpu.memory_space<hbm>>
      %dma_wait3A_843 = tpu.memref_squeeze %dma_wait3A_842 : memref<1x8x128xf32, #tpu.memory_space<hbm>> -> memref<8x128xf32, #tpu.memory_space<hbm>>
      %dma_wait3A_844 = arith.constant 24 : i32
      %dma_wait3A_845 = arith.constant 0 : i32
      %dma_wait3A_846 = tpu.memref_slice %arg11[%dma_wait3A_844, %dma_wait3A_845] : memref<64x129xf32, #tpu.memory_space<vmem>> -> memref<8x128xf32, #tpu.memory_space<vmem>>
      tpu.wait_dma2 semaphore(%arg15 : memref<!tpu.dma_semaphore, #tpu.memory_space<semaphore_mem>>) src(%dma_wait3A_846 : memref<8x128xf32, #tpu.memory_space<vmem>>) dst(%dma_wait3A_843 : memref<8x128xf32, #tpu.memory_space<hbm>>)
      %add3A_847 = arith.constant 204288 : i32
      %add3A_848 = arith.addi %add3A_847, %add3A_9 : i32
      %dma_wait3A_849 = arith.constant 32 : i32
      %dma_wait3A_850 = arith.constant 0 : i32
      %dma_wait3A_851 = tpu.memref_slice %arg11[%dma_wait3A_849, %dma_wait3A_850] : memref<64x129xf32, #tpu.memory_space<vmem>> -> memref<8x128xf32, #tpu.memory_space<vmem>>
      %dma_wait3A_852 = arith.constant 0 : i32
      %dma_wait3A_853 = arith.constant 0 : i32
      %dma_wait3A_854 = tpu.memref_slice %arg4[%add3A_848, %dma_wait3A_852, %dma_wait3A_853] : memref<204800x8x128xf32, #tpu.memory_space<hbm>> -> memref<1x8x128xf32, #tpu.memory_space<hbm>>
      %dma_wait3A_855 = tpu.memref_squeeze %dma_wait3A_854 : memref<1x8x128xf32, #tpu.memory_space<hbm>> -> memref<8x128xf32, #tpu.memory_space<hbm>>
      %dma_wait3A_856 = arith.constant 0 : i32
      %dma_wait3A_857 = arith.constant 0 : i32
      %dma_wait3A_858 = tpu.memref_slice %arg4[%add3A_848, %dma_wait3A_856, %dma_wait3A_857] : memref<204800x8x128xf32, #tpu.memory_space<hbm>> -> memref<1x8x128xf32, #tpu.memory_space<hbm>>
      %dma_wait3A_859 = tpu.memref_squeeze %dma_wait3A_858 : memref<1x8x128xf32, #tpu.memory_space<hbm>> -> memref<8x128xf32, #tpu.memory_space<hbm>>
      %dma_wait3A_860 = arith.constant 32 : i32
      %dma_wait3A_861 = arith.constant 0 : i32
      %dma_wait3A_862 = tpu.memref_slice %arg11[%dma_wait3A_860, %dma_wait3A_861] : memref<64x129xf32, #tpu.memory_space<vmem>> -> memref<8x128xf32, #tpu.memory_space<vmem>>
      tpu.wait_dma2 semaphore(%arg15 : memref<!tpu.dma_semaphore, #tpu.memory_space<semaphore_mem>>) src(%dma_wait3A_862 : memref<8x128xf32, #tpu.memory_space<vmem>>) dst(%dma_wait3A_859 : memref<8x128xf32, #tpu.memory_space<hbm>>)
      %add3A_863 = arith.constant 204416 : i32
      %add3A_864 = arith.addi %add3A_863, %add3A_9 : i32
      %dma_wait3A_865 = arith.constant 40 : i32
      %dma_wait3A_866 = arith.constant 0 : i32
      %dma_wait3A_867 = tpu.memref_slice %arg11[%dma_wait3A_865, %dma_wait3A_866] : memref<64x129xf32, #tpu.memory_space<vmem>> -> memref<8x128xf32, #tpu.memory_space<vmem>>
      %dma_wait3A_868 = arith.constant 0 : i32
      %dma_wait3A_869 = arith.constant 0 : i32
      %dma_wait3A_870 = tpu.memref_slice %arg4[%add3A_864, %dma_wait3A_868, %dma_wait3A_869] : memref<204800x8x128xf32, #tpu.memory_space<hbm>> -> memref<1x8x128xf32, #tpu.memory_space<hbm>>
      %dma_wait3A_871 = tpu.memref_squeeze %dma_wait3A_870 : memref<1x8x128xf32, #tpu.memory_space<hbm>> -> memref<8x128xf32, #tpu.memory_space<hbm>>
      %dma_wait3A_872 = arith.constant 0 : i32
      %dma_wait3A_873 = arith.constant 0 : i32
      %dma_wait3A_874 = tpu.memref_slice %arg4[%add3A_864, %dma_wait3A_872, %dma_wait3A_873] : memref<204800x8x128xf32, #tpu.memory_space<hbm>> -> memref<1x8x128xf32, #tpu.memory_space<hbm>>
      %dma_wait3A_875 = tpu.memref_squeeze %dma_wait3A_874 : memref<1x8x128xf32, #tpu.memory_space<hbm>> -> memref<8x128xf32, #tpu.memory_space<hbm>>
      %dma_wait3A_876 = arith.constant 40 : i32
      %dma_wait3A_877 = arith.constant 0 : i32
      %dma_wait3A_878 = tpu.memref_slice %arg11[%dma_wait3A_876, %dma_wait3A_877] : memref<64x129xf32, #tpu.memory_space<vmem>> -> memref<8x128xf32, #tpu.memory_space<vmem>>
      tpu.wait_dma2 semaphore(%arg15 : memref<!tpu.dma_semaphore, #tpu.memory_space<semaphore_mem>>) src(%dma_wait3A_878 : memref<8x128xf32, #tpu.memory_space<vmem>>) dst(%dma_wait3A_875 : memref<8x128xf32, #tpu.memory_space<hbm>>)
      %add3A_879 = arith.constant 204544 : i32
      %add3A_880 = arith.addi %add3A_879, %add3A_9 : i32
      %dma_wait3A_881 = arith.constant 48 : i32
      %dma_wait3A_882 = arith.constant 0 : i32
      %dma_wait3A_883 = tpu.memref_slice %arg11[%dma_wait3A_881, %dma_wait3A_882] : memref<64x129xf32, #tpu.memory_space<vmem>> -> memref<8x128xf32, #tpu.memory_space<vmem>>
      %dma_wait3A_884 = arith.constant 0 : i32
      %dma_wait3A_885 = arith.constant 0 : i32
      %dma_wait3A_886 = tpu.memref_slice %arg4[%add3A_880, %dma_wait3A_884, %dma_wait3A_885] : memref<204800x8x128xf32, #tpu.memory_space<hbm>> -> memref<1x8x128xf32, #tpu.memory_space<hbm>>
      %dma_wait3A_887 = tpu.memref_squeeze %dma_wait3A_886 : memref<1x8x128xf32, #tpu.memory_space<hbm>> -> memref<8x128xf32, #tpu.memory_space<hbm>>
      %dma_wait3A_888 = arith.constant 0 : i32
      %dma_wait3A_889 = arith.constant 0 : i32
      %dma_wait3A_890 = tpu.memref_slice %arg4[%add3A_880, %dma_wait3A_888, %dma_wait3A_889] : memref<204800x8x128xf32, #tpu.memory_space<hbm>> -> memref<1x8x128xf32, #tpu.memory_space<hbm>>
      %dma_wait3A_891 = tpu.memref_squeeze %dma_wait3A_890 : memref<1x8x128xf32, #tpu.memory_space<hbm>> -> memref<8x128xf32, #tpu.memory_space<hbm>>
      %dma_wait3A_892 = arith.constant 48 : i32
      %dma_wait3A_893 = arith.constant 0 : i32
      %dma_wait3A_894 = tpu.memref_slice %arg11[%dma_wait3A_892, %dma_wait3A_893] : memref<64x129xf32, #tpu.memory_space<vmem>> -> memref<8x128xf32, #tpu.memory_space<vmem>>
      tpu.wait_dma2 semaphore(%arg15 : memref<!tpu.dma_semaphore, #tpu.memory_space<semaphore_mem>>) src(%dma_wait3A_894 : memref<8x128xf32, #tpu.memory_space<vmem>>) dst(%dma_wait3A_891 : memref<8x128xf32, #tpu.memory_space<hbm>>)
      %add3A_895 = arith.constant 204672 : i32
      %add3A_896 = arith.addi %add3A_895, %add3A_9 : i32
      %dma_wait3A_897 = arith.constant 56 : i32
      %dma_wait3A_898 = arith.constant 0 : i32
      %dma_wait3A_899 = tpu.memref_slice %arg11[%dma_wait3A_897, %dma_wait3A_898] : memref<64x129xf32, #tpu.memory_space<vmem>> -> memref<8x128xf32, #tpu.memory_space<vmem>>
      %dma_wait3A_900 = arith.constant 0 : i32
      %dma_wait3A_901 = arith.constant 0 : i32
      %dma_wait3A_902 = tpu.memref_slice %arg4[%add3A_896, %dma_wait3A_900, %dma_wait3A_901] : memref<204800x8x128xf32, #tpu.memory_space<hbm>> -> memref<1x8x128xf32, #tpu.memory_space<hbm>>
      %dma_wait3A_903 = tpu.memref_squeeze %dma_wait3A_902 : memref<1x8x128xf32, #tpu.memory_space<hbm>> -> memref<8x128xf32, #tpu.memory_space<hbm>>
      %dma_wait3A_904 = arith.constant 0 : i32
      %dma_wait3A_905 = arith.constant 0 : i32
      %dma_wait3A_906 = tpu.memref_slice %arg4[%add3A_896, %dma_wait3A_904, %dma_wait3A_905] : memref<204800x8x128xf32, #tpu.memory_space<hbm>> -> memref<1x8x128xf32, #tpu.memory_space<hbm>>
      %dma_wait3A_907 = tpu.memref_squeeze %dma_wait3A_906 : memref<1x8x128xf32, #tpu.memory_space<hbm>> -> memref<8x128xf32, #tpu.memory_space<hbm>>
      %dma_wait3A_908 = arith.constant 56 : i32
      %dma_wait3A_909 = arith.constant 0 : i32
      %dma_wait3A_910 = tpu.memref_slice %arg11[%dma_wait3A_908, %dma_wait3A_909] : memref<64x129xf32, #tpu.memory_space<vmem>> -> memref<8x128xf32, #tpu.memory_space<vmem>>
      tpu.wait_dma2 semaphore(%arg15 : memref<!tpu.dma_semaphore, #tpu.memory_space<semaphore_mem>>) src(%dma_wait3A_910 : memref<8x128xf32, #tpu.memory_space<vmem>>) dst(%dma_wait3A_907 : memref<8x128xf32, #tpu.memory_space<hbm>>)
    }
    %scan3A_5 = arith.constant 4 : i32
    return
  }
}

</mosaic_0001>

<sc_bundles>
// kernel: kernel.3.cloned.1.call-start
scs
__scs_entry_jumppad:
0x0: {  	(pc) =	sbr.rel $0x88, $3  }
0x1: {  	(tag) =	ssettag $0x0;
	lr =	simm.s32 $0x1  }
0x2: {  	[smem:$0x3F9F] =	sst lr;
	_ =	strace $0xD0000000  }
0x3: {  	_ = 	snop  }
0x4: {  	_ = 	snop  }
0x5: {  	_ = 	snop  }
0x6: {  	_ = 	snop  }
0x7: {  	_ = 	snop  }
__scs_overlays_trampoline_lowered:
0x8: {  	[smem:$0x3FAE] =	sst s0  }
0x9: {  	[smem:$0x3FAF] =	sst s1  }
0xa: {  	[smem:$0x3FB0] =	sst s2  }
0xb: {  	[smem:$0x3FB1] =	sst s3  }
0xc: {  	[smem:$0x3FB2] =	sst s4  }
0xd: {  	[smem:$0x3FB3] =	sst s5  }
0xe: {  	[smem:$0x3FB4] =	sst s6  }
0xf: {  	[smem:$0x3FB5] =	sst s7  }
0x10: {  	[smem:$0x3FB6] =	sst s8  }
0x11: {  	[smem:$0x3FB7] =	sst s9;
	s0 =	simm.s32 @!p0 $0x0  }
0x12: {  	s1 =	sld [smem:$0x3F9D];
	s0 =	simm.s32 @p0 $0x1  }
0x13: {  	[smem:$0x3FB8] =	sst s0;
	s0 =	simm.s32 @!p1 $0x0  }
0x14: {  	s2 =	sld [smem:$0x3F9C];
	s0 =	simm.s32 @p1 $0x1  }
0x15: {  	[smem:$0x3FB9] =	sst s0;
	s0 =	simm.s32 @!p2 $0x0  }
0x16: {  	s3 =	sld [smem:$0x3FDB];
	s0 =	simm.s32 @p2 $0x1  }
0x17: {  	s4 =	simm.s32 $0x1BF5;
	[smem:$0x3FBB] =	sst s0  }
0x18: {  	s0 =	sld [smem:$0x3F9E];
	_ =	swait.ge [sflag:s4], $0x0  }
0x19: {  	s7 =	sld [smem:$0x3F9F]  }
0x1a: {  	s8 =	sadd.s32 $0xFFFFE003, lr  }
0x1b: {  	s9 =	sadd.s32 $0xFFFFFEF7, lr;
	s5 =	simm.s32 $0xFFFFFFFF;
	p2 =	slt.u32 s8, $0xFFFFF086  }
0x1c: {  	p1 =	slt.u32 s9, $0xF7A;
	s5 =	simm.s32 @!p2 $0x0  }
0x1d: {  	s5 =	simm.s32 @p1 $0x1;
	p0 =	seq.s32 s7, s2  }
0x1e: {  	s7 =	smul.u32 @!p0 $0xF7A, s2;
	p2 =	seq.s32 @!p0 s5, $0x0  }
0x1f: {  	s9 =	smul.u32 $0xF7A, s1;
	s8 =	simm.s32 @!p0 $0x1BF5;
	p2 =	por !p2, p0  }
0x20: {  	[sflag:s8] =	ssyncset.s32 @!p0 $0xFFFFF086;
	s6 =	sadd.s32 @!p0 s3, s7;
	s7 =	simm.s32 @!p0 $0x108  }
0x21: {  	s3 =	sadd.s32 s3, s9;
	s6 =	sadd.s32 @!p0 $0x88, s6;
	s7 =	simm.s32 @p2 $0x1082  }
0x22: {  	[simem:s7], [sflag:s8] =	dma.local @!p0 [hbm:s6], $0xF7A  }
0x23: {  	s9 =	sor.u32 $0xD0000000, s2;
	s6 =	simm.s32 $0x108;
	_ =	swait.ge @!p0 [sflag:s8], $0x0  }
0x24: {  	s3 =	sadd.s32 $0x88, s3;
	s6 =	simm.s32 @!p1 $0x1082;
	[sflag:s4] =	ssyncset.s32 $0xFFFFF086  }
0x25: {  	[simem:s6], [sflag:s4] =	dma.local [hbm:s3], $0xF7A  }
0x26: {  	[smem:$0x3F9F] =	sst s1;
	(tag) =	ssettag s2;
	_ =	strace s9  }
0x27: {  	s1 =	sld [smem:$0x3FAF]  }
0x28: {  	s2 =	sld [smem:$0x3FB0]  }
0x29: {  	s4 =	sld [smem:$0x3FB2]  }
0x2a: {  	p0 =	seq.s32 s5, $0x0;
	s5 =	sld [smem:$0x3FB3]  }
0x2b: {  	s6 =	sld [smem:$0x3FB4]  }
0x2c: {  	s7 =	sld [smem:$0x3FB5]  }
0x2d: {  	s3 =	simm.s32 $0x108;
	s8 =	sld [smem:$0x3FB6]  }
0x2e: {  	s3 =	simm.s32 @!p0 $0x1082;
	s9 =	sld [smem:$0x3FB7]  }
0x2f: {  	lr =	sadd.s32 s0, s3;
	s0 =	sld [smem:$0x3FAE]  }
0x30: {  	s3 =	sld [smem:$0x3FB1]  }
0x31: {  	[smem:$0x3FBA] =	sst s10  }
0x32: {  	s10 =	sld [smem:$0x3FB8];
	_ =	sdelay $0x3  }
0x33: {  	p0 =	seq.s32 s10, $0x1;
	s10 =	sld [smem:$0x3FBA];
	_ =	sdelay $0x3  }
0x34: {  	[smem:$0x3FBA] =	sst s10  }
0x35: {  	s10 =	sld [smem:$0x3FB9];
	_ =	sdelay $0x3  }
0x36: {  	p1 =	seq.s32 s10, $0x1;
	s10 =	sld [smem:$0x3FBA];
	_ =	sdelay $0x3  }
0x37: {  	[smem:$0x3FBA] =	sst s10  }
0x38: {  	s10 =	sld [smem:$0x3FBB]  }
0x39: {  	_ = 	snop;
	(pc) =	sbr.ind lr, $3  }
0x3a: {  	_ = 	snop  }
0x3b: {  	_ = 	snop  }
0x3c: {  	p2 =	seq.s32 s10, $0x1;
	s10 =	sld [smem:$0x3FBA]  }
0x3d: {  	_ =	shalt  }
0x3e: {  	_ =	shalt  }
0x3f: {  	_ =	shalt  }
0x40: {  	_ =	shalt  }
0x41: {  	_ =	shalt  }
0x42: {  	_ =	shalt  }
0x43: {  	_ =	shalt  }
0x44: {  	_ =	shalt  }
0x45: {  	_ =	shalt  }
0x46: {  	_ =	shalt  }
0x47: {  	_ =	shalt  }
0x48: {  	_ =	shalt  }
0x49: {  	_ =	shalt  }
0x4a: {  	_ =	shalt  }
0x4b: {  	_ =	shalt  }
0x4c: {  	_ =	shalt  }
0x4d: {  	_ =	shalt  }
0x4e: {  	_ =	shalt  }
0x4f: {  	_ =	shalt  }
0x50: {  	_ =	shalt  }
0x51: {  	_ =	shalt  }
0x52: {  	_ =	shalt  }
0x53: {  	_ =	shalt  }
0x54: {  	_ =	shalt  }
0x55: {  	_ =	shalt  }
0x56: {  	_ =	shalt  }
0x57: {  	_ =	shalt  }
0x58: {  	_ =	shalt  }
0x59: {  	_ =	shalt  }
0x5a: {  	_ =	shalt  }
0x5b: {  	_ =	shalt  }
0x5c: {  	_ =	shalt  }
0x5d: {  	_ =	shalt  }
0x5e: {  	_ =	shalt  }
0x5f: {  	_ =	shalt  }
0x60: {  	_ =	shalt  }
0x61: {  	_ =	shalt  }
0x62: {  	_ =	shalt  }
0x63: {  	_ =	shalt  }
0x64: {  	_ =	shalt  }
0x65: {  	_ =	shalt  }
0x66: {  	_ =	shalt  }
0x67: {  	_ =	shalt  }
0x68: {  	_ =	shalt  }
0x69: {  	_ =	shalt  }
0x6a: {  	_ =	shalt  }
0x6b: {  	_ =	shalt  }
0x6c: {  	_ =	shalt  }
0x6d: {  	_ =	shalt  }
0x6e: {  	_ =	shalt  }
0x6f: {  	_ =	shalt  }
0x70: {  	_ =	shalt  }
0x71: {  	_ =	shalt  }
0x72: {  	_ =	shalt  }
0x73: {  	_ =	shalt  }
0x74: {  	_ =	shalt  }
0x75: {  	_ =	shalt  }
0x76: {  	_ =	shalt  }
0x77: {  	_ =	shalt  }
0x78: {  	_ =	shalt  }
0x79: {  	_ =	shalt  }
0x7a: {  	_ =	shalt  }
0x7b: {  	_ =	shalt  }
0x7c: {  	_ =	shalt  }
0x7d: {  	_ =	shalt  }
0x7e: {  	_ =	shalt  }
0x7f: {  	_ =	shalt  }
0x80: {  	_ =	shalt  }
0x81: {  	_ =	shalt  }
0x82: {  	_ =	shalt  }
0x83: {  	_ =	shalt  }
0x84: {  	_ =	shalt  }
0x85: {  	_ =	shalt  }
0x86: {  	_ =	shalt  }
0x87: {  	_ =	shalt  }
.Lfunc_end0:
.L_simem_size_0:
called_computation_lowered:
.L_overlay_start_0:
0x88: {  	s2 =	sld [smem:$0x3FD9]  }
0x89: {  	s3 =	sld [smem:$0x3FFE];
	_ =	sdelay $0x1  }
0x8a: {  	s1 =	srdreg.scid  }
0x8b: {  	s0 =	sand.u32 $0x1, s1  }
0x8c: {  	s17 =	sshll.u32 s0, $0xA;
	s2 =	sadd.s32 s3, s2  }
0x8d: {  	s2 =	sadd.s32 s2, s17  }
0x8e: {  	[smem:$0x3FC6] =	sst s2  }
0x8f: {  	_ = 	snop  }
0x90: {  	s2 =	sld [smem:$0x3FD0];
	(tm) =	ssettm $0x1  }
0x91: {  	s18 =	sld [smem:$0x3FFB];
	_ =	sdelay $0x3  }
0x92: {  	_ =	strace s18  }
0x93: {  	s3 =	sld [smem:$0x3FFC];
	_ =	sdelay $0x3  }
0x94: {  	_ =	strace s3  }
0x95: {  	s3 =	sld [smem:$0x3FFD];
	_ =	sdelay $0x3  }
0x96: {  	_ =	strace s3  }
0x97: {  	_ =	strace $0x8FFFFFFF  }
0x98: {  	s19 =	sld [smem:$0x3FDB];
	_ =	sdelay $0x1  }
0x99: {  	s4 =	simm.s32 $_scs_section_size  }
0x9a: {  	s5 =	simm.s32 $_size__tile_overlayer_lowered;
	s6 =	simm.s32 $_tile_overlayer_lowered  }
0x9b: {  	s22 =	simm.s32 $0x1BFF;
	s21 =	sshll.u32 s6, $0x1;
	s3 =	sadd.s32 s4, s19  }
0x9c: {  	s7 =	simm.s32 $0x0;
	s20 =	sshll.u32 s5, $0x1;
	s5 =	sadd.s32 s21, s3  }
0x9d: {  	[timem:s7], [sflag:s22] =	dma.local [hbm:s5], s20  }
0x9e: {  	_ =	swait.ge [sflag:s22], s20  }
0x9f: {  	s4 =	ssub.s32 $0x0, s20;
	[sflag:s22] =	ssyncset.done $0x0  }
0xa0: {  	[sflag:s22] =	ssyncadd.s32 s4;
	_ =	sdelay $0x1  }
0xa1: {  	s23 =	simm.s32 $0x1B8B  }
0xa2: {  	_ =	swait.ge [sflag:s23], $0x1  }
0xa3: {  	[sflag:s23] =	ssyncset.done $0x0  }
0xa4: {  	s25 =	simm.s32 $0x1B8E;
	s24 =	sld [smem:$0x3FFE];
	[sflag:s23] =	ssyncadd.s32 $0xFFFFFFFF  }
0xa5: {  	s26 =	simm.s32 $execute0_lowered;
	[smem:$0x3FD2] =	sst s25  }
0xa6: {  	s5 =	sshll.u32 s26, $0x1;
	_ =	strace $0x80000046;
	[dreg:$0x1] =	wrdreg $0xFFFFFFFF  }
0xa7: {  	s28 =	simm.s32 $_size_execute0_lowered;
	s3 =	sadd.s32 s3, s5;
	[dreg:$0x0] =	wrdreg $0x0  }
0xa8: {  	s5 =	sshll.u32 s28, $0x1;
	[dreg:$0x2] =	wrdreg s3  }
0xa9: {  	[dreg:$0x3] =	wrdreg s5  }
0xaa: {  	[dreg:$0x4] =	wrdreg $0xC0  }
0xab: {  	_ =	task [dreg:s7], $0x5FFFF  }
0xac: {  	[dreg:$0x1] =	wrdreg $0xFFFFFFFF  }
0xad: {  	[dreg:$0x0] =	wrdreg $0x60  }
0xae: {  	[dreg:$0x2] =	wrdreg s24  }
0xaf: {  	[dreg:$0x3] =	wrdreg s2  }
0xb0: {  	[dreg:$0x4] =	wrdreg $0x9  }
0xb1: {  	_ =	task.clear_ibuf [dreg:s7], $0x5FFFF;
	_ =	strace $0x90000046  }
0xb2: {  	s29 =	simm.s32 $0x9;
	_ =	strace $0x80000048  }
0xb3: {  	_ =	swait.ge [sflag:s29], $0x1  }
0xb4: {  	[sflag:s29] =	ssyncadd.s32 $0xFFFFFFFF  }
0xb5: {  	_ =	strace $0x90000048  }
0xb6: {  	_ =	sfence  }
0xb7: {  	s30 =	sld [smem:$0x0];
	_ =	sdelay $0x2  }
0xb8: {  	s31 =	sshll.u32 s1, $0xD;
	s1 =	sshrl.u32 s1, $0x2  }
0xb9: {  	s3 =	sand.u32 $0x4000, s31;
	s1 =	sadd.s32 s1, s30  }
0xba: {  	s0 =	sor.u32 s3, s0;
	s1 =	sshll.u32 s1, $0x11  }
0xbb: {  	s0 =	sor.u32 s1, s0  }
0xbc: {  	s0 =	sadd.s32 $0x8F2B, s0  }
0xbd: {  	[sflag:s0] =	ssyncadd.remote.s32 $0x1  }
0xbe: {  	_ =	sfence.sel $0xFFFF  }
0xbf: {  	[dreg:$0x0] =	wrdreg $0xFFFFFFFF;
	(pc) =	sbr.abs _section_cstart, $3  }
0xc0: {  	[dreg:$0x1] =	wrdreg $0xFFFFFFFF  }
0xc1: {  	_ =	task.clear_ibuf [dreg:s7], $0x2FFFF;
	_ =	strace $0x9FFFFFFF  }
0xc2: {  	(tm) =	ssettm $0x7FFFFFFF  }
0xc3: {  	_ =	shalt  }
tec
execute0_lowered:
.L_overlay_start_1:
0x0: {  	(tag) =	ssettag $0x1  }
0x1: {  	s0 =	rddreg [dreg:$0x0]  }
0x2: {  	s22 =	rddreg [dreg:$0x1];
	s2 =	simm.s32 $0x0  }
0x3: {  	s1 =	srdreg.scid;
	s6 =	stileid.u32;
	s28 =	simm.s32 $0x80  }
0x4: {  	s30 =	simm.s32 $0x2;
	s31 =	simm.s32 $0xC700;
	[smem:$0x7FF] =	sst s2  }
0x5: {  	s1 =	sand.u32 $0x1, s1;
	s4 =	sadd.s32 $0x400, s0;
	s6 =	sshll.u32 s6, $0x3  }
0x6: {  	s0 =	sadd.s32 $0x10400, s0;
	s7 =	sadd.s32 $0x4000, s22;
	s8 =	sadd.s32 $0x8000, s22  }
0x7: {  	s23 =	sadd.s32 $0x18C8000, s22;
	_ =	strace $0x80000047;
	[dreg:$0x3] =	wrdreg s0  }
0x8: {  	v14 =	vlaneseq.u32;
	s9 =	sadd.s32 $0xC000, s22;
	s24 =	sadd.s32 $0x18CC000, s22;
	[dreg:$0x7] =	wrdreg s23  }
0x9: {  	s10 =	sadd.s32 $0x10000, s22;
	s25 =	sadd.s32 $0x18D0000, s22;
	v0 =	vmul.u32 $0xC8, v14;
	[dreg:$0x9] =	wrdreg s24  }
0xa: {  	v17 =	vimm.s32 $0x0;
	vm0 =	vcmask $0x300;
	s11 =	sadd.s32 $0x14000, s22;
	s26 =	sadd.s32 $0x18D4000, s22;
	[dreg:$0xa] =	wrdreg s25  }
0xb: {  	s12 =	sadd.s32 $0x18000, s22;
	s29 =	sadd.s32 $0x18D8000, s22;
	v14 =	vmul.u32 $0x88, v14;
	v17 =	vsel vm0, $0x3, v17;
	[dreg:$0xb] =	wrdreg s26;
	v1 =	vadd.s32 $0xC80, v0  }
0xc: {  	s13 =	sadd.s32 $0x1C000, s22;
	[dreg:$0xc] =	wrdreg s29;
	s23 =	sadd.s32 $0x18EC000, s22;
	v2 =	vadd.s32 $0x1900, v0;
	v3 =	vadd.s32 $0x2580, v0;
	v4 =	vadd.s32 $0x3200, v0  }
0xd: {  	s14 =	sadd.s32 $0x20000, s22;
	s24 =	sadd.s32 $0x18F0000, s22;
	[dreg:$0x11] =	wrdreg s23;
	v5 =	vadd.s32 $0x3E80, v0;
	v6 =	vadd.s32 $0x4B00, v0;
	v7 =	vadd.s32 $0x5780, v0  }
0xe: {  	s15 =	sadd.s32 $0x24000, s22;
	s25 =	sadd.s32 $0x18F4000, s22;
	[dreg:$0x12] =	wrdreg s24;
	v8 =	vor.u32 $0x1, v0;
	v9 =	vadd.s32 $0xC81, v0;
	v10 =	vadd.s32 $0x1901, v0  }
0xf: {  	s3 =	ssub.s32 $0x2, s1;
	s26 =	sadd.s32 $0x18F8000, s22;
	[dreg:$0x13] =	wrdreg s25;
	v11 =	vadd.s32 $0x2581, v0;
	v12 =	vadd.s32 $0x3201, v0;
	v13 =	vadd.s32 $0x3E81, v0  }
0x10: {  	s1 =	sshll.u32 s1, $0x2;
	s29 =	sadd.s32 $0x18FC000, s22;
	[dreg:$0x14] =	wrdreg s26;
	v15 =	vadd.s32 $0x4B01, v0;
	v16 =	vadd.s32 $0x5781, v0;
	v18 =	vadd.s32 $0x880, v14  }
0x11: {  	s16 =	sadd.s32 $0x28000, s22;
	s1 =	sor.u32 s1, s6;
	[dreg:$0x15] =	wrdreg s29;
	v19 =	vadd.s32 $0x1100, v14;
	v20 =	vadd.s32 $0x1980, v14;
	v21 =	vor.u32 $0x1, v14  }
0x12: {  	s5 =	sshrl.u32 s3, $0x1;
	s6 =	sadd.s32 $0x18C4000, s22;
	v22 =	vadd.s32 $0x881, v14;
	v23 =	vadd.s32 $0x1101, v14;
	v24 =	vadd.s32 $0x1981, v14;
	[dreg:$0x4] =	wrdreg s1  }
0x13: {  	v25 =	vor.u32 $0x2, v14;
	v26 =	vadd.s32 $0x882, v14;
	v27 =	vadd.s32 $0x1102, v14;
	s3 =	ssub.s32 s3, s5;
	s5 =	sadd.s32 $0x18C0000, s22;
	[dreg:$0x6] =	wrdreg s6  }
0x14: {  	s17 =	sadd.s32 $0x2C000, s22;
	v28 =	vadd.s32 $0x1982, v14;
	v29 =	vor.u32 $0x3, v14;
	v30 =	vadd.s32 $0x883, v14;
	s1 =	sadd.s32 $0x18DC000, s22;
	[dreg:$0x5] =	wrdreg s5  }
0x15: {  	s18 =	sadd.s32 $0x30000, s22;
	v31 =	vadd.s32 $0x1103, v14;
	v32 =	vadd.s32 $0x1983, v14;
	v33 =	vor.u32 $0x4, v14;
	s6 =	sadd.s32 $0x18E8000, s22;
	[dreg:$0xd] =	wrdreg s1  }
0x16: {  	s19 =	sadd.s32 $0x34000, s22;
	v34 =	vadd.s32 $0x884, v14;
	v35 =	vadd.s32 $0x1104, v14;
	v36 =	vadd.s32 $0x1984, v14;
	s0 =	smax.u32 s3, $0x1;
	[dreg:$0x10] =	wrdreg s6  }
0x17: {  	s20 =	sadd.s32 $0x38000, s22;
	v37 =	vor.u32 $0x5, v14;
	v38 =	vadd.s32 $0x885, v14;
	v39 =	vadd.s32 $0x1105, v14;
	s3 =	sadd.s32 $0x18E0000, s22;
	[dreg:$0x8] =	wrdreg s0  }
0x18: {  	s21 =	sadd.s32 $0x3C000, s22;
	v40 =	vadd.s32 $0x1985, v14;
	v41 =	vor.u32 $0x6, v14;
	v42 =	vadd.s32 $0x886, v14;
	s5 =	sadd.s32 $0x18E4000, s22;
	[dreg:$0xe] =	wrdreg s3  }
0x19: {  	s25 =	simm.s32 $0xA500;
	v43 =	vadd.s32 $0x1106, v14;
	v44 =	vadd.s32 $0x1986, v14;
	v45 =	vor.u32 $0x7, v14;
	s6 =	simm.s32 $0x0;
	[dreg:$0xf] =	wrdreg s5  }
0x1a: {  	v46 =	vadd.s32 $0x887, v14;
	v47 =	vadd.s32 $0x1107, v14;
	v48 =	vadd.s32 $0x1987, v14;
	s3 =	simm.s32 $0x1;
	s0 =	simm.s32 $0x3;
	s5 =	simm.s32 $0x4  }
.LBB2_1:
0x1b: {  	[dreg:$0x16] =	wrdreg s6;
	s6 =	simm.s32 $0x0  }
.LBB2_2:
0x1c: {  	s1 =	rddreg [dreg:$0x4]  }
0x1d: {  	s1 =	sadd.s32 s1, s6  }
0x1e: {  	[dreg:$0x17] =	wrdreg s6;
	s6 =	smul.u32 $0xC80, s1  }
0x1f: {  	s22 =	rddreg [dreg:$0x3]  }
0x20: {  	s23 =	simm.s32 $0x5;
	s6 =	sadd.s32 s22, s6;
	s22 =	simm.s32 $0x0  }
0x21: {  	[tilespmem:s22], [sflag:$0x5] =	stream.linear.gather [hbm4b:s6+s22], $0x6400, $0x38;
	[tilespmem:$0xE900] =	vst v63  }
0x22: {  	_ =	swait.ge [sflag:s23], $0x6400  }
0x23: {  	[sflag:s23] =	ssyncset.done $0x0  }
0x24: {  	[sflag:s23] =	ssyncadd.s32 $0xFFFF9C00  }
0x25: {  	v49 =	vld.idx.msk [tilespmem:v0+s22+$0x0], $0xffff;
	_ =	sdelay $0x4  }
0x26: {  	[tilespmem:$0x6400] =	vst v49  }
0x27: {  	v49 =	vld.idx.msk [tilespmem:v1+s22+$0x0], $0xffff;
	_ =	sdelay $0x4  }
0x28: {  	[tilespmem:$0x6410] =	vst v49  }
0x29: {  	v49 =	vld.idx.msk [tilespmem:v2+s22+$0x0], $0xffff;
	_ =	sdelay $0x4  }
0x2a: {  	[tilespmem:$0x6420] =	vst v49  }
0x2b: {  	v49 =	vld.idx.msk [tilespmem:v3+s22+$0x0], $0xffff;
	_ =	sdelay $0x4  }
0x2c: {  	[tilespmem:$0x6430] =	vst v49  }
0x2d: {  	v49 =	vld.idx.msk [tilespmem:v4+s22+$0x0], $0xffff;
	_ =	sdelay $0x4  }
0x2e: {  	[tilespmem:$0x6440] =	vst v49  }
0x2f: {  	v49 =	vld.idx.msk [tilespmem:v5+s22+$0x0], $0xffff;
	_ =	sdelay $0x4  }
0x30: {  	[tilespmem:$0x6450] =	vst v49  }
0x31: {  	v49 =	vld.idx.msk [tilespmem:v6+s22+$0x0], $0xffff;
	_ =	sdelay $0x4  }
0x32: {  	[tilespmem:$0x6460] =	vst v49  }
0x33: {  	v49 =	vld.idx.msk [tilespmem:v7+s22+$0x0], $0xffff;
	_ =	sdelay $0x4  }
0x34: {  	s24 =	simm.s32 $0x6400;
	s23 =	simm.s32 $0x6500;
	[tilespmem:$0x6470] =	vst v49  }
0x35: {  	[tilespmem:s23], [sflag:$0x1] =	stream.indirect.gather [hbm4b:s4+s28], $0x40, s24, s28, $0xb8;
	[tilespmem:$0xE900] =	vst v63  }
0x36: {  	v49 =	vld.idx.msk [tilespmem:v8+s22+$0x0], $0xffff;
	_ =	sdelay $0x4  }
0x37: {  	[tilespmem:$0x6480] =	vst v49  }
0x38: {  	v49 =	vld.idx.msk [tilespmem:v9+s22+$0x0], $0xffff;
	_ =	sdelay $0x4  }
0x39: {  	[tilespmem:$0x6490] =	vst v49  }
0x3a: {  	v49 =	vld.idx.msk [tilespmem:v10+s22+$0x0], $0xffff;
	_ =	sdelay $0x4  }
0x3b: {  	[tilespmem:$0x64A0] =	vst v49  }
0x3c: {  	v49 =	vld.idx.msk [tilespmem:v11+s22+$0x0], $0xffff;
	_ =	sdelay $0x4  }
0x3d: {  	[tilespmem:$0x64B0] =	vst v49  }
0x3e: {  	v49 =	vld.idx.msk [tilespmem:v12+s22+$0x0], $0xffff;
	_ =	sdelay $0x4  }
0x3f: {  	[tilespmem:$0x64C0] =	vst v49  }
0x40: {  	v49 =	vld.idx.msk [tilespmem:v13+s22+$0x0], $0xffff;
	_ =	sdelay $0x4  }
0x41: {  	[tilespmem:$0x64D0] =	vst v49  }
0x42: {  	v49 =	vld.idx.msk [tilespmem:v15+s22+$0x0], $0xffff;
	_ =	sdelay $0x4  }
0x43: {  	[tilespmem:$0x64E0] =	vst v49  }
0x44: {  	v49 =	vld.idx.msk [tilespmem:v16+s22+$0x0], $0xffff;
	_ =	sdelay $0x4  }
0x45: {  	s26 =	simm.s32 $0x6480;
	s29 =	simm.s32 $0x8500;
	s6 =	sshll.u32 s1, $0x7;
	[tilespmem:$0x64F0] =	vst v49  }
0x46: {  	[tilespmem:s29], [sflag:$0x2] =	stream.indirect.gather [hbm4b:s4+s28], $0x40, s26, s28, $0xb8;
	[tilespmem:$0xE900] =	vst v63  }
.LBB2_3:
0x47: {  	s24 =	sshll.u32 s22, $0x1  }
0x48: {  	s1 =	sadd.s32 $0x2, s24  }
0x49: {  	v49 =	vmov s1  }
0x4a: {  	v49 =	vand.u32 $0x1FE, v49  }
0x4b: {  	v50 =	vadd.s32 v0, v49;
	_ =	sdelay $0x1  }
0x4c: {  	_ =	swait.ge [sflag:s3], $0x2000  }
0x4d: {  	[sflag:s3] =	ssyncset.done $0x0  }
0x4e: {  	[sflag:s3] =	ssyncadd.s32 $0xFFFFE000  }
0x4f: {  	v50 =	vld.idx.msk [tilespmem:v50+s2+$0x0], $0xffff  }
0x50: {  	v51 =	vadd.s32 v1, v49;
	_ =	sdelay $0x3  }
0x51: {  	[tilespmem:$0x6400] =	vst v50  }
0x52: {  	v50 =	vld.idx.msk [tilespmem:v51+s2+$0x0], $0xffff  }
0x53: {  	v63 =	vadd.s32 v2, v49;
	_ =	sdelay $0x3  }
0x54: {  	[tilespmem:$0x6410] =	vst v50  }
0x55: {  	v50 =	vld.idx.msk [tilespmem:v63+s2+$0x0], $0xffff  }
0x56: {  	v54 =	vadd.s32 v3, v49;
	_ =	sdelay $0x3  }
0x57: {  	[tilespmem:$0x6420] =	vst v50  }
0x58: {  	v50 =	vld.idx.msk [tilespmem:v54+s2+$0x0], $0xffff  }
0x59: {  	v55 =	vadd.s32 v4, v49;
	_ =	sdelay $0x3  }
0x5a: {  	[tilespmem:$0x6430] =	vst v50  }
0x5b: {  	v50 =	vld.idx.msk [tilespmem:v55+s2+$0x0], $0xffff  }
0x5c: {  	v56 =	vadd.s32 v5, v49;
	_ =	sdelay $0x3  }
0x5d: {  	[tilespmem:$0x6440] =	vst v50  }
0x5e: {  	v50 =	vld.idx.msk [tilespmem:v56+s2+$0x0], $0xffff  }
0x5f: {  	v57 =	vadd.s32 v6, v49;
	_ =	sdelay $0x3  }
0x60: {  	[tilespmem:$0x6450] =	vst v50  }
0x61: {  	v50 =	vld.idx.msk [tilespmem:v57+s2+$0x0], $0xffff  }
0x62: {  	v49 =	vadd.s32 v7, v49;
	_ =	sdelay $0x3  }
0x63: {  	[tilespmem:$0x6460] =	vst v50  }
0x64: {  	v49 =	vld.idx.msk [tilespmem:v49+s2+$0x0], $0xffff;
	_ =	sdelay $0x3  }
0x65: {  	p0 =	seq.s32 s22, $0x0  }
0x66: {  	s1 =	simm.s32 @!p0 $0x3;
	[tilespmem:$0x6470] =	vst v49  }
0x67: {  	_ =	swait.ge @!p0 [sflag:s1], $0x400  }
0x68: {  	[sflag:s1] =	ssyncset.done @!p0 $0x0  }
0x69: {  	[sflag:s1] =	ssyncadd.s32 @!p0 $0xFFFFFC00  }
0x6a: {  	_ =	swait.ge @!p0 [sflag:s1], $0x400  }
0x6b: {  	[sflag:s1] =	ssyncset.done @!p0 $0x0  }
0x6c: {  	[sflag:s1] =	ssyncadd.s32 @!p0 $0xFFFFFC00  }
0x6d: {  	_ =	swait.ge @!p0 [sflag:s1], $0x400  }
0x6e: {  	[sflag:s1] =	ssyncset.done @!p0 $0x0  }
0x6f: {  	[sflag:s1] =	ssyncadd.s32 @!p0 $0xFFFFFC00  }
0x70: {  	_ =	swait.ge @!p0 [sflag:s1], $0x400  }
0x71: {  	[sflag:s1] =	ssyncset.done @!p0 $0x0  }
0x72: {  	[sflag:s1] =	ssyncadd.s32 @!p0 $0xFFFFFC00  }
0x73: {  	_ =	swait.ge @!p0 [sflag:s1], $0x400  }
0x74: {  	[sflag:s1] =	ssyncset.done @!p0 $0x0  }
0x75: {  	[sflag:s1] =	ssyncadd.s32 @!p0 $0xFFFFFC00  }
0x76: {  	_ =	swait.ge @!p0 [sflag:s1], $0x400  }
0x77: {  	[sflag:s1] =	ssyncset.done @!p0 $0x0  }
0x78: {  	[sflag:s1] =	ssyncadd.s32 @!p0 $0xFFFFFC00  }
0x79: {  	s23 =	simm.s32 $0x0;
	_ =	swait.ge @!p0 [sflag:s1], $0x400  }
0x7a: {  	v58 =	vmov s23;
	[sflag:s1] =	ssyncset.done @!p0 $0x0  }
0x7b: {  	v49 =	vshrl.u32 v58, $0x3;
	[sflag:s1] =	ssyncadd.s32 @!p0 $0xFFFFFC00  }
0x7c: {  	v49 =	vshll.u32 v49, v17;
	_ =	swait.ge @!p0 [sflag:s1], $0x400  }
0x7d: {  	v49 =	vbroadcast v49, $0x0;
	[sflag:s1] =	ssyncset.done @!p0 $0x0  }
0x7e: {  	s23 =	simm.s32 $0x6600;
	[sflag:s1] =	ssyncadd.s32 @!p0 $0xFFFFFC00  }
0x7f: {  	v60 =	vadd.s32 v14, v49;
	v59 =	vld [tilespmem:s23+$0xFFFFFF00];
	_ =	sdelay $0x4  }
0x80: {  	[tilespmem:v60+s25+$0x0] =	vst.idx.msk $0xffff, v59  }
0x81: {  	v61 =	vadd.s32 v18, v49;
	v50 =	vld [tilespmem:s23+$0xFFFFFF10];
	_ =	sdelay $0x4  }
0x82: {  	[tilespmem:v61+s25+$0x0] =	vst.idx.msk $0xffff, v50  }
0x83: {  	v62 =	vadd.s32 v19, v49;
	v50 =	vld [tilespmem:s23+$0xFFFFFF20];
	_ =	sdelay $0x4  }
0x84: {  	[tilespmem:v62+s25+$0x0] =	vst.idx.msk $0xffff, v50  }
0x85: {  	s26 =	simm.s32 $0x1;
	v49 =	vadd.s32 v20, v49;
	v50 =	vld [tilespmem:s23+$0xFFFFFF30]  }
0x86: {  	v63 =	vmov s26  }
0x87: {  	v51 =	vshrl.u32 v63, $0x3  }
0x88: {  	v51 =	vshll.u32 v51, v17  }
0x89: {  	v51 =	vbroadcast v51, $0x0  }
0x8a: {  	[tilespmem:v49+s25+$0x0] =	vst.idx.msk $0xffff, v50  }
0x8b: {  	v54 =	vadd.s32 v21, v51;
	v49 =	vld [tilespmem:s23+$0xFFFFFF40];
	_ =	sdelay $0x4  }
0x8c: {  	[tilespmem:v54+s25+$0x0] =	vst.idx.msk $0xffff, v49  }
0x8d: {  	v55 =	vadd.s32 v22, v51;
	v49 =	vld [tilespmem:s23+$0xFFFFFF50];
	_ =	sdelay $0x4  }
0x8e: {  	[tilespmem:v55+s25+$0x0] =	vst.idx.msk $0xffff, v49  }
0x8f: {  	v56 =	vadd.s32 v23, v51;
	v49 =	vld [tilespmem:s23+$0xFFFFFF60];
	_ =	sdelay $0x4  }
0x90: {  	[tilespmem:v56+s25+$0x0] =	vst.idx.msk $0xffff, v49  }
0x91: {  	s26 =	simm.s32 $0x2;
	v57 =	vadd.s32 v24, v51;
	v49 =	vld [tilespmem:s23+$0xFFFFFF70]  }
0x92: {  	v58 =	vmov s26  }
0x93: {  	v51 =	vshrl.u32 v58, $0x3  }
0x94: {  	v51 =	vshll.u32 v51, v17  }
0x95: {  	v51 =	vbroadcast v51, $0x0  }
0x96: {  	[tilespmem:v57+s25+$0x0] =	vst.idx.msk $0xffff, v49  }
0x97: {  	v59 =	vadd.s32 v25, v51;
	v49 =	vld [tilespmem:s23+$0xFFFFFF80];
	_ =	sdelay $0x4  }
0x98: {  	[tilespmem:v59+s25+$0x0] =	vst.idx.msk $0xffff, v49  }
0x99: {  	v60 =	vadd.s32 v26, v51;
	v49 =	vld [tilespmem:s23+$0xFFFFFF90];
	_ =	sdelay $0x4  }
0x9a: {  	[tilespmem:v60+s25+$0x0] =	vst.idx.msk $0xffff, v49  }
0x9b: {  	v61 =	vadd.s32 v27, v51;
	v49 =	vld [tilespmem:s23+$0xFFFFFFA0];
	_ =	sdelay $0x4  }
0x9c: {  	[tilespmem:v61+s25+$0x0] =	vst.idx.msk $0xffff, v49  }
0x9d: {  	s26 =	simm.s32 $0x3;
	v62 =	vadd.s32 v28, v51;
	v49 =	vld [tilespmem:s23+$0xFFFFFFB0]  }
0x9e: {  	v63 =	vmov s26  }
0x9f: {  	v51 =	vshrl.u32 v63, $0x3  }
0xa0: {  	v51 =	vshll.u32 v51, v17  }
0xa1: {  	v51 =	vbroadcast v51, $0x0  }
0xa2: {  	[tilespmem:v62+s25+$0x0] =	vst.idx.msk $0xffff, v49  }
0xa3: {  	v53 =	vadd.s32 v29, v51;
	v49 =	vld [tilespmem:s23+$0xFFFFFFC0];
	_ =	sdelay $0x4  }
0xa4: {  	[tilespmem:v53+s25+$0x0] =	vst.idx.msk $0xffff, v49  }
0xa5: {  	v54 =	vadd.s32 v30, v51;
	v49 =	vld [tilespmem:s23+$0xFFFFFFD0];
	_ =	sdelay $0x4  }
0xa6: {  	[tilespmem:v54+s25+$0x0] =	vst.idx.msk $0xffff, v49  }
0xa7: {  	v55 =	vadd.s32 v31, v51;
	v49 =	vld [tilespmem:s23+$0xFFFFFFE0];
	_ =	sdelay $0x4  }
0xa8: {  	[tilespmem:v55+s25+$0x0] =	vst.idx.msk $0xffff, v49  }
0xa9: {  	s26 =	simm.s32 $0x4;
	v56 =	vadd.s32 v32, v51;
	v49 =	vld [tilespmem:s23+$0xFFFFFFF0]  }
0xaa: {  	v57 =	vmov s26  }
0xab: {  	v51 =	vshrl.u32 v57, $0x3  }
0xac: {  	v51 =	vshll.u32 v51, v17  }
0xad: {  	v51 =	vbroadcast v51, $0x0  }
0xae: {  	[tilespmem:v56+s25+$0x0] =	vst.idx.msk $0xffff, v49  }
0xaf: {  	v58 =	vadd.s32 v33, v51;
	v49 =	vld [tilespmem:s23+$0x0];
	_ =	sdelay $0x4  }
0xb0: {  	[tilespmem:v58+s25+$0x0] =	vst.idx.msk $0xffff, v49  }
0xb1: {  	v59 =	vadd.s32 v34, v51;
	v49 =	vld [tilespmem:s23+$0x10];
	_ =	sdelay $0x4  }
0xb2: {  	[tilespmem:v59+s25+$0x0] =	vst.idx.msk $0xffff, v49  }
0xb3: {  	v60 =	vadd.s32 v35, v51;
	v49 =	vld [tilespmem:s23+$0x20];
	_ =	sdelay $0x4  }
0xb4: {  	[tilespmem:v60+s25+$0x0] =	vst.idx.msk $0xffff, v49  }
0xb5: {  	s26 =	simm.s32 $0x5;
	v61 =	vadd.s32 v36, v51;
	v49 =	vld [tilespmem:s23+$0x30]  }
0xb6: {  	v62 =	vmov s26  }
0xb7: {  	v51 =	vshrl.u32 v62, $0x3  }
0xb8: {  	v51 =	vshll.u32 v51, v17  }
0xb9: {  	v51 =	vbroadcast v51, $0x0  }
0xba: {  	[tilespmem:v61+s25+$0x0] =	vst.idx.msk $0xffff, v49  }
0xbb: {  	v63 =	vadd.s32 v37, v51;
	v49 =	vld [tilespmem:s23+$0x40];
	_ =	sdelay $0x4  }
0xbc: {  	[tilespmem:v63+s25+$0x0] =	vst.idx.msk $0xffff, v49  }
0xbd: {  	v52 =	vadd.s32 v38, v51;
	v49 =	vld [tilespmem:s23+$0x50];
	_ =	sdelay $0x4  }
0xbe: {  	[tilespmem:v52+s25+$0x0] =	vst.idx.msk $0xffff, v49  }
0xbf: {  	v53 =	vadd.s32 v39, v51;
	v49 =	vld [tilespmem:s23+$0x60];
	_ =	sdelay $0x4  }
0xc0: {  	[tilespmem:v53+s25+$0x0] =	vst.idx.msk $0xffff, v49  }
0xc1: {  	s26 =	simm.s32 $0x6;
	v54 =	vadd.s32 v40, v51;
	v49 =	vld [tilespmem:s23+$0x70]  }
0xc2: {  	v55 =	vmov s26  }
0xc3: {  	v51 =	vshrl.u32 v55, $0x3  }
0xc4: {  	v51 =	vshll.u32 v51, v17  }
0xc5: {  	v51 =	vbroadcast v51, $0x0  }
0xc6: {  	[tilespmem:v54+s25+$0x0] =	vst.idx.msk $0xffff, v49  }
0xc7: {  	v56 =	vadd.s32 v41, v51;
	v49 =	vld [tilespmem:s23+$0x80];
	_ =	sdelay $0x4  }
0xc8: {  	[tilespmem:v56+s25+$0x0] =	vst.idx.msk $0xffff, v49  }
0xc9: {  	v57 =	vadd.s32 v42, v51;
	v49 =	vld [tilespmem:s23+$0x90];
	_ =	sdelay $0x4  }
0xca: {  	[tilespmem:v57+s25+$0x0] =	vst.idx.msk $0xffff, v49  }
0xcb: {  	v58 =	vadd.s32 v43, v51;
	v49 =	vld [tilespmem:s23+$0xA0];
	_ =	sdelay $0x4  }
0xcc: {  	[tilespmem:v58+s25+$0x0] =	vst.idx.msk $0xffff, v49  }
0xcd: {  	s26 =	simm.s32 $0x7;
	v59 =	vadd.s32 v44, v51;
	v49 =	vld [tilespmem:s23+$0xB0]  }
0xce: {  	v60 =	vmov s26  }
0xcf: {  	v51 =	vshrl.u32 v60, $0x3  }
0xd0: {  	v51 =	vshll.u32 v51, v17  }
0xd1: {  	v51 =	vbroadcast v51, $0x0  }
0xd2: {  	[tilespmem:v59+s25+$0x0] =	vst.idx.msk $0xffff, v49  }
0xd3: {  	v61 =	vadd.s32 v45, v51;
	v49 =	vld [tilespmem:s23+$0xC0];
	_ =	sdelay $0x4  }
0xd4: {  	[tilespmem:v61+s25+$0x0] =	vst.idx.msk $0xffff, v49  }
0xd5: {  	v62 =	vadd.s32 v46, v51;
	v49 =	vld [tilespmem:s23+$0xD0];
	_ =	sdelay $0x4  }
0xd6: {  	[tilespmem:v62+s25+$0x0] =	vst.idx.msk $0xffff, v49  }
0xd7: {  	v63 =	vadd.s32 v47, v51;
	v49 =	vld [tilespmem:s23+$0xE0];
	_ =	sdelay $0x4  }
0xd8: {  	[tilespmem:v63+s25+$0x0] =	vst.idx.msk $0xffff, v49  }
0xd9: {  	s29 =	simm.s32 $0x8;
	s1 =	simm.s32 $0x17;
	s26 =	simm.s32 $0xF;
	v50 =	vadd.s32 v48, v51;
	v49 =	vld [tilespmem:s23+$0xF0]  }
.LBB2_4:
0xda: {  	p1 =	sne.s32 s1, $0x7F;
	v51 =	vmov s29  }
0xdb: {  	v51 =	vshrl.u32 v51, $0x3  }
0xdc: {  	v51 =	vshll.u32 v51, v17  }
0xdd: {  	v51 =	vbroadcast v51, $0x0  }
0xde: {  	s23 =	sadd.s32 $0x200, s23;
	[tilespmem:v50+s25+$0x0] =	vst.idx.msk $0xffff, v49  }
0xdf: {  	v49 =	vld [tilespmem:s23+$0xFFFFFF00];
	v50 =	vadd.s32 v14, v51;
	_ =	sdelay $0x4  }
0xe0: {  	[tilespmem:v50+s25+$0x0] =	vst.idx.msk $0xffff, v49  }
0xe1: {  	v50 =	vadd.s32 v18, v51;
	v49 =	vld [tilespmem:s23+$0xFFFFFF10];
	_ =	sdelay $0x4  }
0xe2: {  	[tilespmem:v50+s25+$0x0] =	vst.idx.msk $0xffff, v49  }
0xe3: {  	v50 =	vadd.s32 v19, v51;
	v49 =	vld [tilespmem:s23+$0xFFFFFF20];
	_ =	sdelay $0x4  }
0xe4: {  	[tilespmem:v50+s25+$0x0] =	vst.idx.msk $0xffff, v49  }
0xe5: {  	s29 =	sadd.s32 $0xFFFFFFFA, s26;
	v50 =	vadd.s32 v20, v51;
	v49 =	vld [tilespmem:s23+$0xFFFFFF30]  }
0xe6: {  	v51 =	vmov s29  }
0xe7: {  	v51 =	vshrl.u32 v51, $0x3  }
0xe8: {  	v51 =	vshll.u32 v51, v17  }
0xe9: {  	v51 =	vbroadcast v51, $0x0  }
0xea: {  	[tilespmem:v50+s25+$0x0] =	vst.idx.msk $0xffff, v49  }
0xeb: {  	v50 =	vadd.s32 v21, v51;
	v49 =	vld [tilespmem:s23+$0xFFFFFF40];
	_ =	sdelay $0x4  }
0xec: {  	[tilespmem:v50+s25+$0x0] =	vst.idx.msk $0xffff, v49  }
0xed: {  	v50 =	vadd.s32 v22, v51;
	v49 =	vld [tilespmem:s23+$0xFFFFFF50];
	_ =	sdelay $0x4  }
0xee: {  	[tilespmem:v50+s25+$0x0] =	vst.idx.msk $0xffff, v49  }
0xef: {  	v50 =	vadd.s32 v23, v51;
	v49 =	vld [tilespmem:s23+$0xFFFFFF60];
	_ =	sdelay $0x4  }
0xf0: {  	[tilespmem:v50+s25+$0x0] =	vst.idx.msk $0xffff, v49  }
0xf1: {  	s29 =	sadd.s32 $0xFFFFFFFB, s26;
	v50 =	vadd.s32 v24, v51;
	v49 =	vld [tilespmem:s23+$0xFFFFFF70]  }
0xf2: {  	v51 =	vmov s29  }
0xf3: {  	v51 =	vshrl.u32 v51, $0x3  }
0xf4: {  	v51 =	vshll.u32 v51, v17  }
0xf5: {  	v51 =	vbroadcast v51, $0x0  }
0xf6: {  	[tilespmem:v50+s25+$0x0] =	vst.idx.msk $0xffff, v49  }
0xf7: {  	v50 =	vadd.s32 v25, v51;
	v49 =	vld [tilespmem:s23+$0xFFFFFF80];
	_ =	sdelay $0x4  }
0xf8: {  	[tilespmem:v50+s25+$0x0] =	vst.idx.msk $0xffff, v49  }
0xf9: {  	v50 =	vadd.s32 v26, v51;
	v49 =	vld [tilespmem:s23+$0xFFFFFF90];
	_ =	sdelay $0x4  }
0xfa: {  	[tilespmem:v50+s25+$0x0] =	vst.idx.msk $0xffff, v49  }
0xfb: {  	v50 =	vadd.s32 v27, v51;
	v49 =	vld [tilespmem:s23+$0xFFFFFFA0];
	_ =	sdelay $0x4  }
0xfc: {  	[tilespmem:v50+s25+$0x0] =	vst.idx.msk $0xffff, v49  }
0xfd: {  	s29 =	sadd.s32 $0xFFFFFFFC, s26;
	v50 =	vadd.s32 v28, v51;
	v49 =	vld [tilespmem:s23+$0xFFFFFFB0]  }
0xfe: {  	v51 =	vmov s29  }
0xff: {  	v51 =	vshrl.u32 v51, $0x3  }
0x100: {  	v51 =	vshll.u32 v51, v17  }
0x101: {  	v51 =	vbroadcast v51, $0x0  }
0x102: {  	[tilespmem:v50+s25+$0x0] =	vst.idx.msk $0xffff, v49  }
0x103: {  	v50 =	vadd.s32 v29, v51;
	v49 =	vld [tilespmem:s23+$0xFFFFFFC0];
	_ =	sdelay $0x4  }
0x104: {  	[tilespmem:v50+s25+$0x0] =	vst.idx.msk $0xffff, v49  }
0x105: {  	v50 =	vadd.s32 v30, v51;
	v49 =	vld [tilespmem:s23+$0xFFFFFFD0];
	_ =	sdelay $0x4  }
0x106: {  	[tilespmem:v50+s25+$0x0] =	vst.idx.msk $0xffff, v49  }
0x107: {  	v50 =	vadd.s32 v31, v51;
	v49 =	vld [tilespmem:s23+$0xFFFFFFE0];
	_ =	sdelay $0x4  }
0x108: {  	[tilespmem:v50+s25+$0x0] =	vst.idx.msk $0xffff, v49  }
0x109: {  	s29 =	sadd.s32 $0xFFFFFFFD, s26;
	v50 =	vadd.s32 v32, v51;
	v49 =	vld [tilespmem:s23+$0xFFFFFFF0]  }
0x10a: {  	v51 =	vmov s29  }
0x10b: {  	v51 =	vshrl.u32 v51, $0x3  }
0x10c: {  	v51 =	vshll.u32 v51, v17  }
0x10d: {  	v51 =	vbroadcast v51, $0x0  }
0x10e: {  	[tilespmem:v50+s25+$0x0] =	vst.idx.msk $0xffff, v49  }
0x10f: {  	v50 =	vadd.s32 v33, v51;
	v49 =	vld [tilespmem:s23+$0x0];
	_ =	sdelay $0x4  }
0x110: {  	[tilespmem:v50+s25+$0x0] =	vst.idx.msk $0xffff, v49  }
0x111: {  	v50 =	vadd.s32 v34, v51;
	v49 =	vld [tilespmem:s23+$0x10];
	_ =	sdelay $0x4  }
0x112: {  	[tilespmem:v50+s25+$0x0] =	vst.idx.msk $0xffff, v49  }
0x113: {  	v50 =	vadd.s32 v35, v51;
	v49 =	vld [tilespmem:s23+$0x20];
	_ =	sdelay $0x4  }
0x114: {  	[tilespmem:v50+s25+$0x0] =	vst.idx.msk $0xffff, v49  }
0x115: {  	s29 =	sadd.s32 $0xFFFFFFFE, s26;
	v50 =	vadd.s32 v36, v51;
	v49 =	vld [tilespmem:s23+$0x30]  }
0x116: {  	v51 =	vmov s29  }
0x117: {  	v51 =	vshrl.u32 v51, $0x3  }
0x118: {  	v51 =	vshll.u32 v51, v17  }
0x119: {  	v51 =	vbroadcast v51, $0x0  }
0x11a: {  	[tilespmem:v50+s25+$0x0] =	vst.idx.msk $0xffff, v49  }
0x11b: {  	v50 =	vadd.s32 v37, v51;
	v49 =	vld [tilespmem:s23+$0x40];
	_ =	sdelay $0x4  }
0x11c: {  	[tilespmem:v50+s25+$0x0] =	vst.idx.msk $0xffff, v49  }
0x11d: {  	v50 =	vadd.s32 v38, v51;
	v49 =	vld [tilespmem:s23+$0x50];
	_ =	sdelay $0x4  }
0x11e: {  	[tilespmem:v50+s25+$0x0] =	vst.idx.msk $0xffff, v49  }
0x11f: {  	v50 =	vadd.s32 v39, v51;
	v49 =	vld [tilespmem:s23+$0x60];
	_ =	sdelay $0x4  }
0x120: {  	[tilespmem:v50+s25+$0x0] =	vst.idx.msk $0xffff, v49  }
0x121: {  	s29 =	sadd.s32 $0xFFFFFFFF, s26;
	v50 =	vadd.s32 v40, v51;
	v49 =	vld [tilespmem:s23+$0x70]  }
0x122: {  	v51 =	vmov s29  }
0x123: {  	v51 =	vshrl.u32 v51, $0x3  }
0x124: {  	v51 =	vshll.u32 v51, v17  }
0x125: {  	v51 =	vbroadcast v51, $0x0  }
0x126: {  	[tilespmem:v50+s25+$0x0] =	vst.idx.msk $0xffff, v49  }
0x127: {  	v50 =	vadd.s32 v41, v51;
	v49 =	vld [tilespmem:s23+$0x80];
	_ =	sdelay $0x4  }
0x128: {  	[tilespmem:v50+s25+$0x0] =	vst.idx.msk $0xffff, v49  }
0x129: {  	v50 =	vadd.s32 v42, v51;
	v49 =	vld [tilespmem:s23+$0x90];
	_ =	sdelay $0x4  }
0x12a: {  	[tilespmem:v50+s25+$0x0] =	vst.idx.msk $0xffff, v49  }
0x12b: {  	v50 =	vadd.s32 v43, v51;
	v49 =	vld [tilespmem:s23+$0xA0];
	_ =	sdelay $0x4  }
0x12c: {  	[tilespmem:v50+s25+$0x0] =	vst.idx.msk $0xffff, v49  }
0x12d: {  	v50 =	vadd.s32 v44, v51;
	v49 =	vld [tilespmem:s23+$0xB0]  }
0x12e: {  	v51 =	vmov s26;
	s26 =	smov.u32 s1  }
0x12f: {  	v51 =	vshrl.u32 v51, $0x3  }
0x130: {  	v51 =	vshll.u32 v51, v17  }
0x131: {  	v51 =	vbroadcast v51, $0x0  }
0x132: {  	[tilespmem:v50+s25+$0x0] =	vst.idx.msk $0xffff, v49  }
0x133: {  	v50 =	vadd.s32 v45, v51;
	v49 =	vld [tilespmem:s23+$0xC0];
	_ =	sdelay $0x4  }
0x134: {  	[tilespmem:v50+s25+$0x0] =	vst.idx.msk $0xffff, v49  }
0x135: {  	v50 =	vadd.s32 v46, v51;
	v49 =	vld [tilespmem:s23+$0xD0];
	_ =	sdelay $0x4  }
0x136: {  	[tilespmem:v50+s25+$0x0] =	vst.idx.msk $0xffff, v49  }
0x137: {  	v50 =	vadd.s32 v47, v51;
	v49 =	vld [tilespmem:s23+$0xE0];
	_ =	sdelay $0x1  }
.Ltmp0:
0x138: {  	(pc) =	sbr.rel @p1 .LBB2_4-.Ltmp0, $3  }
0x139: {  	_ =	sdelay $0x1  }
0x13a: {  	[tilespmem:v50+s25+$0x0] =	vst.idx.msk $0xffff, v49  }
0x13b: {  	s1 =	sadd.s32 $0x8, s1;
	s29 =	sadd.s32 $0xFFFFFFF9, s26;
	v50 =	vadd.s32 v48, v51;
	v49 =	vld [tilespmem:s23+$0xF0]  }
0x13c: {  	v51 =	vmov s29  }
0x13d: {  	v51 =	vshrl.u32 v51, $0x3  }
0x13e: {  	v51 =	vshll.u32 v51, v17  }
0x13f: {  	v51 =	vbroadcast v51, $0x0  }
0x140: {  	s1 =	sadd.s32 $0x200, s23;
	[tilespmem:v50+s25+$0x0] =	vst.idx.msk $0xffff, v49  }
0x141: {  	v49 =	vld [tilespmem:s1+$0xFFFFFF00];
	v54 =	vadd.s32 v14, v51;
	_ =	sdelay $0x4  }
0x142: {  	[tilespmem:v54+s25+$0x0] =	vst.idx.msk $0xffff, v49  }
0x143: {  	v55 =	vadd.s32 v18, v51;
	v49 =	vld [tilespmem:s1+$0xFFFFFF10];
	_ =	sdelay $0x4  }
0x144: {  	[tilespmem:v55+s25+$0x0] =	vst.idx.msk $0xffff, v49  }
0x145: {  	v56 =	vadd.s32 v19, v51;
	v49 =	vld [tilespmem:s1+$0xFFFFFF20];
	_ =	sdelay $0x4  }
0x146: {  	[tilespmem:v56+s25+$0x0] =	vst.idx.msk $0xffff, v49  }
0x147: {  	s23 =	sadd.s32 $0xFFFFFFFA, s26;
	v57 =	vadd.s32 v20, v51;
	v49 =	vld [tilespmem:s1+$0xFFFFFF30]  }
0x148: {  	v58 =	vmov s23  }
0x149: {  	v51 =	vshrl.u32 v58, $0x3  }
0x14a: {  	v51 =	vshll.u32 v51, v17  }
0x14b: {  	v51 =	vbroadcast v51, $0x0  }
0x14c: {  	[tilespmem:v57+s25+$0x0] =	vst.idx.msk $0xffff, v49  }
0x14d: {  	v59 =	vadd.s32 v21, v51;
	v49 =	vld [tilespmem:s1+$0xFFFFFF40];
	_ =	sdelay $0x4  }
0x14e: {  	[tilespmem:v59+s25+$0x0] =	vst.idx.msk $0xffff, v49  }
0x14f: {  	v60 =	vadd.s32 v22, v51;
	v49 =	vld [tilespmem:s1+$0xFFFFFF50];
	_ =	sdelay $0x4  }
0x150: {  	[tilespmem:v60+s25+$0x0] =	vst.idx.msk $0xffff, v49  }
0x151: {  	v61 =	vadd.s32 v23, v51;
	v49 =	vld [tilespmem:s1+$0xFFFFFF60];
	_ =	sdelay $0x4  }
0x152: {  	[tilespmem:v61+s25+$0x0] =	vst.idx.msk $0xffff, v49  }
0x153: {  	s23 =	sadd.s32 $0xFFFFFFFB, s26;
	v62 =	vadd.s32 v24, v51;
	v49 =	vld [tilespmem:s1+$0xFFFFFF70]  }
0x154: {  	v63 =	vmov s23  }
0x155: {  	v51 =	vshrl.u32 v63, $0x3  }
0x156: {  	v51 =	vshll.u32 v51, v17  }
0x157: {  	v51 =	vbroadcast v51, $0x0  }
0x158: {  	[tilespmem:v62+s25+$0x0] =	vst.idx.msk $0xffff, v49  }
0x159: {  	v54 =	vadd.s32 v25, v51;
	v49 =	vld [tilespmem:s1+$0xFFFFFF80];
	_ =	sdelay $0x4  }
0x15a: {  	[tilespmem:v54+s25+$0x0] =	vst.idx.msk $0xffff, v49  }
0x15b: {  	v55 =	vadd.s32 v26, v51;
	v49 =	vld [tilespmem:s1+$0xFFFFFF90];
	_ =	sdelay $0x4  }
0x15c: {  	[tilespmem:v55+s25+$0x0] =	vst.idx.msk $0xffff, v49  }
0x15d: {  	v56 =	vadd.s32 v27, v51;
	v49 =	vld [tilespmem:s1+$0xFFFFFFA0];
	_ =	sdelay $0x4  }
0x15e: {  	[tilespmem:v56+s25+$0x0] =	vst.idx.msk $0xffff, v49  }
0x15f: {  	s23 =	sadd.s32 $0xFFFFFFFC, s26;
	v57 =	vadd.s32 v28, v51;
	v49 =	vld [tilespmem:s1+$0xFFFFFFB0]  }
0x160: {  	v58 =	vmov s23  }
0x161: {  	v51 =	vshrl.u32 v58, $0x3  }
0x162: {  	v51 =	vshll.u32 v51, v17  }
0x163: {  	v51 =	vbroadcast v51, $0x0  }
0x164: {  	[tilespmem:v57+s25+$0x0] =	vst.idx.msk $0xffff, v49  }
0x165: {  	v59 =	vadd.s32 v29, v51;
	v49 =	vld [tilespmem:s1+$0xFFFFFFC0];
	_ =	sdelay $0x4  }
0x166: {  	[tilespmem:v59+s25+$0x0] =	vst.idx.msk $0xffff, v49  }
0x167: {  	v60 =	vadd.s32 v30, v51;
	v49 =	vld [tilespmem:s1+$0xFFFFFFD0];
	_ =	sdelay $0x4  }
0x168: {  	[tilespmem:v60+s25+$0x0] =	vst.idx.msk $0xffff, v49  }
0x169: {  	v61 =	vadd.s32 v31, v51;
	v49 =	vld [tilespmem:s1+$0xFFFFFFE0];
	_ =	sdelay $0x4  }
0x16a: {  	[tilespmem:v61+s25+$0x0] =	vst.idx.msk $0xffff, v49  }
0x16b: {  	s23 =	sadd.s32 $0xFFFFFFFD, s26;
	v62 =	vadd.s32 v32, v51;
	v49 =	vld [tilespmem:s1+$0xFFFFFFF0]  }
0x16c: {  	v63 =	vmov s23  }
0x16d: {  	v51 =	vshrl.u32 v63, $0x3  }
0x16e: {  	v51 =	vshll.u32 v51, v17  }
0x16f: {  	v51 =	vbroadcast v51, $0x0  }
0x170: {  	[tilespmem:v62+s25+$0x0] =	vst.idx.msk $0xffff, v49  }
0x171: {  	v53 =	vadd.s32 v33, v51;
	v49 =	vld [tilespmem:s1+$0x0];
	_ =	sdelay $0x4  }
0x172: {  	[tilespmem:v53+s25+$0x0] =	vst.idx.msk $0xffff, v49  }
0x173: {  	v54 =	vadd.s32 v34, v51;
	v49 =	vld [tilespmem:s1+$0x10];
	_ =	sdelay $0x4  }
0x174: {  	[tilespmem:v54+s25+$0x0] =	vst.idx.msk $0xffff, v49  }
0x175: {  	v55 =	vadd.s32 v35, v51;
	v49 =	vld [tilespmem:s1+$0x20];
	_ =	sdelay $0x4  }
0x176: {  	[tilespmem:v55+s25+$0x0] =	vst.idx.msk $0xffff, v49  }
0x177: {  	s23 =	sadd.s32 $0xFFFFFFFE, s26;
	v56 =	vadd.s32 v36, v51;
	v49 =	vld [tilespmem:s1+$0x30]  }
0x178: {  	v57 =	vmov s23  }
0x179: {  	v51 =	vshrl.u32 v57, $0x3  }
0x17a: {  	v51 =	vshll.u32 v51, v17  }
0x17b: {  	v51 =	vbroadcast v51, $0x0  }
0x17c: {  	[tilespmem:v56+s25+$0x0] =	vst.idx.msk $0xffff, v49  }
0x17d: {  	v58 =	vadd.s32 v37, v51;
	v49 =	vld [tilespmem:s1+$0x40];
	_ =	sdelay $0x4  }
0x17e: {  	[tilespmem:v58+s25+$0x0] =	vst.idx.msk $0xffff, v49  }
0x17f: {  	v59 =	vadd.s32 v38, v51;
	v49 =	vld [tilespmem:s1+$0x50];
	_ =	sdelay $0x4  }
0x180: {  	[tilespmem:v59+s25+$0x0] =	vst.idx.msk $0xffff, v49  }
0x181: {  	v60 =	vadd.s32 v39, v51;
	v49 =	vld [tilespmem:s1+$0x60];
	_ =	sdelay $0x4  }
0x182: {  	[tilespmem:v60+s25+$0x0] =	vst.idx.msk $0xffff, v49  }
0x183: {  	s23 =	sadd.s32 $0xFFFFFFFF, s26;
	v61 =	vadd.s32 v40, v51;
	v49 =	vld [tilespmem:s1+$0x70]  }
0x184: {  	v62 =	vmov s23  }
0x185: {  	v51 =	vshrl.u32 v62, $0x3  }
0x186: {  	v51 =	vshll.u32 v51, v17  }
0x187: {  	v51 =	vbroadcast v51, $0x0  }
0x188: {  	[tilespmem:v61+s25+$0x0] =	vst.idx.msk $0xffff, v49  }
0x189: {  	v63 =	vadd.s32 v41, v51;
	v49 =	vld [tilespmem:s1+$0x80];
	_ =	sdelay $0x4  }
0x18a: {  	[tilespmem:v63+s25+$0x0] =	vst.idx.msk $0xffff, v49  }
0x18b: {  	v52 =	vadd.s32 v42, v51;
	v49 =	vld [tilespmem:s1+$0x90];
	_ =	sdelay $0x4  }
0x18c: {  	[tilespmem:v52+s25+$0x0] =	vst.idx.msk $0xffff, v49  }
0x18d: {  	v53 =	vadd.s32 v43, v51;
	v49 =	vld [tilespmem:s1+$0xA0];
	_ =	sdelay $0x4  }
0x18e: {  	[tilespmem:v53+s25+$0x0] =	vst.idx.msk $0xffff, v49  }
0x18f: {  	v54 =	vadd.s32 v44, v51;
	v49 =	vld [tilespmem:s1+$0xB0]  }
0x190: {  	v55 =	vmov s26  }
0x191: {  	v51 =	vshrl.u32 v55, $0x3  }
0x192: {  	v51 =	vshll.u32 v51, v17  }
0x193: {  	v51 =	vbroadcast v51, $0x0  }
0x194: {  	[tilespmem:v54+s25+$0x0] =	vst.idx.msk $0xffff, v49  }
0x195: {  	v56 =	vadd.s32 v45, v51;
	v49 =	vld [tilespmem:s1+$0xC0];
	_ =	sdelay $0x4  }
0x196: {  	[tilespmem:v56+s25+$0x0] =	vst.idx.msk $0xffff, v49  }
0x197: {  	v57 =	vadd.s32 v46, v51;
	v49 =	vld [tilespmem:s1+$0xD0];
	_ =	sdelay $0x4  }
0x198: {  	[tilespmem:v57+s25+$0x0] =	vst.idx.msk $0xffff, v49  }
0x199: {  	v58 =	vadd.s32 v47, v51;
	v49 =	vld [tilespmem:s1+$0xE0];
	_ =	sdelay $0x4  }
0x19a: {  	[tilespmem:v58+s25+$0x0] =	vst.idx.msk $0xffff, v49  }
0x19b: {  	v59 =	vadd.s32 v48, v51;
	v49 =	vld [tilespmem:s1+$0xF0];
	_ =	sdelay $0x4  }
0x19c: {  	s23 =	simm.s32 $0x6400;
	s26 =	simm.s32 $0x6500;
	[tilespmem:v59+s25+$0x0] =	vst.idx.msk $0xffff, v49  }
0x19d: {  	[tilespmem:s26], [sflag:$0x1] =	stream.indirect.gather [hbm4b:s4+s28], $0x40, s23, s28, $0xb8;
	[tilespmem:$0xE900] =	vst v63  }
0x19e: {  	s23 =	sshll.u32 s22, $0x12  }
0x19f: {  	s26 =	rddreg [dreg:$0x1];
	s23 =	sadd.s32 s6, s23  }
0x1a0: {  	s1 =	sadd.s32 s26, s23  }
0x1a1: {  	[hbm4b:s1+s2] =	stream.linear.scatter [tilespmem:s25], [sflag:$0x3], $0x80, $0x38;
	[tilespmem:$0xE900] =	vst v63  }
0x1a2: {  	s29 =	simm.s32 $0xA588;
	s26 =	sadd.s32 $0x10, s1  }
0x1a3: {  	[hbm4b:s26+s2] =	stream.linear.scatter [tilespmem:s29], [sflag:$0x3], $0x80, $0x38;
	[tilespmem:$0xE900] =	vst v63  }
0x1a4: {  	s26 =	sadd.s32 $0x20, s1;
	s29 =	simm.s32 $0xA610  }
0x1a5: {  	[hbm4b:s26+s2] =	stream.linear.scatter [tilespmem:s29], [sflag:$0x3], $0x80, $0x38;
	[tilespmem:$0xE900] =	vst v63  }
0x1a6: {  	s26 =	sadd.s32 $0x30, s1;
	s29 =	simm.s32 $0xA698  }
0x1a7: {  	[hbm4b:s26+s2] =	stream.linear.scatter [tilespmem:s29], [sflag:$0x3], $0x80, $0x38;
	[tilespmem:$0xE900] =	vst v63  }
0x1a8: {  	s26 =	sadd.s32 $0x40, s1;
	s29 =	simm.s32 $0xA720  }
0x1a9: {  	[hbm4b:s26+s2] =	stream.linear.scatter [tilespmem:s29], [sflag:$0x3], $0x80, $0x38;
	[tilespmem:$0xE900] =	vst v63  }
0x1aa: {  	s26 =	sadd.s32 $0x50, s1;
	s29 =	simm.s32 $0xA7A8  }
0x1ab: {  	[hbm4b:s26+s2] =	stream.linear.scatter [tilespmem:s29], [sflag:$0x3], $0x80, $0x38;
	[tilespmem:$0xE900] =	vst v63  }
0x1ac: {  	s26 =	sadd.s32 $0x60, s1;
	s29 =	simm.s32 $0xA830  }
0x1ad: {  	[hbm4b:s26+s2] =	stream.linear.scatter [tilespmem:s29], [sflag:$0x3], $0x80, $0x38;
	[tilespmem:$0xE900] =	vst v63  }
0x1ae: {  	s1 =	sadd.s32 $0x70, s1;
	s26 =	simm.s32 $0xA8B8  }
0x1af: {  	[hbm4b:s1+s2] =	stream.linear.scatter [tilespmem:s26], [sflag:$0x3], $0x80, $0x38;
	[tilespmem:$0xE900] =	vst v63  }
0x1b0: {  	s26 =	sand.u32 $0x1FFFBF80, s23  }
0x1b1: {  	s1 =	sadd.s32 s26, s7;
	s26 =	simm.s32 $0xA940  }
0x1b2: {  	[hbm4b:s1+s2] =	stream.linear.scatter [tilespmem:s26], [sflag:$0x3], $0x80, $0x38;
	[tilespmem:$0xE900] =	vst v63  }
0x1b3: {  	s29 =	simm.s32 $0xA9C8;
	s26 =	sadd.s32 $0x10, s1  }
0x1b4: {  	[hbm4b:s26+s2] =	stream.linear.scatter [tilespmem:s29], [sflag:$0x3], $0x80, $0x38;
	[tilespmem:$0xE900] =	vst v63  }
0x1b5: {  	s26 =	sadd.s32 $0x20, s1;
	s29 =	simm.s32 $0xAA50  }
0x1b6: {  	[hbm4b:s26+s2] =	stream.linear.scatter [tilespmem:s29], [sflag:$0x3], $0x80, $0x38;
	[tilespmem:$0xE900] =	vst v63  }
0x1b7: {  	s26 =	sadd.s32 $0x30, s1;
	s29 =	simm.s32 $0xAAD8  }
0x1b8: {  	[hbm4b:s26+s2] =	stream.linear.scatter [tilespmem:s29], [sflag:$0x3], $0x80, $0x38;
	[tilespmem:$0xE900] =	vst v63  }
0x1b9: {  	s26 =	sadd.s32 $0x40, s1;
	s29 =	simm.s32 $0xAB60  }
0x1ba: {  	[hbm4b:s26+s2] =	stream.linear.scatter [tilespmem:s29], [sflag:$0x3], $0x80, $0x38;
	[tilespmem:$0xE900] =	vst v63  }
0x1bb: {  	s26 =	sadd.s32 $0x50, s1;
	s29 =	simm.s32 $0xABE8  }
0x1bc: {  	[hbm4b:s26+s2] =	stream.linear.scatter [tilespmem:s29], [sflag:$0x3], $0x80, $0x38;
	[tilespmem:$0xE900] =	vst v63  }
0x1bd: {  	s26 =	sadd.s32 $0x60, s1;
	s29 =	simm.s32 $0xAC70  }
0x1be: {  	[hbm4b:s26+s2] =	stream.linear.scatter [tilespmem:s29], [sflag:$0x3], $0x80, $0x38;
	[tilespmem:$0xE900] =	vst v63  }
0x1bf: {  	s1 =	sadd.s32 $0x70, s1;
	s26 =	simm.s32 $0xACF8  }
0x1c0: {  	[hbm4b:s1+s2] =	stream.linear.scatter [tilespmem:s26], [sflag:$0x3], $0x80, $0x38;
	[tilespmem:$0xE900] =	vst v63  }
0x1c1: {  	s26 =	sand.u32 $0x1FFF7F80, s23  }
0x1c2: {  	s1 =	sadd.s32 s26, s8;
	s26 =	simm.s32 $0xAD80  }
0x1c3: {  	[hbm4b:s1+s2] =	stream.linear.scatter [tilespmem:s26], [sflag:$0x3], $0x80, $0x38;
	[tilespmem:$0xE900] =	vst v63  }
0x1c4: {  	s29 =	simm.s32 $0xAE08;
	s26 =	sadd.s32 $0x10, s1  }
0x1c5: {  	[hbm4b:s26+s2] =	stream.linear.scatter [tilespmem:s29], [sflag:$0x3], $0x80, $0x38;
	[tilespmem:$0xE900] =	vst v63  }
0x1c6: {  	s26 =	sadd.s32 $0x20, s1;
	s29 =	simm.s32 $0xAE90  }
0x1c7: {  	[hbm4b:s26+s2] =	stream.linear.scatter [tilespmem:s29], [sflag:$0x3], $0x80, $0x38;
	[tilespmem:$0xE900] =	vst v63  }
0x1c8: {  	s26 =	sadd.s32 $0x30, s1;
	s29 =	simm.s32 $0xAF18  }
0x1c9: {  	[hbm4b:s26+s2] =	stream.linear.scatter [tilespmem:s29], [sflag:$0x3], $0x80, $0x38;
	[tilespmem:$0xE900] =	vst v63  }
0x1ca: {  	s26 =	sadd.s32 $0x40, s1;
	s29 =	simm.s32 $0xAFA0  }
0x1cb: {  	[hbm4b:s26+s2] =	stream.linear.scatter [tilespmem:s29], [sflag:$0x3], $0x80, $0x38;
	[tilespmem:$0xE900] =	vst v63  }
0x1cc: {  	s26 =	sadd.s32 $0x50, s1;
	s29 =	simm.s32 $0xB028  }
0x1cd: {  	[hbm4b:s26+s2] =	stream.linear.scatter [tilespmem:s29], [sflag:$0x3], $0x80, $0x38;
	[tilespmem:$0xE900] =	vst v63  }
0x1ce: {  	s26 =	sadd.s32 $0x60, s1;
	s29 =	simm.s32 $0xB0B0  }
0x1cf: {  	[hbm4b:s26+s2] =	stream.linear.scatter [tilespmem:s29], [sflag:$0x3], $0x80, $0x38;
	[tilespmem:$0xE900] =	vst v63  }
0x1d0: {  	s1 =	sadd.s32 $0x70, s1;
	s26 =	simm.s32 $0xB138  }
0x1d1: {  	[hbm4b:s1+s2] =	stream.linear.scatter [tilespmem:s26], [sflag:$0x3], $0x80, $0x38;
	[tilespmem:$0xE900] =	vst v63  }
0x1d2: {  	s26 =	sand.u32 $0x1FFF3F80, s23  }
0x1d3: {  	s1 =	sadd.s32 s26, s9;
	s26 =	simm.s32 $0xB1C0  }
0x1d4: {  	[hbm4b:s1+s2] =	stream.linear.scatter [tilespmem:s26], [sflag:$0x3], $0x80, $0x38;
	[tilespmem:$0xE900] =	vst v63  }
0x1d5: {  	s29 =	simm.s32 $0xB248;
	s26 =	sadd.s32 $0x10, s1  }
0x1d6: {  	[hbm4b:s26+s2] =	stream.linear.scatter [tilespmem:s29], [sflag:$0x3], $0x80, $0x38;
	[tilespmem:$0xE900] =	vst v63  }
0x1d7: {  	s26 =	sadd.s32 $0x20, s1;
	s29 =	simm.s32 $0xB2D0  }
0x1d8: {  	[hbm4b:s26+s2] =	stream.linear.scatter [tilespmem:s29], [sflag:$0x3], $0x80, $0x38;
	[tilespmem:$0xE900] =	vst v63  }
0x1d9: {  	s26 =	sadd.s32 $0x30, s1;
	s29 =	simm.s32 $0xB358  }
0x1da: {  	[hbm4b:s26+s2] =	stream.linear.scatter [tilespmem:s29], [sflag:$0x3], $0x80, $0x38;
	[tilespmem:$0xE900] =	vst v63  }
0x1db: {  	s26 =	sadd.s32 $0x40, s1;
	s29 =	simm.s32 $0xB3E0  }
0x1dc: {  	[hbm4b:s26+s2] =	stream.linear.scatter [tilespmem:s29], [sflag:$0x3], $0x80, $0x38;
	[tilespmem:$0xE900] =	vst v63  }
0x1dd: {  	s26 =	sadd.s32 $0x50, s1;
	s29 =	simm.s32 $0xB468  }
0x1de: {  	[hbm4b:s26+s2] =	stream.linear.scatter [tilespmem:s29], [sflag:$0x3], $0x80, $0x38;
	[tilespmem:$0xE900] =	vst v63  }
0x1df: {  	s26 =	sadd.s32 $0x60, s1;
	s29 =	simm.s32 $0xB4F0  }
0x1e0: {  	[hbm4b:s26+s2] =	stream.linear.scatter [tilespmem:s29], [sflag:$0x3], $0x80, $0x38;
	[tilespmem:$0xE900] =	vst v63  }
0x1e1: {  	s1 =	sadd.s32 $0x70, s1;
	s26 =	simm.s32 $0xB578  }
0x1e2: {  	[hbm4b:s1+s2] =	stream.linear.scatter [tilespmem:s26], [sflag:$0x3], $0x80, $0x38;
	[tilespmem:$0xE900] =	vst v63  }
0x1e3: {  	s26 =	sand.u32 $0x1FFEFF80, s23  }
0x1e4: {  	s1 =	sadd.s32 s26, s10;
	s26 =	simm.s32 $0xB600  }
0x1e5: {  	[hbm4b:s1+s2] =	stream.linear.scatter [tilespmem:s26], [sflag:$0x3], $0x80, $0x38;
	[tilespmem:$0xE900] =	vst v63  }
0x1e6: {  	s29 =	simm.s32 $0xB688;
	s26 =	sadd.s32 $0x10, s1  }
0x1e7: {  	[hbm4b:s26+s2] =	stream.linear.scatter [tilespmem:s29], [sflag:$0x3], $0x80, $0x38;
	[tilespmem:$0xE900] =	vst v63  }
0x1e8: {  	s26 =	sadd.s32 $0x20, s1;
	s29 =	simm.s32 $0xB710  }
0x1e9: {  	[hbm4b:s26+s2] =	stream.linear.scatter [tilespmem:s29], [sflag:$0x3], $0x80, $0x38;
	[tilespmem:$0xE900] =	vst v63  }
0x1ea: {  	s26 =	sadd.s32 $0x30, s1;
	s29 =	simm.s32 $0xB798  }
0x1eb: {  	[hbm4b:s26+s2] =	stream.linear.scatter [tilespmem:s29], [sflag:$0x3], $0x80, $0x38;
	[tilespmem:$0xE900] =	vst v63  }
0x1ec: {  	s26 =	sadd.s32 $0x40, s1;
	s29 =	simm.s32 $0xB820  }
0x1ed: {  	[hbm4b:s26+s2] =	stream.linear.scatter [tilespmem:s29], [sflag:$0x3], $0x80, $0x38;
	[tilespmem:$0xE900] =	vst v63  }
0x1ee: {  	s26 =	sadd.s32 $0x50, s1;
	s29 =	simm.s32 $0xB8A8  }
0x1ef: {  	[hbm4b:s26+s2] =	stream.linear.scatter [tilespmem:s29], [sflag:$0x3], $0x80, $0x38;
	[tilespmem:$0xE900] =	vst v63  }
0x1f0: {  	s26 =	sadd.s32 $0x60, s1;
	s29 =	simm.s32 $0xB930  }
0x1f1: {  	[hbm4b:s26+s2] =	stream.linear.scatter [tilespmem:s29], [sflag:$0x3], $0x80, $0x38;
	[tilespmem:$0xE900] =	vst v63  }
0x1f2: {  	s1 =	sadd.s32 $0x70, s1;
	s26 =	simm.s32 $0xB9B8  }
0x1f3: {  	[hbm4b:s1+s2] =	stream.linear.scatter [tilespmem:s26], [sflag:$0x3], $0x80, $0x38;
	[tilespmem:$0xE900] =	vst v63  }
0x1f4: {  	s26 =	sand.u32 $0x1FFEBF80, s23  }
0x1f5: {  	s1 =	sadd.s32 s26, s11;
	s26 =	simm.s32 $0xBA40  }
0x1f6: {  	[hbm4b:s1+s2] =	stream.linear.scatter [tilespmem:s26], [sflag:$0x3], $0x80, $0x38;
	[tilespmem:$0xE900] =	vst v63  }
0x1f7: {  	s29 =	simm.s32 $0xBAC8;
	s26 =	sadd.s32 $0x10, s1  }
0x1f8: {  	[hbm4b:s26+s2] =	stream.linear.scatter [tilespmem:s29], [sflag:$0x3], $0x80, $0x38;
	[tilespmem:$0xE900] =	vst v63  }
0x1f9: {  	s26 =	sadd.s32 $0x20, s1;
	s29 =	simm.s32 $0xBB50  }
0x1fa: {  	[hbm4b:s26+s2] =	stream.linear.scatter [tilespmem:s29], [sflag:$0x3], $0x80, $0x38;
	[tilespmem:$0xE900] =	vst v63  }
0x1fb: {  	s26 =	sadd.s32 $0x30, s1;
	s29 =	simm.s32 $0xBBD8  }
0x1fc: {  	[hbm4b:s26+s2] =	stream.linear.scatter [tilespmem:s29], [sflag:$0x3], $0x80, $0x38;
	[tilespmem:$0xE900] =	vst v63  }
0x1fd: {  	s26 =	sadd.s32 $0x40, s1;
	s29 =	simm.s32 $0xBC60  }
0x1fe: {  	[hbm4b:s26+s2] =	stream.linear.scatter [tilespmem:s29], [sflag:$0x3], $0x80, $0x38;
	[tilespmem:$0xE900] =	vst v63  }
0x1ff: {  	s26 =	sadd.s32 $0x50, s1;
	s29 =	simm.s32 $0xBCE8  }
0x200: {  	[hbm4b:s26+s2] =	stream.linear.scatter [tilespmem:s29], [sflag:$0x3], $0x80, $0x38;
	[tilespmem:$0xE900] =	vst v63  }
0x201: {  	s26 =	sadd.s32 $0x60, s1;
	s29 =	simm.s32 $0xBD70  }
0x202: {  	[hbm4b:s26+s2] =	stream.linear.scatter [tilespmem:s29], [sflag:$0x3], $0x80, $0x38;
	[tilespmem:$0xE900] =	vst v63  }
0x203: {  	s1 =	sadd.s32 $0x70, s1;
	s26 =	simm.s32 $0xBDF8  }
0x204: {  	[hbm4b:s1+s2] =	stream.linear.scatter [tilespmem:s26], [sflag:$0x3], $0x80, $0x38;
	[tilespmem:$0xE900] =	vst v63  }
0x205: {  	s26 =	sand.u32 $0x1FFE7F80, s23  }
0x206: {  	s1 =	sadd.s32 s26, s12;
	s26 =	simm.s32 $0xBE80  }
0x207: {  	[hbm4b:s1+s2] =	stream.linear.scatter [tilespmem:s26], [sflag:$0x3], $0x80, $0x38;
	[tilespmem:$0xE900] =	vst v63  }
0x208: {  	s29 =	simm.s32 $0xBF08;
	s26 =	sadd.s32 $0x10, s1  }
0x209: {  	[hbm4b:s26+s2] =	stream.linear.scatter [tilespmem:s29], [sflag:$0x3], $0x80, $0x38;
	[tilespmem:$0xE900] =	vst v63  }
0x20a: {  	s26 =	sadd.s32 $0x20, s1;
	s29 =	simm.s32 $0xBF90  }
0x20b: {  	[hbm4b:s26+s2] =	stream.linear.scatter [tilespmem:s29], [sflag:$0x3], $0x80, $0x38;
	[tilespmem:$0xE900] =	vst v63  }
0x20c: {  	s26 =	sadd.s32 $0x30, s1;
	s29 =	simm.s32 $0xC018  }
0x20d: {  	[hbm4b:s26+s2] =	stream.linear.scatter [tilespmem:s29], [sflag:$0x3], $0x80, $0x38;
	[tilespmem:$0xE900] =	vst v63  }
0x20e: {  	s26 =	sadd.s32 $0x40, s1;
	s29 =	simm.s32 $0xC0A0  }
0x20f: {  	[hbm4b:s26+s2] =	stream.linear.scatter [tilespmem:s29], [sflag:$0x3], $0x80, $0x38;
	[tilespmem:$0xE900] =	vst v63  }
0x210: {  	s26 =	sadd.s32 $0x50, s1;
	s29 =	simm.s32 $0xC128  }
0x211: {  	[hbm4b:s26+s2] =	stream.linear.scatter [tilespmem:s29], [sflag:$0x3], $0x80, $0x38;
	[tilespmem:$0xE900] =	vst v63  }
0x212: {  	s26 =	sadd.s32 $0x60, s1;
	s29 =	simm.s32 $0xC1B0  }
0x213: {  	[hbm4b:s26+s2] =	stream.linear.scatter [tilespmem:s29], [sflag:$0x3], $0x80, $0x38;
	[tilespmem:$0xE900] =	vst v63  }
0x214: {  	s1 =	sadd.s32 $0x70, s1;
	s26 =	simm.s32 $0xC238  }
0x215: {  	[hbm4b:s1+s2] =	stream.linear.scatter [tilespmem:s26], [sflag:$0x3], $0x80, $0x38;
	[tilespmem:$0xE900] =	vst v63  }
0x216: {  	s26 =	sand.u32 $0x1FFE3F80, s23  }
0x217: {  	s1 =	sadd.s32 s26, s13;
	s26 =	simm.s32 $0xC2C0  }
0x218: {  	[hbm4b:s1+s2] =	stream.linear.scatter [tilespmem:s26], [sflag:$0x3], $0x80, $0x38;
	[tilespmem:$0xE900] =	vst v63  }
0x219: {  	s29 =	simm.s32 $0xC348;
	s26 =	sadd.s32 $0x10, s1  }
0x21a: {  	[hbm4b:s26+s2] =	stream.linear.scatter [tilespmem:s29], [sflag:$0x3], $0x80, $0x38;
	[tilespmem:$0xE900] =	vst v63  }
0x21b: {  	s26 =	sadd.s32 $0x20, s1;
	s29 =	simm.s32 $0xC3D0  }
0x21c: {  	[hbm4b:s26+s2] =	stream.linear.scatter [tilespmem:s29], [sflag:$0x3], $0x80, $0x38;
	[tilespmem:$0xE900] =	vst v63  }
0x21d: {  	s26 =	sadd.s32 $0x30, s1;
	s29 =	simm.s32 $0xC458  }
0x21e: {  	[hbm4b:s26+s2] =	stream.linear.scatter [tilespmem:s29], [sflag:$0x3], $0x80, $0x38;
	[tilespmem:$0xE900] =	vst v63  }
0x21f: {  	s26 =	sadd.s32 $0x40, s1;
	s29 =	simm.s32 $0xC4E0  }
0x220: {  	[hbm4b:s26+s2] =	stream.linear.scatter [tilespmem:s29], [sflag:$0x3], $0x80, $0x38;
	[tilespmem:$0xE900] =	vst v63  }
0x221: {  	s24 =	sadd.s32 $0x3, s24;
	s26 =	sadd.s32 $0x50, s1;
	s29 =	simm.s32 $0xC568  }
0x222: {  	[hbm4b:s26+s2] =	stream.linear.scatter [tilespmem:s29], [sflag:$0x3], $0x80, $0x38;
	[tilespmem:$0xE900] =	vst v63  }
0x223: {  	v60 =	vmov s24;
	s24 =	simm.s32 $0xC5F0;
	s26 =	sadd.s32 $0x60, s1  }
0x224: {  	v49 =	vand.u32 $0x1FF, v60;
	[hbm4b:s26+s2] =	stream.linear.scatter [tilespmem:s24], [sflag:$0x3], $0x80, $0x38;
	[tilespmem:$0xE900] =	vst v63  }
0x225: {  	v61 =	vadd.s32 v0, v49;
	s1 =	sadd.s32 $0x70, s1;
	s26 =	simm.s32 $0xC678  }
0x226: {  	[hbm4b:s1+s2] =	stream.linear.scatter [tilespmem:s26], [sflag:$0x3], $0x80, $0x38;
	[tilespmem:$0xE900] =	vst v63  }
0x227: {  	_ =	swait.ge [sflag:s30], $0x2000  }
0x228: {  	[sflag:s30] =	ssyncset.done $0x0  }
0x229: {  	[sflag:s30] =	ssyncadd.s32 $0xFFFFE000  }
0x22a: {  	v50 =	vld.idx.msk [tilespmem:v61+s2+$0x0], $0xffff  }
0x22b: {  	v62 =	vadd.s32 v1, v49;
	_ =	sdelay $0x3  }
0x22c: {  	[tilespmem:$0x6480] =	vst v50  }
0x22d: {  	v50 =	vld.idx.msk [tilespmem:v62+s2+$0x0], $0xffff  }
0x22e: {  	v63 =	vadd.s32 v2, v49;
	_ =	sdelay $0x3  }
0x22f: {  	[tilespmem:$0x6490] =	vst v50  }
0x230: {  	v50 =	vld.idx.msk [tilespmem:v63+s2+$0x0], $0xffff  }
0x231: {  	v54 =	vadd.s32 v3, v49;
	_ =	sdelay $0x3  }
0x232: {  	[tilespmem:$0x64A0] =	vst v50  }
0x233: {  	v50 =	vld.idx.msk [tilespmem:v54+s2+$0x0], $0xffff  }
0x234: {  	v55 =	vadd.s32 v4, v49;
	_ =	sdelay $0x3  }
0x235: {  	[tilespmem:$0x64B0] =	vst v50  }
0x236: {  	v50 =	vld.idx.msk [tilespmem:v55+s2+$0x0], $0xffff  }
0x237: {  	v56 =	vadd.s32 v5, v49;
	_ =	sdelay $0x3  }
0x238: {  	[tilespmem:$0x64C0] =	vst v50  }
0x239: {  	v50 =	vld.idx.msk [tilespmem:v56+s2+$0x0], $0xffff  }
0x23a: {  	v57 =	vadd.s32 v6, v49;
	_ =	sdelay $0x3  }
0x23b: {  	[tilespmem:$0x64D0] =	vst v50  }
0x23c: {  	v50 =	vld.idx.msk [tilespmem:v57+s2+$0x0], $0xffff  }
0x23d: {  	v49 =	vadd.s32 v7, v49;
	_ =	sdelay $0x3  }
0x23e: {  	[tilespmem:$0x64E0] =	vst v50  }
0x23f: {  	v49 =	vld.idx.msk [tilespmem:v49+s2+$0x0], $0xffff;
	_ =	sdelay $0x4  }
0x240: {  	s1 =	simm.s32 @!p0 $0x4;
	[tilespmem:$0x64F0] =	vst v49  }
0x241: {  	_ =	swait.ge @!p0 [sflag:s1], $0x400  }
0x242: {  	[sflag:s1] =	ssyncset.done @!p0 $0x0  }
0x243: {  	[sflag:s1] =	ssyncadd.s32 @!p0 $0xFFFFFC00  }
0x244: {  	_ =	swait.ge @!p0 [sflag:s1], $0x400  }
0x245: {  	[sflag:s1] =	ssyncset.done @!p0 $0x0  }
0x246: {  	[sflag:s1] =	ssyncadd.s32 @!p0 $0xFFFFFC00  }
0x247: {  	_ =	swait.ge @!p0 [sflag:s1], $0x400  }
0x248: {  	[sflag:s1] =	ssyncset.done @!p0 $0x0  }
0x249: {  	[sflag:s1] =	ssyncadd.s32 @!p0 $0xFFFFFC00  }
0x24a: {  	_ =	swait.ge @!p0 [sflag:s1], $0x400  }
0x24b: {  	[sflag:s1] =	ssyncset.done @!p0 $0x0  }
0x24c: {  	[sflag:s1] =	ssyncadd.s32 @!p0 $0xFFFFFC00  }
0x24d: {  	_ =	swait.ge @!p0 [sflag:s1], $0x400  }
0x24e: {  	[sflag:s1] =	ssyncset.done @!p0 $0x0  }
0x24f: {  	[sflag:s1] =	ssyncadd.s32 @!p0 $0xFFFFFC00  }
0x250: {  	_ =	swait.ge @!p0 [sflag:s1], $0x400  }
0x251: {  	[sflag:s1] =	ssyncset.done @!p0 $0x0  }
0x252: {  	[sflag:s1] =	ssyncadd.s32 @!p0 $0xFFFFFC00  }
0x253: {  	s26 =	simm.s32 $0x0;
	_ =	swait.ge @!p0 [sflag:s1], $0x400  }
0x254: {  	v58 =	vmov s26;
	[sflag:s1] =	ssyncset.done @!p0 $0x0  }
0x255: {  	v49 =	vshrl.u32 v58, $0x3;
	[sflag:s1] =	ssyncadd.s32 @!p0 $0xFFFFFC00  }
0x256: {  	v49 =	vshll.u32 v49, v17;
	_ =	swait.ge @!p0 [sflag:s1], $0x400  }
0x257: {  	v49 =	vbroadcast v49, $0x0;
	[sflag:s1] =	ssyncset.done @!p0 $0x0  }
0x258: {  	s24 =	simm.s32 $0x8600;
	[sflag:s1] =	ssyncadd.s32 @!p0 $0xFFFFFC00  }
0x259: {  	v60 =	vadd.s32 v14, v49;
	v59 =	vld [tilespmem:s24+$0xFFFFFF00];
	_ =	sdelay $0x4  }
0x25a: {  	[tilespmem:v60+s31+$0x0] =	vst.idx.msk $0xffff, v59  }
0x25b: {  	v61 =	vadd.s32 v18, v49;
	v50 =	vld [tilespmem:s24+$0xFFFFFF10];
	_ =	sdelay $0x4  }
0x25c: {  	[tilespmem:v61+s31+$0x0] =	vst.idx.msk $0xffff, v50  }
0x25d: {  	v62 =	vadd.s32 v19, v49;
	v50 =	vld [tilespmem:s24+$0xFFFFFF20];
	_ =	sdelay $0x4  }
0x25e: {  	[tilespmem:v62+s31+$0x0] =	vst.idx.msk $0xffff, v50  }
0x25f: {  	s26 =	simm.s32 $0x1;
	v49 =	vadd.s32 v20, v49;
	v50 =	vld [tilespmem:s24+$0xFFFFFF30]  }
0x260: {  	v63 =	vmov s26  }
0x261: {  	v51 =	vshrl.u32 v63, $0x3  }
0x262: {  	v51 =	vshll.u32 v51, v17  }
0x263: {  	v51 =	vbroadcast v51, $0x0  }
0x264: {  	[tilespmem:v49+s31+$0x0] =	vst.idx.msk $0xffff, v50  }
0x265: {  	v54 =	vadd.s32 v21, v51;
	v49 =	vld [tilespmem:s24+$0xFFFFFF40];
	_ =	sdelay $0x4  }
0x266: {  	[tilespmem:v54+s31+$0x0] =	vst.idx.msk $0xffff, v49  }
0x267: {  	v55 =	vadd.s32 v22, v51;
	v49 =	vld [tilespmem:s24+$0xFFFFFF50];
	_ =	sdelay $0x4  }
0x268: {  	[tilespmem:v55+s31+$0x0] =	vst.idx.msk $0xffff, v49  }
0x269: {  	v56 =	vadd.s32 v23, v51;
	v49 =	vld [tilespmem:s24+$0xFFFFFF60];
	_ =	sdelay $0x4  }
0x26a: {  	[tilespmem:v56+s31+$0x0] =	vst.idx.msk $0xffff, v49  }
0x26b: {  	s26 =	simm.s32 $0x2;
	v57 =	vadd.s32 v24, v51;
	v49 =	vld [tilespmem:s24+$0xFFFFFF70]  }
0x26c: {  	v58 =	vmov s26  }
0x26d: {  	v51 =	vshrl.u32 v58, $0x3  }
0x26e: {  	v51 =	vshll.u32 v51, v17  }
0x26f: {  	v51 =	vbroadcast v51, $0x0  }
0x270: {  	[tilespmem:v57+s31+$0x0] =	vst.idx.msk $0xffff, v49  }
0x271: {  	v59 =	vadd.s32 v25, v51;
	v49 =	vld [tilespmem:s24+$0xFFFFFF80];
	_ =	sdelay $0x4  }
0x272: {  	[tilespmem:v59+s31+$0x0] =	vst.idx.msk $0xffff, v49  }
0x273: {  	v60 =	vadd.s32 v26, v51;
	v49 =	vld [tilespmem:s24+$0xFFFFFF90];
	_ =	sdelay $0x4  }
0x274: {  	[tilespmem:v60+s31+$0x0] =	vst.idx.msk $0xffff, v49  }
0x275: {  	v61 =	vadd.s32 v27, v51;
	v49 =	vld [tilespmem:s24+$0xFFFFFFA0];
	_ =	sdelay $0x4  }
0x276: {  	[tilespmem:v61+s31+$0x0] =	vst.idx.msk $0xffff, v49  }
0x277: {  	s26 =	simm.s32 $0x3;
	v62 =	vadd.s32 v28, v51;
	v49 =	vld [tilespmem:s24+$0xFFFFFFB0]  }
0x278: {  	v63 =	vmov s26  }
0x279: {  	v51 =	vshrl.u32 v63, $0x3  }
0x27a: {  	v51 =	vshll.u32 v51, v17  }
0x27b: {  	v51 =	vbroadcast v51, $0x0  }
0x27c: {  	[tilespmem:v62+s31+$0x0] =	vst.idx.msk $0xffff, v49  }
0x27d: {  	v53 =	vadd.s32 v29, v51;
	v49 =	vld [tilespmem:s24+$0xFFFFFFC0];
	_ =	sdelay $0x4  }
0x27e: {  	[tilespmem:v53+s31+$0x0] =	vst.idx.msk $0xffff, v49  }
0x27f: {  	v54 =	vadd.s32 v30, v51;
	v49 =	vld [tilespmem:s24+$0xFFFFFFD0];
	_ =	sdelay $0x4  }
0x280: {  	[tilespmem:v54+s31+$0x0] =	vst.idx.msk $0xffff, v49  }
0x281: {  	v55 =	vadd.s32 v31, v51;
	v49 =	vld [tilespmem:s24+$0xFFFFFFE0];
	_ =	sdelay $0x4  }
0x282: {  	[tilespmem:v55+s31+$0x0] =	vst.idx.msk $0xffff, v49  }
0x283: {  	s26 =	simm.s32 $0x4;
	v56 =	vadd.s32 v32, v51;
	v49 =	vld [tilespmem:s24+$0xFFFFFFF0]  }
0x284: {  	v57 =	vmov s26  }
0x285: {  	v51 =	vshrl.u32 v57, $0x3  }
0x286: {  	v51 =	vshll.u32 v51, v17  }
0x287: {  	v51 =	vbroadcast v51, $0x0  }
0x288: {  	[tilespmem:v56+s31+$0x0] =	vst.idx.msk $0xffff, v49  }
0x289: {  	v58 =	vadd.s32 v33, v51;
	v49 =	vld [tilespmem:s24+$0x0];
	_ =	sdelay $0x4  }
0x28a: {  	[tilespmem:v58+s31+$0x0] =	vst.idx.msk $0xffff, v49  }
0x28b: {  	v59 =	vadd.s32 v34, v51;
	v49 =	vld [tilespmem:s24+$0x10];
	_ =	sdelay $0x4  }
0x28c: {  	[tilespmem:v59+s31+$0x0] =	vst.idx.msk $0xffff, v49  }
0x28d: {  	v60 =	vadd.s32 v35, v51;
	v49 =	vld [tilespmem:s24+$0x20];
	_ =	sdelay $0x4  }
0x28e: {  	[tilespmem:v60+s31+$0x0] =	vst.idx.msk $0xffff, v49  }
0x28f: {  	s26 =	simm.s32 $0x5;
	v61 =	vadd.s32 v36, v51;
	v49 =	vld [tilespmem:s24+$0x30]  }
0x290: {  	v62 =	vmov s26  }
0x291: {  	v51 =	vshrl.u32 v62, $0x3  }
0x292: {  	v51 =	vshll.u32 v51, v17  }
0x293: {  	v51 =	vbroadcast v51, $0x0  }
0x294: {  	[tilespmem:v61+s31+$0x0] =	vst.idx.msk $0xffff, v49  }
0x295: {  	v63 =	vadd.s32 v37, v51;
	v49 =	vld [tilespmem:s24+$0x40];
	_ =	sdelay $0x4  }
0x296: {  	[tilespmem:v63+s31+$0x0] =	vst.idx.msk $0xffff, v49  }
0x297: {  	v52 =	vadd.s32 v38, v51;
	v49 =	vld [tilespmem:s24+$0x50];
	_ =	sdelay $0x4  }
0x298: {  	[tilespmem:v52+s31+$0x0] =	vst.idx.msk $0xffff, v49  }
0x299: {  	v53 =	vadd.s32 v39, v51;
	v49 =	vld [tilespmem:s24+$0x60];
	_ =	sdelay $0x4  }
0x29a: {  	[tilespmem:v53+s31+$0x0] =	vst.idx.msk $0xffff, v49  }
0x29b: {  	s26 =	simm.s32 $0x6;
	v54 =	vadd.s32 v40, v51;
	v49 =	vld [tilespmem:s24+$0x70]  }
0x29c: {  	v55 =	vmov s26  }
0x29d: {  	v51 =	vshrl.u32 v55, $0x3  }
0x29e: {  	v51 =	vshll.u32 v51, v17  }
0x29f: {  	v51 =	vbroadcast v51, $0x0  }
0x2a0: {  	[tilespmem:v54+s31+$0x0] =	vst.idx.msk $0xffff, v49  }
0x2a1: {  	v56 =	vadd.s32 v41, v51;
	v49 =	vld [tilespmem:s24+$0x80];
	_ =	sdelay $0x4  }
0x2a2: {  	[tilespmem:v56+s31+$0x0] =	vst.idx.msk $0xffff, v49  }
0x2a3: {  	v57 =	vadd.s32 v42, v51;
	v49 =	vld [tilespmem:s24+$0x90];
	_ =	sdelay $0x4  }
0x2a4: {  	[tilespmem:v57+s31+$0x0] =	vst.idx.msk $0xffff, v49  }
0x2a5: {  	v58 =	vadd.s32 v43, v51;
	v49 =	vld [tilespmem:s24+$0xA0];
	_ =	sdelay $0x4  }
0x2a6: {  	[tilespmem:v58+s31+$0x0] =	vst.idx.msk $0xffff, v49  }
0x2a7: {  	s26 =	simm.s32 $0x7;
	v59 =	vadd.s32 v44, v51;
	v49 =	vld [tilespmem:s24+$0xB0]  }
0x2a8: {  	v60 =	vmov s26  }
0x2a9: {  	v51 =	vshrl.u32 v60, $0x3  }
0x2aa: {  	v51 =	vshll.u32 v51, v17  }
0x2ab: {  	v51 =	vbroadcast v51, $0x0  }
0x2ac: {  	[tilespmem:v59+s31+$0x0] =	vst.idx.msk $0xffff, v49  }
0x2ad: {  	v61 =	vadd.s32 v45, v51;
	v49 =	vld [tilespmem:s24+$0xC0];
	_ =	sdelay $0x4  }
0x2ae: {  	[tilespmem:v61+s31+$0x0] =	vst.idx.msk $0xffff, v49  }
0x2af: {  	v62 =	vadd.s32 v46, v51;
	v49 =	vld [tilespmem:s24+$0xD0];
	_ =	sdelay $0x4  }
0x2b0: {  	[tilespmem:v62+s31+$0x0] =	vst.idx.msk $0xffff, v49  }
0x2b1: {  	v63 =	vadd.s32 v47, v51;
	v49 =	vld [tilespmem:s24+$0xE0];
	_ =	sdelay $0x4  }
0x2b2: {  	[tilespmem:v63+s31+$0x0] =	vst.idx.msk $0xffff, v49  }
0x2b3: {  	s29 =	simm.s32 $0x8;
	s1 =	simm.s32 $0x17;
	s26 =	simm.s32 $0xF;
	v50 =	vadd.s32 v48, v51;
	v49 =	vld [tilespmem:s24+$0xF0]  }
.LBB2_6:
0x2b4: {  	p0 =	sne.s32 s1, $0x7F;
	v51 =	vmov s29  }
0x2b5: {  	v51 =	vshrl.u32 v51, $0x3  }
0x2b6: {  	v51 =	vshll.u32 v51, v17  }
0x2b7: {  	v51 =	vbroadcast v51, $0x0  }
0x2b8: {  	s24 =	sadd.s32 $0x200, s24;
	[tilespmem:v50+s31+$0x0] =	vst.idx.msk $0xffff, v49  }
0x2b9: {  	v49 =	vld [tilespmem:s24+$0xFFFFFF00];
	v50 =	vadd.s32 v14, v51;
	_ =	sdelay $0x4  }
0x2ba: {  	[tilespmem:v50+s31+$0x0] =	vst.idx.msk $0xffff, v49  }
0x2bb: {  	v50 =	vadd.s32 v18, v51;
	v49 =	vld [tilespmem:s24+$0xFFFFFF10];
	_ =	sdelay $0x4  }
0x2bc: {  	[tilespmem:v50+s31+$0x0] =	vst.idx.msk $0xffff, v49  }
0x2bd: {  	v50 =	vadd.s32 v19, v51;
	v49 =	vld [tilespmem:s24+$0xFFFFFF20];
	_ =	sdelay $0x4  }
0x2be: {  	[tilespmem:v50+s31+$0x0] =	vst.idx.msk $0xffff, v49  }
0x2bf: {  	s29 =	sadd.s32 $0xFFFFFFFA, s26;
	v50 =	vadd.s32 v20, v51;
	v49 =	vld [tilespmem:s24+$0xFFFFFF30]  }
0x2c0: {  	v51 =	vmov s29  }
0x2c1: {  	v51 =	vshrl.u32 v51, $0x3  }
0x2c2: {  	v51 =	vshll.u32 v51, v17  }
0x2c3: {  	v51 =	vbroadcast v51, $0x0  }
0x2c4: {  	[tilespmem:v50+s31+$0x0] =	vst.idx.msk $0xffff, v49  }
0x2c5: {  	v50 =	vadd.s32 v21, v51;
	v49 =	vld [tilespmem:s24+$0xFFFFFF40];
	_ =	sdelay $0x4  }
0x2c6: {  	[tilespmem:v50+s31+$0x0] =	vst.idx.msk $0xffff, v49  }
0x2c7: {  	v50 =	vadd.s32 v22, v51;
	v49 =	vld [tilespmem:s24+$0xFFFFFF50];
	_ =	sdelay $0x4  }
0x2c8: {  	[tilespmem:v50+s31+$0x0] =	vst.idx.msk $0xffff, v49  }
0x2c9: {  	v50 =	vadd.s32 v23, v51;
	v49 =	vld [tilespmem:s24+$0xFFFFFF60];
	_ =	sdelay $0x4  }
0x2ca: {  	[tilespmem:v50+s31+$0x0] =	vst.idx.msk $0xffff, v49  }
0x2cb: {  	s29 =	sadd.s32 $0xFFFFFFFB, s26;
	v50 =	vadd.s32 v24, v51;
	v49 =	vld [tilespmem:s24+$0xFFFFFF70]  }
0x2cc: {  	v51 =	vmov s29  }
0x2cd: {  	v51 =	vshrl.u32 v51, $0x3  }
0x2ce: {  	v51 =	vshll.u32 v51, v17  }
0x2cf: {  	v51 =	vbroadcast v51, $0x0  }
0x2d0: {  	[tilespmem:v50+s31+$0x0] =	vst.idx.msk $0xffff, v49  }
0x2d1: {  	v50 =	vadd.s32 v25, v51;
	v49 =	vld [tilespmem:s24+$0xFFFFFF80];
	_ =	sdelay $0x4  }
0x2d2: {  	[tilespmem:v50+s31+$0x0] =	vst.idx.msk $0xffff, v49  }
0x2d3: {  	v50 =	vadd.s32 v26, v51;
	v49 =	vld [tilespmem:s24+$0xFFFFFF90];
	_ =	sdelay $0x4  }
0x2d4: {  	[tilespmem:v50+s31+$0x0] =	vst.idx.msk $0xffff, v49  }
0x2d5: {  	v50 =	vadd.s32 v27, v51;
	v49 =	vld [tilespmem:s24+$0xFFFFFFA0];
	_ =	sdelay $0x4  }
0x2d6: {  	[tilespmem:v50+s31+$0x0] =	vst.idx.msk $0xffff, v49  }
0x2d7: {  	s29 =	sadd.s32 $0xFFFFFFFC, s26;
	v50 =	vadd.s32 v28, v51;
	v49 =	vld [tilespmem:s24+$0xFFFFFFB0]  }
0x2d8: {  	v51 =	vmov s29  }
0x2d9: {  	v51 =	vshrl.u32 v51, $0x3  }
0x2da: {  	v51 =	vshll.u32 v51, v17  }
0x2db: {  	v51 =	vbroadcast v51, $0x0  }
0x2dc: {  	[tilespmem:v50+s31+$0x0] =	vst.idx.msk $0xffff, v49  }
0x2dd: {  	v50 =	vadd.s32 v29, v51;
	v49 =	vld [tilespmem:s24+$0xFFFFFFC0];
	_ =	sdelay $0x4  }
0x2de: {  	[tilespmem:v50+s31+$0x0] =	vst.idx.msk $0xffff, v49  }
0x2df: {  	v50 =	vadd.s32 v30, v51;
	v49 =	vld [tilespmem:s24+$0xFFFFFFD0];
	_ =	sdelay $0x4  }
0x2e0: {  	[tilespmem:v50+s31+$0x0] =	vst.idx.msk $0xffff, v49  }
0x2e1: {  	v50 =	vadd.s32 v31, v51;
	v49 =	vld [tilespmem:s24+$0xFFFFFFE0];
	_ =	sdelay $0x4  }
0x2e2: {  	[tilespmem:v50+s31+$0x0] =	vst.idx.msk $0xffff, v49  }
0x2e3: {  	s29 =	sadd.s32 $0xFFFFFFFD, s26;
	v50 =	vadd.s32 v32, v51;
	v49 =	vld [tilespmem:s24+$0xFFFFFFF0]  }
0x2e4: {  	v51 =	vmov s29  }
0x2e5: {  	v51 =	vshrl.u32 v51, $0x3  }
0x2e6: {  	v51 =	vshll.u32 v51, v17  }
0x2e7: {  	v51 =	vbroadcast v51, $0x0  }
0x2e8: {  	[tilespmem:v50+s31+$0x0] =	vst.idx.msk $0xffff, v49  }
0x2e9: {  	v50 =	vadd.s32 v33, v51;
	v49 =	vld [tilespmem:s24+$0x0];
	_ =	sdelay $0x4  }
0x2ea: {  	[tilespmem:v50+s31+$0x0] =	vst.idx.msk $0xffff, v49  }
0x2eb: {  	v50 =	vadd.s32 v34, v51;
	v49 =	vld [tilespmem:s24+$0x10];
	_ =	sdelay $0x4  }
0x2ec: {  	[tilespmem:v50+s31+$0x0] =	vst.idx.msk $0xffff, v49  }
0x2ed: {  	v50 =	vadd.s32 v35, v51;
	v49 =	vld [tilespmem:s24+$0x20];
	_ =	sdelay $0x4  }
0x2ee: {  	[tilespmem:v50+s31+$0x0] =	vst.idx.msk $0xffff, v49  }
0x2ef: {  	s29 =	sadd.s32 $0xFFFFFFFE, s26;
	v50 =	vadd.s32 v36, v51;
	v49 =	vld [tilespmem:s24+$0x30]  }
0x2f0: {  	v51 =	vmov s29  }
0x2f1: {  	v51 =	vshrl.u32 v51, $0x3  }
0x2f2: {  	v51 =	vshll.u32 v51, v17  }
0x2f3: {  	v51 =	vbroadcast v51, $0x0  }
0x2f4: {  	[tilespmem:v50+s31+$0x0] =	vst.idx.msk $0xffff, v49  }
0x2f5: {  	v50 =	vadd.s32 v37, v51;
	v49 =	vld [tilespmem:s24+$0x40];
	_ =	sdelay $0x4  }
0x2f6: {  	[tilespmem:v50+s31+$0x0] =	vst.idx.msk $0xffff, v49  }
0x2f7: {  	v50 =	vadd.s32 v38, v51;
	v49 =	vld [tilespmem:s24+$0x50];
	_ =	sdelay $0x4  }
0x2f8: {  	[tilespmem:v50+s31+$0x0] =	vst.idx.msk $0xffff, v49  }
0x2f9: {  	v50 =	vadd.s32 v39, v51;
	v49 =	vld [tilespmem:s24+$0x60];
	_ =	sdelay $0x4  }
0x2fa: {  	[tilespmem:v50+s31+$0x0] =	vst.idx.msk $0xffff, v49  }
0x2fb: {  	s29 =	sadd.s32 $0xFFFFFFFF, s26;
	v50 =	vadd.s32 v40, v51;
	v49 =	vld [tilespmem:s24+$0x70]  }
0x2fc: {  	v51 =	vmov s29  }
0x2fd: {  	v51 =	vshrl.u32 v51, $0x3  }
0x2fe: {  	v51 =	vshll.u32 v51, v17  }
0x2ff: {  	v51 =	vbroadcast v51, $0x0  }
0x300: {  	[tilespmem:v50+s31+$0x0] =	vst.idx.msk $0xffff, v49  }
0x301: {  	v50 =	vadd.s32 v41, v51;
	v49 =	vld [tilespmem:s24+$0x80];
	_ =	sdelay $0x4  }
0x302: {  	[tilespmem:v50+s31+$0x0] =	vst.idx.msk $0xffff, v49  }
0x303: {  	v50 =	vadd.s32 v42, v51;
	v49 =	vld [tilespmem:s24+$0x90];
	_ =	sdelay $0x4  }
0x304: {  	[tilespmem:v50+s31+$0x0] =	vst.idx.msk $0xffff, v49  }
0x305: {  	v50 =	vadd.s32 v43, v51;
	v49 =	vld [tilespmem:s24+$0xA0];
	_ =	sdelay $0x4  }
0x306: {  	[tilespmem:v50+s31+$0x0] =	vst.idx.msk $0xffff, v49  }
0x307: {  	v50 =	vadd.s32 v44, v51;
	v49 =	vld [tilespmem:s24+$0xB0]  }
0x308: {  	v51 =	vmov s26;
	s26 =	smov.u32 s1  }
0x309: {  	v51 =	vshrl.u32 v51, $0x3  }
0x30a: {  	v51 =	vshll.u32 v51, v17  }
0x30b: {  	v51 =	vbroadcast v51, $0x0  }
0x30c: {  	[tilespmem:v50+s31+$0x0] =	vst.idx.msk $0xffff, v49  }
0x30d: {  	v50 =	vadd.s32 v45, v51;
	v49 =	vld [tilespmem:s24+$0xC0];
	_ =	sdelay $0x4  }
0x30e: {  	[tilespmem:v50+s31+$0x0] =	vst.idx.msk $0xffff, v49  }
0x30f: {  	v50 =	vadd.s32 v46, v51;
	v49 =	vld [tilespmem:s24+$0xD0];
	_ =	sdelay $0x4  }
0x310: {  	[tilespmem:v50+s31+$0x0] =	vst.idx.msk $0xffff, v49  }
0x311: {  	v50 =	vadd.s32 v47, v51;
	v49 =	vld [tilespmem:s24+$0xE0];
	_ =	sdelay $0x1  }
.Ltmp1:
0x312: {  	(pc) =	sbr.rel @p0 .LBB2_6-.Ltmp1, $3  }
0x313: {  	_ =	sdelay $0x1  }
0x314: {  	[tilespmem:v50+s31+$0x0] =	vst.idx.msk $0xffff, v49  }
0x315: {  	s1 =	sadd.s32 $0x8, s1;
	s29 =	sadd.s32 $0xFFFFFFF9, s26;
	v50 =	vadd.s32 v48, v51;
	v49 =	vld [tilespmem:s24+$0xF0]  }
0x316: {  	v51 =	vmov s29  }
0x317: {  	v51 =	vshrl.u32 v51, $0x3  }
0x318: {  	v51 =	vshll.u32 v51, v17  }
0x319: {  	v51 =	vbroadcast v51, $0x0  }
0x31a: {  	s1 =	sadd.s32 $0x200, s24;
	[tilespmem:v50+s31+$0x0] =	vst.idx.msk $0xffff, v49  }
0x31b: {  	v49 =	vld [tilespmem:s1+$0xFFFFFF00];
	v55 =	vadd.s32 v14, v51;
	_ =	sdelay $0x4  }
0x31c: {  	[tilespmem:v55+s31+$0x0] =	vst.idx.msk $0xffff, v49  }
0x31d: {  	v56 =	vadd.s32 v18, v51;
	v49 =	vld [tilespmem:s1+$0xFFFFFF10];
	_ =	sdelay $0x4  }
0x31e: {  	[tilespmem:v56+s31+$0x0] =	vst.idx.msk $0xffff, v49  }
0x31f: {  	v57 =	vadd.s32 v19, v51;
	v49 =	vld [tilespmem:s1+$0xFFFFFF20];
	_ =	sdelay $0x4  }
0x320: {  	[tilespmem:v57+s31+$0x0] =	vst.idx.msk $0xffff, v49  }
0x321: {  	s29 =	sadd.s32 $0xFFFFFFFA, s26;
	v58 =	vadd.s32 v20, v51;
	v49 =	vld [tilespmem:s1+$0xFFFFFF30]  }
0x322: {  	v59 =	vmov s29  }
0x323: {  	v51 =	vshrl.u32 v59, $0x3  }
0x324: {  	v51 =	vshll.u32 v51, v17  }
0x325: {  	v51 =	vbroadcast v51, $0x0  }
0x326: {  	[tilespmem:v58+s31+$0x0] =	vst.idx.msk $0xffff, v49  }
0x327: {  	v60 =	vadd.s32 v21, v51;
	v49 =	vld [tilespmem:s1+$0xFFFFFF40];
	_ =	sdelay $0x4  }
0x328: {  	[tilespmem:v60+s31+$0x0] =	vst.idx.msk $0xffff, v49  }
0x329: {  	v61 =	vadd.s32 v22, v51;
	v49 =	vld [tilespmem:s1+$0xFFFFFF50];
	_ =	sdelay $0x4  }
0x32a: {  	[tilespmem:v61+s31+$0x0] =	vst.idx.msk $0xffff, v49  }
0x32b: {  	v62 =	vadd.s32 v23, v51;
	v49 =	vld [tilespmem:s1+$0xFFFFFF60];
	_ =	sdelay $0x4  }
0x32c: {  	[tilespmem:v62+s31+$0x0] =	vst.idx.msk $0xffff, v49  }
0x32d: {  	s29 =	sadd.s32 $0xFFFFFFFB, s26;
	v63 =	vadd.s32 v24, v51;
	v49 =	vld [tilespmem:s1+$0xFFFFFF70]  }
0x32e: {  	v54 =	vmov s29  }
0x32f: {  	v51 =	vshrl.u32 v54, $0x3  }
0x330: {  	v51 =	vshll.u32 v51, v17  }
0x331: {  	v51 =	vbroadcast v51, $0x0  }
0x332: {  	[tilespmem:v63+s31+$0x0] =	vst.idx.msk $0xffff, v49  }
0x333: {  	v55 =	vadd.s32 v25, v51;
	v49 =	vld [tilespmem:s1+$0xFFFFFF80];
	_ =	sdelay $0x4  }
0x334: {  	[tilespmem:v55+s31+$0x0] =	vst.idx.msk $0xffff, v49  }
0x335: {  	v56 =	vadd.s32 v26, v51;
	v49 =	vld [tilespmem:s1+$0xFFFFFF90];
	_ =	sdelay $0x4  }
0x336: {  	[tilespmem:v56+s31+$0x0] =	vst.idx.msk $0xffff, v49  }
0x337: {  	v57 =	vadd.s32 v27, v51;
	v49 =	vld [tilespmem:s1+$0xFFFFFFA0];
	_ =	sdelay $0x4  }
0x338: {  	[tilespmem:v57+s31+$0x0] =	vst.idx.msk $0xffff, v49  }
0x339: {  	s29 =	sadd.s32 $0xFFFFFFFC, s26;
	v58 =	vadd.s32 v28, v51;
	v49 =	vld [tilespmem:s1+$0xFFFFFFB0]  }
0x33a: {  	v59 =	vmov s29  }
0x33b: {  	v51 =	vshrl.u32 v59, $0x3  }
0x33c: {  	v51 =	vshll.u32 v51, v17  }
0x33d: {  	v51 =	vbroadcast v51, $0x0  }
0x33e: {  	[tilespmem:v58+s31+$0x0] =	vst.idx.msk $0xffff, v49  }
0x33f: {  	v60 =	vadd.s32 v29, v51;
	v49 =	vld [tilespmem:s1+$0xFFFFFFC0];
	_ =	sdelay $0x4  }
0x340: {  	[tilespmem:v60+s31+$0x0] =	vst.idx.msk $0xffff, v49  }
0x341: {  	v61 =	vadd.s32 v30, v51;
	v49 =	vld [tilespmem:s1+$0xFFFFFFD0];
	_ =	sdelay $0x4  }
0x342: {  	[tilespmem:v61+s31+$0x0] =	vst.idx.msk $0xffff, v49  }
0x343: {  	v62 =	vadd.s32 v31, v51;
	v49 =	vld [tilespmem:s1+$0xFFFFFFE0];
	_ =	sdelay $0x4  }
0x344: {  	[tilespmem:v62+s31+$0x0] =	vst.idx.msk $0xffff, v49  }
0x345: {  	s29 =	sadd.s32 $0xFFFFFFFD, s26;
	v63 =	vadd.s32 v32, v51;
	v49 =	vld [tilespmem:s1+$0xFFFFFFF0]  }
0x346: {  	v54 =	vmov s29  }
0x347: {  	v51 =	vshrl.u32 v54, $0x3  }
0x348: {  	v51 =	vshll.u32 v51, v17  }
0x349: {  	v51 =	vbroadcast v51, $0x0  }
0x34a: {  	[tilespmem:v63+s31+$0x0] =	vst.idx.msk $0xffff, v49  }
0x34b: {  	v55 =	vadd.s32 v33, v51;
	v49 =	vld [tilespmem:s1+$0x0];
	_ =	sdelay $0x4  }
0x34c: {  	[tilespmem:v55+s31+$0x0] =	vst.idx.msk $0xffff, v49  }
0x34d: {  	v56 =	vadd.s32 v34, v51;
	v49 =	vld [tilespmem:s1+$0x10];
	_ =	sdelay $0x4  }
0x34e: {  	[tilespmem:v56+s31+$0x0] =	vst.idx.msk $0xffff, v49  }
0x34f: {  	v57 =	vadd.s32 v35, v51;
	v49 =	vld [tilespmem:s1+$0x20];
	_ =	sdelay $0x4  }
0x350: {  	[tilespmem:v57+s31+$0x0] =	vst.idx.msk $0xffff, v49  }
0x351: {  	s29 =	sadd.s32 $0xFFFFFFFE, s26;
	v58 =	vadd.s32 v36, v51;
	v49 =	vld [tilespmem:s1+$0x30]  }
0x352: {  	v59 =	vmov s29  }
0x353: {  	v51 =	vshrl.u32 v59, $0x3  }
0x354: {  	v51 =	vshll.u32 v51, v17  }
0x355: {  	v51 =	vbroadcast v51, $0x0  }
0x356: {  	[tilespmem:v58+s31+$0x0] =	vst.idx.msk $0xffff, v49  }
0x357: {  	v60 =	vadd.s32 v37, v51;
	v49 =	vld [tilespmem:s1+$0x40];
	_ =	sdelay $0x4  }
0x358: {  	[tilespmem:v60+s31+$0x0] =	vst.idx.msk $0xffff, v49  }
0x359: {  	v61 =	vadd.s32 v38, v51;
	v49 =	vld [tilespmem:s1+$0x50];
	_ =	sdelay $0x4  }
0x35a: {  	[tilespmem:v61+s31+$0x0] =	vst.idx.msk $0xffff, v49  }
0x35b: {  	v62 =	vadd.s32 v39, v51;
	v49 =	vld [tilespmem:s1+$0x60];
	_ =	sdelay $0x4  }
0x35c: {  	[tilespmem:v62+s31+$0x0] =	vst.idx.msk $0xffff, v49  }
0x35d: {  	s29 =	sadd.s32 $0xFFFFFFFF, s26;
	v63 =	vadd.s32 v40, v51;
	v49 =	vld [tilespmem:s1+$0x70]  }
0x35e: {  	v54 =	vmov s29  }
0x35f: {  	v51 =	vshrl.u32 v54, $0x3  }
0x360: {  	v51 =	vshll.u32 v51, v17  }
0x361: {  	v51 =	vbroadcast v51, $0x0  }
0x362: {  	[tilespmem:v63+s31+$0x0] =	vst.idx.msk $0xffff, v49  }
0x363: {  	v55 =	vadd.s32 v41, v51;
	v49 =	vld [tilespmem:s1+$0x80];
	_ =	sdelay $0x4  }
0x364: {  	[tilespmem:v55+s31+$0x0] =	vst.idx.msk $0xffff, v49  }
0x365: {  	v56 =	vadd.s32 v42, v51;
	v49 =	vld [tilespmem:s1+$0x90];
	_ =	sdelay $0x4  }
0x366: {  	[tilespmem:v56+s31+$0x0] =	vst.idx.msk $0xffff, v49  }
0x367: {  	v57 =	vadd.s32 v43, v51;
	v49 =	vld [tilespmem:s1+$0xA0];
	_ =	sdelay $0x4  }
0x368: {  	[tilespmem:v57+s31+$0x0] =	vst.idx.msk $0xffff, v49  }
0x369: {  	v58 =	vadd.s32 v44, v51;
	v49 =	vld [tilespmem:s1+$0xB0]  }
0x36a: {  	v59 =	vmov s26  }
0x36b: {  	v51 =	vshrl.u32 v59, $0x3  }
0x36c: {  	v51 =	vshll.u32 v51, v17  }
0x36d: {  	v51 =	vbroadcast v51, $0x0  }
0x36e: {  	[tilespmem:v58+s31+$0x0] =	vst.idx.msk $0xffff, v49  }
0x36f: {  	v60 =	vadd.s32 v45, v51;
	v49 =	vld [tilespmem:s1+$0xC0];
	_ =	sdelay $0x4  }
0x370: {  	[tilespmem:v60+s31+$0x0] =	vst.idx.msk $0xffff, v49  }
0x371: {  	v61 =	vadd.s32 v46, v51;
	v49 =	vld [tilespmem:s1+$0xD0];
	_ =	sdelay $0x4  }
0x372: {  	[tilespmem:v61+s31+$0x0] =	vst.idx.msk $0xffff, v49  }
0x373: {  	v62 =	vadd.s32 v47, v51;
	v49 =	vld [tilespmem:s1+$0xE0];
	_ =	sdelay $0x4  }
0x374: {  	[tilespmem:v62+s31+$0x0] =	vst.idx.msk $0xffff, v49  }
0x375: {  	v63 =	vadd.s32 v48, v51;
	v49 =	vld [tilespmem:s1+$0xF0];
	_ =	sdelay $0x4  }
0x376: {  	s24 =	sand.u32 $0x1FFDFF80, s23;
	s29 =	simm.s32 $0x8500;
	s26 =	simm.s32 $0x6480;
	[tilespmem:v63+s31+$0x0] =	vst.idx.msk $0xffff, v49  }
0x377: {  	[tilespmem:s29], [sflag:$0x2] =	stream.indirect.gather [hbm4b:s4+s28], $0x40, s26, s28, $0xb8;
	[tilespmem:$0xE900] =	vst v63  }
0x378: {  	s1 =	sadd.s32 s24, s14  }
0x379: {  	[hbm4b:s1+s2] =	stream.linear.scatter [tilespmem:s31], [sflag:$0x4], $0x80, $0x38;
	[tilespmem:$0xE900] =	vst v63  }
0x37a: {  	s26 =	sadd.s32 $0x10, s1;
	s29 =	simm.s32 $0xC788  }
0x37b: {  	[hbm4b:s26+s2] =	stream.linear.scatter [tilespmem:s29], [sflag:$0x4], $0x80, $0x38;
	[tilespmem:$0xE900] =	vst v63  }
0x37c: {  	s26 =	sadd.s32 $0x20, s1;
	s29 =	simm.s32 $0xC810  }
0x37d: {  	[hbm4b:s26+s2] =	stream.linear.scatter [tilespmem:s29], [sflag:$0x4], $0x80, $0x38;
	[tilespmem:$0xE900] =	vst v63  }
0x37e: {  	s26 =	sadd.s32 $0x30, s1;
	s29 =	simm.s32 $0xC898  }
0x37f: {  	[hbm4b:s26+s2] =	stream.linear.scatter [tilespmem:s29], [sflag:$0x4], $0x80, $0x38;
	[tilespmem:$0xE900] =	vst v63  }
0x380: {  	s26 =	sadd.s32 $0x40, s1;
	s29 =	simm.s32 $0xC920  }
0x381: {  	[hbm4b:s26+s2] =	stream.linear.scatter [tilespmem:s29], [sflag:$0x4], $0x80, $0x38;
	[tilespmem:$0xE900] =	vst v63  }
0x382: {  	s26 =	sadd.s32 $0x50, s1;
	s29 =	simm.s32 $0xC9A8  }
0x383: {  	[hbm4b:s26+s2] =	stream.linear.scatter [tilespmem:s29], [sflag:$0x4], $0x80, $0x38;
	[tilespmem:$0xE900] =	vst v63  }
0x384: {  	s26 =	sadd.s32 $0x60, s1;
	s29 =	simm.s32 $0xCA30  }
0x385: {  	[hbm4b:s26+s2] =	stream.linear.scatter [tilespmem:s29], [sflag:$0x4], $0x80, $0x38;
	[tilespmem:$0xE900] =	vst v63  }
0x386: {  	s1 =	sadd.s32 $0x70, s1;
	s29 =	simm.s32 $0xCAB8;
	s26 =	sand.u32 $0x1FFDBF80, s23  }
0x387: {  	[hbm4b:s1+s2] =	stream.linear.scatter [tilespmem:s29], [sflag:$0x4], $0x80, $0x38;
	[tilespmem:$0xE900] =	vst v63  }
0x388: {  	s1 =	sadd.s32 s26, s15;
	s29 =	simm.s32 $0xCB40  }
0x389: {  	[hbm4b:s1+s2] =	stream.linear.scatter [tilespmem:s29], [sflag:$0x4], $0x80, $0x38;
	[tilespmem:$0xE900] =	vst v63  }
0x38a: {  	s26 =	sadd.s32 $0x10, s1;
	s29 =	simm.s32 $0xCBC8  }
0x38b: {  	[hbm4b:s26+s2] =	stream.linear.scatter [tilespmem:s29], [sflag:$0x4], $0x80, $0x38;
	[tilespmem:$0xE900] =	vst v63  }
0x38c: {  	s26 =	sadd.s32 $0x20, s1;
	s29 =	simm.s32 $0xCC50  }
0x38d: {  	[hbm4b:s26+s2] =	stream.linear.scatter [tilespmem:s29], [sflag:$0x4], $0x80, $0x38;
	[tilespmem:$0xE900] =	vst v63  }
0x38e: {  	s26 =	sadd.s32 $0x30, s1;
	s29 =	simm.s32 $0xCCD8  }
0x38f: {  	[hbm4b:s26+s2] =	stream.linear.scatter [tilespmem:s29], [sflag:$0x4], $0x80, $0x38;
	[tilespmem:$0xE900] =	vst v63  }
0x390: {  	s26 =	sadd.s32 $0x40, s1;
	s29 =	simm.s32 $0xCD60  }
0x391: {  	[hbm4b:s26+s2] =	stream.linear.scatter [tilespmem:s29], [sflag:$0x4], $0x80, $0x38;
	[tilespmem:$0xE900] =	vst v63  }
0x392: {  	s26 =	sadd.s32 $0x50, s1;
	s29 =	simm.s32 $0xCDE8  }
0x393: {  	[hbm4b:s26+s2] =	stream.linear.scatter [tilespmem:s29], [sflag:$0x4], $0x80, $0x38;
	[tilespmem:$0xE900] =	vst v63  }
0x394: {  	s26 =	sadd.s32 $0x60, s1;
	s29 =	simm.s32 $0xCE70  }
0x395: {  	[hbm4b:s26+s2] =	stream.linear.scatter [tilespmem:s29], [sflag:$0x4], $0x80, $0x38;
	[tilespmem:$0xE900] =	vst v63  }
0x396: {  	s1 =	sadd.s32 $0x70, s1;
	s29 =	simm.s32 $0xCEF8;
	s26 =	sand.u32 $0x1FFD7F80, s23  }
0x397: {  	[hbm4b:s1+s2] =	stream.linear.scatter [tilespmem:s29], [sflag:$0x4], $0x80, $0x38;
	[tilespmem:$0xE900] =	vst v63  }
0x398: {  	s1 =	sadd.s32 s26, s16;
	s29 =	simm.s32 $0xCF80  }
0x399: {  	[hbm4b:s1+s2] =	stream.linear.scatter [tilespmem:s29], [sflag:$0x4], $0x80, $0x38;
	[tilespmem:$0xE900] =	vst v63  }
0x39a: {  	s26 =	sadd.s32 $0x10, s1;
	s29 =	simm.s32 $0xD008  }
0x39b: {  	[hbm4b:s26+s2] =	stream.linear.scatter [tilespmem:s29], [sflag:$0x4], $0x80, $0x38;
	[tilespmem:$0xE900] =	vst v63  }
0x39c: {  	s26 =	sadd.s32 $0x20, s1;
	s29 =	simm.s32 $0xD090  }
0x39d: {  	[hbm4b:s26+s2] =	stream.linear.scatter [tilespmem:s29], [sflag:$0x4], $0x80, $0x38;
	[tilespmem:$0xE900] =	vst v63  }
0x39e: {  	s26 =	sadd.s32 $0x30, s1;
	s29 =	simm.s32 $0xD118  }
0x39f: {  	[hbm4b:s26+s2] =	stream.linear.scatter [tilespmem:s29], [sflag:$0x4], $0x80, $0x38;
	[tilespmem:$0xE900] =	vst v63  }
0x3a0: {  	s26 =	sadd.s32 $0x40, s1;
	s29 =	simm.s32 $0xD1A0  }
0x3a1: {  	[hbm4b:s26+s2] =	stream.linear.scatter [tilespmem:s29], [sflag:$0x4], $0x80, $0x38;
	[tilespmem:$0xE900] =	vst v63  }
0x3a2: {  	s26 =	sadd.s32 $0x50, s1;
	s29 =	simm.s32 $0xD228  }
0x3a3: {  	[hbm4b:s26+s2] =	stream.linear.scatter [tilespmem:s29], [sflag:$0x4], $0x80, $0x38;
	[tilespmem:$0xE900] =	vst v63  }
0x3a4: {  	s26 =	sadd.s32 $0x60, s1;
	s29 =	simm.s32 $0xD2B0  }
0x3a5: {  	[hbm4b:s26+s2] =	stream.linear.scatter [tilespmem:s29], [sflag:$0x4], $0x80, $0x38;
	[tilespmem:$0xE900] =	vst v63  }
0x3a6: {  	s1 =	sadd.s32 $0x70, s1;
	s29 =	simm.s32 $0xD338;
	s26 =	sand.u32 $0x1FFD3F80, s23  }
0x3a7: {  	[hbm4b:s1+s2] =	stream.linear.scatter [tilespmem:s29], [sflag:$0x4], $0x80, $0x38;
	[tilespmem:$0xE900] =	vst v63  }
0x3a8: {  	s1 =	sadd.s32 s26, s17;
	s29 =	simm.s32 $0xD3C0  }
0x3a9: {  	[hbm4b:s1+s2] =	stream.linear.scatter [tilespmem:s29], [sflag:$0x4], $0x80, $0x38;
	[tilespmem:$0xE900] =	vst v63  }
0x3aa: {  	s26 =	sadd.s32 $0x10, s1;
	s29 =	simm.s32 $0xD448  }
0x3ab: {  	[hbm4b:s26+s2] =	stream.linear.scatter [tilespmem:s29], [sflag:$0x4], $0x80, $0x38;
	[tilespmem:$0xE900] =	vst v63  }
0x3ac: {  	s26 =	sadd.s32 $0x20, s1;
	s29 =	simm.s32 $0xD4D0  }
0x3ad: {  	[hbm4b:s26+s2] =	stream.linear.scatter [tilespmem:s29], [sflag:$0x4], $0x80, $0x38;
	[tilespmem:$0xE900] =	vst v63  }
0x3ae: {  	s26 =	sadd.s32 $0x30, s1;
	s29 =	simm.s32 $0xD558  }
0x3af: {  	[hbm4b:s26+s2] =	stream.linear.scatter [tilespmem:s29], [sflag:$0x4], $0x80, $0x38;
	[tilespmem:$0xE900] =	vst v63  }
0x3b0: {  	s26 =	sadd.s32 $0x40, s1;
	s29 =	simm.s32 $0xD5E0  }
0x3b1: {  	[hbm4b:s26+s2] =	stream.linear.scatter [tilespmem:s29], [sflag:$0x4], $0x80, $0x38;
	[tilespmem:$0xE900] =	vst v63  }
0x3b2: {  	s26 =	sadd.s32 $0x50, s1;
	s29 =	simm.s32 $0xD668  }
0x3b3: {  	[hbm4b:s26+s2] =	stream.linear.scatter [tilespmem:s29], [sflag:$0x4], $0x80, $0x38;
	[tilespmem:$0xE900] =	vst v63  }
0x3b4: {  	s26 =	sadd.s32 $0x60, s1;
	s29 =	simm.s32 $0xD6F0  }
0x3b5: {  	[hbm4b:s26+s2] =	stream.linear.scatter [tilespmem:s29], [sflag:$0x4], $0x80, $0x38;
	[tilespmem:$0xE900] =	vst v63  }
0x3b6: {  	s1 =	sadd.s32 $0x70, s1;
	s29 =	simm.s32 $0xD778;
	s26 =	sand.u32 $0x1FFCFF80, s23  }
0x3b7: {  	[hbm4b:s1+s2] =	stream.linear.scatter [tilespmem:s29], [sflag:$0x4], $0x80, $0x38;
	[tilespmem:$0xE900] =	vst v63  }
0x3b8: {  	s1 =	sadd.s32 s26, s18;
	s29 =	simm.s32 $0xD800  }
0x3b9: {  	[hbm4b:s1+s2] =	stream.linear.scatter [tilespmem:s29], [sflag:$0x4], $0x80, $0x38;
	[tilespmem:$0xE900] =	vst v63  }
0x3ba: {  	s26 =	sadd.s32 $0x10, s1;
	s29 =	simm.s32 $0xD888  }
0x3bb: {  	[hbm4b:s26+s2] =	stream.linear.scatter [tilespmem:s29], [sflag:$0x4], $0x80, $0x38;
	[tilespmem:$0xE900] =	vst v63  }
0x3bc: {  	s26 =	sadd.s32 $0x20, s1;
	s29 =	simm.s32 $0xD910  }
0x3bd: {  	[hbm4b:s26+s2] =	stream.linear.scatter [tilespmem:s29], [sflag:$0x4], $0x80, $0x38;
	[tilespmem:$0xE900] =	vst v63  }
0x3be: {  	s26 =	sadd.s32 $0x30, s1;
	s29 =	simm.s32 $0xD998  }
0x3bf: {  	[hbm4b:s26+s2] =	stream.linear.scatter [tilespmem:s29], [sflag:$0x4], $0x80, $0x38;
	[tilespmem:$0xE900] =	vst v63  }
0x3c0: {  	s26 =	sadd.s32 $0x40, s1;
	s29 =	simm.s32 $0xDA20  }
0x3c1: {  	[hbm4b:s26+s2] =	stream.linear.scatter [tilespmem:s29], [sflag:$0x4], $0x80, $0x38;
	[tilespmem:$0xE900] =	vst v63  }
0x3c2: {  	s26 =	sadd.s32 $0x50, s1;
	s29 =	simm.s32 $0xDAA8  }
0x3c3: {  	[hbm4b:s26+s2] =	stream.linear.scatter [tilespmem:s29], [sflag:$0x4], $0x80, $0x38;
	[tilespmem:$0xE900] =	vst v63  }
0x3c4: {  	s26 =	sadd.s32 $0x60, s1;
	s29 =	simm.s32 $0xDB30  }
0x3c5: {  	[hbm4b:s26+s2] =	stream.linear.scatter [tilespmem:s29], [sflag:$0x4], $0x80, $0x38;
	[tilespmem:$0xE900] =	vst v63  }
0x3c6: {  	s1 =	sadd.s32 $0x70, s1;
	s29 =	simm.s32 $0xDBB8;
	s26 =	sand.u32 $0x1FFCBF80, s23  }
0x3c7: {  	[hbm4b:s1+s2] =	stream.linear.scatter [tilespmem:s29], [sflag:$0x4], $0x80, $0x38;
	[tilespmem:$0xE900] =	vst v63  }
0x3c8: {  	s1 =	sadd.s32 s26, s19;
	s29 =	simm.s32 $0xDC40  }
0x3c9: {  	[hbm4b:s1+s2] =	stream.linear.scatter [tilespmem:s29], [sflag:$0x4], $0x80, $0x38;
	[tilespmem:$0xE900] =	vst v63  }
0x3ca: {  	s26 =	sadd.s32 $0x10, s1;
	s29 =	simm.s32 $0xDCC8  }
0x3cb: {  	[hbm4b:s26+s2] =	stream.linear.scatter [tilespmem:s29], [sflag:$0x4], $0x80, $0x38;
	[tilespmem:$0xE900] =	vst v63  }
0x3cc: {  	s26 =	sadd.s32 $0x20, s1;
	s29 =	simm.s32 $0xDD50  }
0x3cd: {  	[hbm4b:s26+s2] =	stream.linear.scatter [tilespmem:s29], [sflag:$0x4], $0x80, $0x38;
	[tilespmem:$0xE900] =	vst v63  }
0x3ce: {  	s26 =	sadd.s32 $0x30, s1;
	s29 =	simm.s32 $0xDDD8  }
0x3cf: {  	[hbm4b:s26+s2] =	stream.linear.scatter [tilespmem:s29], [sflag:$0x4], $0x80, $0x38;
	[tilespmem:$0xE900] =	vst v63  }
0x3d0: {  	s26 =	sadd.s32 $0x40, s1;
	s29 =	simm.s32 $0xDE60  }
0x3d1: {  	[hbm4b:s26+s2] =	stream.linear.scatter [tilespmem:s29], [sflag:$0x4], $0x80, $0x38;
	[tilespmem:$0xE900] =	vst v63  }
0x3d2: {  	s26 =	sadd.s32 $0x50, s1;
	s29 =	simm.s32 $0xDEE8  }
0x3d3: {  	[hbm4b:s26+s2] =	stream.linear.scatter [tilespmem:s29], [sflag:$0x4], $0x80, $0x38;
	[tilespmem:$0xE900] =	vst v63  }
0x3d4: {  	s26 =	sadd.s32 $0x60, s1;
	s29 =	simm.s32 $0xDF70  }
0x3d5: {  	[hbm4b:s26+s2] =	stream.linear.scatter [tilespmem:s29], [sflag:$0x4], $0x80, $0x38;
	[tilespmem:$0xE900] =	vst v63  }
0x3d6: {  	s1 =	sadd.s32 $0x70, s1;
	s29 =	simm.s32 $0xDFF8;
	s26 =	sand.u32 $0x1FFC7F80, s23  }
0x3d7: {  	[hbm4b:s1+s2] =	stream.linear.scatter [tilespmem:s29], [sflag:$0x4], $0x80, $0x38;
	[tilespmem:$0xE900] =	vst v63  }
0x3d8: {  	s1 =	sadd.s32 s26, s20;
	s29 =	simm.s32 $0xE080  }
0x3d9: {  	[hbm4b:s1+s2] =	stream.linear.scatter [tilespmem:s29], [sflag:$0x4], $0x80, $0x38;
	[tilespmem:$0xE900] =	vst v63  }
0x3da: {  	s26 =	sadd.s32 $0x10, s1;
	s29 =	simm.s32 $0xE108  }
0x3db: {  	[hbm4b:s26+s2] =	stream.linear.scatter [tilespmem:s29], [sflag:$0x4], $0x80, $0x38;
	[tilespmem:$0xE900] =	vst v63  }
0x3dc: {  	s26 =	sadd.s32 $0x20, s1;
	s29 =	simm.s32 $0xE190  }
0x3dd: {  	[hbm4b:s26+s2] =	stream.linear.scatter [tilespmem:s29], [sflag:$0x4], $0x80, $0x38;
	[tilespmem:$0xE900] =	vst v63  }
0x3de: {  	s26 =	sadd.s32 $0x30, s1;
	s29 =	simm.s32 $0xE218  }
0x3df: {  	[hbm4b:s26+s2] =	stream.linear.scatter [tilespmem:s29], [sflag:$0x4], $0x80, $0x38;
	[tilespmem:$0xE900] =	vst v63  }
0x3e0: {  	s26 =	sadd.s32 $0x40, s1;
	s29 =	simm.s32 $0xE2A0  }
0x3e1: {  	[hbm4b:s26+s2] =	stream.linear.scatter [tilespmem:s29], [sflag:$0x4], $0x80, $0x38;
	[tilespmem:$0xE900] =	vst v63  }
0x3e2: {  	s26 =	sadd.s32 $0x50, s1;
	s29 =	simm.s32 $0xE328  }
0x3e3: {  	[hbm4b:s26+s2] =	stream.linear.scatter [tilespmem:s29], [sflag:$0x4], $0x80, $0x38;
	[tilespmem:$0xE900] =	vst v63  }
0x3e4: {  	s26 =	sadd.s32 $0x60, s1;
	s29 =	simm.s32 $0xE3B0  }
0x3e5: {  	[hbm4b:s26+s2] =	stream.linear.scatter [tilespmem:s29], [sflag:$0x4], $0x80, $0x38;
	[tilespmem:$0xE900] =	vst v63  }
0x3e6: {  	s23 =	sand.u32 $0x1FFC3F80, s23;
	s1 =	sadd.s32 $0x70, s1;
	s29 =	simm.s32 $0xE438  }
0x3e7: {  	[hbm4b:s1+s2] =	stream.linear.scatter [tilespmem:s29], [sflag:$0x4], $0x80, $0x38;
	[tilespmem:$0xE900] =	vst v63  }
0x3e8: {  	s24 =	simm.s32 $0xE4C0;
	s1 =	sadd.s32 s23, s21  }
0x3e9: {  	[hbm4b:s1+s2] =	stream.linear.scatter [tilespmem:s24], [sflag:$0x4], $0x80, $0x38;
	[tilespmem:$0xE900] =	vst v63  }
0x3ea: {  	s29 =	simm.s32 $0xE548;
	s26 =	sadd.s32 $0x10, s1  }
0x3eb: {  	[hbm4b:s26+s2] =	stream.linear.scatter [tilespmem:s29], [sflag:$0x4], $0x80, $0x38;
	[tilespmem:$0xE900] =	vst v63  }
0x3ec: {  	s26 =	sadd.s32 $0x20, s1;
	s29 =	simm.s32 $0xE5D0  }
0x3ed: {  	[hbm4b:s26+s2] =	stream.linear.scatter [tilespmem:s29], [sflag:$0x4], $0x80, $0x38;
	[tilespmem:$0xE900] =	vst v63  }
0x3ee: {  	s26 =	sadd.s32 $0x30, s1;
	s29 =	simm.s32 $0xE658  }
0x3ef: {  	[hbm4b:s26+s2] =	stream.linear.scatter [tilespmem:s29], [sflag:$0x4], $0x80, $0x38;
	[tilespmem:$0xE900] =	vst v63  }
0x3f0: {  	s22 =	sadd.s32 $0x1, s22;
	s26 =	sadd.s32 $0x40, s1;
	s29 =	simm.s32 $0xE6E0  }
0x3f1: {  	[hbm4b:s26+s2] =	stream.linear.scatter [tilespmem:s29], [sflag:$0x4], $0x80, $0x38;
	[tilespmem:$0xE900] =	vst v63  }
0x3f2: {  	p0 =	sne.s32 s22, $0x63;
	s26 =	sadd.s32 $0x50, s1;
	s29 =	simm.s32 $0xE768  }
0x3f3: {  	[hbm4b:s26+s2] =	stream.linear.scatter [tilespmem:s29], [sflag:$0x4], $0x80, $0x38;
	[tilespmem:$0xE900] =	vst v63  }
.Ltmp2:
0x3f4: {  	_ = 	snop;
	(pc) =	sbr.rel @p0 .LBB2_3-.Ltmp2, $4  }
0x3f5: {  	s24 =	sadd.s32 $0x60, s1;
	s26 =	simm.s32 $0xE7F0  }
0x3f6: {  	[hbm4b:s24+s2] =	stream.linear.scatter [tilespmem:s26], [sflag:$0x4], $0x80, $0x38;
	[tilespmem:$0xE900] =	vst v63  }
0x3f7: {  	s1 =	sadd.s32 $0x70, s1;
	s29 =	simm.s32 $0xE878  }
0x3f8: {  	[hbm4b:s1+s2] =	stream.linear.scatter [tilespmem:s29], [sflag:$0x4], $0x80, $0x38;
	[tilespmem:$0xE900] =	vst v63  }
0x3f9: {  	_ =	swait.ge [sflag:s3], $0x2000  }
0x3fa: {  	[sflag:s3] =	ssyncset.done $0x0  }
0x3fb: {  	[sflag:s3] =	ssyncadd.s32 $0xFFFFE000  }
0x3fc: {  	_ =	swait.ge [sflag:s0], $0x400  }
0x3fd: {  	[sflag:s0] =	ssyncset.done $0x0  }
0x3fe: {  	[sflag:s0] =	ssyncadd.s32 $0xFFFFFC00  }
0x3ff: {  	_ =	swait.ge [sflag:s0], $0x400  }
0x400: {  	[sflag:s0] =	ssyncset.done $0x0  }
0x401: {  	[sflag:s0] =	ssyncadd.s32 $0xFFFFFC00  }
0x402: {  	_ =	swait.ge [sflag:s0], $0x400  }
0x403: {  	[sflag:s0] =	ssyncset.done $0x0  }
0x404: {  	[sflag:s0] =	ssyncadd.s32 $0xFFFFFC00  }
0x405: {  	_ =	swait.ge [sflag:s0], $0x400  }
0x406: {  	[sflag:s0] =	ssyncset.done $0x0  }
0x407: {  	[sflag:s0] =	ssyncadd.s32 $0xFFFFFC00  }
0x408: {  	_ =	swait.ge [sflag:s0], $0x400  }
0x409: {  	[sflag:s0] =	ssyncset.done $0x0  }
0x40a: {  	[sflag:s0] =	ssyncadd.s32 $0xFFFFFC00  }
0x40b: {  	_ =	swait.ge [sflag:s0], $0x400  }
0x40c: {  	[sflag:s0] =	ssyncset.done $0x0  }
0x40d: {  	[sflag:s0] =	ssyncadd.s32 $0xFFFFFC00  }
0x40e: {  	s1 =	simm.s32 $0x0;
	_ =	swait.ge [sflag:s0], $0x400  }
0x40f: {  	v49 =	vmov s1;
	[sflag:s0] =	ssyncset.done $0x0  }
0x410: {  	v49 =	vshrl.u32 v49, $0x3;
	[sflag:s0] =	ssyncadd.s32 $0xFFFFFC00  }
0x411: {  	v49 =	vshll.u32 v49, v17;
	_ =	swait.ge [sflag:s0], $0x400  }
0x412: {  	v49 =	vbroadcast v49, $0x0;
	[sflag:s0] =	ssyncset.done $0x0  }
0x413: {  	s22 =	simm.s32 $0x6600;
	[sflag:s0] =	ssyncadd.s32 $0xFFFFFC00  }
0x414: {  	v51 =	vadd.s32 v14, v49;
	v50 =	vld [tilespmem:s22+$0xFFFFFF00];
	_ =	sdelay $0x4  }
0x415: {  	[tilespmem:v51+s25+$0x0] =	vst.idx.msk $0xffff, v50  }
0x416: {  	v61 =	vadd.s32 v18, v49;
	v50 =	vld [tilespmem:s22+$0xFFFFFF10];
	_ =	sdelay $0x4  }
0x417: {  	[tilespmem:v61+s25+$0x0] =	vst.idx.msk $0xffff, v50  }
0x418: {  	v62 =	vadd.s32 v19, v49;
	v50 =	vld [tilespmem:s22+$0xFFFFFF20];
	_ =	sdelay $0x4  }
0x419: {  	[tilespmem:v62+s25+$0x0] =	vst.idx.msk $0xffff, v50  }
0x41a: {  	s24 =	simm.s32 $0x1;
	v49 =	vadd.s32 v20, v49;
	v50 =	vld [tilespmem:s22+$0xFFFFFF30]  }
0x41b: {  	v63 =	vmov s24  }
0x41c: {  	v51 =	vshrl.u32 v63, $0x3  }
0x41d: {  	v51 =	vshll.u32 v51, v17  }
0x41e: {  	v51 =	vbroadcast v51, $0x0  }
0x41f: {  	[tilespmem:v49+s25+$0x0] =	vst.idx.msk $0xffff, v50  }
0x420: {  	v54 =	vadd.s32 v21, v51;
	v49 =	vld [tilespmem:s22+$0xFFFFFF40];
	_ =	sdelay $0x4  }
0x421: {  	[tilespmem:v54+s25+$0x0] =	vst.idx.msk $0xffff, v49  }
0x422: {  	v55 =	vadd.s32 v22, v51;
	v49 =	vld [tilespmem:s22+$0xFFFFFF50];
	_ =	sdelay $0x4  }
0x423: {  	[tilespmem:v55+s25+$0x0] =	vst.idx.msk $0xffff, v49  }
0x424: {  	v56 =	vadd.s32 v23, v51;
	v49 =	vld [tilespmem:s22+$0xFFFFFF60];
	_ =	sdelay $0x4  }
0x425: {  	[tilespmem:v56+s25+$0x0] =	vst.idx.msk $0xffff, v49  }
0x426: {  	s26 =	simm.s32 $0x2;
	v57 =	vadd.s32 v24, v51;
	v49 =	vld [tilespmem:s22+$0xFFFFFF70]  }
0x427: {  	v58 =	vmov s26  }
0x428: {  	v51 =	vshrl.u32 v58, $0x3  }
0x429: {  	v51 =	vshll.u32 v51, v17  }
0x42a: {  	v51 =	vbroadcast v51, $0x0  }
0x42b: {  	[tilespmem:v57+s25+$0x0] =	vst.idx.msk $0xffff, v49  }
0x42c: {  	v59 =	vadd.s32 v25, v51;
	v49 =	vld [tilespmem:s22+$0xFFFFFF80];
	_ =	sdelay $0x4  }
0x42d: {  	[tilespmem:v59+s25+$0x0] =	vst.idx.msk $0xffff, v49  }
0x42e: {  	v60 =	vadd.s32 v26, v51;
	v49 =	vld [tilespmem:s22+$0xFFFFFF90];
	_ =	sdelay $0x4  }
0x42f: {  	[tilespmem:v60+s25+$0x0] =	vst.idx.msk $0xffff, v49  }
0x430: {  	v61 =	vadd.s32 v27, v51;
	v49 =	vld [tilespmem:s22+$0xFFFFFFA0];
	_ =	sdelay $0x4  }
0x431: {  	[tilespmem:v61+s25+$0x0] =	vst.idx.msk $0xffff, v49  }
0x432: {  	s29 =	simm.s32 $0x3;
	v62 =	vadd.s32 v28, v51;
	v49 =	vld [tilespmem:s22+$0xFFFFFFB0]  }
0x433: {  	v63 =	vmov s29  }
0x434: {  	v51 =	vshrl.u32 v63, $0x3  }
0x435: {  	v51 =	vshll.u32 v51, v17  }
0x436: {  	v51 =	vbroadcast v51, $0x0  }
0x437: {  	[tilespmem:v62+s25+$0x0] =	vst.idx.msk $0xffff, v49  }
0x438: {  	v53 =	vadd.s32 v29, v51;
	v49 =	vld [tilespmem:s22+$0xFFFFFFC0];
	_ =	sdelay $0x4  }
0x439: {  	[tilespmem:v53+s25+$0x0] =	vst.idx.msk $0xffff, v49  }
0x43a: {  	v54 =	vadd.s32 v30, v51;
	v49 =	vld [tilespmem:s22+$0xFFFFFFD0];
	_ =	sdelay $0x4  }
0x43b: {  	[tilespmem:v54+s25+$0x0] =	vst.idx.msk $0xffff, v49  }
0x43c: {  	v55 =	vadd.s32 v31, v51;
	v49 =	vld [tilespmem:s22+$0xFFFFFFE0];
	_ =	sdelay $0x4  }
0x43d: {  	[tilespmem:v55+s25+$0x0] =	vst.idx.msk $0xffff, v49  }
0x43e: {  	s23 =	simm.s32 $0x4;
	v56 =	vadd.s32 v32, v51;
	v49 =	vld [tilespmem:s22+$0xFFFFFFF0]  }
0x43f: {  	v57 =	vmov s23  }
0x440: {  	v51 =	vshrl.u32 v57, $0x3  }
0x441: {  	v51 =	vshll.u32 v51, v17  }
0x442: {  	v51 =	vbroadcast v51, $0x0  }
0x443: {  	[tilespmem:v56+s25+$0x0] =	vst.idx.msk $0xffff, v49  }
0x444: {  	v58 =	vadd.s32 v33, v51;
	v49 =	vld [tilespmem:s22+$0x0];
	_ =	sdelay $0x4  }
0x445: {  	[tilespmem:v58+s25+$0x0] =	vst.idx.msk $0xffff, v49  }
0x446: {  	v59 =	vadd.s32 v34, v51;
	v49 =	vld [tilespmem:s22+$0x10];
	_ =	sdelay $0x4  }
0x447: {  	[tilespmem:v59+s25+$0x0] =	vst.idx.msk $0xffff, v49  }
0x448: {  	v60 =	vadd.s32 v35, v51;
	v49 =	vld [tilespmem:s22+$0x20];
	_ =	sdelay $0x4  }
0x449: {  	[tilespmem:v60+s25+$0x0] =	vst.idx.msk $0xffff, v49  }
0x44a: {  	s24 =	simm.s32 $0x5;
	v61 =	vadd.s32 v36, v51;
	v49 =	vld [tilespmem:s22+$0x30]  }
0x44b: {  	v62 =	vmov s24  }
0x44c: {  	v51 =	vshrl.u32 v62, $0x3  }
0x44d: {  	v51 =	vshll.u32 v51, v17  }
0x44e: {  	v51 =	vbroadcast v51, $0x0  }
0x44f: {  	[tilespmem:v61+s25+$0x0] =	vst.idx.msk $0xffff, v49  }
0x450: {  	v63 =	vadd.s32 v37, v51;
	v49 =	vld [tilespmem:s22+$0x40];
	_ =	sdelay $0x4  }
0x451: {  	[tilespmem:v63+s25+$0x0] =	vst.idx.msk $0xffff, v49  }
0x452: {  	v52 =	vadd.s32 v38, v51;
	v49 =	vld [tilespmem:s22+$0x50];
	_ =	sdelay $0x4  }
0x453: {  	[tilespmem:v52+s25+$0x0] =	vst.idx.msk $0xffff, v49  }
0x454: {  	v53 =	vadd.s32 v39, v51;
	v49 =	vld [tilespmem:s22+$0x60];
	_ =	sdelay $0x4  }
0x455: {  	[tilespmem:v53+s25+$0x0] =	vst.idx.msk $0xffff, v49  }
0x456: {  	s26 =	simm.s32 $0x6;
	v54 =	vadd.s32 v40, v51;
	v49 =	vld [tilespmem:s22+$0x70]  }
0x457: {  	v55 =	vmov s26  }
0x458: {  	v51 =	vshrl.u32 v55, $0x3  }
0x459: {  	v51 =	vshll.u32 v51, v17  }
0x45a: {  	v51 =	vbroadcast v51, $0x0  }
0x45b: {  	[tilespmem:v54+s25+$0x0] =	vst.idx.msk $0xffff, v49  }
0x45c: {  	v56 =	vadd.s32 v41, v51;
	v49 =	vld [tilespmem:s22+$0x80];
	_ =	sdelay $0x4  }
0x45d: {  	[tilespmem:v56+s25+$0x0] =	vst.idx.msk $0xffff, v49  }
0x45e: {  	v57 =	vadd.s32 v42, v51;
	v49 =	vld [tilespmem:s22+$0x90];
	_ =	sdelay $0x4  }
0x45f: {  	[tilespmem:v57+s25+$0x0] =	vst.idx.msk $0xffff, v49  }
0x460: {  	v58 =	vadd.s32 v43, v51;
	v49 =	vld [tilespmem:s22+$0xA0];
	_ =	sdelay $0x4  }
0x461: {  	[tilespmem:v58+s25+$0x0] =	vst.idx.msk $0xffff, v49  }
0x462: {  	s29 =	simm.s32 $0x7;
	v59 =	vadd.s32 v44, v51;
	v49 =	vld [tilespmem:s22+$0xB0]  }
0x463: {  	v60 =	vmov s29  }
0x464: {  	v51 =	vshrl.u32 v60, $0x3  }
0x465: {  	v51 =	vshll.u32 v51, v17  }
0x466: {  	v51 =	vbroadcast v51, $0x0  }
0x467: {  	[tilespmem:v59+s25+$0x0] =	vst.idx.msk $0xffff, v49  }
0x468: {  	v61 =	vadd.s32 v45, v51;
	v49 =	vld [tilespmem:s22+$0xC0];
	_ =	sdelay $0x4  }
0x469: {  	[tilespmem:v61+s25+$0x0] =	vst.idx.msk $0xffff, v49  }
0x46a: {  	v62 =	vadd.s32 v46, v51;
	v49 =	vld [tilespmem:s22+$0xD0];
	_ =	sdelay $0x4  }
0x46b: {  	[tilespmem:v62+s25+$0x0] =	vst.idx.msk $0xffff, v49  }
0x46c: {  	v63 =	vadd.s32 v47, v51;
	v49 =	vld [tilespmem:s22+$0xE0];
	_ =	sdelay $0x4  }
0x46d: {  	[tilespmem:v63+s25+$0x0] =	vst.idx.msk $0xffff, v49  }
0x46e: {  	s1 =	simm.s32 $0x17;
	s23 =	simm.s32 $0xF;
	s24 =	simm.s32 $0x8;
	v50 =	vadd.s32 v48, v51;
	v49 =	vld [tilespmem:s22+$0xF0]  }
.LBB2_9:
0x46f: {  	p0 =	sne.s32 s1, $0x7F;
	v51 =	vmov s24  }
0x470: {  	v51 =	vshrl.u32 v51, $0x3  }
0x471: {  	v51 =	vshll.u32 v51, v17  }
0x472: {  	v51 =	vbroadcast v51, $0x0  }
0x473: {  	s22 =	sadd.s32 $0x200, s22;
	[tilespmem:v50+s25+$0x0] =	vst.idx.msk $0xffff, v49  }
0x474: {  	v49 =	vld [tilespmem:s22+$0xFFFFFF00];
	v50 =	vadd.s32 v14, v51;
	_ =	sdelay $0x4  }
0x475: {  	[tilespmem:v50+s25+$0x0] =	vst.idx.msk $0xffff, v49  }
0x476: {  	v50 =	vadd.s32 v18, v51;
	v49 =	vld [tilespmem:s22+$0xFFFFFF10];
	_ =	sdelay $0x4  }
0x477: {  	[tilespmem:v50+s25+$0x0] =	vst.idx.msk $0xffff, v49  }
0x478: {  	v50 =	vadd.s32 v19, v51;
	v49 =	vld [tilespmem:s22+$0xFFFFFF20];
	_ =	sdelay $0x4  }
0x479: {  	[tilespmem:v50+s25+$0x0] =	vst.idx.msk $0xffff, v49  }
0x47a: {  	s24 =	sadd.s32 $0xFFFFFFFA, s23;
	v50 =	vadd.s32 v20, v51;
	v49 =	vld [tilespmem:s22+$0xFFFFFF30]  }
0x47b: {  	v51 =	vmov s24  }
0x47c: {  	v51 =	vshrl.u32 v51, $0x3  }
0x47d: {  	v51 =	vshll.u32 v51, v17  }
0x47e: {  	v51 =	vbroadcast v51, $0x0  }
0x47f: {  	[tilespmem:v50+s25+$0x0] =	vst.idx.msk $0xffff, v49  }
0x480: {  	v50 =	vadd.s32 v21, v51;
	v49 =	vld [tilespmem:s22+$0xFFFFFF40];
	_ =	sdelay $0x4  }
0x481: {  	[tilespmem:v50+s25+$0x0] =	vst.idx.msk $0xffff, v49  }
0x482: {  	v50 =	vadd.s32 v22, v51;
	v49 =	vld [tilespmem:s22+$0xFFFFFF50];
	_ =	sdelay $0x4  }
0x483: {  	[tilespmem:v50+s25+$0x0] =	vst.idx.msk $0xffff, v49  }
0x484: {  	v50 =	vadd.s32 v23, v51;
	v49 =	vld [tilespmem:s22+$0xFFFFFF60];
	_ =	sdelay $0x4  }
0x485: {  	[tilespmem:v50+s25+$0x0] =	vst.idx.msk $0xffff, v49  }
0x486: {  	s24 =	sadd.s32 $0xFFFFFFFB, s23;
	v50 =	vadd.s32 v24, v51;
	v49 =	vld [tilespmem:s22+$0xFFFFFF70]  }
0x487: {  	v51 =	vmov s24  }
0x488: {  	v51 =	vshrl.u32 v51, $0x3  }
0x489: {  	v51 =	vshll.u32 v51, v17  }
0x48a: {  	v51 =	vbroadcast v51, $0x0  }
0x48b: {  	[tilespmem:v50+s25+$0x0] =	vst.idx.msk $0xffff, v49  }
0x48c: {  	v50 =	vadd.s32 v25, v51;
	v49 =	vld [tilespmem:s22+$0xFFFFFF80];
	_ =	sdelay $0x4  }
0x48d: {  	[tilespmem:v50+s25+$0x0] =	vst.idx.msk $0xffff, v49  }
0x48e: {  	v50 =	vadd.s32 v26, v51;
	v49 =	vld [tilespmem:s22+$0xFFFFFF90];
	_ =	sdelay $0x4  }
0x48f: {  	[tilespmem:v50+s25+$0x0] =	vst.idx.msk $0xffff, v49  }
0x490: {  	v50 =	vadd.s32 v27, v51;
	v49 =	vld [tilespmem:s22+$0xFFFFFFA0];
	_ =	sdelay $0x4  }
0x491: {  	[tilespmem:v50+s25+$0x0] =	vst.idx.msk $0xffff, v49  }
0x492: {  	s24 =	sadd.s32 $0xFFFFFFFC, s23;
	v50 =	vadd.s32 v28, v51;
	v49 =	vld [tilespmem:s22+$0xFFFFFFB0]  }
0x493: {  	v51 =	vmov s24  }
0x494: {  	v51 =	vshrl.u32 v51, $0x3  }
0x495: {  	v51 =	vshll.u32 v51, v17  }
0x496: {  	v51 =	vbroadcast v51, $0x0  }
0x497: {  	[tilespmem:v50+s25+$0x0] =	vst.idx.msk $0xffff, v49  }
0x498: {  	v50 =	vadd.s32 v29, v51;
	v49 =	vld [tilespmem:s22+$0xFFFFFFC0];
	_ =	sdelay $0x4  }
0x499: {  	[tilespmem:v50+s25+$0x0] =	vst.idx.msk $0xffff, v49  }
0x49a: {  	v50 =	vadd.s32 v30, v51;
	v49 =	vld [tilespmem:s22+$0xFFFFFFD0];
	_ =	sdelay $0x4  }
0x49b: {  	[tilespmem:v50+s25+$0x0] =	vst.idx.msk $0xffff, v49  }
0x49c: {  	v50 =	vadd.s32 v31, v51;
	v49 =	vld [tilespmem:s22+$0xFFFFFFE0];
	_ =	sdelay $0x4  }
0x49d: {  	[tilespmem:v50+s25+$0x0] =	vst.idx.msk $0xffff, v49  }
0x49e: {  	s24 =	sadd.s32 $0xFFFFFFFD, s23;
	v50 =	vadd.s32 v32, v51;
	v49 =	vld [tilespmem:s22+$0xFFFFFFF0]  }
0x49f: {  	v51 =	vmov s24  }
0x4a0: {  	v51 =	vshrl.u32 v51, $0x3  }
0x4a1: {  	v51 =	vshll.u32 v51, v17  }
0x4a2: {  	v51 =	vbroadcast v51, $0x0  }
0x4a3: {  	[tilespmem:v50+s25+$0x0] =	vst.idx.msk $0xffff, v49  }
0x4a4: {  	v50 =	vadd.s32 v33, v51;
	v49 =	vld [tilespmem:s22+$0x0];
	_ =	sdelay $0x4  }
0x4a5: {  	[tilespmem:v50+s25+$0x0] =	vst.idx.msk $0xffff, v49  }
0x4a6: {  	v50 =	vadd.s32 v34, v51;
	v49 =	vld [tilespmem:s22+$0x10];
	_ =	sdelay $0x4  }
0x4a7: {  	[tilespmem:v50+s25+$0x0] =	vst.idx.msk $0xffff, v49  }
0x4a8: {  	v50 =	vadd.s32 v35, v51;
	v49 =	vld [tilespmem:s22+$0x20];
	_ =	sdelay $0x4  }
0x4a9: {  	[tilespmem:v50+s25+$0x0] =	vst.idx.msk $0xffff, v49  }
0x4aa: {  	s24 =	sadd.s32 $0xFFFFFFFE, s23;
	v50 =	vadd.s32 v36, v51;
	v49 =	vld [tilespmem:s22+$0x30]  }
0x4ab: {  	v51 =	vmov s24  }
0x4ac: {  	v51 =	vshrl.u32 v51, $0x3  }
0x4ad: {  	v51 =	vshll.u32 v51, v17  }
0x4ae: {  	v51 =	vbroadcast v51, $0x0  }
0x4af: {  	[tilespmem:v50+s25+$0x0] =	vst.idx.msk $0xffff, v49  }
0x4b0: {  	v50 =	vadd.s32 v37, v51;
	v49 =	vld [tilespmem:s22+$0x40];
	_ =	sdelay $0x4  }
0x4b1: {  	[tilespmem:v50+s25+$0x0] =	vst.idx.msk $0xffff, v49  }
0x4b2: {  	v50 =	vadd.s32 v38, v51;
	v49 =	vld [tilespmem:s22+$0x50];
	_ =	sdelay $0x4  }
0x4b3: {  	[tilespmem:v50+s25+$0x0] =	vst.idx.msk $0xffff, v49  }
0x4b4: {  	v50 =	vadd.s32 v39, v51;
	v49 =	vld [tilespmem:s22+$0x60];
	_ =	sdelay $0x4  }
0x4b5: {  	[tilespmem:v50+s25+$0x0] =	vst.idx.msk $0xffff, v49  }
0x4b6: {  	s24 =	sadd.s32 $0xFFFFFFFF, s23;
	v50 =	vadd.s32 v40, v51;
	v49 =	vld [tilespmem:s22+$0x70]  }
0x4b7: {  	v51 =	vmov s24  }
0x4b8: {  	v51 =	vshrl.u32 v51, $0x3  }
0x4b9: {  	v51 =	vshll.u32 v51, v17  }
0x4ba: {  	v51 =	vbroadcast v51, $0x0  }
0x4bb: {  	[tilespmem:v50+s25+$0x0] =	vst.idx.msk $0xffff, v49  }
0x4bc: {  	v50 =	vadd.s32 v41, v51;
	v49 =	vld [tilespmem:s22+$0x80];
	_ =	sdelay $0x4  }
0x4bd: {  	[tilespmem:v50+s25+$0x0] =	vst.idx.msk $0xffff, v49  }
0x4be: {  	v50 =	vadd.s32 v42, v51;
	v49 =	vld [tilespmem:s22+$0x90];
	_ =	sdelay $0x4  }
0x4bf: {  	[tilespmem:v50+s25+$0x0] =	vst.idx.msk $0xffff, v49  }
0x4c0: {  	v50 =	vadd.s32 v43, v51;
	v49 =	vld [tilespmem:s22+$0xA0];
	_ =	sdelay $0x4  }
0x4c1: {  	[tilespmem:v50+s25+$0x0] =	vst.idx.msk $0xffff, v49  }
0x4c2: {  	v50 =	vadd.s32 v44, v51;
	v49 =	vld [tilespmem:s22+$0xB0]  }
0x4c3: {  	v51 =	vmov s23;
	s23 =	smov.u32 s1  }
0x4c4: {  	v51 =	vshrl.u32 v51, $0x3  }
0x4c5: {  	v51 =	vshll.u32 v51, v17  }
0x4c6: {  	v51 =	vbroadcast v51, $0x0  }
0x4c7: {  	[tilespmem:v50+s25+$0x0] =	vst.idx.msk $0xffff, v49  }
0x4c8: {  	v50 =	vadd.s32 v45, v51;
	v49 =	vld [tilespmem:s22+$0xC0];
	_ =	sdelay $0x4  }
0x4c9: {  	[tilespmem:v50+s25+$0x0] =	vst.idx.msk $0xffff, v49  }
0x4ca: {  	v50 =	vadd.s32 v46, v51;
	v49 =	vld [tilespmem:s22+$0xD0];
	_ =	sdelay $0x4  }
0x4cb: {  	[tilespmem:v50+s25+$0x0] =	vst.idx.msk $0xffff, v49  }
0x4cc: {  	v50 =	vadd.s32 v47, v51;
	v49 =	vld [tilespmem:s22+$0xE0];
	_ =	sdelay $0x1  }
.Ltmp3:
0x4cd: {  	(pc) =	sbr.rel @p0 .LBB2_9-.Ltmp3, $3  }
0x4ce: {  	_ =	sdelay $0x1  }
0x4cf: {  	[tilespmem:v50+s25+$0x0] =	vst.idx.msk $0xffff, v49  }
0x4d0: {  	s1 =	sadd.s32 $0x8, s1;
	s24 =	sadd.s32 $0xFFFFFFF9, s23;
	v50 =	vadd.s32 v48, v51;
	v49 =	vld [tilespmem:s22+$0xF0]  }
0x4d1: {  	v51 =	vmov s24  }
0x4d2: {  	v51 =	vshrl.u32 v51, $0x3  }
0x4d3: {  	v51 =	vshll.u32 v51, v17  }
0x4d4: {  	v51 =	vbroadcast v51, $0x0  }
0x4d5: {  	s1 =	sadd.s32 $0x200, s22;
	[tilespmem:v50+s25+$0x0] =	vst.idx.msk $0xffff, v49  }
0x4d6: {  	v49 =	vld [tilespmem:s1+$0xFFFFFF00];
	v59 =	vadd.s32 v14, v51;
	_ =	sdelay $0x4  }
0x4d7: {  	[tilespmem:v59+s25+$0x0] =	vst.idx.msk $0xffff, v49  }
0x4d8: {  	v60 =	vadd.s32 v18, v51;
	v49 =	vld [tilespmem:s1+$0xFFFFFF10];
	_ =	sdelay $0x4  }
0x4d9: {  	[tilespmem:v60+s25+$0x0] =	vst.idx.msk $0xffff, v49  }
0x4da: {  	v61 =	vadd.s32 v19, v51;
	v49 =	vld [tilespmem:s1+$0xFFFFFF20];
	_ =	sdelay $0x4  }
0x4db: {  	[tilespmem:v61+s25+$0x0] =	vst.idx.msk $0xffff, v49  }
0x4dc: {  	s24 =	sadd.s32 $0xFFFFFFFA, s23;
	v62 =	vadd.s32 v20, v51;
	v49 =	vld [tilespmem:s1+$0xFFFFFF30]  }
0x4dd: {  	v63 =	vmov s24  }
0x4de: {  	v51 =	vshrl.u32 v63, $0x3  }
0x4df: {  	v51 =	vshll.u32 v51, v17  }
0x4e0: {  	v51 =	vbroadcast v51, $0x0  }
0x4e1: {  	[tilespmem:v62+s25+$0x0] =	vst.idx.msk $0xffff, v49  }
0x4e2: {  	v54 =	vadd.s32 v21, v51;
	v49 =	vld [tilespmem:s1+$0xFFFFFF40];
	_ =	sdelay $0x4  }
0x4e3: {  	[tilespmem:v54+s25+$0x0] =	vst.idx.msk $0xffff, v49  }
0x4e4: {  	v55 =	vadd.s32 v22, v51;
	v49 =	vld [tilespmem:s1+$0xFFFFFF50];
	_ =	sdelay $0x4  }
0x4e5: {  	[tilespmem:v55+s25+$0x0] =	vst.idx.msk $0xffff, v49  }
0x4e6: {  	v56 =	vadd.s32 v23, v51;
	v49 =	vld [tilespmem:s1+$0xFFFFFF60];
	_ =	sdelay $0x4  }
0x4e7: {  	[tilespmem:v56+s25+$0x0] =	vst.idx.msk $0xffff, v49  }
0x4e8: {  	s26 =	sadd.s32 $0xFFFFFFFB, s23;
	v57 =	vadd.s32 v24, v51;
	v49 =	vld [tilespmem:s1+$0xFFFFFF70]  }
0x4e9: {  	v58 =	vmov s26  }
0x4ea: {  	v51 =	vshrl.u32 v58, $0x3  }
0x4eb: {  	v51 =	vshll.u32 v51, v17  }
0x4ec: {  	v51 =	vbroadcast v51, $0x0  }
0x4ed: {  	[tilespmem:v57+s25+$0x0] =	vst.idx.msk $0xffff, v49  }
0x4ee: {  	v59 =	vadd.s32 v25, v51;
	v49 =	vld [tilespmem:s1+$0xFFFFFF80];
	_ =	sdelay $0x4  }
0x4ef: {  	[tilespmem:v59+s25+$0x0] =	vst.idx.msk $0xffff, v49  }
0x4f0: {  	v60 =	vadd.s32 v26, v51;
	v49 =	vld [tilespmem:s1+$0xFFFFFF90];
	_ =	sdelay $0x4  }
0x4f1: {  	[tilespmem:v60+s25+$0x0] =	vst.idx.msk $0xffff, v49  }
0x4f2: {  	v61 =	vadd.s32 v27, v51;
	v49 =	vld [tilespmem:s1+$0xFFFFFFA0];
	_ =	sdelay $0x4  }
0x4f3: {  	[tilespmem:v61+s25+$0x0] =	vst.idx.msk $0xffff, v49  }
0x4f4: {  	s29 =	sadd.s32 $0xFFFFFFFC, s23;
	v62 =	vadd.s32 v28, v51;
	v49 =	vld [tilespmem:s1+$0xFFFFFFB0]  }
0x4f5: {  	v63 =	vmov s29  }
0x4f6: {  	v51 =	vshrl.u32 v63, $0x3  }
0x4f7: {  	v51 =	vshll.u32 v51, v17  }
0x4f8: {  	v51 =	vbroadcast v51, $0x0  }
0x4f9: {  	[tilespmem:v62+s25+$0x0] =	vst.idx.msk $0xffff, v49  }
0x4fa: {  	v54 =	vadd.s32 v29, v51;
	v49 =	vld [tilespmem:s1+$0xFFFFFFC0];
	_ =	sdelay $0x4  }
0x4fb: {  	[tilespmem:v54+s25+$0x0] =	vst.idx.msk $0xffff, v49  }
0x4fc: {  	v55 =	vadd.s32 v30, v51;
	v49 =	vld [tilespmem:s1+$0xFFFFFFD0];
	_ =	sdelay $0x4  }
0x4fd: {  	[tilespmem:v55+s25+$0x0] =	vst.idx.msk $0xffff, v49  }
0x4fe: {  	v56 =	vadd.s32 v31, v51;
	v49 =	vld [tilespmem:s1+$0xFFFFFFE0];
	_ =	sdelay $0x4  }
0x4ff: {  	[tilespmem:v56+s25+$0x0] =	vst.idx.msk $0xffff, v49  }
0x500: {  	s24 =	sadd.s32 $0xFFFFFFFD, s23;
	v57 =	vadd.s32 v32, v51;
	v49 =	vld [tilespmem:s1+$0xFFFFFFF0]  }
0x501: {  	v58 =	vmov s24  }
0x502: {  	v51 =	vshrl.u32 v58, $0x3  }
0x503: {  	v51 =	vshll.u32 v51, v17  }
0x504: {  	v51 =	vbroadcast v51, $0x0  }
0x505: {  	[tilespmem:v57+s25+$0x0] =	vst.idx.msk $0xffff, v49  }
0x506: {  	v59 =	vadd.s32 v33, v51;
	v49 =	vld [tilespmem:s1+$0x0];
	_ =	sdelay $0x4  }
0x507: {  	[tilespmem:v59+s25+$0x0] =	vst.idx.msk $0xffff, v49  }
0x508: {  	v60 =	vadd.s32 v34, v51;
	v49 =	vld [tilespmem:s1+$0x10];
	_ =	sdelay $0x4  }
0x509: {  	[tilespmem:v60+s25+$0x0] =	vst.idx.msk $0xffff, v49  }
0x50a: {  	v61 =	vadd.s32 v35, v51;
	v49 =	vld [tilespmem:s1+$0x20];
	_ =	sdelay $0x4  }
0x50b: {  	[tilespmem:v61+s25+$0x0] =	vst.idx.msk $0xffff, v49  }
0x50c: {  	s26 =	sadd.s32 $0xFFFFFFFE, s23;
	v62 =	vadd.s32 v36, v51;
	v49 =	vld [tilespmem:s1+$0x30]  }
0x50d: {  	v63 =	vmov s26  }
0x50e: {  	v51 =	vshrl.u32 v63, $0x3  }
0x50f: {  	v51 =	vshll.u32 v51, v17  }
0x510: {  	v51 =	vbroadcast v51, $0x0  }
0x511: {  	[tilespmem:v62+s25+$0x0] =	vst.idx.msk $0xffff, v49  }
0x512: {  	v54 =	vadd.s32 v37, v51;
	v49 =	vld [tilespmem:s1+$0x40];
	_ =	sdelay $0x4  }
0x513: {  	[tilespmem:v54+s25+$0x0] =	vst.idx.msk $0xffff, v49  }
0x514: {  	v55 =	vadd.s32 v38, v51;
	v49 =	vld [tilespmem:s1+$0x50];
	_ =	sdelay $0x4  }
0x515: {  	[tilespmem:v55+s25+$0x0] =	vst.idx.msk $0xffff, v49  }
0x516: {  	v56 =	vadd.s32 v39, v51;
	v49 =	vld [tilespmem:s1+$0x60];
	_ =	sdelay $0x4  }
0x517: {  	[tilespmem:v56+s25+$0x0] =	vst.idx.msk $0xffff, v49  }
0x518: {  	s29 =	sadd.s32 $0xFFFFFFFF, s23;
	v57 =	vadd.s32 v40, v51;
	v49 =	vld [tilespmem:s1+$0x70]  }
0x519: {  	v58 =	vmov s29  }
0x51a: {  	v51 =	vshrl.u32 v58, $0x3  }
0x51b: {  	v51 =	vshll.u32 v51, v17  }
0x51c: {  	v51 =	vbroadcast v51, $0x0  }
0x51d: {  	[tilespmem:v57+s25+$0x0] =	vst.idx.msk $0xffff, v49  }
0x51e: {  	v59 =	vadd.s32 v41, v51;
	v49 =	vld [tilespmem:s1+$0x80];
	_ =	sdelay $0x4  }
0x51f: {  	[tilespmem:v59+s25+$0x0] =	vst.idx.msk $0xffff, v49  }
0x520: {  	v60 =	vadd.s32 v42, v51;
	v49 =	vld [tilespmem:s1+$0x90];
	_ =	sdelay $0x4  }
0x521: {  	[tilespmem:v60+s25+$0x0] =	vst.idx.msk $0xffff, v49  }
0x522: {  	v61 =	vadd.s32 v43, v51;
	v49 =	vld [tilespmem:s1+$0xA0];
	_ =	sdelay $0x4  }
0x523: {  	[tilespmem:v61+s25+$0x0] =	vst.idx.msk $0xffff, v49  }
0x524: {  	v62 =	vadd.s32 v44, v51;
	v49 =	vld [tilespmem:s1+$0xB0]  }
0x525: {  	v63 =	vmov s23  }
0x526: {  	v51 =	vshrl.u32 v63, $0x3  }
0x527: {  	v51 =	vshll.u32 v51, v17  }
0x528: {  	v51 =	vbroadcast v51, $0x0  }
0x529: {  	[tilespmem:v62+s25+$0x0] =	vst.idx.msk $0xffff, v49  }
0x52a: {  	v54 =	vadd.s32 v45, v51;
	v49 =	vld [tilespmem:s1+$0xC0];
	_ =	sdelay $0x4  }
0x52b: {  	[tilespmem:v54+s25+$0x0] =	vst.idx.msk $0xffff, v49  }
0x52c: {  	v55 =	vadd.s32 v46, v51;
	v49 =	vld [tilespmem:s1+$0xD0];
	_ =	sdelay $0x4  }
0x52d: {  	[tilespmem:v55+s25+$0x0] =	vst.idx.msk $0xffff, v49  }
0x52e: {  	v56 =	vadd.s32 v47, v51;
	v49 =	vld [tilespmem:s1+$0xE0];
	_ =	sdelay $0x4  }
0x52f: {  	[tilespmem:v56+s25+$0x0] =	vst.idx.msk $0xffff, v49  }
0x530: {  	v57 =	vadd.s32 v48, v51;
	v49 =	vld [tilespmem:s1+$0xF0];
	_ =	sdelay $0x3  }
0x531: {  	s24 =	rddreg [dreg:$0x5]  }
0x532: {  	s1 =	sadd.s32 s6, s24;
	[tilespmem:v57+s25+$0x0] =	vst.idx.msk $0xffff, v49  }
0x533: {  	[hbm4b:s1+s2] =	stream.linear.scatter [tilespmem:s25], [sflag:$0x3], $0x80, $0x38;
	[tilespmem:$0xE900] =	vst v63  }
0x534: {  	s29 =	simm.s32 $0xA588;
	s26 =	sadd.s32 $0x10, s1  }
0x535: {  	[hbm4b:s26+s2] =	stream.linear.scatter [tilespmem:s29], [sflag:$0x3], $0x80, $0x38;
	[tilespmem:$0xE900] =	vst v63  }
0x536: {  	s24 =	simm.s32 $0xA610;
	s23 =	sadd.s32 $0x20, s1  }
0x537: {  	[hbm4b:s23+s2] =	stream.linear.scatter [tilespmem:s24], [sflag:$0x3], $0x80, $0x38;
	[tilespmem:$0xE900] =	vst v63  }
0x538: {  	s26 =	sadd.s32 $0x30, s1;
	s29 =	simm.s32 $0xA698  }
0x539: {  	[hbm4b:s26+s2] =	stream.linear.scatter [tilespmem:s29], [sflag:$0x3], $0x80, $0x38;
	[tilespmem:$0xE900] =	vst v63  }
0x53a: {  	s23 =	sadd.s32 $0x40, s1;
	s24 =	simm.s32 $0xA720  }
0x53b: {  	[hbm4b:s23+s2] =	stream.linear.scatter [tilespmem:s24], [sflag:$0x3], $0x80, $0x38;
	[tilespmem:$0xE900] =	vst v63  }
0x53c: {  	s26 =	sadd.s32 $0x50, s1;
	s29 =	simm.s32 $0xA7A8  }
0x53d: {  	[hbm4b:s26+s2] =	stream.linear.scatter [tilespmem:s29], [sflag:$0x3], $0x80, $0x38;
	[tilespmem:$0xE900] =	vst v63  }
0x53e: {  	s24 =	sadd.s32 $0x60, s1;
	s26 =	simm.s32 $0xA830  }
0x53f: {  	[hbm4b:s24+s2] =	stream.linear.scatter [tilespmem:s26], [sflag:$0x3], $0x80, $0x38;
	[tilespmem:$0xE900] =	vst v63  }
0x540: {  	s1 =	sadd.s32 $0x70, s1;
	s23 =	rddreg [dreg:$0x6];
	s29 =	simm.s32 $0xA8B8  }
0x541: {  	[hbm4b:s1+s2] =	stream.linear.scatter [tilespmem:s29], [sflag:$0x3], $0x80, $0x38;
	[tilespmem:$0xE900] =	vst v63  }
0x542: {  	s24 =	simm.s32 $0xA940;
	s1 =	sadd.s32 s6, s23  }
0x543: {  	[hbm4b:s1+s2] =	stream.linear.scatter [tilespmem:s24], [sflag:$0x3], $0x80, $0x38;
	[tilespmem:$0xE900] =	vst v63  }
0x544: {  	s29 =	simm.s32 $0xA9C8;
	s26 =	sadd.s32 $0x10, s1  }
0x545: {  	[hbm4b:s26+s2] =	stream.linear.scatter [tilespmem:s29], [sflag:$0x3], $0x80, $0x38;
	[tilespmem:$0xE900] =	vst v63  }
0x546: {  	s23 =	sadd.s32 $0x20, s1;
	s24 =	simm.s32 $0xAA50  }
0x547: {  	[hbm4b:s23+s2] =	stream.linear.scatter [tilespmem:s24], [sflag:$0x3], $0x80, $0x38;
	[tilespmem:$0xE900] =	vst v63  }
0x548: {  	s26 =	sadd.s32 $0x30, s1;
	s29 =	simm.s32 $0xAAD8  }
0x549: {  	[hbm4b:s26+s2] =	stream.linear.scatter [tilespmem:s29], [sflag:$0x3], $0x80, $0x38;
	[tilespmem:$0xE900] =	vst v63  }
0x54a: {  	s23 =	sadd.s32 $0x40, s1;
	s24 =	simm.s32 $0xAB60  }
0x54b: {  	[hbm4b:s23+s2] =	stream.linear.scatter [tilespmem:s24], [sflag:$0x3], $0x80, $0x38;
	[tilespmem:$0xE900] =	vst v63  }
0x54c: {  	s26 =	sadd.s32 $0x50, s1;
	s29 =	simm.s32 $0xABE8  }
0x54d: {  	[hbm4b:s26+s2] =	stream.linear.scatter [tilespmem:s29], [sflag:$0x3], $0x80, $0x38;
	[tilespmem:$0xE900] =	vst v63  }
0x54e: {  	s24 =	sadd.s32 $0x60, s1;
	s26 =	simm.s32 $0xAC70  }
0x54f: {  	[hbm4b:s24+s2] =	stream.linear.scatter [tilespmem:s26], [sflag:$0x3], $0x80, $0x38;
	[tilespmem:$0xE900] =	vst v63  }
0x550: {  	s1 =	sadd.s32 $0x70, s1;
	s23 =	rddreg [dreg:$0x7];
	s29 =	simm.s32 $0xACF8  }
0x551: {  	[hbm4b:s1+s2] =	stream.linear.scatter [tilespmem:s29], [sflag:$0x3], $0x80, $0x38;
	[tilespmem:$0xE900] =	vst v63  }
0x552: {  	s24 =	simm.s32 $0xAD80;
	s1 =	sadd.s32 s6, s23  }
0x553: {  	[hbm4b:s1+s2] =	stream.linear.scatter [tilespmem:s24], [sflag:$0x3], $0x80, $0x38;
	[tilespmem:$0xE900] =	vst v63  }
0x554: {  	s29 =	simm.s32 $0xAE08;
	s26 =	sadd.s32 $0x10, s1  }
0x555: {  	[hbm4b:s26+s2] =	stream.linear.scatter [tilespmem:s29], [sflag:$0x3], $0x80, $0x38;
	[tilespmem:$0xE900] =	vst v63  }
0x556: {  	s23 =	sadd.s32 $0x20, s1;
	s24 =	simm.s32 $0xAE90  }
0x557: {  	[hbm4b:s23+s2] =	stream.linear.scatter [tilespmem:s24], [sflag:$0x3], $0x80, $0x38;
	[tilespmem:$0xE900] =	vst v63  }
0x558: {  	s26 =	sadd.s32 $0x30, s1;
	s29 =	simm.s32 $0xAF18  }
0x559: {  	[hbm4b:s26+s2] =	stream.linear.scatter [tilespmem:s29], [sflag:$0x3], $0x80, $0x38;
	[tilespmem:$0xE900] =	vst v63  }
0x55a: {  	s23 =	sadd.s32 $0x40, s1;
	s24 =	simm.s32 $0xAFA0  }
0x55b: {  	[hbm4b:s23+s2] =	stream.linear.scatter [tilespmem:s24], [sflag:$0x3], $0x80, $0x38;
	[tilespmem:$0xE900] =	vst v63  }
0x55c: {  	s26 =	sadd.s32 $0x50, s1;
	s29 =	simm.s32 $0xB028  }
0x55d: {  	[hbm4b:s26+s2] =	stream.linear.scatter [tilespmem:s29], [sflag:$0x3], $0x80, $0x38;
	[tilespmem:$0xE900] =	vst v63  }
0x55e: {  	s24 =	sadd.s32 $0x60, s1;
	s26 =	simm.s32 $0xB0B0  }
0x55f: {  	[hbm4b:s24+s2] =	stream.linear.scatter [tilespmem:s26], [sflag:$0x3], $0x80, $0x38;
	[tilespmem:$0xE900] =	vst v63  }
0x560: {  	s1 =	sadd.s32 $0x70, s1;
	s23 =	rddreg [dreg:$0x9];
	s29 =	simm.s32 $0xB138  }
0x561: {  	[hbm4b:s1+s2] =	stream.linear.scatter [tilespmem:s29], [sflag:$0x3], $0x80, $0x38;
	[tilespmem:$0xE900] =	vst v63  }
0x562: {  	s24 =	simm.s32 $0xB1C0;
	s1 =	sadd.s32 s6, s23  }
0x563: {  	[hbm4b:s1+s2] =	stream.linear.scatter [tilespmem:s24], [sflag:$0x3], $0x80, $0x38;
	[tilespmem:$0xE900] =	vst v63  }
0x564: {  	s29 =	simm.s32 $0xB248;
	s26 =	sadd.s32 $0x10, s1  }
0x565: {  	[hbm4b:s26+s2] =	stream.linear.scatter [tilespmem:s29], [sflag:$0x3], $0x80, $0x38;
	[tilespmem:$0xE900] =	vst v63  }
0x566: {  	s23 =	sadd.s32 $0x20, s1;
	s24 =	simm.s32 $0xB2D0  }
0x567: {  	[hbm4b:s23+s2] =	stream.linear.scatter [tilespmem:s24], [sflag:$0x3], $0x80, $0x38;
	[tilespmem:$0xE900] =	vst v63  }
0x568: {  	s26 =	sadd.s32 $0x30, s1;
	s29 =	simm.s32 $0xB358  }
0x569: {  	[hbm4b:s26+s2] =	stream.linear.scatter [tilespmem:s29], [sflag:$0x3], $0x80, $0x38;
	[tilespmem:$0xE900] =	vst v63  }
0x56a: {  	s23 =	sadd.s32 $0x40, s1;
	s24 =	simm.s32 $0xB3E0  }
0x56b: {  	[hbm4b:s23+s2] =	stream.linear.scatter [tilespmem:s24], [sflag:$0x3], $0x80, $0x38;
	[tilespmem:$0xE900] =	vst v63  }
0x56c: {  	s26 =	sadd.s32 $0x50, s1;
	s29 =	simm.s32 $0xB468  }
0x56d: {  	[hbm4b:s26+s2] =	stream.linear.scatter [tilespmem:s29], [sflag:$0x3], $0x80, $0x38;
	[tilespmem:$0xE900] =	vst v63  }
0x56e: {  	s24 =	sadd.s32 $0x60, s1;
	s26 =	simm.s32 $0xB4F0  }
0x56f: {  	[hbm4b:s24+s2] =	stream.linear.scatter [tilespmem:s26], [sflag:$0x3], $0x80, $0x38;
	[tilespmem:$0xE900] =	vst v63  }
0x570: {  	s1 =	sadd.s32 $0x70, s1;
	s23 =	rddreg [dreg:$0xa];
	s29 =	simm.s32 $0xB578  }
0x571: {  	[hbm4b:s1+s2] =	stream.linear.scatter [tilespmem:s29], [sflag:$0x3], $0x80, $0x38;
	[tilespmem:$0xE900] =	vst v63  }
0x572: {  	s24 =	simm.s32 $0xB600;
	s1 =	sadd.s32 s6, s23  }
0x573: {  	[hbm4b:s1+s2] =	stream.linear.scatter [tilespmem:s24], [sflag:$0x3], $0x80, $0x38;
	[tilespmem:$0xE900] =	vst v63  }
0x574: {  	s29 =	simm.s32 $0xB688;
	s26 =	sadd.s32 $0x10, s1  }
0x575: {  	[hbm4b:s26+s2] =	stream.linear.scatter [tilespmem:s29], [sflag:$0x3], $0x80, $0x38;
	[tilespmem:$0xE900] =	vst v63  }
0x576: {  	s23 =	sadd.s32 $0x20, s1;
	s24 =	simm.s32 $0xB710  }
0x577: {  	[hbm4b:s23+s2] =	stream.linear.scatter [tilespmem:s24], [sflag:$0x3], $0x80, $0x38;
	[tilespmem:$0xE900] =	vst v63  }
0x578: {  	s26 =	sadd.s32 $0x30, s1;
	s29 =	simm.s32 $0xB798  }
0x579: {  	[hbm4b:s26+s2] =	stream.linear.scatter [tilespmem:s29], [sflag:$0x3], $0x80, $0x38;
	[tilespmem:$0xE900] =	vst v63  }
0x57a: {  	s23 =	sadd.s32 $0x40, s1;
	s24 =	simm.s32 $0xB820  }
0x57b: {  	[hbm4b:s23+s2] =	stream.linear.scatter [tilespmem:s24], [sflag:$0x3], $0x80, $0x38;
	[tilespmem:$0xE900] =	vst v63  }
0x57c: {  	s26 =	sadd.s32 $0x50, s1;
	s29 =	simm.s32 $0xB8A8  }
0x57d: {  	[hbm4b:s26+s2] =	stream.linear.scatter [tilespmem:s29], [sflag:$0x3], $0x80, $0x38;
	[tilespmem:$0xE900] =	vst v63  }
0x57e: {  	s24 =	sadd.s32 $0x60, s1;
	s26 =	simm.s32 $0xB930  }
0x57f: {  	[hbm4b:s24+s2] =	stream.linear.scatter [tilespmem:s26], [sflag:$0x3], $0x80, $0x38;
	[tilespmem:$0xE900] =	vst v63  }
0x580: {  	s1 =	sadd.s32 $0x70, s1;
	s23 =	rddreg [dreg:$0xb];
	s29 =	simm.s32 $0xB9B8  }
0x581: {  	[hbm4b:s1+s2] =	stream.linear.scatter [tilespmem:s29], [sflag:$0x3], $0x80, $0x38;
	[tilespmem:$0xE900] =	vst v63  }
0x582: {  	s24 =	simm.s32 $0xBA40;
	s1 =	sadd.s32 s6, s23  }
0x583: {  	[hbm4b:s1+s2] =	stream.linear.scatter [tilespmem:s24], [sflag:$0x3], $0x80, $0x38;
	[tilespmem:$0xE900] =	vst v63  }
0x584: {  	s29 =	simm.s32 $0xBAC8;
	s26 =	sadd.s32 $0x10, s1  }
0x585: {  	[hbm4b:s26+s2] =	stream.linear.scatter [tilespmem:s29], [sflag:$0x3], $0x80, $0x38;
	[tilespmem:$0xE900] =	vst v63  }
0x586: {  	s23 =	sadd.s32 $0x20, s1;
	s24 =	simm.s32 $0xBB50  }
0x587: {  	[hbm4b:s23+s2] =	stream.linear.scatter [tilespmem:s24], [sflag:$0x3], $0x80, $0x38;
	[tilespmem:$0xE900] =	vst v63  }
0x588: {  	s26 =	sadd.s32 $0x30, s1;
	s29 =	simm.s32 $0xBBD8  }
0x589: {  	[hbm4b:s26+s2] =	stream.linear.scatter [tilespmem:s29], [sflag:$0x3], $0x80, $0x38;
	[tilespmem:$0xE900] =	vst v63  }
0x58a: {  	s23 =	sadd.s32 $0x40, s1;
	s24 =	simm.s32 $0xBC60  }
0x58b: {  	[hbm4b:s23+s2] =	stream.linear.scatter [tilespmem:s24], [sflag:$0x3], $0x80, $0x38;
	[tilespmem:$0xE900] =	vst v63  }
0x58c: {  	s26 =	sadd.s32 $0x50, s1;
	s29 =	simm.s32 $0xBCE8  }
0x58d: {  	[hbm4b:s26+s2] =	stream.linear.scatter [tilespmem:s29], [sflag:$0x3], $0x80, $0x38;
	[tilespmem:$0xE900] =	vst v63  }
0x58e: {  	s24 =	sadd.s32 $0x60, s1;
	s26 =	simm.s32 $0xBD70  }
0x58f: {  	[hbm4b:s24+s2] =	stream.linear.scatter [tilespmem:s26], [sflag:$0x3], $0x80, $0x38;
	[tilespmem:$0xE900] =	vst v63  }
0x590: {  	s1 =	sadd.s32 $0x70, s1;
	s23 =	rddreg [dreg:$0xc];
	s29 =	simm.s32 $0xBDF8  }
0x591: {  	[hbm4b:s1+s2] =	stream.linear.scatter [tilespmem:s29], [sflag:$0x3], $0x80, $0x38;
	[tilespmem:$0xE900] =	vst v63  }
0x592: {  	s24 =	simm.s32 $0xBE80;
	s1 =	sadd.s32 s6, s23  }
0x593: {  	[hbm4b:s1+s2] =	stream.linear.scatter [tilespmem:s24], [sflag:$0x3], $0x80, $0x38;
	[tilespmem:$0xE900] =	vst v63  }
0x594: {  	s29 =	simm.s32 $0xBF08;
	s26 =	sadd.s32 $0x10, s1  }
0x595: {  	[hbm4b:s26+s2] =	stream.linear.scatter [tilespmem:s29], [sflag:$0x3], $0x80, $0x38;
	[tilespmem:$0xE900] =	vst v63  }
0x596: {  	s23 =	sadd.s32 $0x20, s1;
	s24 =	simm.s32 $0xBF90  }
0x597: {  	[hbm4b:s23+s2] =	stream.linear.scatter [tilespmem:s24], [sflag:$0x3], $0x80, $0x38;
	[tilespmem:$0xE900] =	vst v63  }
0x598: {  	s26 =	sadd.s32 $0x30, s1;
	s29 =	simm.s32 $0xC018  }
0x599: {  	[hbm4b:s26+s2] =	stream.linear.scatter [tilespmem:s29], [sflag:$0x3], $0x80, $0x38;
	[tilespmem:$0xE900] =	vst v63  }
0x59a: {  	s23 =	sadd.s32 $0x40, s1;
	s24 =	simm.s32 $0xC0A0  }
0x59b: {  	[hbm4b:s23+s2] =	stream.linear.scatter [tilespmem:s24], [sflag:$0x3], $0x80, $0x38;
	[tilespmem:$0xE900] =	vst v63  }
0x59c: {  	s26 =	sadd.s32 $0x50, s1;
	s29 =	simm.s32 $0xC128  }
0x59d: {  	[hbm4b:s26+s2] =	stream.linear.scatter [tilespmem:s29], [sflag:$0x3], $0x80, $0x38;
	[tilespmem:$0xE900] =	vst v63  }
0x59e: {  	s24 =	sadd.s32 $0x60, s1;
	s26 =	simm.s32 $0xC1B0  }
0x59f: {  	[hbm4b:s24+s2] =	stream.linear.scatter [tilespmem:s26], [sflag:$0x3], $0x80, $0x38;
	[tilespmem:$0xE900] =	vst v63  }
0x5a0: {  	s1 =	sadd.s32 $0x70, s1;
	s23 =	rddreg [dreg:$0xd];
	s29 =	simm.s32 $0xC238  }
0x5a1: {  	[hbm4b:s1+s2] =	stream.linear.scatter [tilespmem:s29], [sflag:$0x3], $0x80, $0x38;
	[tilespmem:$0xE900] =	vst v63  }
0x5a2: {  	s24 =	simm.s32 $0xC2C0;
	s1 =	sadd.s32 s6, s23  }
0x5a3: {  	[hbm4b:s1+s2] =	stream.linear.scatter [tilespmem:s24], [sflag:$0x3], $0x80, $0x38;
	[tilespmem:$0xE900] =	vst v63  }
0x5a4: {  	s29 =	simm.s32 $0xC348;
	s26 =	sadd.s32 $0x10, s1  }
0x5a5: {  	[hbm4b:s26+s2] =	stream.linear.scatter [tilespmem:s29], [sflag:$0x3], $0x80, $0x38;
	[tilespmem:$0xE900] =	vst v63  }
0x5a6: {  	s23 =	sadd.s32 $0x20, s1;
	s24 =	simm.s32 $0xC3D0  }
0x5a7: {  	[hbm4b:s23+s2] =	stream.linear.scatter [tilespmem:s24], [sflag:$0x3], $0x80, $0x38;
	[tilespmem:$0xE900] =	vst v63  }
0x5a8: {  	s26 =	sadd.s32 $0x30, s1;
	s29 =	simm.s32 $0xC458  }
0x5a9: {  	[hbm4b:s26+s2] =	stream.linear.scatter [tilespmem:s29], [sflag:$0x3], $0x80, $0x38;
	[tilespmem:$0xE900] =	vst v63  }
0x5aa: {  	s23 =	sadd.s32 $0x40, s1;
	s24 =	simm.s32 $0xC4E0  }
0x5ab: {  	[hbm4b:s23+s2] =	stream.linear.scatter [tilespmem:s24], [sflag:$0x3], $0x80, $0x38;
	[tilespmem:$0xE900] =	vst v63  }
0x5ac: {  	s26 =	sadd.s32 $0x50, s1;
	s29 =	simm.s32 $0xC568  }
0x5ad: {  	[hbm4b:s26+s2] =	stream.linear.scatter [tilespmem:s29], [sflag:$0x3], $0x80, $0x38;
	[tilespmem:$0xE900] =	vst v63  }
0x5ae: {  	s24 =	sadd.s32 $0x60, s1;
	s26 =	simm.s32 $0xC5F0  }
0x5af: {  	[hbm4b:s24+s2] =	stream.linear.scatter [tilespmem:s26], [sflag:$0x3], $0x80, $0x38;
	[tilespmem:$0xE900] =	vst v63  }
0x5b0: {  	s1 =	sadd.s32 $0x70, s1;
	s29 =	simm.s32 $0xC678  }
0x5b1: {  	[hbm4b:s1+s2] =	stream.linear.scatter [tilespmem:s29], [sflag:$0x3], $0x80, $0x38;
	[tilespmem:$0xE900] =	vst v63  }
0x5b2: {  	_ =	swait.ge [sflag:s30], $0x2000  }
0x5b3: {  	[sflag:s30] =	ssyncset.done $0x0  }
0x5b4: {  	[sflag:s30] =	ssyncadd.s32 $0xFFFFE000  }
0x5b5: {  	_ =	swait.ge [sflag:s5], $0x400  }
0x5b6: {  	[sflag:s5] =	ssyncset.done $0x0  }
0x5b7: {  	[sflag:s5] =	ssyncadd.s32 $0xFFFFFC00  }
0x5b8: {  	_ =	swait.ge [sflag:s5], $0x400  }
0x5b9: {  	[sflag:s5] =	ssyncset.done $0x0  }
0x5ba: {  	[sflag:s5] =	ssyncadd.s32 $0xFFFFFC00  }
0x5bb: {  	_ =	swait.ge [sflag:s5], $0x400  }
0x5bc: {  	[sflag:s5] =	ssyncset.done $0x0  }
0x5bd: {  	[sflag:s5] =	ssyncadd.s32 $0xFFFFFC00  }
0x5be: {  	_ =	swait.ge [sflag:s5], $0x400  }
0x5bf: {  	[sflag:s5] =	ssyncset.done $0x0  }
0x5c0: {  	[sflag:s5] =	ssyncadd.s32 $0xFFFFFC00  }
0x5c1: {  	_ =	swait.ge [sflag:s5], $0x400  }
0x5c2: {  	[sflag:s5] =	ssyncset.done $0x0  }
0x5c3: {  	[sflag:s5] =	ssyncadd.s32 $0xFFFFFC00  }
0x5c4: {  	_ =	swait.ge [sflag:s5], $0x400  }
0x5c5: {  	[sflag:s5] =	ssyncset.done $0x0  }
0x5c6: {  	[sflag:s5] =	ssyncadd.s32 $0xFFFFFC00  }
0x5c7: {  	s23 =	simm.s32 $0x0;
	_ =	swait.ge [sflag:s5], $0x400  }
0x5c8: {  	v58 =	vmov s23;
	[sflag:s5] =	ssyncset.done $0x0  }
0x5c9: {  	v49 =	vshrl.u32 v58, $0x3;
	[sflag:s5] =	ssyncadd.s32 $0xFFFFFC00  }
0x5ca: {  	v49 =	vshll.u32 v49, v17;
	_ =	swait.ge [sflag:s5], $0x400  }
0x5cb: {  	v49 =	vbroadcast v49, $0x0;
	[sflag:s5] =	ssyncset.done $0x0  }
0x5cc: {  	s22 =	simm.s32 $0x8600;
	[sflag:s5] =	ssyncadd.s32 $0xFFFFFC00  }
0x5cd: {  	v60 =	vadd.s32 v14, v49;
	v59 =	vld [tilespmem:s22+$0xFFFFFF00];
	_ =	sdelay $0x4  }
0x5ce: {  	[tilespmem:v60+s31+$0x0] =	vst.idx.msk $0xffff, v59  }
0x5cf: {  	v61 =	vadd.s32 v18, v49;
	v50 =	vld [tilespmem:s22+$0xFFFFFF10];
	_ =	sdelay $0x4  }
0x5d0: {  	[tilespmem:v61+s31+$0x0] =	vst.idx.msk $0xffff, v50  }
0x5d1: {  	v62 =	vadd.s32 v19, v49;
	v50 =	vld [tilespmem:s22+$0xFFFFFF20];
	_ =	sdelay $0x4  }
0x5d2: {  	[tilespmem:v62+s31+$0x0] =	vst.idx.msk $0xffff, v50  }
0x5d3: {  	s24 =	simm.s32 $0x1;
	v49 =	vadd.s32 v20, v49;
	v50 =	vld [tilespmem:s22+$0xFFFFFF30]  }
0x5d4: {  	v63 =	vmov s24  }
0x5d5: {  	v51 =	vshrl.u32 v63, $0x3  }
0x5d6: {  	v51 =	vshll.u32 v51, v17  }
0x5d7: {  	v51 =	vbroadcast v51, $0x0  }
0x5d8: {  	[tilespmem:v49+s31+$0x0] =	vst.idx.msk $0xffff, v50  }
0x5d9: {  	v54 =	vadd.s32 v21, v51;
	v49 =	vld [tilespmem:s22+$0xFFFFFF40];
	_ =	sdelay $0x4  }
0x5da: {  	[tilespmem:v54+s31+$0x0] =	vst.idx.msk $0xffff, v49  }
0x5db: {  	v55 =	vadd.s32 v22, v51;
	v49 =	vld [tilespmem:s22+$0xFFFFFF50];
	_ =	sdelay $0x4  }
0x5dc: {  	[tilespmem:v55+s31+$0x0] =	vst.idx.msk $0xffff, v49  }
0x5dd: {  	v56 =	vadd.s32 v23, v51;
	v49 =	vld [tilespmem:s22+$0xFFFFFF60];
	_ =	sdelay $0x4  }
0x5de: {  	[tilespmem:v56+s31+$0x0] =	vst.idx.msk $0xffff, v49  }
0x5df: {  	s26 =	simm.s32 $0x2;
	v57 =	vadd.s32 v24, v51;
	v49 =	vld [tilespmem:s22+$0xFFFFFF70]  }
0x5e0: {  	v58 =	vmov s26  }
0x5e1: {  	v51 =	vshrl.u32 v58, $0x3  }
0x5e2: {  	v51 =	vshll.u32 v51, v17  }
0x5e3: {  	v51 =	vbroadcast v51, $0x0  }
0x5e4: {  	[tilespmem:v57+s31+$0x0] =	vst.idx.msk $0xffff, v49  }
0x5e5: {  	v59 =	vadd.s32 v25, v51;
	v49 =	vld [tilespmem:s22+$0xFFFFFF80];
	_ =	sdelay $0x4  }
0x5e6: {  	[tilespmem:v59+s31+$0x0] =	vst.idx.msk $0xffff, v49  }
0x5e7: {  	v60 =	vadd.s32 v26, v51;
	v49 =	vld [tilespmem:s22+$0xFFFFFF90];
	_ =	sdelay $0x4  }
0x5e8: {  	[tilespmem:v60+s31+$0x0] =	vst.idx.msk $0xffff, v49  }
0x5e9: {  	v61 =	vadd.s32 v27, v51;
	v49 =	vld [tilespmem:s22+$0xFFFFFFA0];
	_ =	sdelay $0x4  }
0x5ea: {  	[tilespmem:v61+s31+$0x0] =	vst.idx.msk $0xffff, v49  }
0x5eb: {  	s29 =	simm.s32 $0x3;
	v62 =	vadd.s32 v28, v51;
	v49 =	vld [tilespmem:s22+$0xFFFFFFB0]  }
0x5ec: {  	v63 =	vmov s29  }
0x5ed: {  	v51 =	vshrl.u32 v63, $0x3  }
0x5ee: {  	v51 =	vshll.u32 v51, v17  }
0x5ef: {  	v51 =	vbroadcast v51, $0x0  }
0x5f0: {  	[tilespmem:v62+s31+$0x0] =	vst.idx.msk $0xffff, v49  }
0x5f1: {  	v53 =	vadd.s32 v29, v51;
	v49 =	vld [tilespmem:s22+$0xFFFFFFC0];
	_ =	sdelay $0x4  }
0x5f2: {  	[tilespmem:v53+s31+$0x0] =	vst.idx.msk $0xffff, v49  }
0x5f3: {  	v54 =	vadd.s32 v30, v51;
	v49 =	vld [tilespmem:s22+$0xFFFFFFD0];
	_ =	sdelay $0x4  }
0x5f4: {  	[tilespmem:v54+s31+$0x0] =	vst.idx.msk $0xffff, v49  }
0x5f5: {  	v55 =	vadd.s32 v31, v51;
	v49 =	vld [tilespmem:s22+$0xFFFFFFE0];
	_ =	sdelay $0x4  }
0x5f6: {  	[tilespmem:v55+s31+$0x0] =	vst.idx.msk $0xffff, v49  }
0x5f7: {  	s23 =	simm.s32 $0x4;
	v56 =	vadd.s32 v32, v51;
	v49 =	vld [tilespmem:s22+$0xFFFFFFF0]  }
0x5f8: {  	v57 =	vmov s23  }
0x5f9: {  	v51 =	vshrl.u32 v57, $0x3  }
0x5fa: {  	v51 =	vshll.u32 v51, v17  }
0x5fb: {  	v51 =	vbroadcast v51, $0x0  }
0x5fc: {  	[tilespmem:v56+s31+$0x0] =	vst.idx.msk $0xffff, v49  }
0x5fd: {  	v58 =	vadd.s32 v33, v51;
	v49 =	vld [tilespmem:s22+$0x0];
	_ =	sdelay $0x4  }
0x5fe: {  	[tilespmem:v58+s31+$0x0] =	vst.idx.msk $0xffff, v49  }
0x5ff: {  	v59 =	vadd.s32 v34, v51;
	v49 =	vld [tilespmem:s22+$0x10];
	_ =	sdelay $0x4  }
0x600: {  	[tilespmem:v59+s31+$0x0] =	vst.idx.msk $0xffff, v49  }
0x601: {  	v60 =	vadd.s32 v35, v51;
	v49 =	vld [tilespmem:s22+$0x20];
	_ =	sdelay $0x4  }
0x602: {  	[tilespmem:v60+s31+$0x0] =	vst.idx.msk $0xffff, v49  }
0x603: {  	s24 =	simm.s32 $0x5;
	v61 =	vadd.s32 v36, v51;
	v49 =	vld [tilespmem:s22+$0x30]  }
0x604: {  	v62 =	vmov s24  }
0x605: {  	v51 =	vshrl.u32 v62, $0x3  }
0x606: {  	v51 =	vshll.u32 v51, v17  }
0x607: {  	v51 =	vbroadcast v51, $0x0  }
0x608: {  	[tilespmem:v61+s31+$0x0] =	vst.idx.msk $0xffff, v49  }
0x609: {  	v63 =	vadd.s32 v37, v51;
	v49 =	vld [tilespmem:s22+$0x40];
	_ =	sdelay $0x4  }
0x60a: {  	[tilespmem:v63+s31+$0x0] =	vst.idx.msk $0xffff, v49  }
0x60b: {  	v52 =	vadd.s32 v38, v51;
	v49 =	vld [tilespmem:s22+$0x50];
	_ =	sdelay $0x4  }
0x60c: {  	[tilespmem:v52+s31+$0x0] =	vst.idx.msk $0xffff, v49  }
0x60d: {  	v53 =	vadd.s32 v39, v51;
	v49 =	vld [tilespmem:s22+$0x60];
	_ =	sdelay $0x4  }
0x60e: {  	[tilespmem:v53+s31+$0x0] =	vst.idx.msk $0xffff, v49  }
0x60f: {  	s26 =	simm.s32 $0x6;
	v54 =	vadd.s32 v40, v51;
	v49 =	vld [tilespmem:s22+$0x70]  }
0x610: {  	v55 =	vmov s26  }
0x611: {  	v51 =	vshrl.u32 v55, $0x3  }
0x612: {  	v51 =	vshll.u32 v51, v17  }
0x613: {  	v51 =	vbroadcast v51, $0x0  }
0x614: {  	[tilespmem:v54+s31+$0x0] =	vst.idx.msk $0xffff, v49  }
0x615: {  	v56 =	vadd.s32 v41, v51;
	v49 =	vld [tilespmem:s22+$0x80];
	_ =	sdelay $0x4  }
0x616: {  	[tilespmem:v56+s31+$0x0] =	vst.idx.msk $0xffff, v49  }
0x617: {  	v57 =	vadd.s32 v42, v51;
	v49 =	vld [tilespmem:s22+$0x90];
	_ =	sdelay $0x4  }
0x618: {  	[tilespmem:v57+s31+$0x0] =	vst.idx.msk $0xffff, v49  }
0x619: {  	v58 =	vadd.s32 v43, v51;
	v49 =	vld [tilespmem:s22+$0xA0];
	_ =	sdelay $0x4  }
0x61a: {  	[tilespmem:v58+s31+$0x0] =	vst.idx.msk $0xffff, v49  }
0x61b: {  	s29 =	simm.s32 $0x7;
	v59 =	vadd.s32 v44, v51;
	v49 =	vld [tilespmem:s22+$0xB0]  }
0x61c: {  	v60 =	vmov s29  }
0x61d: {  	v51 =	vshrl.u32 v60, $0x3  }
0x61e: {  	v51 =	vshll.u32 v51, v17  }
0x61f: {  	v51 =	vbroadcast v51, $0x0  }
0x620: {  	[tilespmem:v59+s31+$0x0] =	vst.idx.msk $0xffff, v49  }
0x621: {  	v61 =	vadd.s32 v45, v51;
	v49 =	vld [tilespmem:s22+$0xC0];
	_ =	sdelay $0x4  }
0x622: {  	[tilespmem:v61+s31+$0x0] =	vst.idx.msk $0xffff, v49  }
0x623: {  	v62 =	vadd.s32 v46, v51;
	v49 =	vld [tilespmem:s22+$0xD0];
	_ =	sdelay $0x4  }
0x624: {  	[tilespmem:v62+s31+$0x0] =	vst.idx.msk $0xffff, v49  }
0x625: {  	v63 =	vadd.s32 v47, v51;
	v49 =	vld [tilespmem:s22+$0xE0];
	_ =	sdelay $0x4  }
0x626: {  	[tilespmem:v63+s31+$0x0] =	vst.idx.msk $0xffff, v49  }
0x627: {  	s1 =	simm.s32 $0x17;
	s23 =	simm.s32 $0xF;
	s24 =	simm.s32 $0x8;
	v50 =	vadd.s32 v48, v51;
	v49 =	vld [tilespmem:s22+$0xF0]  }
.LBB2_11:
0x628: {  	p0 =	sne.s32 s1, $0x7F;
	v51 =	vmov s24  }
0x629: {  	v51 =	vshrl.u32 v51, $0x3  }
0x62a: {  	v51 =	vshll.u32 v51, v17  }
0x62b: {  	v51 =	vbroadcast v51, $0x0  }
0x62c: {  	s22 =	sadd.s32 $0x200, s22;
	[tilespmem:v50+s31+$0x0] =	vst.idx.msk $0xffff, v49  }
0x62d: {  	v49 =	vld [tilespmem:s22+$0xFFFFFF00];
	v50 =	vadd.s32 v14, v51;
	_ =	sdelay $0x4  }
0x62e: {  	[tilespmem:v50+s31+$0x0] =	vst.idx.msk $0xffff, v49  }
0x62f: {  	v50 =	vadd.s32 v18, v51;
	v49 =	vld [tilespmem:s22+$0xFFFFFF10];
	_ =	sdelay $0x4  }
0x630: {  	[tilespmem:v50+s31+$0x0] =	vst.idx.msk $0xffff, v49  }
0x631: {  	v50 =	vadd.s32 v19, v51;
	v49 =	vld [tilespmem:s22+$0xFFFFFF20];
	_ =	sdelay $0x4  }
0x632: {  	[tilespmem:v50+s31+$0x0] =	vst.idx.msk $0xffff, v49  }
0x633: {  	s24 =	sadd.s32 $0xFFFFFFFA, s23;
	v50 =	vadd.s32 v20, v51;
	v49 =	vld [tilespmem:s22+$0xFFFFFF30]  }
0x634: {  	v51 =	vmov s24  }
0x635: {  	v51 =	vshrl.u32 v51, $0x3  }
0x636: {  	v51 =	vshll.u32 v51, v17  }
0x637: {  	v51 =	vbroadcast v51, $0x0  }
0x638: {  	[tilespmem:v50+s31+$0x0] =	vst.idx.msk $0xffff, v49  }
0x639: {  	v50 =	vadd.s32 v21, v51;
	v49 =	vld [tilespmem:s22+$0xFFFFFF40];
	_ =	sdelay $0x4  }
0x63a: {  	[tilespmem:v50+s31+$0x0] =	vst.idx.msk $0xffff, v49  }
0x63b: {  	v50 =	vadd.s32 v22, v51;
	v49 =	vld [tilespmem:s22+$0xFFFFFF50];
	_ =	sdelay $0x4  }
0x63c: {  	[tilespmem:v50+s31+$0x0] =	vst.idx.msk $0xffff, v49  }
0x63d: {  	v50 =	vadd.s32 v23, v51;
	v49 =	vld [tilespmem:s22+$0xFFFFFF60];
	_ =	sdelay $0x4  }
0x63e: {  	[tilespmem:v50+s31+$0x0] =	vst.idx.msk $0xffff, v49  }
0x63f: {  	s24 =	sadd.s32 $0xFFFFFFFB, s23;
	v50 =	vadd.s32 v24, v51;
	v49 =	vld [tilespmem:s22+$0xFFFFFF70]  }
0x640: {  	v51 =	vmov s24  }
0x641: {  	v51 =	vshrl.u32 v51, $0x3  }
0x642: {  	v51 =	vshll.u32 v51, v17  }
0x643: {  	v51 =	vbroadcast v51, $0x0  }
0x644: {  	[tilespmem:v50+s31+$0x0] =	vst.idx.msk $0xffff, v49  }
0x645: {  	v50 =	vadd.s32 v25, v51;
	v49 =	vld [tilespmem:s22+$0xFFFFFF80];
	_ =	sdelay $0x4  }
0x646: {  	[tilespmem:v50+s31+$0x0] =	vst.idx.msk $0xffff, v49  }
0x647: {  	v50 =	vadd.s32 v26, v51;
	v49 =	vld [tilespmem:s22+$0xFFFFFF90];
	_ =	sdelay $0x4  }
0x648: {  	[tilespmem:v50+s31+$0x0] =	vst.idx.msk $0xffff, v49  }
0x649: {  	v50 =	vadd.s32 v27, v51;
	v49 =	vld [tilespmem:s22+$0xFFFFFFA0];
	_ =	sdelay $0x4  }
0x64a: {  	[tilespmem:v50+s31+$0x0] =	vst.idx.msk $0xffff, v49  }
0x64b: {  	s24 =	sadd.s32 $0xFFFFFFFC, s23;
	v50 =	vadd.s32 v28, v51;
	v49 =	vld [tilespmem:s22+$0xFFFFFFB0]  }
0x64c: {  	v51 =	vmov s24  }
0x64d: {  	v51 =	vshrl.u32 v51, $0x3  }
0x64e: {  	v51 =	vshll.u32 v51, v17  }
0x64f: {  	v51 =	vbroadcast v51, $0x0  }
0x650: {  	[tilespmem:v50+s31+$0x0] =	vst.idx.msk $0xffff, v49  }
0x651: {  	v50 =	vadd.s32 v29, v51;
	v49 =	vld [tilespmem:s22+$0xFFFFFFC0];
	_ =	sdelay $0x4  }
0x652: {  	[tilespmem:v50+s31+$0x0] =	vst.idx.msk $0xffff, v49  }
0x653: {  	v50 =	vadd.s32 v30, v51;
	v49 =	vld [tilespmem:s22+$0xFFFFFFD0];
	_ =	sdelay $0x4  }
0x654: {  	[tilespmem:v50+s31+$0x0] =	vst.idx.msk $0xffff, v49  }
0x655: {  	v50 =	vadd.s32 v31, v51;
	v49 =	vld [tilespmem:s22+$0xFFFFFFE0];
	_ =	sdelay $0x4  }
0x656: {  	[tilespmem:v50+s31+$0x0] =	vst.idx.msk $0xffff, v49  }
0x657: {  	s24 =	sadd.s32 $0xFFFFFFFD, s23;
	v50 =	vadd.s32 v32, v51;
	v49 =	vld [tilespmem:s22+$0xFFFFFFF0]  }
0x658: {  	v51 =	vmov s24  }
0x659: {  	v51 =	vshrl.u32 v51, $0x3  }
0x65a: {  	v51 =	vshll.u32 v51, v17  }
0x65b: {  	v51 =	vbroadcast v51, $0x0  }
0x65c: {  	[tilespmem:v50+s31+$0x0] =	vst.idx.msk $0xffff, v49  }
0x65d: {  	v50 =	vadd.s32 v33, v51;
	v49 =	vld [tilespmem:s22+$0x0];
	_ =	sdelay $0x4  }
0x65e: {  	[tilespmem:v50+s31+$0x0] =	vst.idx.msk $0xffff, v49  }
0x65f: {  	v50 =	vadd.s32 v34, v51;
	v49 =	vld [tilespmem:s22+$0x10];
	_ =	sdelay $0x4  }
0x660: {  	[tilespmem:v50+s31+$0x0] =	vst.idx.msk $0xffff, v49  }
0x661: {  	v50 =	vadd.s32 v35, v51;
	v49 =	vld [tilespmem:s22+$0x20];
	_ =	sdelay $0x4  }
0x662: {  	[tilespmem:v50+s31+$0x0] =	vst.idx.msk $0xffff, v49  }
0x663: {  	s24 =	sadd.s32 $0xFFFFFFFE, s23;
	v50 =	vadd.s32 v36, v51;
	v49 =	vld [tilespmem:s22+$0x30]  }
0x664: {  	v51 =	vmov s24  }
0x665: {  	v51 =	vshrl.u32 v51, $0x3  }
0x666: {  	v51 =	vshll.u32 v51, v17  }
0x667: {  	v51 =	vbroadcast v51, $0x0  }
0x668: {  	[tilespmem:v50+s31+$0x0] =	vst.idx.msk $0xffff, v49  }
0x669: {  	v50 =	vadd.s32 v37, v51;
	v49 =	vld [tilespmem:s22+$0x40];
	_ =	sdelay $0x4  }
0x66a: {  	[tilespmem:v50+s31+$0x0] =	vst.idx.msk $0xffff, v49  }
0x66b: {  	v50 =	vadd.s32 v38, v51;
	v49 =	vld [tilespmem:s22+$0x50];
	_ =	sdelay $0x4  }
0x66c: {  	[tilespmem:v50+s31+$0x0] =	vst.idx.msk $0xffff, v49  }
0x66d: {  	v50 =	vadd.s32 v39, v51;
	v49 =	vld [tilespmem:s22+$0x60];
	_ =	sdelay $0x4  }
0x66e: {  	[tilespmem:v50+s31+$0x0] =	vst.idx.msk $0xffff, v49  }
0x66f: {  	s24 =	sadd.s32 $0xFFFFFFFF, s23;
	v50 =	vadd.s32 v40, v51;
	v49 =	vld [tilespmem:s22+$0x70]  }
0x670: {  	v51 =	vmov s24  }
0x671: {  	v51 =	vshrl.u32 v51, $0x3  }
0x672: {  	v51 =	vshll.u32 v51, v17  }
0x673: {  	v51 =	vbroadcast v51, $0x0  }
0x674: {  	[tilespmem:v50+s31+$0x0] =	vst.idx.msk $0xffff, v49  }
0x675: {  	v50 =	vadd.s32 v41, v51;
	v49 =	vld [tilespmem:s22+$0x80];
	_ =	sdelay $0x4  }
0x676: {  	[tilespmem:v50+s31+$0x0] =	vst.idx.msk $0xffff, v49  }
0x677: {  	v50 =	vadd.s32 v42, v51;
	v49 =	vld [tilespmem:s22+$0x90];
	_ =	sdelay $0x4  }
0x678: {  	[tilespmem:v50+s31+$0x0] =	vst.idx.msk $0xffff, v49  }
0x679: {  	v50 =	vadd.s32 v43, v51;
	v49 =	vld [tilespmem:s22+$0xA0];
	_ =	sdelay $0x4  }
0x67a: {  	[tilespmem:v50+s31+$0x0] =	vst.idx.msk $0xffff, v49  }
0x67b: {  	v50 =	vadd.s32 v44, v51;
	v49 =	vld [tilespmem:s22+$0xB0]  }
0x67c: {  	v51 =	vmov s23;
	s23 =	smov.u32 s1  }
0x67d: {  	v51 =	vshrl.u32 v51, $0x3  }
0x67e: {  	v51 =	vshll.u32 v51, v17  }
0x67f: {  	v51 =	vbroadcast v51, $0x0  }
0x680: {  	[tilespmem:v50+s31+$0x0] =	vst.idx.msk $0xffff, v49  }
0x681: {  	v50 =	vadd.s32 v45, v51;
	v49 =	vld [tilespmem:s22+$0xC0];
	_ =	sdelay $0x4  }
0x682: {  	[tilespmem:v50+s31+$0x0] =	vst.idx.msk $0xffff, v49  }
0x683: {  	v50 =	vadd.s32 v46, v51;
	v49 =	vld [tilespmem:s22+$0xD0];
	_ =	sdelay $0x4  }
0x684: {  	[tilespmem:v50+s31+$0x0] =	vst.idx.msk $0xffff, v49  }
0x685: {  	v50 =	vadd.s32 v47, v51;
	v49 =	vld [tilespmem:s22+$0xE0];
	_ =	sdelay $0x1  }
.Ltmp4:
0x686: {  	(pc) =	sbr.rel @p0 .LBB2_11-.Ltmp4, $3  }
0x687: {  	_ =	sdelay $0x1  }
0x688: {  	[tilespmem:v50+s31+$0x0] =	vst.idx.msk $0xffff, v49  }
0x689: {  	s1 =	sadd.s32 $0x8, s1;
	s24 =	sadd.s32 $0xFFFFFFF9, s23;
	v50 =	vadd.s32 v48, v51;
	v49 =	vld [tilespmem:s22+$0xF0]  }
0x68a: {  	v51 =	vmov s24  }
0x68b: {  	v51 =	vshrl.u32 v51, $0x3  }
0x68c: {  	v51 =	vshll.u32 v51, v17  }
0x68d: {  	v51 =	vbroadcast v51, $0x0  }
0x68e: {  	s1 =	sadd.s32 $0x200, s22;
	[tilespmem:v50+s31+$0x0] =	vst.idx.msk $0xffff, v49  }
0x68f: {  	v49 =	vld [tilespmem:s1+$0xFFFFFF00];
	v55 =	vadd.s32 v14, v51;
	_ =	sdelay $0x4  }
0x690: {  	[tilespmem:v55+s31+$0x0] =	vst.idx.msk $0xffff, v49  }
0x691: {  	v56 =	vadd.s32 v18, v51;
	v49 =	vld [tilespmem:s1+$0xFFFFFF10];
	_ =	sdelay $0x4  }
0x692: {  	[tilespmem:v56+s31+$0x0] =	vst.idx.msk $0xffff, v49  }
0x693: {  	v57 =	vadd.s32 v19, v51;
	v49 =	vld [tilespmem:s1+$0xFFFFFF20];
	_ =	sdelay $0x4  }
0x694: {  	[tilespmem:v57+s31+$0x0] =	vst.idx.msk $0xffff, v49  }
0x695: {  	s24 =	sadd.s32 $0xFFFFFFFA, s23;
	v58 =	vadd.s32 v20, v51;
	v49 =	vld [tilespmem:s1+$0xFFFFFF30]  }
0x696: {  	v59 =	vmov s24  }
0x697: {  	v51 =	vshrl.u32 v59, $0x3  }
0x698: {  	v51 =	vshll.u32 v51, v17  }
0x699: {  	v51 =	vbroadcast v51, $0x0  }
0x69a: {  	[tilespmem:v58+s31+$0x0] =	vst.idx.msk $0xffff, v49  }
0x69b: {  	v60 =	vadd.s32 v21, v51;
	v49 =	vld [tilespmem:s1+$0xFFFFFF40];
	_ =	sdelay $0x4  }
0x69c: {  	[tilespmem:v60+s31+$0x0] =	vst.idx.msk $0xffff, v49  }
0x69d: {  	v61 =	vadd.s32 v22, v51;
	v49 =	vld [tilespmem:s1+$0xFFFFFF50];
	_ =	sdelay $0x4  }
0x69e: {  	[tilespmem:v61+s31+$0x0] =	vst.idx.msk $0xffff, v49  }
0x69f: {  	v62 =	vadd.s32 v23, v51;
	v49 =	vld [tilespmem:s1+$0xFFFFFF60];
	_ =	sdelay $0x4  }
0x6a0: {  	[tilespmem:v62+s31+$0x0] =	vst.idx.msk $0xffff, v49  }
0x6a1: {  	s26 =	sadd.s32 $0xFFFFFFFB, s23;
	v63 =	vadd.s32 v24, v51;
	v49 =	vld [tilespmem:s1+$0xFFFFFF70]  }
0x6a2: {  	v54 =	vmov s26  }
0x6a3: {  	v51 =	vshrl.u32 v54, $0x3  }
0x6a4: {  	v51 =	vshll.u32 v51, v17  }
0x6a5: {  	v51 =	vbroadcast v51, $0x0  }
0x6a6: {  	[tilespmem:v63+s31+$0x0] =	vst.idx.msk $0xffff, v49  }
0x6a7: {  	v55 =	vadd.s32 v25, v51;
	v49 =	vld [tilespmem:s1+$0xFFFFFF80];
	_ =	sdelay $0x4  }
0x6a8: {  	[tilespmem:v55+s31+$0x0] =	vst.idx.msk $0xffff, v49  }
0x6a9: {  	v56 =	vadd.s32 v26, v51;
	v49 =	vld [tilespmem:s1+$0xFFFFFF90];
	_ =	sdelay $0x4  }
0x6aa: {  	[tilespmem:v56+s31+$0x0] =	vst.idx.msk $0xffff, v49  }
0x6ab: {  	v57 =	vadd.s32 v27, v51;
	v49 =	vld [tilespmem:s1+$0xFFFFFFA0];
	_ =	sdelay $0x4  }
0x6ac: {  	[tilespmem:v57+s31+$0x0] =	vst.idx.msk $0xffff, v49  }
0x6ad: {  	s29 =	sadd.s32 $0xFFFFFFFC, s23;
	v58 =	vadd.s32 v28, v51;
	v49 =	vld [tilespmem:s1+$0xFFFFFFB0]  }
0x6ae: {  	v59 =	vmov s29  }
0x6af: {  	v51 =	vshrl.u32 v59, $0x3  }
0x6b0: {  	v51 =	vshll.u32 v51, v17  }
0x6b1: {  	v51 =	vbroadcast v51, $0x0  }
0x6b2: {  	[tilespmem:v58+s31+$0x0] =	vst.idx.msk $0xffff, v49  }
0x6b3: {  	v60 =	vadd.s32 v29, v51;
	v49 =	vld [tilespmem:s1+$0xFFFFFFC0];
	_ =	sdelay $0x4  }
0x6b4: {  	[tilespmem:v60+s31+$0x0] =	vst.idx.msk $0xffff, v49  }
0x6b5: {  	v61 =	vadd.s32 v30, v51;
	v49 =	vld [tilespmem:s1+$0xFFFFFFD0];
	_ =	sdelay $0x4  }
0x6b6: {  	[tilespmem:v61+s31+$0x0] =	vst.idx.msk $0xffff, v49  }
0x6b7: {  	v62 =	vadd.s32 v31, v51;
	v49 =	vld [tilespmem:s1+$0xFFFFFFE0];
	_ =	sdelay $0x4  }
0x6b8: {  	[tilespmem:v62+s31+$0x0] =	vst.idx.msk $0xffff, v49  }
0x6b9: {  	s24 =	sadd.s32 $0xFFFFFFFD, s23;
	v63 =	vadd.s32 v32, v51;
	v49 =	vld [tilespmem:s1+$0xFFFFFFF0]  }
0x6ba: {  	v54 =	vmov s24  }
0x6bb: {  	v51 =	vshrl.u32 v54, $0x3  }
0x6bc: {  	v51 =	vshll.u32 v51, v17  }
0x6bd: {  	v51 =	vbroadcast v51, $0x0  }
0x6be: {  	[tilespmem:v63+s31+$0x0] =	vst.idx.msk $0xffff, v49  }
0x6bf: {  	v55 =	vadd.s32 v33, v51;
	v49 =	vld [tilespmem:s1+$0x0];
	_ =	sdelay $0x4  }
0x6c0: {  	[tilespmem:v55+s31+$0x0] =	vst.idx.msk $0xffff, v49  }
0x6c1: {  	v56 =	vadd.s32 v34, v51;
	v49 =	vld [tilespmem:s1+$0x10];
	_ =	sdelay $0x4  }
0x6c2: {  	[tilespmem:v56+s31+$0x0] =	vst.idx.msk $0xffff, v49  }
0x6c3: {  	v57 =	vadd.s32 v35, v51;
	v49 =	vld [tilespmem:s1+$0x20];
	_ =	sdelay $0x4  }
0x6c4: {  	[tilespmem:v57+s31+$0x0] =	vst.idx.msk $0xffff, v49  }
0x6c5: {  	s26 =	sadd.s32 $0xFFFFFFFE, s23;
	v58 =	vadd.s32 v36, v51;
	v49 =	vld [tilespmem:s1+$0x30]  }
0x6c6: {  	v59 =	vmov s26  }
0x6c7: {  	v51 =	vshrl.u32 v59, $0x3  }
0x6c8: {  	v51 =	vshll.u32 v51, v17  }
0x6c9: {  	v51 =	vbroadcast v51, $0x0  }
0x6ca: {  	[tilespmem:v58+s31+$0x0] =	vst.idx.msk $0xffff, v49  }
0x6cb: {  	v60 =	vadd.s32 v37, v51;
	v49 =	vld [tilespmem:s1+$0x40];
	_ =	sdelay $0x4  }
0x6cc: {  	[tilespmem:v60+s31+$0x0] =	vst.idx.msk $0xffff, v49  }
0x6cd: {  	v61 =	vadd.s32 v38, v51;
	v49 =	vld [tilespmem:s1+$0x50];
	_ =	sdelay $0x4  }
0x6ce: {  	[tilespmem:v61+s31+$0x0] =	vst.idx.msk $0xffff, v49  }
0x6cf: {  	v62 =	vadd.s32 v39, v51;
	v49 =	vld [tilespmem:s1+$0x60];
	_ =	sdelay $0x4  }
0x6d0: {  	[tilespmem:v62+s31+$0x0] =	vst.idx.msk $0xffff, v49  }
0x6d1: {  	s29 =	sadd.s32 $0xFFFFFFFF, s23;
	v63 =	vadd.s32 v40, v51;
	v49 =	vld [tilespmem:s1+$0x70]  }
0x6d2: {  	v54 =	vmov s29  }
0x6d3: {  	v51 =	vshrl.u32 v54, $0x3  }
0x6d4: {  	v51 =	vshll.u32 v51, v17  }
0x6d5: {  	v51 =	vbroadcast v51, $0x0  }
0x6d6: {  	[tilespmem:v63+s31+$0x0] =	vst.idx.msk $0xffff, v49  }
0x6d7: {  	v55 =	vadd.s32 v41, v51;
	v49 =	vld [tilespmem:s1+$0x80];
	_ =	sdelay $0x4  }
0x6d8: {  	[tilespmem:v55+s31+$0x0] =	vst.idx.msk $0xffff, v49  }
0x6d9: {  	v56 =	vadd.s32 v42, v51;
	v49 =	vld [tilespmem:s1+$0x90];
	_ =	sdelay $0x4  }
0x6da: {  	[tilespmem:v56+s31+$0x0] =	vst.idx.msk $0xffff, v49  }
0x6db: {  	v57 =	vadd.s32 v43, v51;
	v49 =	vld [tilespmem:s1+$0xA0];
	_ =	sdelay $0x4  }
0x6dc: {  	[tilespmem:v57+s31+$0x0] =	vst.idx.msk $0xffff, v49  }
0x6dd: {  	v58 =	vadd.s32 v44, v51;
	v49 =	vld [tilespmem:s1+$0xB0]  }
0x6de: {  	v59 =	vmov s23  }
0x6df: {  	v51 =	vshrl.u32 v59, $0x3  }
0x6e0: {  	v51 =	vshll.u32 v51, v17  }
0x6e1: {  	v51 =	vbroadcast v51, $0x0  }
0x6e2: {  	[tilespmem:v58+s31+$0x0] =	vst.idx.msk $0xffff, v49  }
0x6e3: {  	v60 =	vadd.s32 v45, v51;
	v49 =	vld [tilespmem:s1+$0xC0];
	_ =	sdelay $0x4  }
0x6e4: {  	[tilespmem:v60+s31+$0x0] =	vst.idx.msk $0xffff, v49  }
0x6e5: {  	v61 =	vadd.s32 v46, v51;
	v49 =	vld [tilespmem:s1+$0xD0];
	_ =	sdelay $0x4  }
0x6e6: {  	[tilespmem:v61+s31+$0x0] =	vst.idx.msk $0xffff, v49  }
0x6e7: {  	v62 =	vadd.s32 v47, v51;
	v49 =	vld [tilespmem:s1+$0xE0];
	_ =	sdelay $0x4  }
0x6e8: {  	[tilespmem:v62+s31+$0x0] =	vst.idx.msk $0xffff, v49  }
0x6e9: {  	v63 =	vadd.s32 v48, v51;
	v49 =	vld [tilespmem:s1+$0xF0];
	_ =	sdelay $0x3  }
0x6ea: {  	s24 =	rddreg [dreg:$0xe]  }
0x6eb: {  	s1 =	sadd.s32 s6, s24;
	[tilespmem:v63+s31+$0x0] =	vst.idx.msk $0xffff, v49  }
0x6ec: {  	[hbm4b:s1+s2] =	stream.linear.scatter [tilespmem:s31], [sflag:$0x4], $0x80, $0x38;
	[tilespmem:$0xE900] =	vst v63  }
0x6ed: {  	s29 =	simm.s32 $0xC788;
	s26 =	sadd.s32 $0x10, s1  }
0x6ee: {  	[hbm4b:s26+s2] =	stream.linear.scatter [tilespmem:s29], [sflag:$0x4], $0x80, $0x38;
	[tilespmem:$0xE900] =	vst v63  }
0x6ef: {  	s24 =	simm.s32 $0xC810;
	s23 =	sadd.s32 $0x20, s1  }
0x6f0: {  	[hbm4b:s23+s2] =	stream.linear.scatter [tilespmem:s24], [sflag:$0x4], $0x80, $0x38;
	[tilespmem:$0xE900] =	vst v63  }
0x6f1: {  	s26 =	sadd.s32 $0x30, s1;
	s29 =	simm.s32 $0xC898  }
0x6f2: {  	[hbm4b:s26+s2] =	stream.linear.scatter [tilespmem:s29], [sflag:$0x4], $0x80, $0x38;
	[tilespmem:$0xE900] =	vst v63  }
0x6f3: {  	s23 =	sadd.s32 $0x40, s1;
	s24 =	simm.s32 $0xC920  }
0x6f4: {  	[hbm4b:s23+s2] =	stream.linear.scatter [tilespmem:s24], [sflag:$0x4], $0x80, $0x38;
	[tilespmem:$0xE900] =	vst v63  }
0x6f5: {  	s26 =	sadd.s32 $0x50, s1;
	s29 =	simm.s32 $0xC9A8  }
0x6f6: {  	[hbm4b:s26+s2] =	stream.linear.scatter [tilespmem:s29], [sflag:$0x4], $0x80, $0x38;
	[tilespmem:$0xE900] =	vst v63  }
0x6f7: {  	s24 =	sadd.s32 $0x60, s1;
	s26 =	simm.s32 $0xCA30  }
0x6f8: {  	[hbm4b:s24+s2] =	stream.linear.scatter [tilespmem:s26], [sflag:$0x4], $0x80, $0x38;
	[tilespmem:$0xE900] =	vst v63  }
0x6f9: {  	s1 =	sadd.s32 $0x70, s1;
	s23 =	rddreg [dreg:$0xf];
	s29 =	simm.s32 $0xCAB8  }
0x6fa: {  	[hbm4b:s1+s2] =	stream.linear.scatter [tilespmem:s29], [sflag:$0x4], $0x80, $0x38;
	[tilespmem:$0xE900] =	vst v63  }
0x6fb: {  	s24 =	simm.s32 $0xCB40;
	s1 =	sadd.s32 s6, s23  }
0x6fc: {  	[hbm4b:s1+s2] =	stream.linear.scatter [tilespmem:s24], [sflag:$0x4], $0x80, $0x38;
	[tilespmem:$0xE900] =	vst v63  }
0x6fd: {  	s29 =	simm.s32 $0xCBC8;
	s26 =	sadd.s32 $0x10, s1  }
0x6fe: {  	[hbm4b:s26+s2] =	stream.linear.scatter [tilespmem:s29], [sflag:$0x4], $0x80, $0x38;
	[tilespmem:$0xE900] =	vst v63  }
0x6ff: {  	s23 =	sadd.s32 $0x20, s1;
	s24 =	simm.s32 $0xCC50  }
0x700: {  	[hbm4b:s23+s2] =	stream.linear.scatter [tilespmem:s24], [sflag:$0x4], $0x80, $0x38;
	[tilespmem:$0xE900] =	vst v63  }
0x701: {  	s26 =	sadd.s32 $0x30, s1;
	s29 =	simm.s32 $0xCCD8  }
0x702: {  	[hbm4b:s26+s2] =	stream.linear.scatter [tilespmem:s29], [sflag:$0x4], $0x80, $0x38;
	[tilespmem:$0xE900] =	vst v63  }
0x703: {  	s23 =	sadd.s32 $0x40, s1;
	s24 =	simm.s32 $0xCD60  }
0x704: {  	[hbm4b:s23+s2] =	stream.linear.scatter [tilespmem:s24], [sflag:$0x4], $0x80, $0x38;
	[tilespmem:$0xE900] =	vst v63  }
0x705: {  	s26 =	sadd.s32 $0x50, s1;
	s29 =	simm.s32 $0xCDE8  }
0x706: {  	[hbm4b:s26+s2] =	stream.linear.scatter [tilespmem:s29], [sflag:$0x4], $0x80, $0x38;
	[tilespmem:$0xE900] =	vst v63  }
0x707: {  	s24 =	sadd.s32 $0x60, s1;
	s26 =	simm.s32 $0xCE70  }
0x708: {  	[hbm4b:s24+s2] =	stream.linear.scatter [tilespmem:s26], [sflag:$0x4], $0x80, $0x38;
	[tilespmem:$0xE900] =	vst v63  }
0x709: {  	s1 =	sadd.s32 $0x70, s1;
	s23 =	rddreg [dreg:$0x10];
	s29 =	simm.s32 $0xCEF8  }
0x70a: {  	[hbm4b:s1+s2] =	stream.linear.scatter [tilespmem:s29], [sflag:$0x4], $0x80, $0x38;
	[tilespmem:$0xE900] =	vst v63  }
0x70b: {  	s24 =	simm.s32 $0xCF80;
	s1 =	sadd.s32 s6, s23  }
0x70c: {  	[hbm4b:s1+s2] =	stream.linear.scatter [tilespmem:s24], [sflag:$0x4], $0x80, $0x38;
	[tilespmem:$0xE900] =	vst v63  }
0x70d: {  	s29 =	simm.s32 $0xD008;
	s26 =	sadd.s32 $0x10, s1  }
0x70e: {  	[hbm4b:s26+s2] =	stream.linear.scatter [tilespmem:s29], [sflag:$0x4], $0x80, $0x38;
	[tilespmem:$0xE900] =	vst v63  }
0x70f: {  	s23 =	sadd.s32 $0x20, s1;
	s24 =	simm.s32 $0xD090  }
0x710: {  	[hbm4b:s23+s2] =	stream.linear.scatter [tilespmem:s24], [sflag:$0x4], $0x80, $0x38;
	[tilespmem:$0xE900] =	vst v63  }
0x711: {  	s26 =	sadd.s32 $0x30, s1;
	s29 =	simm.s32 $0xD118  }
0x712: {  	[hbm4b:s26+s2] =	stream.linear.scatter [tilespmem:s29], [sflag:$0x4], $0x80, $0x38;
	[tilespmem:$0xE900] =	vst v63  }
0x713: {  	s23 =	sadd.s32 $0x40, s1;
	s24 =	simm.s32 $0xD1A0  }
0x714: {  	[hbm4b:s23+s2] =	stream.linear.scatter [tilespmem:s24], [sflag:$0x4], $0x80, $0x38;
	[tilespmem:$0xE900] =	vst v63  }
0x715: {  	s26 =	sadd.s32 $0x50, s1;
	s29 =	simm.s32 $0xD228  }
0x716: {  	[hbm4b:s26+s2] =	stream.linear.scatter [tilespmem:s29], [sflag:$0x4], $0x80, $0x38;
	[tilespmem:$0xE900] =	vst v63  }
0x717: {  	s24 =	sadd.s32 $0x60, s1;
	s26 =	simm.s32 $0xD2B0  }
0x718: {  	[hbm4b:s24+s2] =	stream.linear.scatter [tilespmem:s26], [sflag:$0x4], $0x80, $0x38;
	[tilespmem:$0xE900] =	vst v63  }
0x719: {  	s1 =	sadd.s32 $0x70, s1;
	s23 =	rddreg [dreg:$0x11];
	s29 =	simm.s32 $0xD338  }
0x71a: {  	[hbm4b:s1+s2] =	stream.linear.scatter [tilespmem:s29], [sflag:$0x4], $0x80, $0x38;
	[tilespmem:$0xE900] =	vst v63  }
0x71b: {  	s24 =	simm.s32 $0xD3C0;
	s1 =	sadd.s32 s6, s23  }
0x71c: {  	[hbm4b:s1+s2] =	stream.linear.scatter [tilespmem:s24], [sflag:$0x4], $0x80, $0x38;
	[tilespmem:$0xE900] =	vst v63  }
0x71d: {  	s29 =	simm.s32 $0xD448;
	s26 =	sadd.s32 $0x10, s1  }
0x71e: {  	[hbm4b:s26+s2] =	stream.linear.scatter [tilespmem:s29], [sflag:$0x4], $0x80, $0x38;
	[tilespmem:$0xE900] =	vst v63  }
0x71f: {  	s23 =	sadd.s32 $0x20, s1;
	s24 =	simm.s32 $0xD4D0  }
0x720: {  	[hbm4b:s23+s2] =	stream.linear.scatter [tilespmem:s24], [sflag:$0x4], $0x80, $0x38;
	[tilespmem:$0xE900] =	vst v63  }
0x721: {  	s26 =	sadd.s32 $0x30, s1;
	s29 =	simm.s32 $0xD558  }
0x722: {  	[hbm4b:s26+s2] =	stream.linear.scatter [tilespmem:s29], [sflag:$0x4], $0x80, $0x38;
	[tilespmem:$0xE900] =	vst v63  }
0x723: {  	s23 =	sadd.s32 $0x40, s1;
	s24 =	simm.s32 $0xD5E0  }
0x724: {  	[hbm4b:s23+s2] =	stream.linear.scatter [tilespmem:s24], [sflag:$0x4], $0x80, $0x38;
	[tilespmem:$0xE900] =	vst v63  }
0x725: {  	s26 =	sadd.s32 $0x50, s1;
	s29 =	simm.s32 $0xD668  }
0x726: {  	[hbm4b:s26+s2] =	stream.linear.scatter [tilespmem:s29], [sflag:$0x4], $0x80, $0x38;
	[tilespmem:$0xE900] =	vst v63  }
0x727: {  	s24 =	sadd.s32 $0x60, s1;
	s26 =	simm.s32 $0xD6F0  }
0x728: {  	[hbm4b:s24+s2] =	stream.linear.scatter [tilespmem:s26], [sflag:$0x4], $0x80, $0x38;
	[tilespmem:$0xE900] =	vst v63  }
0x729: {  	s1 =	sadd.s32 $0x70, s1;
	s23 =	rddreg [dreg:$0x12];
	s29 =	simm.s32 $0xD778  }
0x72a: {  	[hbm4b:s1+s2] =	stream.linear.scatter [tilespmem:s29], [sflag:$0x4], $0x80, $0x38;
	[tilespmem:$0xE900] =	vst v63  }
0x72b: {  	s24 =	simm.s32 $0xD800;
	s1 =	sadd.s32 s6, s23  }
0x72c: {  	[hbm4b:s1+s2] =	stream.linear.scatter [tilespmem:s24], [sflag:$0x4], $0x80, $0x38;
	[tilespmem:$0xE900] =	vst v63  }
0x72d: {  	s29 =	simm.s32 $0xD888;
	s26 =	sadd.s32 $0x10, s1  }
0x72e: {  	[hbm4b:s26+s2] =	stream.linear.scatter [tilespmem:s29], [sflag:$0x4], $0x80, $0x38;
	[tilespmem:$0xE900] =	vst v63  }
0x72f: {  	s23 =	sadd.s32 $0x20, s1;
	s24 =	simm.s32 $0xD910  }
0x730: {  	[hbm4b:s23+s2] =	stream.linear.scatter [tilespmem:s24], [sflag:$0x4], $0x80, $0x38;
	[tilespmem:$0xE900] =	vst v63  }
0x731: {  	s26 =	sadd.s32 $0x30, s1;
	s29 =	simm.s32 $0xD998  }
0x732: {  	[hbm4b:s26+s2] =	stream.linear.scatter [tilespmem:s29], [sflag:$0x4], $0x80, $0x38;
	[tilespmem:$0xE900] =	vst v63  }
0x733: {  	s23 =	sadd.s32 $0x40, s1;
	s24 =	simm.s32 $0xDA20  }
0x734: {  	[hbm4b:s23+s2] =	stream.linear.scatter [tilespmem:s24], [sflag:$0x4], $0x80, $0x38;
	[tilespmem:$0xE900] =	vst v63  }
0x735: {  	s26 =	sadd.s32 $0x50, s1;
	s29 =	simm.s32 $0xDAA8  }
0x736: {  	[hbm4b:s26+s2] =	stream.linear.scatter [tilespmem:s29], [sflag:$0x4], $0x80, $0x38;
	[tilespmem:$0xE900] =	vst v63  }
0x737: {  	s24 =	sadd.s32 $0x60, s1;
	s26 =	simm.s32 $0xDB30  }
0x738: {  	[hbm4b:s24+s2] =	stream.linear.scatter [tilespmem:s26], [sflag:$0x4], $0x80, $0x38;
	[tilespmem:$0xE900] =	vst v63  }
0x739: {  	s1 =	sadd.s32 $0x70, s1;
	s23 =	rddreg [dreg:$0x13];
	s29 =	simm.s32 $0xDBB8  }
0x73a: {  	[hbm4b:s1+s2] =	stream.linear.scatter [tilespmem:s29], [sflag:$0x4], $0x80, $0x38;
	[tilespmem:$0xE900] =	vst v63  }
0x73b: {  	s24 =	simm.s32 $0xDC40;
	s1 =	sadd.s32 s6, s23  }
0x73c: {  	[hbm4b:s1+s2] =	stream.linear.scatter [tilespmem:s24], [sflag:$0x4], $0x80, $0x38;
	[tilespmem:$0xE900] =	vst v63  }
0x73d: {  	s29 =	simm.s32 $0xDCC8;
	s26 =	sadd.s32 $0x10, s1  }
0x73e: {  	[hbm4b:s26+s2] =	stream.linear.scatter [tilespmem:s29], [sflag:$0x4], $0x80, $0x38;
	[tilespmem:$0xE900] =	vst v63  }
0x73f: {  	s23 =	sadd.s32 $0x20, s1;
	s24 =	simm.s32 $0xDD50  }
0x740: {  	[hbm4b:s23+s2] =	stream.linear.scatter [tilespmem:s24], [sflag:$0x4], $0x80, $0x38;
	[tilespmem:$0xE900] =	vst v63  }
0x741: {  	s26 =	sadd.s32 $0x30, s1;
	s29 =	simm.s32 $0xDDD8  }
0x742: {  	[hbm4b:s26+s2] =	stream.linear.scatter [tilespmem:s29], [sflag:$0x4], $0x80, $0x38;
	[tilespmem:$0xE900] =	vst v63  }
0x743: {  	s23 =	sadd.s32 $0x40, s1;
	s24 =	simm.s32 $0xDE60  }
0x744: {  	[hbm4b:s23+s2] =	stream.linear.scatter [tilespmem:s24], [sflag:$0x4], $0x80, $0x38;
	[tilespmem:$0xE900] =	vst v63  }
0x745: {  	s26 =	sadd.s32 $0x50, s1;
	s29 =	simm.s32 $0xDEE8  }
0x746: {  	[hbm4b:s26+s2] =	stream.linear.scatter [tilespmem:s29], [sflag:$0x4], $0x80, $0x38;
	[tilespmem:$0xE900] =	vst v63  }
0x747: {  	s24 =	sadd.s32 $0x60, s1;
	s26 =	simm.s32 $0xDF70  }
0x748: {  	[hbm4b:s24+s2] =	stream.linear.scatter [tilespmem:s26], [sflag:$0x4], $0x80, $0x38;
	[tilespmem:$0xE900] =	vst v63  }
0x749: {  	s1 =	sadd.s32 $0x70, s1;
	s23 =	rddreg [dreg:$0x14];
	s29 =	simm.s32 $0xDFF8  }
0x74a: {  	[hbm4b:s1+s2] =	stream.linear.scatter [tilespmem:s29], [sflag:$0x4], $0x80, $0x38;
	[tilespmem:$0xE900] =	vst v63  }
0x74b: {  	s24 =	simm.s32 $0xE080;
	s1 =	sadd.s32 s6, s23  }
0x74c: {  	[hbm4b:s1+s2] =	stream.linear.scatter [tilespmem:s24], [sflag:$0x4], $0x80, $0x38;
	[tilespmem:$0xE900] =	vst v63  }
0x74d: {  	s29 =	simm.s32 $0xE108;
	s26 =	sadd.s32 $0x10, s1  }
0x74e: {  	[hbm4b:s26+s2] =	stream.linear.scatter [tilespmem:s29], [sflag:$0x4], $0x80, $0x38;
	[tilespmem:$0xE900] =	vst v63  }
0x74f: {  	s23 =	sadd.s32 $0x20, s1;
	s24 =	simm.s32 $0xE190  }
0x750: {  	[hbm4b:s23+s2] =	stream.linear.scatter [tilespmem:s24], [sflag:$0x4], $0x80, $0x38;
	[tilespmem:$0xE900] =	vst v63  }
0x751: {  	s26 =	sadd.s32 $0x30, s1;
	s29 =	simm.s32 $0xE218  }
0x752: {  	[hbm4b:s26+s2] =	stream.linear.scatter [tilespmem:s29], [sflag:$0x4], $0x80, $0x38;
	[tilespmem:$0xE900] =	vst v63  }
0x753: {  	s23 =	sadd.s32 $0x40, s1;
	s24 =	simm.s32 $0xE2A0  }
0x754: {  	[hbm4b:s23+s2] =	stream.linear.scatter [tilespmem:s24], [sflag:$0x4], $0x80, $0x38;
	[tilespmem:$0xE900] =	vst v63  }
0x755: {  	s26 =	sadd.s32 $0x50, s1;
	s29 =	simm.s32 $0xE328  }
0x756: {  	[hbm4b:s26+s2] =	stream.linear.scatter [tilespmem:s29], [sflag:$0x4], $0x80, $0x38;
	[tilespmem:$0xE900] =	vst v63  }
0x757: {  	s24 =	sadd.s32 $0x60, s1;
	s26 =	simm.s32 $0xE3B0  }
0x758: {  	[hbm4b:s24+s2] =	stream.linear.scatter [tilespmem:s26], [sflag:$0x4], $0x80, $0x38;
	[tilespmem:$0xE900] =	vst v63  }
0x759: {  	s1 =	sadd.s32 $0x70, s1;
	s23 =	rddreg [dreg:$0x15];
	s29 =	simm.s32 $0xE438  }
0x75a: {  	[hbm4b:s1+s2] =	stream.linear.scatter [tilespmem:s29], [sflag:$0x4], $0x80, $0x38;
	[tilespmem:$0xE900] =	vst v63  }
0x75b: {  	s24 =	simm.s32 $0xE4C0;
	s1 =	sadd.s32 s6, s23  }
0x75c: {  	[hbm4b:s1+s2] =	stream.linear.scatter [tilespmem:s24], [sflag:$0x4], $0x80, $0x38;
	[tilespmem:$0xE900] =	vst v63  }
0x75d: {  	s29 =	simm.s32 $0xE548;
	s26 =	sadd.s32 $0x10, s1  }
0x75e: {  	[hbm4b:s26+s2] =	stream.linear.scatter [tilespmem:s29], [sflag:$0x4], $0x80, $0x38;
	[tilespmem:$0xE900] =	vst v63  }
0x75f: {  	s23 =	sadd.s32 $0x20, s1;
	s24 =	simm.s32 $0xE5D0  }
0x760: {  	[hbm4b:s23+s2] =	stream.linear.scatter [tilespmem:s24], [sflag:$0x4], $0x80, $0x38;
	[tilespmem:$0xE900] =	vst v63  }
0x761: {  	s26 =	sadd.s32 $0x30, s1;
	s29 =	simm.s32 $0xE658  }
0x762: {  	[hbm4b:s26+s2] =	stream.linear.scatter [tilespmem:s29], [sflag:$0x4], $0x80, $0x38;
	[tilespmem:$0xE900] =	vst v63  }
0x763: {  	s23 =	sadd.s32 $0x40, s1;
	s24 =	simm.s32 $0xE6E0  }
0x764: {  	[hbm4b:s23+s2] =	stream.linear.scatter [tilespmem:s24], [sflag:$0x4], $0x80, $0x38;
	[tilespmem:$0xE900] =	vst v63  }
0x765: {  	s26 =	sadd.s32 $0x50, s1;
	s29 =	simm.s32 $0xE768  }
0x766: {  	[hbm4b:s26+s2] =	stream.linear.scatter [tilespmem:s29], [sflag:$0x4], $0x80, $0x38;
	[tilespmem:$0xE900] =	vst v63  }
0x767: {  	s23 =	sadd.s32 $0x60, s1;
	s24 =	simm.s32 $0xE7F0  }
0x768: {  	[hbm4b:s23+s2] =	stream.linear.scatter [tilespmem:s24], [sflag:$0x4], $0x80, $0x38;
	[tilespmem:$0xE900] =	vst v63  }
0x769: {  	s1 =	sadd.s32 $0x70, s1;
	s26 =	simm.s32 $0xE878  }
0x76a: {  	[hbm4b:s1+s2] =	stream.linear.scatter [tilespmem:s26], [sflag:$0x4], $0x80, $0x38;
	[tilespmem:$0xE900] =	vst v63  }
0x76b: {  	_ =	swait.ge [sflag:s0], $0x400  }
0x76c: {  	[sflag:s0] =	ssyncset.done $0x0  }
0x76d: {  	[sflag:s0] =	ssyncadd.s32 $0xFFFFFC00  }
0x76e: {  	_ =	swait.ge [sflag:s0], $0x400  }
0x76f: {  	[sflag:s0] =	ssyncset.done $0x0  }
0x770: {  	[sflag:s0] =	ssyncadd.s32 $0xFFFFFC00  }
0x771: {  	_ =	swait.ge [sflag:s0], $0x400  }
0x772: {  	[sflag:s0] =	ssyncset.done $0x0  }
0x773: {  	[sflag:s0] =	ssyncadd.s32 $0xFFFFFC00  }
0x774: {  	_ =	swait.ge [sflag:s0], $0x400  }
0x775: {  	[sflag:s0] =	ssyncset.done $0x0  }
0x776: {  	[sflag:s0] =	ssyncadd.s32 $0xFFFFFC00  }
0x777: {  	_ =	swait.ge [sflag:s0], $0x400  }
0x778: {  	[sflag:s0] =	ssyncset.done $0x0  }
0x779: {  	[sflag:s0] =	ssyncadd.s32 $0xFFFFFC00  }
0x77a: {  	_ =	swait.ge [sflag:s0], $0x400  }
0x77b: {  	[sflag:s0] =	ssyncset.done $0x0  }
0x77c: {  	[sflag:s0] =	ssyncadd.s32 $0xFFFFFC00  }
0x77d: {  	_ =	swait.ge [sflag:s0], $0x400  }
0x77e: {  	[sflag:s0] =	ssyncset.done $0x0  }
0x77f: {  	[sflag:s0] =	ssyncadd.s32 $0xFFFFFC00  }
0x780: {  	_ =	swait.ge [sflag:s0], $0x400  }
0x781: {  	[sflag:s0] =	ssyncset.done $0x0  }
0x782: {  	[sflag:s0] =	ssyncadd.s32 $0xFFFFFC00  }
0x783: {  	_ =	swait.ge [sflag:s5], $0x400  }
0x784: {  	[sflag:s5] =	ssyncset.done $0x0  }
0x785: {  	[sflag:s5] =	ssyncadd.s32 $0xFFFFFC00  }
0x786: {  	_ =	swait.ge [sflag:s5], $0x400  }
0x787: {  	[sflag:s5] =	ssyncset.done $0x0  }
0x788: {  	[sflag:s5] =	ssyncadd.s32 $0xFFFFFC00  }
0x789: {  	_ =	swait.ge [sflag:s5], $0x400  }
0x78a: {  	[sflag:s5] =	ssyncset.done $0x0  }
0x78b: {  	[sflag:s5] =	ssyncadd.s32 $0xFFFFFC00  }
0x78c: {  	_ =	swait.ge [sflag:s5], $0x400  }
0x78d: {  	[sflag:s5] =	ssyncset.done $0x0  }
0x78e: {  	[sflag:s5] =	ssyncadd.s32 $0xFFFFFC00  }
0x78f: {  	_ =	swait.ge [sflag:s5], $0x400  }
0x790: {  	[sflag:s5] =	ssyncset.done $0x0  }
0x791: {  	[sflag:s5] =	ssyncadd.s32 $0xFFFFFC00  }
0x792: {  	_ =	swait.ge [sflag:s5], $0x400  }
0x793: {  	[sflag:s5] =	ssyncset.done $0x0  }
0x794: {  	[sflag:s5] =	ssyncadd.s32 $0xFFFFFC00  }
0x795: {  	_ =	swait.ge [sflag:s5], $0x400  }
0x796: {  	[sflag:s5] =	ssyncset.done $0x0  }
0x797: {  	[sflag:s5] =	ssyncadd.s32 $0xFFFFFC00  }
0x798: {  	_ =	swait.ge [sflag:s5], $0x400  }
0x799: {  	s29 =	rddreg [dreg:$0x17]  }
0x79a: {  	s6 =	sadd.s32 $0x1, s29  }
0x79b: {  	p0 =	sne.s32 s6, $0x4  }
.Ltmp5:
0x79c: {  	_ = 	snop;
	(pc) =	sbr.rel @p0 .LBB2_2-.Ltmp5, $3  }
0x79d: {  	_ =	sdelay $0x1  }
0x79e: {  	[sflag:s5] =	ssyncset.done $0x0  }
0x79f: {  	[sflag:s5] =	ssyncadd.s32 $0xFFFFFC00  }
0x7a0: {  	s6 =	rddreg [dreg:$0x16]  }
0x7a1: {  	s1 =	rddreg [dreg:$0x8];
	s6 =	sadd.s32 $0x1, s6  }
0x7a2: {  	p0 =	sne.s32 s6, s1  }
.Ltmp6:
0x7a3: {  	_ = 	snop;
	(pc) =	sbr.rel @p0 .LBB2_1-.Ltmp6, $1  }
0x7a4: {  	_ =	sdelay $0x3  }
0x7a5: {  	_ =	sfence.sel $0x180000  }
0x7a6: {  	[bflag:$0x0] =	sbarrier.arrive $0xFFFF  }
0x7a7: {  	_ =	strace $0x90000047  }
0x7a8: {  	s0 =	stileid.u32;
	[bflag:$0x2] =	sbarrier.arrive $0xFFFF  }
0x7a9: {  	p0 =	sne.s32 s0, $0x0;
	s0 =	rddreg [dreg:$0x2]  }
0x7aa: {  	s0 =	sadd.s32 @!p0 $0x100000, s0  }
0x7ab: {  	[sflag:s0] =	ssyncadd.tile.s32 @!p0 $0x1;
	_ =	shalt  }
.Lfunc_end2:
_tile_overlayer_lowered:
.L_overlay_start_2:
0x7ac: {  	(tag) =	ssettag $0x2  }
0x7ad: {  	s0 =	rddreg [dreg:$0x0];
	s2 =	stileid.u32  }
0x7ae: {  	s1 =	rddreg [dreg:$0x1];
	p0 =	sne.s32 s2, $0x0  }
0x7af: {  	s3 =	rddreg [dreg:$0x2];
	[bflag:$0x3] =	sbarrier.arrive $0xFFFF;
	s2 =	simm.s32 @!p0 $0x1C05  }
0x7b0: {  	[timem:s3], [sflag:s2] =	dma.local @!p0 [hbm:s0], s1  }
0x7b1: {  	s0 =	simm.s32 @!p0 $0x5  }
0x7b2: {  	_ =	swait.ge @!p0 [sflag:s0], s1  }
0x7b3: {  	s1 =	ssub.s32 @!p0 $0x0, s1;
	[sflag:s0] =	ssyncset.done @!p0 $0x0  }
0x7b4: {  	[sflag:s0] =	ssyncadd.s32 @!p0 s1  }
0x7b5: {  	[bflag:$0x3] =	sbarrier.arrive $0xFFFF  }
0x7b6: {  	_ =	shalt  }

</sc_bundles>
